<compile_context>
chip_gen: v7x
topology: tpu7x:2x2x1
jax: 0.10.2.dev20260603
libtpu: 0.0.44.dev20260713+nightly
codegen_flags: <defaults>
</compile_context>

<pallas_src>
import functools

import jax
import jax.numpy as jnp
from jax import lax
from jax.experimental import pallas as pl
from jax.experimental.pallas import tpu as pltpu
from jax.experimental.pallas import tpu_sc as plsc

_B, _T, _D, _H, _DFF, _V, _L = 2, 512, 1024, 16, 4096, 50257, 4
_DH = _D // _H
_N = _B * _T

_DFFB = 1024
_NF = _DFF // _DFFB
_VB = 2048
_NV = (_V + _VB - 1) // _VB

_F32 = jnp.float32


def _make_gather():
    nc, ns = 2, 16
    nw = nc * ns
    bpw = _N // nw
    mesh = plsc.VectorSubcoreMesh(
        core_axis_name="c", subcore_axis_name="s",
        num_cores=nc, num_subcores=ns)

    @functools.partial(
        pl.kernel,
        out_type=jax.ShapeDtypeStruct((_N, _D), _F32),
        mesh=mesh,
        scratch_types=[
            pltpu.VMEM((bpw,), jnp.int32),
            pltpu.VMEM((bpw, _D), _F32),
            pltpu.SemaphoreType.DMA,
        ],
    )
    def gather_k(ids_hbm, table_hbm, out_hbm, idx_v, rows_v, sem):
        wid = lax.axis_index("s") * nc + lax.axis_index("c")
        base = wid * bpw
        pltpu.sync_copy(ids_hbm.at[pl.ds(base, bpw)], idx_v)
        pltpu.async_copy(table_hbm.at[idx_v], rows_v, sem).wait()
        pltpu.sync_copy(rows_v, out_hbm.at[pl.ds(base, bpw)])

    return gather_k


_gather_fn = None


def _gather(ids, table):
    global _gather_fn
    if _gather_fn is None:
        _gather_fn = _make_gather()
    return _gather_fn(ids, table)


def _ln(x, g, b):
    mu = jnp.mean(x, axis=-1, keepdims=True)
    var = jnp.mean((x - mu) ** 2, axis=-1, keepdims=True)
    return (x - mu) * lax.rsqrt(var + 1e-5) * g + b


def _attn_body(first_layer):
    def body(*args):
        if first_layer:
            (x_ref, pos_ref, g_ref, b_ref, wq_ref, wk_ref, wv_ref, wo_ref,
             out_ref, q_s, k_s, v_s, o_s) = args
        else:
            (x_ref, g_ref, b_ref, wq_ref, wk_ref, wv_ref, wo_ref,
             out_ref, q_s, k_s, v_s, o_s) = args
        x = x_ref[...]
        if first_layer:
            x = (x.reshape(_B, _T, _D) + pos_ref[...][None]).reshape(_N, _D)
        out_ref[...] = x
        h = _ln(x, g_ref[0], b_ref[0])
        o_s[...] = h
        q_s[...] = jnp.dot(o_s[...], wq_ref[0], preferred_element_type=_F32)
        k_s[...] = jnp.dot(o_s[...], wk_ref[0], preferred_element_type=_F32)
        v_s[...] = jnp.dot(o_s[...], wv_ref[0], preferred_element_type=_F32)
        row = lax.broadcasted_iota(jnp.int32, (_T, _T), 0)
        col = lax.broadcasted_iota(jnp.int32, (_T, _T), 1)
        causal = col <= row
        scale = 1.0 / (_DH ** 0.5)
        for b in range(_B):
            for hh in range(_H):
                rs = pl.ds(b * _T, _T)
                cs = pl.ds(hh * _DH, _DH)
                qs = q_s[rs, cs]
                ks = k_s[rs, cs]
                vs = v_s[rs, cs]
                att = lax.dot_general(
                    qs, ks, (((1,), (1,)), ((), ())),
                    preferred_element_type=_F32) * scale
                att = jnp.where(causal, att, _F32(-1e9))
                m = jnp.max(att, axis=-1, keepdims=True)
                e = jnp.exp(att - m)
                p = e / jnp.sum(e, axis=-1, keepdims=True)
                o_s[rs, cs] = jnp.dot(p, vs, preferred_element_type=_F32)
        out_ref[...] += jnp.dot(o_s[...], wo_ref[0],
                                preferred_element_type=_F32)

    return body


def _attn_layer(l, x, pos_emb, ln1_g, ln1_b, wq, wk, wv, wo):
    first = l == 0
    in_specs = [pl.BlockSpec((_N, _D), lambda i: (0, 0))]
    operands = [x]
    if first:
        in_specs.append(pl.BlockSpec((_T, _D), lambda i: (0, 0)))
        operands.append(pos_emb)
    in_specs += [
        pl.BlockSpec((1, 1, _D), lambda i: (l, 0, 0)),
        pl.BlockSpec((1, 1, _D), lambda i: (l, 0, 0)),
        pl.BlockSpec((1, _D, _D), lambda i: (l, 0, 0)),
        pl.BlockSpec((1, _D, _D), lambda i: (l, 0, 0)),
        pl.BlockSpec((1, _D, _D), lambda i: (l, 0, 0)),
        pl.BlockSpec((1, _D, _D), lambda i: (l, 0, 0)),
    ]
    operands += [ln1_g.reshape(_L, 1, _D), ln1_b.reshape(_L, 1, _D),
                 wq, wk, wv, wo]
    return pl.pallas_call(
        _attn_body(first),
        grid=(1,),
        in_specs=in_specs,
        out_specs=pl.BlockSpec((_N, _D), lambda i: (0, 0)),
        out_shape=jax.ShapeDtypeStruct((_N, _D), _F32),
        scratch_shapes=[pltpu.VMEM((_N, _D), _F32)] * 4,
        compiler_params=pltpu.CompilerParams(
            vmem_limit_bytes=120 * 1024 * 1024),
    )(*operands)


def _ffn_body(final_ln):
    def body(*args):
        if final_ln:
            (x_ref, g_ref, b_ref, w1_ref, w3_ref, w2_ref, gf_ref, bf_ref,
             out_ref, h2_s) = args
        else:
            (x_ref, g_ref, b_ref, w1_ref, w3_ref, w2_ref,
             out_ref, h2_s) = args
        f = pl.program_id(0)

        @pl.when(f == 0)
        def _():
            x = x_ref[...]
            out_ref[...] = x
            h2_s[...] = _ln(x, g_ref[0], b_ref[0])

        u = jnp.dot(h2_s[...], w1_ref[0], preferred_element_type=_F32)
        g = jnp.dot(h2_s[...], w3_ref[0], preferred_element_type=_F32)
        a = (u / (1.0 + jnp.exp(-u))) * g
        out_ref[...] += jnp.dot(a, w2_ref[0], preferred_element_type=_F32)

        if final_ln:
            @pl.when(f == _NF - 1)
            def _():
                y = _ln(out_ref[...], gf_ref[...], bf_ref[...])
                for b in range(_B):
                    for t4 in range(_T // 128):
                        dst = pl.ds((t4 * _B + b) * 128, 128)
                        out_ref[dst, :] = y[b * _T + t4 * 128:
                                            b * _T + t4 * 128 + 128, :]

    return body


def _ffn_layer(l, x, ln2_g, ln2_b, w1, w3, w2, lnf_g, lnf_b):
    final = l == _L - 1
    in_specs = [
        pl.BlockSpec((_N, _D), lambda f: (0, 0)),
        pl.BlockSpec((1, 1, _D), lambda f: (l, 0, 0)),
        pl.BlockSpec((1, 1, _D), lambda f: (l, 0, 0)),
        pl.BlockSpec((1, _D, _DFFB), lambda f: (l, 0, f)),
        pl.BlockSpec((1, _D, _DFFB), lambda f: (l, 0, f)),
        pl.BlockSpec((1, _DFFB, _D), lambda f: (l, f, 0)),
    ]
    operands = [x, ln2_g.reshape(_L, 1, _D), ln2_b.reshape(_L, 1, _D),
                w1, w3, w2]
    if final:
        in_specs += [
            pl.BlockSpec((1, _D), lambda f: (0, 0)),
            pl.BlockSpec((1, _D), lambda f: (0, 0)),
        ]
        operands += [lnf_g.reshape(1, _D), lnf_b.reshape(1, _D)]
    return pl.pallas_call(
        _ffn_body(final),
        grid=(_NF,),
        in_specs=in_specs,
        out_specs=pl.BlockSpec((_N, _D), lambda f: (0, 0)),
        out_shape=jax.ShapeDtypeStruct((_N, _D), _F32),
        scratch_shapes=[pltpu.VMEM((_N, _D), _F32)],
        compiler_params=pltpu.CompilerParams(
            vmem_limit_bytes=120 * 1024 * 1024),
    )(*operands)


def _head_body(xf_ref, wh_ref, out_ref):
    a = xf_ref[...].astype(jnp.bfloat16)
    w = wh_ref[...].astype(jnp.bfloat16)
    r = lax.dot_general(
        w, a, (((1,), (1,)), ((), ())), preferred_element_type=_F32)
    out_ref[...] = r.reshape(_VB, _T // 128, _B, 128)


def _head(xf, w_head):
    return pl.pallas_call(
        _head_body,
        grid=(_NV,),
        in_specs=[
            pl.BlockSpec((_N, _D), lambda i: (0, 0)),
            pl.BlockSpec((_VB, _D), lambda i: (i, 0)),
        ],
        out_specs=pl.BlockSpec((_VB, _T // 128, _B, 128),
                               lambda i: (i, 0, 0, 0)),
        out_shape=jax.ShapeDtypeStruct((_V, _T // 128, _B, 128), _F32),
        compiler_params=pltpu.CompilerParams(
            vmem_limit_bytes=120 * 1024 * 1024),
    )(xf, w_head)


def kernel(input_ids, tok_emb, pos_emb, ln1_g, ln1_b, wq, wk, wv, wo,
           ln2_g, ln2_b, w1, w3, w2, lnf_g, lnf_b, w_head):
    ids = input_ids.reshape(_N).astype(jnp.int32)
    x = _gather(ids, tok_emb)
    for l in range(_L):
        x = _attn_layer(l, x, pos_emb, ln1_g, ln1_b, wq, wk, wv, wo)
        x = _ffn_layer(l, x, ln2_g, ln2_b, w1, w3, w2, lnf_g, lnf_b)
    logits = _head(x, w_head)
    return jnp.transpose(logits, (2, 1, 3, 0)).reshape(_B, _T, _V)

# --- scband reference (transcript-rebuilt; emitter-appended) ---
"""Pipeline reference for scband-simple-transformer-55284819034459 (READ-ONLY COPY).

The authoritative reference and input builder live on the scoring server;
editing this copy changes nothing except your own understanding.
"""

import jax, jax.numpy as jnp
import numpy as np

B, T, D, H, DFF, V, L = 2, 512, 1024, 16, 4096, 50257, 4
DH = D // H


def _ln(x, g, b):
    mu = jnp.mean(x, axis=-1, keepdims=True)
    var = jnp.mean((x - mu) ** 2, axis=-1, keepdims=True)
    return (x - mu) / jnp.sqrt(var + 1e-5) * g + b


def setup_inputs(seed: int = 0) -> dict:
    key = jax.random.key(seed)
    ks = jax.random.split(key, 16)
    s = 0.02
    return {
        "input_ids": jax.random.randint(ks[0], (B, T), 0, V),
        "tok_emb": jax.random.normal(ks[1], (V, D), jnp.float32) * s,
        "pos_emb": jax.random.normal(ks[2], (T, D), jnp.float32) * s,
        "ln1_g": jnp.ones((L, D), jnp.float32),
        "ln1_b": jnp.zeros((L, D), jnp.float32),
        "wq": jax.random.normal(ks[3], (L, D, D), jnp.float32) * s,
        "wk": jax.random.normal(ks[4], (L, D, D), jnp.float32) * s,
        "wv": jax.random.normal(ks[5], (L, D, D), jnp.float32) * s,
        "wo": jax.random.normal(ks[6], (L, D, D), jnp.float32) * s,
        "ln2_g": jnp.ones((L, D), jnp.float32),
        "ln2_b": jnp.zeros((L, D), jnp.float32),
        "w1": jax.random.normal(ks[7], (L, D, DFF), jnp.float32) * s,
        "w3": jax.random.normal(ks[8], (L, D, DFF), jnp.float32) * s,
        "w2": jax.random.normal(ks[9], (L, DFF, D), jnp.float32) * s,
        "lnf_g": jnp.ones((D,), jnp.float32),
        "lnf_b": jnp.zeros((D,), jnp.float32),
        "w_head": jax.random.normal(ks[10], (V, D), jnp.float32) * s,
    }


def _forward(input_ids, tok_emb, pos_emb, ln1_g, ln1_b, wq, wk, wv, wo,
             ln2_g, ln2_b, w1, w3, w2, lnf_g, lnf_b, w_head):
    x = jnp.take(tok_emb, input_ids, axis=0) + pos_emb[None, :, :]
    mask = jnp.tril(jnp.ones((T, T), dtype=bool))
    for l in range(L):
        h = _ln(x, ln1_g[l], ln1_b[l])
        q = (h @ wq[l]).reshape(B, T, H, DH).transpose(0, 2, 1, 3)
        k = (h @ wk[l]).reshape(B, T, H, DH).transpose(0, 2, 1, 3)
        v = (h @ wv[l]).reshape(B, T, H, DH).transpose(0, 2, 1, 3)
        att = (q @ k.transpose(0, 1, 3, 2)) / jnp.sqrt(jnp.float32(DH))
        att = jnp.where(mask[None, None, :, :], att, jnp.float32(-1e9))
        att = jax.nn.softmax(att, axis=-1)
        o = (att @ v).transpose(0, 2, 1, 3).reshape(B, T, D) @ wo[l]
        x = x + o
        h2 = _ln(x, ln2_g[l], ln2_b[l])
        ff = (jax.nn.silu(h2 @ w1[l]) * (h2 @ w3[l])) @ w2[l]
        x = x + ff
    x = _ln(x, lnf_g, lnf_b)
    # GroupedHead in training / non-block-decode mode == plain linear (no bias)
    return x @ w_head.T


def reference(input_ids, tok_emb, pos_emb, ln1_g, ln1_b, wq, wk, wv, wo,
              ln2_g, ln2_b, w1, w3, w2, lnf_g, lnf_b, w_head):
    return _forward(input_ids, tok_emb, pos_emb, ln1_g, ln1_b, wq, wk, wv, wo,
                    ln2_g, ln2_b, w1, w3, w2, lnf_g, lnf_b, w_head)

if __name__ == "__main__":
    import jax
    _d = setup_inputs()
    print(jax.jit(kernel)(*tuple(_d.values())))

</pallas_src>

<mosaic_0001>
#map = affine_map<(d0, d1) -> (0)>
#map1 = affine_map<(d0, d1) -> (0, 0)>
module attributes {stable_mosaic.version = 14 : i64} {
  func.func @gather_k(%arg0: i32, %arg1: i32, %arg2: memref<1024xi32, #tpu.memory_space<hbm>>, %arg3: memref<50257x1024xf32, #tpu.memory_space<hbm>>, %arg4: memref<1024x1024xf32, #tpu.memory_space<hbm>>, %arg5: memref<32xi32, #tpu.memory_space<vmem>>, %arg6: memref<32x1024xf32, #tpu.memory_space<vmem>>, %arg7: memref<!tpu.dma_semaphore, #tpu.memory_space<semaphore_mem>>) attributes {dimension_semantics = [#tpu.dimension_semantics<core_parallel>, #tpu.dimension_semantics<subcore_parallel>], iteration_bounds = array<i64: 2, 16>, scalar_prefetch = 0 : i64, scratch_operands = 3 : i64, tpu.core_type = #tpu.core_type<sc_vector_subcore>, window_params = [{transform_indices = #map}, {transform_indices = #map1}, {transform_indices = #map1}]} {
    %mul3A = arith.constant 2 : i32
    %mul3A_0 = arith.muli %arg1, %mul3A : i32
    %add3A = arith.addi %mul3A_0, %arg0 : i32
    %mul3A_1 = arith.constant 32 : i32
    %mul3A_2 = arith.muli %add3A, %mul3A_1 : i32
    "tpu.region"() ({
      %run_scoped3A = tpu.sem_alloc : memref<!tpu.dma_semaphore, #tpu.memory_space<semaphore_mem>>
      %dma_start3A_7 = tpu.memref_slice %arg2[%mul3A_2] : memref<1024xi32, #tpu.memory_space<hbm>> -> memref<32xi32, #tpu.memory_space<hbm>>
      %dma_start3A_8 = tpu.memref_slice %arg2[%mul3A_2] : memref<1024xi32, #tpu.memory_space<hbm>> -> memref<32xi32, #tpu.memory_space<hbm>>
      tpu.enqueue_dma source(%dma_start3A_8 : memref<32xi32, #tpu.memory_space<hbm>>) target(%arg5 : memref<32xi32, #tpu.memory_space<vmem>>) target_semaphore(%run_scoped3A : memref<!tpu.dma_semaphore, #tpu.memory_space<semaphore_mem>>)
      %dma_wait3A_9 = tpu.memref_slice %arg2[%mul3A_2] : memref<1024xi32, #tpu.memory_space<hbm>> -> memref<32xi32, #tpu.memory_space<hbm>>
      %dma_wait3A_10 = tpu.memref_slice %arg2[%mul3A_2] : memref<1024xi32, #tpu.memory_space<hbm>> -> memref<32xi32, #tpu.memory_space<hbm>>
      tpu.wait_dma2 semaphore(%run_scoped3A : memref<!tpu.dma_semaphore, #tpu.memory_space<semaphore_mem>>) src(%dma_wait3A_10 : memref<32xi32, #tpu.memory_space<hbm>>) dst(%arg5 : memref<32xi32, #tpu.memory_space<vmem>>)
      tpu.yield
    }) : () -> ()
    %dma_start3A = arith.constant 0 : i32
    %dma_start3A_3 = arith.constant 0 : i32
    %dma_start3A_4 = tpu.memref_slice %arg3[%dma_start3A, %dma_start3A_3] : memref<50257x1024xf32, #tpu.memory_space<hbm>> -> memref<50257x1024xf32, #tpu.memory_space<hbm>>
    tpu.enqueue_indirect_dma source(%dma_start3A_4 : memref<50257x1024xf32, #tpu.memory_space<hbm>>) target(%arg6 : memref<32x1024xf32, #tpu.memory_space<vmem>>) offsets(%arg5 : memref<32xi32, #tpu.memory_space<vmem>>) semaphore(%arg7 : memref<!tpu.dma_semaphore, #tpu.memory_space<semaphore_mem>>)
    %dma_wait3A = arith.constant 0 : i32
    %dma_wait3A_5 = arith.constant 0 : i32
    %dma_wait3A_6 = tpu.memref_slice %arg3[%dma_wait3A, %dma_wait3A_5] : memref<50257x1024xf32, #tpu.memory_space<hbm>> -> memref<50257x1024xf32, #tpu.memory_space<hbm>>
    tpu.wait_indirect_dma semaphore(%arg7 : memref<!tpu.dma_semaphore, #tpu.memory_space<semaphore_mem>>) src(%dma_wait3A_6 : memref<50257x1024xf32, #tpu.memory_space<hbm>>) dst(%arg6 : memref<32x1024xf32, #tpu.memory_space<vmem>>)
    "tpu.region"() ({
      %run_scoped3A = tpu.sem_alloc : memref<!tpu.dma_semaphore, #tpu.memory_space<semaphore_mem>>
      %dma_start3A_7 = arith.constant 0 : i32
      %dma_start3A_8 = tpu.memref_slice %arg4[%mul3A_2, %dma_start3A_7] : memref<1024x1024xf32, #tpu.memory_space<hbm>> -> memref<32x1024xf32, #tpu.memory_space<hbm>>
      %dma_start3A_9 = arith.constant 0 : i32
      %dma_start3A_10 = tpu.memref_slice %arg4[%mul3A_2, %dma_start3A_9] : memref<1024x1024xf32, #tpu.memory_space<hbm>> -> memref<32x1024xf32, #tpu.memory_space<hbm>>
      tpu.enqueue_dma source(%arg6 : memref<32x1024xf32, #tpu.memory_space<vmem>>) target(%dma_start3A_10 : memref<32x1024xf32, #tpu.memory_space<hbm>>) target_semaphore(%run_scoped3A : memref<!tpu.dma_semaphore, #tpu.memory_space<semaphore_mem>>)
      %dma_wait3A_11 = arith.constant 0 : i32
      %dma_wait3A_12 = tpu.memref_slice %arg4[%mul3A_2, %dma_wait3A_11] : memref<1024x1024xf32, #tpu.memory_space<hbm>> -> memref<32x1024xf32, #tpu.memory_space<hbm>>
      %dma_wait3A_13 = arith.constant 0 : i32
      %dma_wait3A_14 = tpu.memref_slice %arg4[%mul3A_2, %dma_wait3A_13] : memref<1024x1024xf32, #tpu.memory_space<hbm>> -> memref<32x1024xf32, #tpu.memory_space<hbm>>
      tpu.wait_dma2 semaphore(%run_scoped3A : memref<!tpu.dma_semaphore, #tpu.memory_space<semaphore_mem>>) src(%arg6 : memref<32x1024xf32, #tpu.memory_space<vmem>>) dst(%dma_wait3A_14 : memref<32x1024xf32, #tpu.memory_space<hbm>>)
      tpu.yield
    }) : () -> ()
    return
  }
}

module attributes {stable_mosaic.version = 14 : i64} {
  func.func @body(%arg0: i32, %arg1: memref<1024x1024xf32, #tpu.memory_space<vmem>>, %arg2: memref<1x1x1024xf32, #tpu.memory_space<vmem>>, %arg3: memref<1x1x1024xf32, #tpu.memory_space<vmem>>, %arg4: memref<1x1024x1024xf32, #tpu.memory_space<vmem>>, %arg5: memref<1x1024x1024xf32, #tpu.memory_space<vmem>>, %arg6: memref<1x1024x1024xf32, #tpu.memory_space<vmem>>, %arg7: memref<1024x1024xf32, #tpu.memory_space<vmem>>, %arg8: memref<1024x1024xf32, #tpu.memory_space<vmem>>) attributes {dimension_semantics = [#tpu.dimension_semantics<arbitrary>], iteration_bounds = array<i64: 4>, scalar_prefetch = 0 : i64, scratch_operands = 1 : i64, tpu.core_type = #tpu.core_type<tc>, window_params = [{pipeline_mode = #tpu.pipeline_mode<synchronous>, transform_indices = @transform_0, window_bounds = array<i64: 1024, 1024>}, {transform_indices = @transform_1, window_bounds = array<i64: 1, 1, 1024>}, {transform_indices = @transform_2, window_bounds = array<i64: 1, 1, 1024>}, {transform_indices = @transform_3, window_bounds = array<i64: 1, 1024, 1024>}, {transform_indices = @transform_4, window_bounds = array<i64: 1, 1024, 1024>}, {transform_indices = @transform_5, window_bounds = array<i64: 1, 1024, 1024>}, {pipeline_mode = #tpu.pipeline_mode<synchronous>, transform_indices = @transform_6, window_bounds = array<i64: 1024, 1024>}]} {
    %eq3A = arith.constant 0 : i32
    %eq3A_0 = arith.cmpi eq, %arg0, %eq3A : i32
    %convert_element_type3A = arith.extui %eq3A_0 : i1 to i32
    %cond3A = arith.constant 0 : i32
    %cond3A_1 = arith.cmpi ne, %convert_element_type3A, %cond3A : i32
    scf.if %cond3A_1 {
      %get3A_37 = arith.constant 0 : index
      %get3A_38 = arith.constant 0 : index
      %get3A_39 = vector.load %arg1[%get3A_37, %get3A_38] : memref<1024x1024xf32, #tpu.memory_space<vmem>>, vector<1024x1024xf32>
      %swap3A_40 = arith.constant 0 : index
      %swap3A_41 = arith.constant 0 : index
      %swap3A_42 = vector.load %arg7[%swap3A_40, %swap3A_41] : memref<1024x1024xf32, #tpu.memory_space<vmem>>, vector<1024x1024xf32>
      tpu.vector_store %arg7[%swap3A_40, %swap3A_41], %get3A_39 {strides = array<i32>} : memref<1024x1024xf32, #tpu.memory_space<vmem>>, vector<1024x1024xf32>,
      %get3A_43 = arith.constant 0 : index
      %get3A_44 = arith.constant 0 : index
      %get3A_45 = arith.constant 0 : index
      %get3A_46 = vector.load %arg2[%get3A_43, %get3A_44, %get3A_45] : memref<1x1x1024xf32, #tpu.memory_space<vmem>>, vector<1x1x1024xf32>
      %get3A_47 = vector.shape_cast %get3A_46 : vector<1x1x1024xf32> to vector<1x1024xf32>
      %get3A_48 = arith.constant 0 : index
      %get3A_49 = arith.constant 0 : index
      %get3A_50 = arith.constant 0 : index
      %get3A_51 = vector.load %arg3[%get3A_48, %get3A_49, %get3A_50] : memref<1x1x1024xf32, #tpu.memory_space<vmem>>, vector<1x1x1024xf32>
      %get3A_52 = vector.shape_cast %get3A_51 : vector<1x1x1024xf32> to vector<1x1024xf32>
      %reduce_sum3A = arith.constant dense<0.000000e+00> : vector<1024xf32>
      %reduce_sum3A_53 = vector.multi_reduction <add>, %get3A_39, %reduce_sum3A [1] : vector<1024x1024xf32> to vector<1024xf32>
      %broadcast_in_dim3A = vector.shape_cast %reduce_sum3A_53 : vector<1024xf32> to vector<1024x1xf32>
      %div3A_54 = arith.constant 1.024000e+03 : f32
      %div3A_55 = vector.broadcast %div3A_54 : f32 to vector<1024x1xf32>
      %div3A_56 = arith.divf %broadcast_in_dim3A, %div3A_55 : vector<1024x1xf32>
      %sub3A = vector.broadcast %div3A_56 : vector<1024x1xf32> to vector<1024x1024xf32>
      %sub3A_57 = arith.subf %get3A_39, %sub3A : vector<1024x1024xf32>
      %integer_pow3A = arith.mulf %sub3A_57, %sub3A_57 : vector<1024x1024xf32>
      %reduce_sum3A_58 = arith.constant dense<0.000000e+00> : vector<1024xf32>
      %reduce_sum3A_59 = vector.multi_reduction <add>, %integer_pow3A, %reduce_sum3A_58 [1] : vector<1024x1024xf32> to vector<1024xf32>
      %broadcast_in_dim3A_60 = vector.shape_cast %reduce_sum3A_59 : vector<1024xf32> to vector<1024x1xf32>
      %div3A_61 = arith.constant 1.024000e+03 : f32
      %div3A_62 = vector.broadcast %div3A_61 : f32 to vector<1024x1xf32>
      %div3A_63 = arith.divf %broadcast_in_dim3A_60, %div3A_62 : vector<1024x1xf32>
      %sub3A_64 = vector.broadcast %div3A_56 : vector<1024x1xf32> to vector<1024x1024xf32>
      %sub3A_65 = arith.subf %get3A_39, %sub3A_64 : vector<1024x1024xf32>
      %add3A_66 = arith.constant 9.99999974E-6 : f32
      %add3A_67 = vector.broadcast %add3A_66 : f32 to vector<1024x1xf32>
      %add3A_68 = arith.addf %div3A_63, %add3A_67 : vector<1024x1xf32>
      %sqrt3A = math.sqrt %add3A_68 : vector<1024x1xf32>
      %div3A_69 = vector.broadcast %sqrt3A : vector<1024x1xf32> to vector<1024x1024xf32>
      %div3A_70 = arith.divf %sub3A_65, %div3A_69 : vector<1024x1024xf32>
      %mul3A_71 = vector.broadcast %get3A_47 : vector<1x1024xf32> to vector<1024x1024xf32>
      %mul3A_72 = arith.mulf %div3A_70, %mul3A_71 : vector<1024x1024xf32>
      %add3A_73 = vector.broadcast %get3A_52 : vector<1x1024xf32> to vector<1024x1024xf32>
      %add3A_74 = arith.addf %mul3A_72, %add3A_73 : vector<1024x1024xf32>
      %swap3A_75 = arith.constant 0 : index
      %swap3A_76 = arith.constant 0 : index
      %swap3A_77 = vector.load %arg8[%swap3A_75, %swap3A_76] : memref<1024x1024xf32, #tpu.memory_space<vmem>>, vector<1024x1024xf32>
      tpu.vector_store %arg8[%swap3A_75, %swap3A_76], %add3A_74 {strides = array<i32>} : memref<1024x1024xf32, #tpu.memory_space<vmem>>, vector<1024x1024xf32>,
    } else {
    }
    %get3A = arith.constant 0 : index
    %get3A_2 = arith.constant 0 : index
    %get3A_3 = vector.load %arg8[%get3A, %get3A_2] : memref<1024x1024xf32, #tpu.memory_space<vmem>>, vector<1024x1024xf32>
    %get3A_4 = arith.constant 0 : index
    %get3A_5 = arith.constant 0 : index
    %get3A_6 = arith.constant 0 : index
    %get3A_7 = vector.load %arg4[%get3A_4, %get3A_5, %get3A_6] : memref<1x1024x1024xf32, #tpu.memory_space<vmem>>, vector<1x1024x1024xf32>
    %get3A_8 = vector.shape_cast %get3A_7 : vector<1x1024x1024xf32> to vector<1024x1024xf32>
    %dot_general3A = arith.constant dense<0.000000e+00> : vector<1024x1024xf32>
    %dot_general3A_9 = tpu.matmul %get3A_3, %get3A_8, %dot_general3A {dimension_numbers = #tpu.dot_dimension_numbers<[1], [0], [0], [1], [0, 0, 1, 1], [], []>, transpose_lhs_hint = false} : vector<1024x1024xf32>, vector<1024x1024xf32>, vector<1024x1024xf32> -> vector<1024x1024xf32>
    %get3A_10 = arith.constant 0 : index
    %get3A_11 = arith.constant 0 : index
    %get3A_12 = vector.load %arg8[%get3A_10, %get3A_11] : memref<1024x1024xf32, #tpu.memory_space<vmem>>, vector<1024x1024xf32>
    %get3A_13 = arith.constant 0 : index
    %get3A_14 = arith.constant 0 : index
    %get3A_15 = arith.constant 0 : index
    %get3A_16 = vector.load %arg5[%get3A_13, %get3A_14, %get3A_15] : memref<1x1024x1024xf32, #tpu.memory_space<vmem>>, vector<1x1024x1024xf32>
    %get3A_17 = vector.shape_cast %get3A_16 : vector<1x1024x1024xf32> to vector<1024x1024xf32>
    %dot_general3A_18 = arith.constant dense<0.000000e+00> : vector<1024x1024xf32>
    %dot_general3A_19 = tpu.matmul %get3A_12, %get3A_17, %dot_general3A_18 {dimension_numbers = #tpu.dot_dimension_numbers<[1], [0], [0], [1], [0, 0, 1, 1], [], []>, transpose_lhs_hint = false} : vector<1024x1024xf32>, vector<1024x1024xf32>, vector<1024x1024xf32> -> vector<1024x1024xf32>
    %neg3A = arith.constant 0.000000e+00 : f32
    %neg3A_20 = vector.broadcast %neg3A : f32 to vector<1024x1024xf32>
    %neg3A_21 = arith.subf %neg3A_20, %dot_general3A_9 : vector<1024x1024xf32>
    %exp3A = math.exp %neg3A_21 : vector<1024x1024xf32>
    %add3A = arith.constant 1.000000e+00 : f32
    %add3A_22 = vector.broadcast %add3A : f32 to vector<1024x1024xf32>
    %add3A_23 = arith.addf %add3A_22, %exp3A : vector<1024x1024xf32>
    %div3A = arith.divf %dot_general3A_9, %add3A_23 : vector<1024x1024xf32>
    %mul3A = arith.mulf %div3A, %dot_general3A_19 : vector<1024x1024xf32>
    %get3A_24 = arith.constant 0 : index
    %get3A_25 = arith.constant 0 : index
    %get3A_26 = vector.load %arg7[%get3A_24, %get3A_25] : memref<1024x1024xf32, #tpu.memory_space<vmem>>, vector<1024x1024xf32>
    %get3A_27 = arith.constant 0 : index
    %get3A_28 = arith.constant 0 : index
    %get3A_29 = arith.constant 0 : index
    %get3A_30 = vector.load %arg6[%get3A_27, %get3A_28, %get3A_29] : memref<1x1024x1024xf32, #tpu.memory_space<vmem>>, vector<1x1024x1024xf32>
    %get3A_31 = vector.shape_cast %get3A_30 : vector<1x1024x1024xf32> to vector<1024x1024xf32>
    %dot_general3A_32 = arith.constant dense<0.000000e+00> : vector<1024x1024xf32>
    %dot_general3A_33 = tpu.matmul %mul3A, %get3A_31, %dot_general3A_32 {dimension_numbers = #tpu.dot_dimension_numbers<[1], [0], [0], [1], [0, 0, 1, 1], [], []>, transpose_lhs_hint = false} : vector<1024x1024xf32>, vector<1024x1024xf32>, vector<1024x1024xf32> -> vector<1024x1024xf32>
    %add3A_34 = arith.addf %get3A_26, %dot_general3A_33 : vector<1024x1024xf32>
    %swap3A = arith.constant 0 : index
    %swap3A_35 = arith.constant 0 : index
    %swap3A_36 = vector.load %arg7[%swap3A, %swap3A_35] : memref<1024x1024xf32, #tpu.memory_space<vmem>>, vector<1024x1024xf32>
    tpu.vector_store %arg7[%swap3A, %swap3A_35], %add3A_34 {strides = array<i32>} : memref<1024x1024xf32, #tpu.memory_space<vmem>>, vector<1024x1024xf32>,
    return
  }
  func.func @transform_0(%arg0: i32) -> (i32, i32) {
    %c0_i32 = arith.constant 0 : i32
    %c0_i32_0 = arith.constant 0 : i32
    %c0_i32_1 = arith.constant 0 : i32
    return %c0_i32, %c0_i32_0 : i32, i32
  }
  func.func @transform_1(%arg0: i32) -> (i32, i32, i32) {
    %c0_i32 = arith.constant 0 : i32
    %c0_i32_0 = arith.constant 0 : i32
    %c0_i32_1 = arith.constant 0 : i32
    %c0_i32_2 = arith.constant 0 : i32
    return %c0_i32, %c0_i32_0, %c0_i32_1 : i32, i32, i32
  }
  func.func @transform_2(%arg0: i32) -> (i32, i32, i32) {
    %c0_i32 = arith.constant 0 : i32
    %c0_i32_0 = arith.constant 0 : i32
    %c0_i32_1 = arith.constant 0 : i32
    %c0_i32_2 = arith.constant 0 : i32
    return %c0_i32, %c0_i32_0, %c0_i32_1 : i32, i32, i32
  }
  func.func @transform_3(%arg0: i32) -> (i32, i32, i32) {
    %c0_i32 = arith.constant 0 : i32
    %c0_i32_0 = arith.constant 0 : i32
    %c0_i32_1 = arith.constant 0 : i32
    return %c0_i32, %c0_i32_0, %arg0 : i32, i32, i32
  }
  func.func @transform_4(%arg0: i32) -> (i32, i32, i32) {
    %c0_i32 = arith.constant 0 : i32
    %c0_i32_0 = arith.constant 0 : i32
    %c0_i32_1 = arith.constant 0 : i32
    return %c0_i32, %c0_i32_0, %arg0 : i32, i32, i32
  }
  func.func @transform_5(%arg0: i32) -> (i32, i32, i32) {
    %c0_i32 = arith.constant 0 : i32
    %c0_i32_0 = arith.constant 0 : i32
    %c0_i32_1 = arith.constant 0 : i32
    return %c0_i32, %arg0, %c0_i32_0 : i32, i32, i32
  }
  func.func @transform_6(%arg0: i32) -> (i32, i32) {
    %c0_i32 = arith.constant 0 : i32
    %c0_i32_0 = arith.constant 0 : i32
    %c0_i32_1 = arith.constant 0 : i32
    return %c0_i32, %c0_i32_0 : i32, i32
  }
}

module attributes {stable_mosaic.version = 14 : i64} {
  func.func @body(%arg0: i32, %arg1: memref<1024x1024xf32, #tpu.memory_space<vmem>>, %arg2: memref<512x1024xf32, #tpu.memory_space<vmem>>, %arg3: memref<1x1x1024xf32, #tpu.memory_space<vmem>>, %arg4: memref<1x1x1024xf32, #tpu.memory_space<vmem>>, %arg5: memref<1x1024x1024xf32, #tpu.memory_space<vmem>>, %arg6: memref<1x1024x1024xf32, #tpu.memory_space<vmem>>, %arg7: memref<1x1024x1024xf32, #tpu.memory_space<vmem>>, %arg8: memref<1x1024x1024xf32, #tpu.memory_space<vmem>>, %arg9: memref<1024x1024xf32, #tpu.memory_space<vmem>>, %arg10: memref<1024x1024xf32, #tpu.memory_space<vmem>>, %arg11: memref<1024x1024xf32, #tpu.memory_space<vmem>>, %arg12: memref<1024x1024xf32, #tpu.memory_space<vmem>>, %arg13: memref<1024x1024xf32, #tpu.memory_space<vmem>>) attributes {dimension_semantics = [#tpu.dimension_semantics<arbitrary>], iteration_bounds = array<i64: 1>, scalar_prefetch = 0 : i64, scratch_operands = 4 : i64, tpu.core_type = #tpu.core_type<tc>, window_params = [{pipeline_mode = #tpu.pipeline_mode<synchronous>, transform_indices = @transform_0, window_bounds = array<i64: 1024, 1024>}, {pipeline_mode = #tpu.pipeline_mode<synchronous>, transform_indices = @transform_1, window_bounds = array<i64: 512, 1024>}, {transform_indices = @transform_2, window_bounds = array<i64: 1, 1, 1024>}, {transform_indices = @transform_3, window_bounds = array<i64: 1, 1, 1024>}, {transform_indices = @transform_4, window_bounds = array<i64: 1, 1024, 1024>}, {transform_indices = @transform_5, window_bounds = array<i64: 1, 1024, 1024>}, {transform_indices = @transform_6, window_bounds = array<i64: 1, 1024, 1024>}, {transform_indices = @transform_7, window_bounds = array<i64: 1, 1024, 1024>}, {pipeline_mode = #tpu.pipeline_mode<synchronous>, transform_indices = @transform_8, window_bounds = array<i64: 1024, 1024>}]} {
    %get3A = arith.constant 0 : index
    %get3A_0 = arith.constant 0 : index
    %get3A_1 = vector.load %arg1[%get3A, %get3A_0] : memref<1024x1024xf32, #tpu.memory_space<vmem>>, vector<1024x1024xf32>
    %reshape3A = vector.shape_cast %get3A_1 : vector<1024x1024xf32> to vector<2x512x1024xf32>
    %get3A_2 = arith.constant 0 : index
    %get3A_3 = arith.constant 0 : index
    %get3A_4 = vector.load %arg2[%get3A_2, %get3A_3] : memref<512x1024xf32, #tpu.memory_space<vmem>>, vector<512x1024xf32>
    %broadcast_in_dim3A = vector.shape_cast %get3A_4 : vector<512x1024xf32> to vector<1x512x1024xf32>
    %add3A = vector.broadcast %broadcast_in_dim3A : vector<1x512x1024xf32> to vector<2x512x1024xf32>
    %add3A_5 = arith.addf %reshape3A, %add3A : vector<2x512x1024xf32>
    %reshape3A_6 = vector.shape_cast %add3A_5 : vector<2x512x1024xf32> to vector<1024x1024xf32>
    %swap3A = arith.constant 0 : index
    %swap3A_7 = arith.constant 0 : index
    %swap3A_8 = vector.load %arg9[%swap3A, %swap3A_7] : memref<1024x1024xf32, #tpu.memory_space<vmem>>, vector<1024x1024xf32>
    tpu.vector_store %arg9[%swap3A, %swap3A_7], %reshape3A_6 {strides = array<i32>} : memref<1024x1024xf32, #tpu.memory_space<vmem>>, vector<1024x1024xf32>,
    %get3A_9 = arith.constant 0 : index
    %get3A_10 = arith.constant 0 : index
    %get3A_11 = arith.constant 0 : index
    %get3A_12 = vector.load %arg3[%get3A_9, %get3A_10, %get3A_11] : memref<1x1x1024xf32, #tpu.memory_space<vmem>>, vector<1x1x1024xf32>
    %get3A_13 = vector.shape_cast %get3A_12 : vector<1x1x1024xf32> to vector<1x1024xf32>
    %get3A_14 = arith.constant 0 : index
    %get3A_15 = arith.constant 0 : index
    %get3A_16 = arith.constant 0 : index
    %get3A_17 = vector.load %arg4[%get3A_14, %get3A_15, %get3A_16] : memref<1x1x1024xf32, #tpu.memory_space<vmem>>, vector<1x1x1024xf32>
    %get3A_18 = vector.shape_cast %get3A_17 : vector<1x1x1024xf32> to vector<1x1024xf32>
    %reduce_sum3A = arith.constant dense<0.000000e+00> : vector<1024xf32>
    %reduce_sum3A_19 = vector.multi_reduction <add>, %reshape3A_6, %reduce_sum3A [1] : vector<1024x1024xf32> to vector<1024xf32>
    %broadcast_in_dim3A_20 = vector.shape_cast %reduce_sum3A_19 : vector<1024xf32> to vector<1024x1xf32>
    %div3A = arith.constant 1.024000e+03 : f32
    %div3A_21 = vector.broadcast %div3A : f32 to vector<1024x1xf32>
    %div3A_22 = arith.divf %broadcast_in_dim3A_20, %div3A_21 : vector<1024x1xf32>
    %sub3A = vector.broadcast %div3A_22 : vector<1024x1xf32> to vector<1024x1024xf32>
    %sub3A_23 = arith.subf %reshape3A_6, %sub3A : vector<1024x1024xf32>
    %integer_pow3A = arith.mulf %sub3A_23, %sub3A_23 : vector<1024x1024xf32>
    %reduce_sum3A_24 = arith.constant dense<0.000000e+00> : vector<1024xf32>
    %reduce_sum3A_25 = vector.multi_reduction <add>, %integer_pow3A, %reduce_sum3A_24 [1] : vector<1024x1024xf32> to vector<1024xf32>
    %broadcast_in_dim3A_26 = vector.shape_cast %reduce_sum3A_25 : vector<1024xf32> to vector<1024x1xf32>
    %div3A_27 = arith.constant 1.024000e+03 : f32
    %div3A_28 = vector.broadcast %div3A_27 : f32 to vector<1024x1xf32>
    %div3A_29 = arith.divf %broadcast_in_dim3A_26, %div3A_28 : vector<1024x1xf32>
    %sub3A_30 = vector.broadcast %div3A_22 : vector<1024x1xf32> to vector<1024x1024xf32>
    %sub3A_31 = arith.subf %reshape3A_6, %sub3A_30 : vector<1024x1024xf32>
    %add3A_32 = arith.constant 9.99999974E-6 : f32
    %add3A_33 = vector.broadcast %add3A_32 : f32 to vector<1024x1xf32>
    %add3A_34 = arith.addf %div3A_29, %add3A_33 : vector<1024x1xf32>
    %sqrt3A = math.sqrt %add3A_34 : vector<1024x1xf32>
    %div3A_35 = vector.broadcast %sqrt3A : vector<1024x1xf32> to vector<1024x1024xf32>
    %div3A_36 = arith.divf %sub3A_31, %div3A_35 : vector<1024x1024xf32>
    %mul3A = vector.broadcast %get3A_13 : vector<1x1024xf32> to vector<1024x1024xf32>
    %mul3A_37 = arith.mulf %div3A_36, %mul3A : vector<1024x1024xf32>
    %add3A_38 = vector.broadcast %get3A_18 : vector<1x1024xf32> to vector<1024x1024xf32>
    %add3A_39 = arith.addf %mul3A_37, %add3A_38 : vector<1024x1024xf32>
    %swap3A_40 = arith.constant 0 : index
    %swap3A_41 = arith.constant 0 : index
    %swap3A_42 = vector.load %arg13[%swap3A_40, %swap3A_41] : memref<1024x1024xf32, #tpu.memory_space<vmem>>, vector<1024x1024xf32>
    tpu.vector_store %arg13[%swap3A_40, %swap3A_41], %add3A_39 {strides = array<i32>} : memref<1024x1024xf32, #tpu.memory_space<vmem>>, vector<1024x1024xf32>,
    %get3A_43 = arith.constant 0 : index
    %get3A_44 = arith.constant 0 : index
    %get3A_45 = vector.load %arg13[%get3A_43, %get3A_44] : memref<1024x1024xf32, #tpu.memory_space<vmem>>, vector<1024x1024xf32>
    %get3A_46 = arith.constant 0 : index
    %get3A_47 = arith.constant 0 : index
    %get3A_48 = arith.constant 0 : index
    %get3A_49 = vector.load %arg5[%get3A_46, %get3A_47, %get3A_48] : memref<1x1024x1024xf32, #tpu.memory_space<vmem>>, vector<1x1024x1024xf32>
    %get3A_50 = vector.shape_cast %get3A_49 : vector<1x1024x1024xf32> to vector<1024x1024xf32>
    %dot_general3A = arith.constant dense<0.000000e+00> : vector<1024x1024xf32>
    %dot_general3A_51 = tpu.matmul %get3A_45, %get3A_50, %dot_general3A {dimension_numbers = #tpu.dot_dimension_numbers<[1], [0], [0], [1], [0, 0, 1, 1], [], []>, transpose_lhs_hint = false} : vector<1024x1024xf32>, vector<1024x1024xf32>, vector<1024x1024xf32> -> vector<1024x1024xf32>
    %swap3A_52 = arith.constant 0 : index
    %swap3A_53 = arith.constant 0 : index
    %swap3A_54 = vector.load %arg10[%swap3A_52, %swap3A_53] : memref<1024x1024xf32, #tpu.memory_space<vmem>>, vector<1024x1024xf32>
    tpu.vector_store %arg10[%swap3A_52, %swap3A_53], %dot_general3A_51 {strides = array<i32>} : memref<1024x1024xf32, #tpu.memory_space<vmem>>, vector<1024x1024xf32>,
    %get3A_55 = arith.constant 0 : index
    %get3A_56 = arith.constant 0 : index
    %get3A_57 = vector.load %arg13[%get3A_55, %get3A_56] : memref<1024x1024xf32, #tpu.memory_space<vmem>>, vector<1024x1024xf32>
    %get3A_58 = arith.constant 0 : index
    %get3A_59 = arith.constant 0 : index
    %get3A_60 = arith.constant 0 : index
    %get3A_61 = vector.load %arg6[%get3A_58, %get3A_59, %get3A_60] : memref<1x1024x1024xf32, #tpu.memory_space<vmem>>, vector<1x1024x1024xf32>
    %get3A_62 = vector.shape_cast %get3A_61 : vector<1x1024x1024xf32> to vector<1024x1024xf32>
    %dot_general3A_63 = arith.constant dense<0.000000e+00> : vector<1024x1024xf32>
    %dot_general3A_64 = tpu.matmul %get3A_57, %get3A_62, %dot_general3A_63 {dimension_numbers = #tpu.dot_dimension_numbers<[1], [0], [0], [1], [0, 0, 1, 1], [], []>, transpose_lhs_hint = false} : vector<1024x1024xf32>, vector<1024x1024xf32>, vector<1024x1024xf32> -> vector<1024x1024xf32>
    %swap3A_65 = arith.constant 0 : index
    %swap3A_66 = arith.constant 0 : index
    %swap3A_67 = vector.load %arg11[%swap3A_65, %swap3A_66] : memref<1024x1024xf32, #tpu.memory_space<vmem>>, vector<1024x1024xf32>
    tpu.vector_store %arg11[%swap3A_65, %swap3A_66], %dot_general3A_64 {strides = array<i32>} : memref<1024x1024xf32, #tpu.memory_space<vmem>>, vector<1024x1024xf32>,
    %get3A_68 = arith.constant 0 : index
    %get3A_69 = arith.constant 0 : index
    %get3A_70 = vector.load %arg13[%get3A_68, %get3A_69] : memref<1024x1024xf32, #tpu.memory_space<vmem>>, vector<1024x1024xf32>
    %get3A_71 = arith.constant 0 : index
    %get3A_72 = arith.constant 0 : index
    %get3A_73 = arith.constant 0 : index
    %get3A_74 = vector.load %arg7[%get3A_71, %get3A_72, %get3A_73] : memref<1x1024x1024xf32, #tpu.memory_space<vmem>>, vector<1x1024x1024xf32>
    %get3A_75 = vector.shape_cast %get3A_74 : vector<1x1024x1024xf32> to vector<1024x1024xf32>
    %dot_general3A_76 = arith.constant dense<0.000000e+00> : vector<1024x1024xf32>
    %dot_general3A_77 = tpu.matmul %get3A_70, %get3A_75, %dot_general3A_76 {dimension_numbers = #tpu.dot_dimension_numbers<[1], [0], [0], [1], [0, 0, 1, 1], [], []>, transpose_lhs_hint = false} : vector<1024x1024xf32>, vector<1024x1024xf32>, vector<1024x1024xf32> -> vector<1024x1024xf32>
    %swap3A_78 = arith.constant 0 : index
    %swap3A_79 = arith.constant 0 : index
    %swap3A_80 = vector.load %arg12[%swap3A_78, %swap3A_79] : memref<1024x1024xf32, #tpu.memory_space<vmem>>, vector<1024x1024xf32>
    tpu.vector_store %arg12[%swap3A_78, %swap3A_79], %dot_general3A_77 {strides = array<i32>} : memref<1024x1024xf32, #tpu.memory_space<vmem>>, vector<1024x1024xf32>,
    %iota3A = tpu.iota {dimensions = array<i32: 0>} : vector<512x512xi32>
    %iota3A_81 = tpu.iota {dimensions = array<i32: 1>} : vector<512x512xi32>
    %le3A = arith.cmpi sle, %iota3A_81, %iota3A : vector<512x512xi32>
    %get3A_82 = arith.constant 0 : index
    %get3A_83 = arith.constant 0 : index
    %get3A_84 = vector.load %arg10[%get3A_82, %get3A_83] : memref<1024x1024xf32, #tpu.memory_space<vmem>>, vector<512x64xf32>
    %get3A_85 = arith.constant 0 : index
    %get3A_86 = arith.constant 0 : index
    %get3A_87 = vector.load %arg11[%get3A_85, %get3A_86] : memref<1024x1024xf32, #tpu.memory_space<vmem>>, vector<512x64xf32>
    %get3A_88 = arith.constant 0 : index
    %get3A_89 = arith.constant 0 : index
    %get3A_90 = vector.load %arg12[%get3A_88, %get3A_89] : memref<1024x1024xf32, #tpu.memory_space<vmem>>, vector<512x64xf32>
    %dot_general3A_91 = arith.constant dense<0.000000e+00> : vector<512x512xf32>
    %dot_general3A_92 = tpu.matmul %get3A_84, %get3A_87, %dot_general3A_91 {dimension_numbers = #tpu.dot_dimension_numbers<[1], [1], [0], [0], [0, 0, 1, 0], [], []>, transpose_lhs_hint = false} : vector<512x64xf32>, vector<512x64xf32>, vector<512x512xf32> -> vector<512x512xf32>
    %mul3A_93 = arith.constant 1.250000e-01 : f32
    %mul3A_94 = vector.broadcast %mul3A_93 : f32 to vector<512x512xf32>
    %mul3A_95 = arith.mulf %dot_general3A_92, %mul3A_94 : vector<512x512xf32>
    %jit3A = arith.constant -1.000000e+09 : f32
    %broadcast_in_dim3A_96 = vector.broadcast %jit3A : f32 to vector<512x512xf32>
    %select_n3A = arith.select %le3A, %mul3A_95, %broadcast_in_dim3A_96 : vector<512x512xi1>, vector<512x512xf32>
    %reduce_max3A = arith.constant dense<0xFF800000> : vector<512xf32>
    %reduce_max3A_97 = vector.multi_reduction <maximumf>, %select_n3A, %reduce_max3A [1] : vector<512x512xf32> to vector<512xf32>
    %broadcast_in_dim3A_98 = vector.shape_cast %reduce_max3A_97 : vector<512xf32> to vector<512x1xf32>
    %sub3A_99 = vector.broadcast %broadcast_in_dim3A_98 : vector<512x1xf32> to vector<512x512xf32>
    %sub3A_100 = arith.subf %select_n3A, %sub3A_99 : vector<512x512xf32>
    %exp3A = math.exp %sub3A_100 : vector<512x512xf32>
    %reduce_sum3A_101 = arith.constant dense<0.000000e+00> : vector<512xf32>
    %reduce_sum3A_102 = vector.multi_reduction <add>, %exp3A, %reduce_sum3A_101 [1] : vector<512x512xf32> to vector<512xf32>
    %broadcast_in_dim3A_103 = vector.shape_cast %reduce_sum3A_102 : vector<512xf32> to vector<512x1xf32>
    %div3A_104 = vector.broadcast %broadcast_in_dim3A_103 : vector<512x1xf32> to vector<512x512xf32>
    %div3A_105 = arith.divf %exp3A, %div3A_104 : vector<512x512xf32>
    %dot_general3A_106 = arith.constant dense<0.000000e+00> : vector<512x64xf32>
    %dot_general3A_107 = tpu.matmul %div3A_105, %get3A_90, %dot_general3A_106 {dimension_numbers = #tpu.dot_dimension_numbers<[1], [0], [0], [1], [0, 0, 1, 1], [], []>, transpose_lhs_hint = false} : vector<512x512xf32>, vector<512x64xf32>, vector<512x64xf32> -> vector<512x64xf32>
    %swap3A_108 = arith.constant 0 : index
    %swap3A_109 = arith.constant 0 : index
    %swap3A_110 = vector.load %arg13[%swap3A_108, %swap3A_109] : memref<1024x1024xf32, #tpu.memory_space<vmem>>, vector<512x64xf32>
    tpu.vector_store %arg13[%swap3A_108, %swap3A_109], %dot_general3A_107 {strides = array<i32>} : memref<1024x1024xf32, #tpu.memory_space<vmem>>, vector<512x64xf32>,
    %get3A_111 = arith.constant 0 : index
    %get3A_112 = arith.constant 64 : index
    %get3A_113 = vector.load %arg10[%get3A_111, %get3A_112] : memref<1024x1024xf32, #tpu.memory_space<vmem>>, vector<512x64xf32>
    %get3A_114 = arith.constant 0 : index
    %get3A_115 = arith.constant 64 : index
    %get3A_116 = vector.load %arg11[%get3A_114, %get3A_115] : memref<1024x1024xf32, #tpu.memory_space<vmem>>, vector<512x64xf32>
    %get3A_117 = arith.constant 0 : index
    %get3A_118 = arith.constant 64 : index
    %get3A_119 = vector.load %arg12[%get3A_117, %get3A_118] : memref<1024x1024xf32, #tpu.memory_space<vmem>>, vector<512x64xf32>
    %dot_general3A_120 = arith.constant dense<0.000000e+00> : vector<512x512xf32>
    %dot_general3A_121 = tpu.matmul %get3A_113, %get3A_116, %dot_general3A_120 {dimension_numbers = #tpu.dot_dimension_numbers<[1], [1], [0], [0], [0, 0, 1, 0], [], []>, transpose_lhs_hint = false} : vector<512x64xf32>, vector<512x64xf32>, vector<512x512xf32> -> vector<512x512xf32>
    %mul3A_122 = arith.constant 1.250000e-01 : f32
    %mul3A_123 = vector.broadcast %mul3A_122 : f32 to vector<512x512xf32>
    %mul3A_124 = arith.mulf %dot_general3A_121, %mul3A_123 : vector<512x512xf32>
    %jit3A_125 = arith.constant -1.000000e+09 : f32
    %broadcast_in_dim3A_126 = vector.broadcast %jit3A_125 : f32 to vector<512x512xf32>
    %select_n3A_127 = arith.select %le3A, %mul3A_124, %broadcast_in_dim3A_126 : vector<512x512xi1>, vector<512x512xf32>
    %reduce_max3A_128 = arith.constant dense<0xFF800000> : vector<512xf32>
    %reduce_max3A_129 = vector.multi_reduction <maximumf>, %select_n3A_127, %reduce_max3A_128 [1] : vector<512x512xf32> to vector<512xf32>
    %broadcast_in_dim3A_130 = vector.shape_cast %reduce_max3A_129 : vector<512xf32> to vector<512x1xf32>
    %sub3A_131 = vector.broadcast %broadcast_in_dim3A_130 : vector<512x1xf32> to vector<512x512xf32>
    %sub3A_132 = arith.subf %select_n3A_127, %sub3A_131 : vector<512x512xf32>
    %exp3A_133 = math.exp %sub3A_132 : vector<512x512xf32>
    %reduce_sum3A_134 = arith.constant dense<0.000000e+00> : vector<512xf32>
    %reduce_sum3A_135 = vector.multi_reduction <add>, %exp3A_133, %reduce_sum3A_134 [1] : vector<512x512xf32> to vector<512xf32>
    %broadcast_in_dim3A_136 = vector.shape_cast %reduce_sum3A_135 : vector<512xf32> to vector<512x1xf32>
    %div3A_137 = vector.broadcast %broadcast_in_dim3A_136 : vector<512x1xf32> to vector<512x512xf32>
    %div3A_138 = arith.divf %exp3A_133, %div3A_137 : vector<512x512xf32>
    %dot_general3A_139 = arith.constant dense<0.000000e+00> : vector<512x64xf32>
    %dot_general3A_140 = tpu.matmul %div3A_138, %get3A_119, %dot_general3A_139 {dimension_numbers = #tpu.dot_dimension_numbers<[1], [0], [0], [1], [0, 0, 1, 1], [], []>, transpose_lhs_hint = false} : vector<512x512xf32>, vector<512x64xf32>, vector<512x64xf32> -> vector<512x64xf32>
    %swap3A_141 = arith.constant 0 : index
    %swap3A_142 = arith.constant 64 : index
    %swap3A_143 = vector.load %arg13[%swap3A_141, %swap3A_142] : memref<1024x1024xf32, #tpu.memory_space<vmem>>, vector<512x64xf32>
    tpu.vector_store %arg13[%swap3A_141, %swap3A_142], %dot_general3A_140 {strides = array<i32>} : memref<1024x1024xf32, #tpu.memory_space<vmem>>, vector<512x64xf32>,
    %get3A_144 = arith.constant 0 : index
    %get3A_145 = arith.constant 128 : index
    %get3A_146 = vector.load %arg10[%get3A_144, %get3A_145] : memref<1024x1024xf32, #tpu.memory_space<vmem>>, vector<512x64xf32>
    %get3A_147 = arith.constant 0 : index
    %get3A_148 = arith.constant 128 : index
    %get3A_149 = vector.load %arg11[%get3A_147, %get3A_148] : memref<1024x1024xf32, #tpu.memory_space<vmem>>, vector<512x64xf32>
    %get3A_150 = arith.constant 0 : index
    %get3A_151 = arith.constant 128 : index
    %get3A_152 = vector.load %arg12[%get3A_150, %get3A_151] : memref<1024x1024xf32, #tpu.memory_space<vmem>>, vector<512x64xf32>
    %dot_general3A_153 = arith.constant dense<0.000000e+00> : vector<512x512xf32>
    %dot_general3A_154 = tpu.matmul %get3A_146, %get3A_149, %dot_general3A_153 {dimension_numbers = #tpu.dot_dimension_numbers<[1], [1], [0], [0], [0, 0, 1, 0], [], []>, transpose_lhs_hint = false} : vector<512x64xf32>, vector<512x64xf32>, vector<512x512xf32> -> vector<512x512xf32>
    %mul3A_155 = arith.constant 1.250000e-01 : f32
    %mul3A_156 = vector.broadcast %mul3A_155 : f32 to vector<512x512xf32>
    %mul3A_157 = arith.mulf %dot_general3A_154, %mul3A_156 : vector<512x512xf32>
    %jit3A_158 = arith.constant -1.000000e+09 : f32
    %broadcast_in_dim3A_159 = vector.broadcast %jit3A_158 : f32 to vector<512x512xf32>
    %select_n3A_160 = arith.select %le3A, %mul3A_157, %broadcast_in_dim3A_159 : vector<512x512xi1>, vector<512x512xf32>
    %reduce_max3A_161 = arith.constant dense<0xFF800000> : vector<512xf32>
    %reduce_max3A_162 = vector.multi_reduction <maximumf>, %select_n3A_160, %reduce_max3A_161 [1] : vector<512x512xf32> to vector<512xf32>
    %broadcast_in_dim3A_163 = vector.shape_cast %reduce_max3A_162 : vector<512xf32> to vector<512x1xf32>
    %sub3A_164 = vector.broadcast %broadcast_in_dim3A_163 : vector<512x1xf32> to vector<512x512xf32>
    %sub3A_165 = arith.subf %select_n3A_160, %sub3A_164 : vector<512x512xf32>
    %exp3A_166 = math.exp %sub3A_165 : vector<512x512xf32>
    %reduce_sum3A_167 = arith.constant dense<0.000000e+00> : vector<512xf32>
    %reduce_sum3A_168 = vector.multi_reduction <add>, %exp3A_166, %reduce_sum3A_167 [1] : vector<512x512xf32> to vector<512xf32>
    %broadcast_in_dim3A_169 = vector.shape_cast %reduce_sum3A_168 : vector<512xf32> to vector<512x1xf32>
    %div3A_170 = vector.broadcast %broadcast_in_dim3A_169 : vector<512x1xf32> to vector<512x512xf32>
    %div3A_171 = arith.divf %exp3A_166, %div3A_170 : vector<512x512xf32>
    %dot_general3A_172 = arith.constant dense<0.000000e+00> : vector<512x64xf32>
    %dot_general3A_173 = tpu.matmul %div3A_171, %get3A_152, %dot_general3A_172 {dimension_numbers = #tpu.dot_dimension_numbers<[1], [0], [0], [1], [0, 0, 1, 1], [], []>, transpose_lhs_hint = false} : vector<512x512xf32>, vector<512x64xf32>, vector<512x64xf32> -> vector<512x64xf32>
    %swap3A_174 = arith.constant 0 : index
    %swap3A_175 = arith.constant 128 : index
    %swap3A_176 = vector.load %arg13[%swap3A_174, %swap3A_175] : memref<1024x1024xf32, #tpu.memory_space<vmem>>, vector<512x64xf32>
    tpu.vector_store %arg13[%swap3A_174, %swap3A_175], %dot_general3A_173 {strides = array<i32>} : memref<1024x1024xf32, #tpu.memory_space<vmem>>, vector<512x64xf32>,
    %get3A_177 = arith.constant 0 : index
    %get3A_178 = arith.constant 192 : index
    %get3A_179 = vector.load %arg10[%get3A_177, %get3A_178] : memref<1024x1024xf32, #tpu.memory_space<vmem>>, vector<512x64xf32>
    %get3A_180 = arith.constant 0 : index
    %get3A_181 = arith.constant 192 : index
    %get3A_182 = vector.load %arg11[%get3A_180, %get3A_181] : memref<1024x1024xf32, #tpu.memory_space<vmem>>, vector<512x64xf32>
    %get3A_183 = arith.constant 0 : index
    %get3A_184 = arith.constant 192 : index
    %get3A_185 = vector.load %arg12[%get3A_183, %get3A_184] : memref<1024x1024xf32, #tpu.memory_space<vmem>>, vector<512x64xf32>
    %dot_general3A_186 = arith.constant dense<0.000000e+00> : vector<512x512xf32>
    %dot_general3A_187 = tpu.matmul %get3A_179, %get3A_182, %dot_general3A_186 {dimension_numbers = #tpu.dot_dimension_numbers<[1], [1], [0], [0], [0, 0, 1, 0], [], []>, transpose_lhs_hint = false} : vector<512x64xf32>, vector<512x64xf32>, vector<512x512xf32> -> vector<512x512xf32>
    %mul3A_188 = arith.constant 1.250000e-01 : f32
    %mul3A_189 = vector.broadcast %mul3A_188 : f32 to vector<512x512xf32>
    %mul3A_190 = arith.mulf %dot_general3A_187, %mul3A_189 : vector<512x512xf32>
    %jit3A_191 = arith.constant -1.000000e+09 : f32
    %broadcast_in_dim3A_192 = vector.broadcast %jit3A_191 : f32 to vector<512x512xf32>
    %select_n3A_193 = arith.select %le3A, %mul3A_190, %broadcast_in_dim3A_192 : vector<512x512xi1>, vector<512x512xf32>
    %reduce_max3A_194 = arith.constant dense<0xFF800000> : vector<512xf32>
    %reduce_max3A_195 = vector.multi_reduction <maximumf>, %select_n3A_193, %reduce_max3A_194 [1] : vector<512x512xf32> to vector<512xf32>
    %broadcast_in_dim3A_196 = vector.shape_cast %reduce_max3A_195 : vector<512xf32> to vector<512x1xf32>
    %sub3A_197 = vector.broadcast %broadcast_in_dim3A_196 : vector<512x1xf32> to vector<512x512xf32>
    %sub3A_198 = arith.subf %select_n3A_193, %sub3A_197 : vector<512x512xf32>
    %exp3A_199 = math.exp %sub3A_198 : vector<512x512xf32>
    %reduce_sum3A_200 = arith.constant dense<0.000000e+00> : vector<512xf32>
    %reduce_sum3A_201 = vector.multi_reduction <add>, %exp3A_199, %reduce_sum3A_200 [1] : vector<512x512xf32> to vector<512xf32>
    %broadcast_in_dim3A_202 = vector.shape_cast %reduce_sum3A_201 : vector<512xf32> to vector<512x1xf32>
    %div3A_203 = vector.broadcast %broadcast_in_dim3A_202 : vector<512x1xf32> to vector<512x512xf32>
    %div3A_204 = arith.divf %exp3A_199, %div3A_203 : vector<512x512xf32>
    %dot_general3A_205 = arith.constant dense<0.000000e+00> : vector<512x64xf32>
    %dot_general3A_206 = tpu.matmul %div3A_204, %get3A_185, %dot_general3A_205 {dimension_numbers = #tpu.dot_dimension_numbers<[1], [0], [0], [1], [0, 0, 1, 1], [], []>, transpose_lhs_hint = false} : vector<512x512xf32>, vector<512x64xf32>, vector<512x64xf32> -> vector<512x64xf32>
    %swap3A_207 = arith.constant 0 : index
    %swap3A_208 = arith.constant 192 : index
    %swap3A_209 = vector.load %arg13[%swap3A_207, %swap3A_208] : memref<1024x1024xf32, #tpu.memory_space<vmem>>, vector<512x64xf32>
    tpu.vector_store %arg13[%swap3A_207, %swap3A_208], %dot_general3A_206 {strides = array<i32>} : memref<1024x1024xf32, #tpu.memory_space<vmem>>, vector<512x64xf32>,
    %get3A_210 = arith.constant 0 : index
    %get3A_211 = arith.constant 256 : index
    %get3A_212 = vector.load %arg10[%get3A_210, %get3A_211] : memref<1024x1024xf32, #tpu.memory_space<vmem>>, vector<512x64xf32>
    %get3A_213 = arith.constant 0 : index
    %get3A_214 = arith.constant 256 : index
    %get3A_215 = vector.load %arg11[%get3A_213, %get3A_214] : memref<1024x1024xf32, #tpu.memory_space<vmem>>, vector<512x64xf32>
    %get3A_216 = arith.constant 0 : index
    %get3A_217 = arith.constant 256 : index
    %get3A_218 = vector.load %arg12[%get3A_216, %get3A_217] : memref<1024x1024xf32, #tpu.memory_space<vmem>>, vector<512x64xf32>
    %dot_general3A_219 = arith.constant dense<0.000000e+00> : vector<512x512xf32>
    %dot_general3A_220 = tpu.matmul %get3A_212, %get3A_215, %dot_general3A_219 {dimension_numbers = #tpu.dot_dimension_numbers<[1], [1], [0], [0], [0, 0, 1, 0], [], []>, transpose_lhs_hint = false} : vector<512x64xf32>, vector<512x64xf32>, vector<512x512xf32> -> vector<512x512xf32>
    %mul3A_221 = arith.constant 1.250000e-01 : f32
    %mul3A_222 = vector.broadcast %mul3A_221 : f32 to vector<512x512xf32>
    %mul3A_223 = arith.mulf %dot_general3A_220, %mul3A_222 : vector<512x512xf32>
    %jit3A_224 = arith.constant -1.000000e+09 : f32
    %broadcast_in_dim3A_225 = vector.broadcast %jit3A_224 : f32 to vector<512x512xf32>
    %select_n3A_226 = arith.select %le3A, %mul3A_223, %broadcast_in_dim3A_225 : vector<512x512xi1>, vector<512x512xf32>
    %reduce_max3A_227 = arith.constant dense<0xFF800000> : vector<512xf32>
    %reduce_max3A_228 = vector.multi_reduction <maximumf>, %select_n3A_226, %reduce_max3A_227 [1] : vector<512x512xf32> to vector<512xf32>
    %broadcast_in_dim3A_229 = vector.shape_cast %reduce_max3A_228 : vector<512xf32> to vector<512x1xf32>
    %sub3A_230 = vector.broadcast %broadcast_in_dim3A_229 : vector<512x1xf32> to vector<512x512xf32>
    %sub3A_231 = arith.subf %select_n3A_226, %sub3A_230 : vector<512x512xf32>
    %exp3A_232 = math.exp %sub3A_231 : vector<512x512xf32>
    %reduce_sum3A_233 = arith.constant dense<0.000000e+00> : vector<512xf32>
    %reduce_sum3A_234 = vector.multi_reduction <add>, %exp3A_232, %reduce_sum3A_233 [1] : vector<512x512xf32> to vector<512xf32>
    %broadcast_in_dim3A_235 = vector.shape_cast %reduce_sum3A_234 : vector<512xf32> to vector<512x1xf32>
    %div3A_236 = vector.broadcast %broadcast_in_dim3A_235 : vector<512x1xf32> to vector<512x512xf32>
    %div3A_237 = arith.divf %exp3A_232, %div3A_236 : vector<512x512xf32>
    %dot_general3A_238 = arith.constant dense<0.000000e+00> : vector<512x64xf32>
    %dot_general3A_239 = tpu.matmul %div3A_237, %get3A_218, %dot_general3A_238 {dimension_numbers = #tpu.dot_dimension_numbers<[1], [0], [0], [1], [0, 0, 1, 1], [], []>, transpose_lhs_hint = false} : vector<512x512xf32>, vector<512x64xf32>, vector<512x64xf32> -> vector<512x64xf32>
    %swap3A_240 = arith.constant 0 : index
    %swap3A_241 = arith.constant 256 : index
    %swap3A_242 = vector.load %arg13[%swap3A_240, %swap3A_241] : memref<1024x1024xf32, #tpu.memory_space<vmem>>, vector<512x64xf32>
    tpu.vector_store %arg13[%swap3A_240, %swap3A_241], %dot_general3A_239 {strides = array<i32>} : memref<1024x1024xf32, #tpu.memory_space<vmem>>, vector<512x64xf32>,
    %get3A_243 = arith.constant 0 : index
    %get3A_244 = arith.constant 320 : index
    %get3A_245 = vector.load %arg10[%get3A_243, %get3A_244] : memref<1024x1024xf32, #tpu.memory_space<vmem>>, vector<512x64xf32>
    %get3A_246 = arith.constant 0 : index
    %get3A_247 = arith.constant 320 : index
    %get3A_248 = vector.load %arg11[%get3A_246, %get3A_247] : memref<1024x1024xf32, #tpu.memory_space<vmem>>, vector<512x64xf32>
    %get3A_249 = arith.constant 0 : index
    %get3A_250 = arith.constant 320 : index
    %get3A_251 = vector.load %arg12[%get3A_249, %get3A_250] : memref<1024x1024xf32, #tpu.memory_space<vmem>>, vector<512x64xf32>
    %dot_general3A_252 = arith.constant dense<0.000000e+00> : vector<512x512xf32>
    %dot_general3A_253 = tpu.matmul %get3A_245, %get3A_248, %dot_general3A_252 {dimension_numbers = #tpu.dot_dimension_numbers<[1], [1], [0], [0], [0, 0, 1, 0], [], []>, transpose_lhs_hint = false} : vector<512x64xf32>, vector<512x64xf32>, vector<512x512xf32> -> vector<512x512xf32>
    %mul3A_254 = arith.constant 1.250000e-01 : f32
    %mul3A_255 = vector.broadcast %mul3A_254 : f32 to vector<512x512xf32>
    %mul3A_256 = arith.mulf %dot_general3A_253, %mul3A_255 : vector<512x512xf32>
    %jit3A_257 = arith.constant -1.000000e+09 : f32
    %broadcast_in_dim3A_258 = vector.broadcast %jit3A_257 : f32 to vector<512x512xf32>
    %select_n3A_259 = arith.select %le3A, %mul3A_256, %broadcast_in_dim3A_258 : vector<512x512xi1>, vector<512x512xf32>
    %reduce_max3A_260 = arith.constant dense<0xFF800000> : vector<512xf32>
    %reduce_max3A_261 = vector.multi_reduction <maximumf>, %select_n3A_259, %reduce_max3A_260 [1] : vector<512x512xf32> to vector<512xf32>
    %broadcast_in_dim3A_262 = vector.shape_cast %reduce_max3A_261 : vector<512xf32> to vector<512x1xf32>
    %sub3A_263 = vector.broadcast %broadcast_in_dim3A_262 : vector<512x1xf32> to vector<512x512xf32>
    %sub3A_264 = arith.subf %select_n3A_259, %sub3A_263 : vector<512x512xf32>
    %exp3A_265 = math.exp %sub3A_264 : vector<512x512xf32>
    %reduce_sum3A_266 = arith.constant dense<0.000000e+00> : vector<512xf32>
    %reduce_sum3A_267 = vector.multi_reduction <add>, %exp3A_265, %reduce_sum3A_266 [1] : vector<512x512xf32> to vector<512xf32>
    %broadcast_in_dim3A_268 = vector.shape_cast %reduce_sum3A_267 : vector<512xf32> to vector<512x1xf32>
    %div3A_269 = vector.broadcast %broadcast_in_dim3A_268 : vector<512x1xf32> to vector<512x512xf32>
    %div3A_270 = arith.divf %exp3A_265, %div3A_269 : vector<512x512xf32>
    %dot_general3A_271 = arith.constant dense<0.000000e+00> : vector<512x64xf32>
    %dot_general3A_272 = tpu.matmul %div3A_270, %get3A_251, %dot_general3A_271 {dimension_numbers = #tpu.dot_dimension_numbers<[1], [0], [0], [1], [0, 0, 1, 1], [], []>, transpose_lhs_hint = false} : vector<512x512xf32>, vector<512x64xf32>, vector<512x64xf32> -> vector<512x64xf32>
    %swap3A_273 = arith.constant 0 : index
    %swap3A_274 = arith.constant 320 : index
    %swap3A_275 = vector.load %arg13[%swap3A_273, %swap3A_274] : memref<1024x1024xf32, #tpu.memory_space<vmem>>, vector<512x64xf32>
    tpu.vector_store %arg13[%swap3A_273, %swap3A_274], %dot_general3A_272 {strides = array<i32>} : memref<1024x1024xf32, #tpu.memory_space<vmem>>, vector<512x64xf32>,
    %get3A_276 = arith.constant 0 : index
    %get3A_277 = arith.constant 384 : index
    %get3A_278 = vector.load %arg10[%get3A_276, %get3A_277] : memref<1024x1024xf32, #tpu.memory_space<vmem>>, vector<512x64xf32>
    %get3A_279 = arith.constant 0 : index
    %get3A_280 = arith.constant 384 : index
    %get3A_281 = vector.load %arg11[%get3A_279, %get3A_280] : memref<1024x1024xf32, #tpu.memory_space<vmem>>, vector<512x64xf32>
    %get3A_282 = arith.constant 0 : index
    %get3A_283 = arith.constant 384 : index
    %get3A_284 = vector.load %arg12[%get3A_282, %get3A_283] : memref<1024x1024xf32, #tpu.memory_space<vmem>>, vector<512x64xf32>
    %dot_general3A_285 = arith.constant dense<0.000000e+00> : vector<512x512xf32>
    %dot_general3A_286 = tpu.matmul %get3A_278, %get3A_281, %dot_general3A_285 {dimension_numbers = #tpu.dot_dimension_numbers<[1], [1], [0], [0], [0, 0, 1, 0], [], []>, transpose_lhs_hint = false} : vector<512x64xf32>, vector<512x64xf32>, vector<512x512xf32> -> vector<512x512xf32>
    %mul3A_287 = arith.constant 1.250000e-01 : f32
    %mul3A_288 = vector.broadcast %mul3A_287 : f32 to vector<512x512xf32>
    %mul3A_289 = arith.mulf %dot_general3A_286, %mul3A_288 : vector<512x512xf32>
    %jit3A_290 = arith.constant -1.000000e+09 : f32
    %broadcast_in_dim3A_291 = vector.broadcast %jit3A_290 : f32 to vector<512x512xf32>
    %select_n3A_292 = arith.select %le3A, %mul3A_289, %broadcast_in_dim3A_291 : vector<512x512xi1>, vector<512x512xf32>
    %reduce_max3A_293 = arith.constant dense<0xFF800000> : vector<512xf32>
    %reduce_max3A_294 = vector.multi_reduction <maximumf>, %select_n3A_292, %reduce_max3A_293 [1] : vector<512x512xf32> to vector<512xf32>
    %broadcast_in_dim3A_295 = vector.shape_cast %reduce_max3A_294 : vector<512xf32> to vector<512x1xf32>
    %sub3A_296 = vector.broadcast %broadcast_in_dim3A_295 : vector<512x1xf32> to vector<512x512xf32>
    %sub3A_297 = arith.subf %select_n3A_292, %sub3A_296 : vector<512x512xf32>
    %exp3A_298 = math.exp %sub3A_297 : vector<512x512xf32>
    %reduce_sum3A_299 = arith.constant dense<0.000000e+00> : vector<512xf32>
    %reduce_sum3A_300 = vector.multi_reduction <add>, %exp3A_298, %reduce_sum3A_299 [1] : vector<512x512xf32> to vector<512xf32>
    %broadcast_in_dim3A_301 = vector.shape_cast %reduce_sum3A_300 : vector<512xf32> to vector<512x1xf32>
    %div3A_302 = vector.broadcast %broadcast_in_dim3A_301 : vector<512x1xf32> to vector<512x512xf32>
    %div3A_303 = arith.divf %exp3A_298, %div3A_302 : vector<512x512xf32>
    %dot_general3A_304 = arith.constant dense<0.000000e+00> : vector<512x64xf32>
    %dot_general3A_305 = tpu.matmul %div3A_303, %get3A_284, %dot_general3A_304 {dimension_numbers = #tpu.dot_dimension_numbers<[1], [0], [0], [1], [0, 0, 1, 1], [], []>, transpose_lhs_hint = false} : vector<512x512xf32>, vector<512x64xf32>, vector<512x64xf32> -> vector<512x64xf32>
    %swap3A_306 = arith.constant 0 : index
    %swap3A_307 = arith.constant 384 : index
    %swap3A_308 = vector.load %arg13[%swap3A_306, %swap3A_307] : memref<1024x1024xf32, #tpu.memory_space<vmem>>, vector<512x64xf32>
    tpu.vector_store %arg13[%swap3A_306, %swap3A_307], %dot_general3A_305 {strides = array<i32>} : memref<1024x1024xf32, #tpu.memory_space<vmem>>, vector<512x64xf32>,
    %get3A_309 = arith.constant 0 : index
    %get3A_310 = arith.constant 448 : index
    %get3A_311 = vector.load %arg10[%get3A_309, %get3A_310] : memref<1024x1024xf32, #tpu.memory_space<vmem>>, vector<512x64xf32>
    %get3A_312 = arith.constant 0 : index
    %get3A_313 = arith.constant 448 : index
    %get3A_314 = vector.load %arg11[%get3A_312, %get3A_313] : memref<1024x1024xf32, #tpu.memory_space<vmem>>, vector<512x64xf32>
    %get3A_315 = arith.constant 0 : index
    %get3A_316 = arith.constant 448 : index
    %get3A_317 = vector.load %arg12[%get3A_315, %get3A_316] : memref<1024x1024xf32, #tpu.memory_space<vmem>>, vector<512x64xf32>
    %dot_general3A_318 = arith.constant dense<0.000000e+00> : vector<512x512xf32>
    %dot_general3A_319 = tpu.matmul %get3A_311, %get3A_314, %dot_general3A_318 {dimension_numbers = #tpu.dot_dimension_numbers<[1], [1], [0], [0], [0, 0, 1, 0], [], []>, transpose_lhs_hint = false} : vector<512x64xf32>, vector<512x64xf32>, vector<512x512xf32> -> vector<512x512xf32>
    %mul3A_320 = arith.constant 1.250000e-01 : f32
    %mul3A_321 = vector.broadcast %mul3A_320 : f32 to vector<512x512xf32>
    %mul3A_322 = arith.mulf %dot_general3A_319, %mul3A_321 : vector<512x512xf32>
    %jit3A_323 = arith.constant -1.000000e+09 : f32
    %broadcast_in_dim3A_324 = vector.broadcast %jit3A_323 : f32 to vector<512x512xf32>
    %select_n3A_325 = arith.select %le3A, %mul3A_322, %broadcast_in_dim3A_324 : vector<512x512xi1>, vector<512x512xf32>
    %reduce_max3A_326 = arith.constant dense<0xFF800000> : vector<512xf32>
    %reduce_max3A_327 = vector.multi_reduction <maximumf>, %select_n3A_325, %reduce_max3A_326 [1] : vector<512x512xf32> to vector<512xf32>
    %broadcast_in_dim3A_328 = vector.shape_cast %reduce_max3A_327 : vector<512xf32> to vector<512x1xf32>
    %sub3A_329 = vector.broadcast %broadcast_in_dim3A_328 : vector<512x1xf32> to vector<512x512xf32>
    %sub3A_330 = arith.subf %select_n3A_325, %sub3A_329 : vector<512x512xf32>
    %exp3A_331 = math.exp %sub3A_330 : vector<512x512xf32>
    %reduce_sum3A_332 = arith.constant dense<0.000000e+00> : vector<512xf32>
    %reduce_sum3A_333 = vector.multi_reduction <add>, %exp3A_331, %reduce_sum3A_332 [1] : vector<512x512xf32> to vector<512xf32>
    %broadcast_in_dim3A_334 = vector.shape_cast %reduce_sum3A_333 : vector<512xf32> to vector<512x1xf32>
    %div3A_335 = vector.broadcast %broadcast_in_dim3A_334 : vector<512x1xf32> to vector<512x512xf32>
    %div3A_336 = arith.divf %exp3A_331, %div3A_335 : vector<512x512xf32>
    %dot_general3A_337 = arith.constant dense<0.000000e+00> : vector<512x64xf32>
    %dot_general3A_338 = tpu.matmul %div3A_336, %get3A_317, %dot_general3A_337 {dimension_numbers = #tpu.dot_dimension_numbers<[1], [0], [0], [1], [0, 0, 1, 1], [], []>, transpose_lhs_hint = false} : vector<512x512xf32>, vector<512x64xf32>, vector<512x64xf32> -> vector<512x64xf32>
    %swap3A_339 = arith.constant 0 : index
    %swap3A_340 = arith.constant 448 : index
    %swap3A_341 = vector.load %arg13[%swap3A_339, %swap3A_340] : memref<1024x1024xf32, #tpu.memory_space<vmem>>, vector<512x64xf32>
    tpu.vector_store %arg13[%swap3A_339, %swap3A_340], %dot_general3A_338 {strides = array<i32>} : memref<1024x1024xf32, #tpu.memory_space<vmem>>, vector<512x64xf32>,
    %get3A_342 = arith.constant 0 : index
    %get3A_343 = arith.constant 512 : index
    %get3A_344 = vector.load %arg10[%get3A_342, %get3A_343] : memref<1024x1024xf32, #tpu.memory_space<vmem>>, vector<512x64xf32>
    %get3A_345 = arith.constant 0 : index
    %get3A_346 = arith.constant 512 : index
    %get3A_347 = vector.load %arg11[%get3A_345, %get3A_346] : memref<1024x1024xf32, #tpu.memory_space<vmem>>, vector<512x64xf32>
    %get3A_348 = arith.constant 0 : index
    %get3A_349 = arith.constant 512 : index
    %get3A_350 = vector.load %arg12[%get3A_348, %get3A_349] : memref<1024x1024xf32, #tpu.memory_space<vmem>>, vector<512x64xf32>
    %dot_general3A_351 = arith.constant dense<0.000000e+00> : vector<512x512xf32>
    %dot_general3A_352 = tpu.matmul %get3A_344, %get3A_347, %dot_general3A_351 {dimension_numbers = #tpu.dot_dimension_numbers<[1], [1], [0], [0], [0, 0, 1, 0], [], []>, transpose_lhs_hint = false} : vector<512x64xf32>, vector<512x64xf32>, vector<512x512xf32> -> vector<512x512xf32>
    %mul3A_353 = arith.constant 1.250000e-01 : f32
    %mul3A_354 = vector.broadcast %mul3A_353 : f32 to vector<512x512xf32>
    %mul3A_355 = arith.mulf %dot_general3A_352, %mul3A_354 : vector<512x512xf32>
    %jit3A_356 = arith.constant -1.000000e+09 : f32
    %broadcast_in_dim3A_357 = vector.broadcast %jit3A_356 : f32 to vector<512x512xf32>
    %select_n3A_358 = arith.select %le3A, %mul3A_355, %broadcast_in_dim3A_357 : vector<512x512xi1>, vector<512x512xf32>
    %reduce_max3A_359 = arith.constant dense<0xFF800000> : vector<512xf32>
    %reduce_max3A_360 = vector.multi_reduction <maximumf>, %select_n3A_358, %reduce_max3A_359 [1] : vector<512x512xf32> to vector<512xf32>
    %broadcast_in_dim3A_361 = vector.shape_cast %reduce_max3A_360 : vector<512xf32> to vector<512x1xf32>
    %sub3A_362 = vector.broadcast %broadcast_in_dim3A_361 : vector<512x1xf32> to vector<512x512xf32>
    %sub3A_363 = arith.subf %select_n3A_358, %sub3A_362 : vector<512x512xf32>
    %exp3A_364 = math.exp %sub3A_363 : vector<512x512xf32>
    %reduce_sum3A_365 = arith.constant dense<0.000000e+00> : vector<512xf32>
    %reduce_sum3A_366 = vector.multi_reduction <add>, %exp3A_364, %reduce_sum3A_365 [1] : vector<512x512xf32> to vector<512xf32>
    %broadcast_in_dim3A_367 = vector.shape_cast %reduce_sum3A_366 : vector<512xf32> to vector<512x1xf32>
    %div3A_368 = vector.broadcast %broadcast_in_dim3A_367 : vector<512x1xf32> to vector<512x512xf32>
    %div3A_369 = arith.divf %exp3A_364, %div3A_368 : vector<512x512xf32>
    %dot_general3A_370 = arith.constant dense<0.000000e+00> : vector<512x64xf32>
    %dot_general3A_371 = tpu.matmul %div3A_369, %get3A_350, %dot_general3A_370 {dimension_numbers = #tpu.dot_dimension_numbers<[1], [0], [0], [1], [0, 0, 1, 1], [], []>, transpose_lhs_hint = false} : vector<512x512xf32>, vector<512x64xf32>, vector<512x64xf32> -> vector<512x64xf32>
    %swap3A_372 = arith.constant 0 : index
    %swap3A_373 = arith.constant 512 : index
    %swap3A_374 = vector.load %arg13[%swap3A_372, %swap3A_373] : memref<1024x1024xf32, #tpu.memory_space<vmem>>, vector<512x64xf32>
    tpu.vector_store %arg13[%swap3A_372, %swap3A_373], %dot_general3A_371 {strides = array<i32>} : memref<1024x1024xf32, #tpu.memory_space<vmem>>, vector<512x64xf32>,
    %get3A_375 = arith.constant 0 : index
    %get3A_376 = arith.constant 576 : index
    %get3A_377 = vector.load %arg10[%get3A_375, %get3A_376] : memref<1024x1024xf32, #tpu.memory_space<vmem>>, vector<512x64xf32>
    %get3A_378 = arith.constant 0 : index
    %get3A_379 = arith.constant 576 : index
    %get3A_380 = vector.load %arg11[%get3A_378, %get3A_379] : memref<1024x1024xf32, #tpu.memory_space<vmem>>, vector<512x64xf32>
    %get3A_381 = arith.constant 0 : index
    %get3A_382 = arith.constant 576 : index
    %get3A_383 = vector.load %arg12[%get3A_381, %get3A_382] : memref<1024x1024xf32, #tpu.memory_space<vmem>>, vector<512x64xf32>
    %dot_general3A_384 = arith.constant dense<0.000000e+00> : vector<512x512xf32>
    %dot_general3A_385 = tpu.matmul %get3A_377, %get3A_380, %dot_general3A_384 {dimension_numbers = #tpu.dot_dimension_numbers<[1], [1], [0], [0], [0, 0, 1, 0], [], []>, transpose_lhs_hint = false} : vector<512x64xf32>, vector<512x64xf32>, vector<512x512xf32> -> vector<512x512xf32>
    %mul3A_386 = arith.constant 1.250000e-01 : f32
    %mul3A_387 = vector.broadcast %mul3A_386 : f32 to vector<512x512xf32>
    %mul3A_388 = arith.mulf %dot_general3A_385, %mul3A_387 : vector<512x512xf32>
    %jit3A_389 = arith.constant -1.000000e+09 : f32
    %broadcast_in_dim3A_390 = vector.broadcast %jit3A_389 : f32 to vector<512x512xf32>
    %select_n3A_391 = arith.select %le3A, %mul3A_388, %broadcast_in_dim3A_390 : vector<512x512xi1>, vector<512x512xf32>
    %reduce_max3A_392 = arith.constant dense<0xFF800000> : vector<512xf32>
    %reduce_max3A_393 = vector.multi_reduction <maximumf>, %select_n3A_391, %reduce_max3A_392 [1] : vector<512x512xf32> to vector<512xf32>
    %broadcast_in_dim3A_394 = vector.shape_cast %reduce_max3A_393 : vector<512xf32> to vector<512x1xf32>
    %sub3A_395 = vector.broadcast %broadcast_in_dim3A_394 : vector<512x1xf32> to vector<512x512xf32>
    %sub3A_396 = arith.subf %select_n3A_391, %sub3A_395 : vector<512x512xf32>
    %exp3A_397 = math.exp %sub3A_396 : vector<512x512xf32>
    %reduce_sum3A_398 = arith.constant dense<0.000000e+00> : vector<512xf32>
    %reduce_sum3A_399 = vector.multi_reduction <add>, %exp3A_397, %reduce_sum3A_398 [1] : vector<512x512xf32> to vector<512xf32>
    %broadcast_in_dim3A_400 = vector.shape_cast %reduce_sum3A_399 : vector<512xf32> to vector<512x1xf32>
    %div3A_401 = vector.broadcast %broadcast_in_dim3A_400 : vector<512x1xf32> to vector<512x512xf32>
    %div3A_402 = arith.divf %exp3A_397, %div3A_401 : vector<512x512xf32>
    %dot_general3A_403 = arith.constant dense<0.000000e+00> : vector<512x64xf32>
    %dot_general3A_404 = tpu.matmul %div3A_402, %get3A_383, %dot_general3A_403 {dimension_numbers = #tpu.dot_dimension_numbers<[1], [0], [0], [1], [0, 0, 1, 1], [], []>, transpose_lhs_hint = false} : vector<512x512xf32>, vector<512x64xf32>, vector<512x64xf32> -> vector<512x64xf32>
    %swap3A_405 = arith.constant 0 : index
    %swap3A_406 = arith.constant 576 : index
    %swap3A_407 = vector.load %arg13[%swap3A_405, %swap3A_406] : memref<1024x1024xf32, #tpu.memory_space<vmem>>, vector<512x64xf32>
    tpu.vector_store %arg13[%swap3A_405, %swap3A_406], %dot_general3A_404 {strides = array<i32>} : memref<1024x1024xf32, #tpu.memory_space<vmem>>, vector<512x64xf32>,
    %get3A_408 = arith.constant 0 : index
    %get3A_409 = arith.constant 640 : index
    %get3A_410 = vector.load %arg10[%get3A_408, %get3A_409] : memref<1024x1024xf32, #tpu.memory_space<vmem>>, vector<512x64xf32>
    %get3A_411 = arith.constant 0 : index
    %get3A_412 = arith.constant 640 : index
    %get3A_413 = vector.load %arg11[%get3A_411, %get3A_412] : memref<1024x1024xf32, #tpu.memory_space<vmem>>, vector<512x64xf32>
    %get3A_414 = arith.constant 0 : index
    %get3A_415 = arith.constant 640 : index
    %get3A_416 = vector.load %arg12[%get3A_414, %get3A_415] : memref<1024x1024xf32, #tpu.memory_space<vmem>>, vector<512x64xf32>
    %dot_general3A_417 = arith.constant dense<0.000000e+00> : vector<512x512xf32>
    %dot_general3A_418 = tpu.matmul %get3A_410, %get3A_413, %dot_general3A_417 {dimension_numbers = #tpu.dot_dimension_numbers<[1], [1], [0], [0], [0, 0, 1, 0], [], []>, transpose_lhs_hint = false} : vector<512x64xf32>, vector<512x64xf32>, vector<512x512xf32> -> vector<512x512xf32>
    %mul3A_419 = arith.constant 1.250000e-01 : f32
    %mul3A_420 = vector.broadcast %mul3A_419 : f32 to vector<512x512xf32>
    %mul3A_421 = arith.mulf %dot_general3A_418, %mul3A_420 : vector<512x512xf32>
    %jit3A_422 = arith.constant -1.000000e+09 : f32
    %broadcast_in_dim3A_423 = vector.broadcast %jit3A_422 : f32 to vector<512x512xf32>
    %select_n3A_424 = arith.select %le3A, %mul3A_421, %broadcast_in_dim3A_423 : vector<512x512xi1>, vector<512x512xf32>
    %reduce_max3A_425 = arith.constant dense<0xFF800000> : vector<512xf32>
    %reduce_max3A_426 = vector.multi_reduction <maximumf>, %select_n3A_424, %reduce_max3A_425 [1] : vector<512x512xf32> to vector<512xf32>
    %broadcast_in_dim3A_427 = vector.shape_cast %reduce_max3A_426 : vector<512xf32> to vector<512x1xf32>
    %sub3A_428 = vector.broadcast %broadcast_in_dim3A_427 : vector<512x1xf32> to vector<512x512xf32>
    %sub3A_429 = arith.subf %select_n3A_424, %sub3A_428 : vector<512x512xf32>
    %exp3A_430 = math.exp %sub3A_429 : vector<512x512xf32>
    %reduce_sum3A_431 = arith.constant dense<0.000000e+00> : vector<512xf32>
    %reduce_sum3A_432 = vector.multi_reduction <add>, %exp3A_430, %reduce_sum3A_431 [1] : vector<512x512xf32> to vector<512xf32>
    %broadcast_in_dim3A_433 = vector.shape_cast %reduce_sum3A_432 : vector<512xf32> to vector<512x1xf32>
    %div3A_434 = vector.broadcast %broadcast_in_dim3A_433 : vector<512x1xf32> to vector<512x512xf32>
    %div3A_435 = arith.divf %exp3A_430, %div3A_434 : vector<512x512xf32>
    %dot_general3A_436 = arith.constant dense<0.000000e+00> : vector<512x64xf32>
    %dot_general3A_437 = tpu.matmul %div3A_435, %get3A_416, %dot_general3A_436 {dimension_numbers = #tpu.dot_dimension_numbers<[1], [0], [0], [1], [0, 0, 1, 1], [], []>, transpose_lhs_hint = false} : vector<512x512xf32>, vector<512x64xf32>, vector<512x64xf32> -> vector<512x64xf32>
    %swap3A_438 = arith.constant 0 : index
    %swap3A_439 = arith.constant 640 : index
    %swap3A_440 = vector.load %arg13[%swap3A_438, %swap3A_439] : memref<1024x1024xf32, #tpu.memory_space<vmem>>, vector<512x64xf32>
    tpu.vector_store %arg13[%swap3A_438, %swap3A_439], %dot_general3A_437 {strides = array<i32>} : memref<1024x1024xf32, #tpu.memory_space<vmem>>, vector<512x64xf32>,
    %get3A_441 = arith.constant 0 : index
    %get3A_442 = arith.constant 704 : index
    %get3A_443 = vector.load %arg10[%get3A_441, %get3A_442] : memref<1024x1024xf32, #tpu.memory_space<vmem>>, vector<512x64xf32>
    %get3A_444 = arith.constant 0 : index
    %get3A_445 = arith.constant 704 : index
    %get3A_446 = vector.load %arg11[%get3A_444, %get3A_445] : memref<1024x1024xf32, #tpu.memory_space<vmem>>, vector<512x64xf32>
    %get3A_447 = arith.constant 0 : index
    %get3A_448 = arith.constant 704 : index
    %get3A_449 = vector.load %arg12[%get3A_447, %get3A_448] : memref<1024x1024xf32, #tpu.memory_space<vmem>>, vector<512x64xf32>
    %dot_general3A_450 = arith.constant dense<0.000000e+00> : vector<512x512xf32>
    %dot_general3A_451 = tpu.matmul %get3A_443, %get3A_446, %dot_general3A_450 {dimension_numbers = #tpu.dot_dimension_numbers<[1], [1], [0], [0], [0, 0, 1, 0], [], []>, transpose_lhs_hint = false} : vector<512x64xf32>, vector<512x64xf32>, vector<512x512xf32> -> vector<512x512xf32>
    %mul3A_452 = arith.constant 1.250000e-01 : f32
    %mul3A_453 = vector.broadcast %mul3A_452 : f32 to vector<512x512xf32>
    %mul3A_454 = arith.mulf %dot_general3A_451, %mul3A_453 : vector<512x512xf32>
    %jit3A_455 = arith.constant -1.000000e+09 : f32
    %broadcast_in_dim3A_456 = vector.broadcast %jit3A_455 : f32 to vector<512x512xf32>
    %select_n3A_457 = arith.select %le3A, %mul3A_454, %broadcast_in_dim3A_456 : vector<512x512xi1>, vector<512x512xf32>
    %reduce_max3A_458 = arith.constant dense<0xFF800000> : vector<512xf32>
    %reduce_max3A_459 = vector.multi_reduction <maximumf>, %select_n3A_457, %reduce_max3A_458 [1] : vector<512x512xf32> to vector<512xf32>
    %broadcast_in_dim3A_460 = vector.shape_cast %reduce_max3A_459 : vector<512xf32> to vector<512x1xf32>
    %sub3A_461 = vector.broadcast %broadcast_in_dim3A_460 : vector<512x1xf32> to vector<512x512xf32>
    %sub3A_462 = arith.subf %select_n3A_457, %sub3A_461 : vector<512x512xf32>
    %exp3A_463 = math.exp %sub3A_462 : vector<512x512xf32>
    %reduce_sum3A_464 = arith.constant dense<0.000000e+00> : vector<512xf32>
    %reduce_sum3A_465 = vector.multi_reduction <add>, %exp3A_463, %reduce_sum3A_464 [1] : vector<512x512xf32> to vector<512xf32>
    %broadcast_in_dim3A_466 = vector.shape_cast %reduce_sum3A_465 : vector<512xf32> to vector<512x1xf32>
    %div3A_467 = vector.broadcast %broadcast_in_dim3A_466 : vector<512x1xf32> to vector<512x512xf32>
    %div3A_468 = arith.divf %exp3A_463, %div3A_467 : vector<512x512xf32>
    %dot_general3A_469 = arith.constant dense<0.000000e+00> : vector<512x64xf32>
    %dot_general3A_470 = tpu.matmul %div3A_468, %get3A_449, %dot_general3A_469 {dimension_numbers = #tpu.dot_dimension_numbers<[1], [0], [0], [1], [0, 0, 1, 1], [], []>, transpose_lhs_hint = false} : vector<512x512xf32>, vector<512x64xf32>, vector<512x64xf32> -> vector<512x64xf32>
    %swap3A_471 = arith.constant 0 : index
    %swap3A_472 = arith.constant 704 : index
    %swap3A_473 = vector.load %arg13[%swap3A_471, %swap3A_472] : memref<1024x1024xf32, #tpu.memory_space<vmem>>, vector<512x64xf32>
    tpu.vector_store %arg13[%swap3A_471, %swap3A_472], %dot_general3A_470 {strides = array<i32>} : memref<1024x1024xf32, #tpu.memory_space<vmem>>, vector<512x64xf32>,
    %get3A_474 = arith.constant 0 : index
    %get3A_475 = arith.constant 768 : index
    %get3A_476 = vector.load %arg10[%get3A_474, %get3A_475] : memref<1024x1024xf32, #tpu.memory_space<vmem>>, vector<512x64xf32>
    %get3A_477 = arith.constant 0 : index
    %get3A_478 = arith.constant 768 : index
    %get3A_479 = vector.load %arg11[%get3A_477, %get3A_478] : memref<1024x1024xf32, #tpu.memory_space<vmem>>, vector<512x64xf32>
    %get3A_480 = arith.constant 0 : index
    %get3A_481 = arith.constant 768 : index
    %get3A_482 = vector.load %arg12[%get3A_480, %get3A_481] : memref<1024x1024xf32, #tpu.memory_space<vmem>>, vector<512x64xf32>
    %dot_general3A_483 = arith.constant dense<0.000000e+00> : vector<512x512xf32>
    %dot_general3A_484 = tpu.matmul %get3A_476, %get3A_479, %dot_general3A_483 {dimension_numbers = #tpu.dot_dimension_numbers<[1], [1], [0], [0], [0, 0, 1, 0], [], []>, transpose_lhs_hint = false} : vector<512x64xf32>, vector<512x64xf32>, vector<512x512xf32> -> vector<512x512xf32>
    %mul3A_485 = arith.constant 1.250000e-01 : f32
    %mul3A_486 = vector.broadcast %mul3A_485 : f32 to vector<512x512xf32>
    %mul3A_487 = arith.mulf %dot_general3A_484, %mul3A_486 : vector<512x512xf32>
    %jit3A_488 = arith.constant -1.000000e+09 : f32
    %broadcast_in_dim3A_489 = vector.broadcast %jit3A_488 : f32 to vector<512x512xf32>
    %select_n3A_490 = arith.select %le3A, %mul3A_487, %broadcast_in_dim3A_489 : vector<512x512xi1>, vector<512x512xf32>
    %reduce_max3A_491 = arith.constant dense<0xFF800000> : vector<512xf32>
    %reduce_max3A_492 = vector.multi_reduction <maximumf>, %select_n3A_490, %reduce_max3A_491 [1] : vector<512x512xf32> to vector<512xf32>
    %broadcast_in_dim3A_493 = vector.shape_cast %reduce_max3A_492 : vector<512xf32> to vector<512x1xf32>
    %sub3A_494 = vector.broadcast %broadcast_in_dim3A_493 : vector<512x1xf32> to vector<512x512xf32>
    %sub3A_495 = arith.subf %select_n3A_490, %sub3A_494 : vector<512x512xf32>
    %exp3A_496 = math.exp %sub3A_495 : vector<512x512xf32>
    %reduce_sum3A_497 = arith.constant dense<0.000000e+00> : vector<512xf32>
    %reduce_sum3A_498 = vector.multi_reduction <add>, %exp3A_496, %reduce_sum3A_497 [1] : vector<512x512xf32> to vector<512xf32>
    %broadcast_in_dim3A_499 = vector.shape_cast %reduce_sum3A_498 : vector<512xf32> to vector<512x1xf32>
    %div3A_500 = vector.broadcast %broadcast_in_dim3A_499 : vector<512x1xf32> to vector<512x512xf32>
    %div3A_501 = arith.divf %exp3A_496, %div3A_500 : vector<512x512xf32>
    %dot_general3A_502 = arith.constant dense<0.000000e+00> : vector<512x64xf32>
    %dot_general3A_503 = tpu.matmul %div3A_501, %get3A_482, %dot_general3A_502 {dimension_numbers = #tpu.dot_dimension_numbers<[1], [0], [0], [1], [0, 0, 1, 1], [], []>, transpose_lhs_hint = false} : vector<512x512xf32>, vector<512x64xf32>, vector<512x64xf32> -> vector<512x64xf32>
    %swap3A_504 = arith.constant 0 : index
    %swap3A_505 = arith.constant 768 : index
    %swap3A_506 = vector.load %arg13[%swap3A_504, %swap3A_505] : memref<1024x1024xf32, #tpu.memory_space<vmem>>, vector<512x64xf32>
    tpu.vector_store %arg13[%swap3A_504, %swap3A_505], %dot_general3A_503 {strides = array<i32>} : memref<1024x1024xf32, #tpu.memory_space<vmem>>, vector<512x64xf32>,
    %get3A_507 = arith.constant 0 : index
    %get3A_508 = arith.constant 832 : index
    %get3A_509 = vector.load %arg10[%get3A_507, %get3A_508] : memref<1024x1024xf32, #tpu.memory_space<vmem>>, vector<512x64xf32>
    %get3A_510 = arith.constant 0 : index
    %get3A_511 = arith.constant 832 : index
    %get3A_512 = vector.load %arg11[%get3A_510, %get3A_511] : memref<1024x1024xf32, #tpu.memory_space<vmem>>, vector<512x64xf32>
    %get3A_513 = arith.constant 0 : index
    %get3A_514 = arith.constant 832 : index
    %get3A_515 = vector.load %arg12[%get3A_513, %get3A_514] : memref<1024x1024xf32, #tpu.memory_space<vmem>>, vector<512x64xf32>
    %dot_general3A_516 = arith.constant dense<0.000000e+00> : vector<512x512xf32>
    %dot_general3A_517 = tpu.matmul %get3A_509, %get3A_512, %dot_general3A_516 {dimension_numbers = #tpu.dot_dimension_numbers<[1], [1], [0], [0], [0, 0, 1, 0], [], []>, transpose_lhs_hint = false} : vector<512x64xf32>, vector<512x64xf32>, vector<512x512xf32> -> vector<512x512xf32>
    %mul3A_518 = arith.constant 1.250000e-01 : f32
    %mul3A_519 = vector.broadcast %mul3A_518 : f32 to vector<512x512xf32>
    %mul3A_520 = arith.mulf %dot_general3A_517, %mul3A_519 : vector<512x512xf32>
    %jit3A_521 = arith.constant -1.000000e+09 : f32
    %broadcast_in_dim3A_522 = vector.broadcast %jit3A_521 : f32 to vector<512x512xf32>
    %select_n3A_523 = arith.select %le3A, %mul3A_520, %broadcast_in_dim3A_522 : vector<512x512xi1>, vector<512x512xf32>
    %reduce_max3A_524 = arith.constant dense<0xFF800000> : vector<512xf32>
    %reduce_max3A_525 = vector.multi_reduction <maximumf>, %select_n3A_523, %reduce_max3A_524 [1] : vector<512x512xf32> to vector<512xf32>
    %broadcast_in_dim3A_526 = vector.shape_cast %reduce_max3A_525 : vector<512xf32> to vector<512x1xf32>
    %sub3A_527 = vector.broadcast %broadcast_in_dim3A_526 : vector<512x1xf32> to vector<512x512xf32>
    %sub3A_528 = arith.subf %select_n3A_523, %sub3A_527 : vector<512x512xf32>
    %exp3A_529 = math.exp %sub3A_528 : vector<512x512xf32>
    %reduce_sum3A_530 = arith.constant dense<0.000000e+00> : vector<512xf32>
    %reduce_sum3A_531 = vector.multi_reduction <add>, %exp3A_529, %reduce_sum3A_530 [1] : vector<512x512xf32> to vector<512xf32>
    %broadcast_in_dim3A_532 = vector.shape_cast %reduce_sum3A_531 : vector<512xf32> to vector<512x1xf32>
    %div3A_533 = vector.broadcast %broadcast_in_dim3A_532 : vector<512x1xf32> to vector<512x512xf32>
    %div3A_534 = arith.divf %exp3A_529, %div3A_533 : vector<512x512xf32>
    %dot_general3A_535 = arith.constant dense<0.000000e+00> : vector<512x64xf32>
    %dot_general3A_536 = tpu.matmul %div3A_534, %get3A_515, %dot_general3A_535 {dimension_numbers = #tpu.dot_dimension_numbers<[1], [0], [0], [1], [0, 0, 1, 1], [], []>, transpose_lhs_hint = false} : vector<512x512xf32>, vector<512x64xf32>, vector<512x64xf32> -> vector<512x64xf32>
    %swap3A_537 = arith.constant 0 : index
    %swap3A_538 = arith.constant 832 : index
    %swap3A_539 = vector.load %arg13[%swap3A_537, %swap3A_538] : memref<1024x1024xf32, #tpu.memory_space<vmem>>, vector<512x64xf32>
    tpu.vector_store %arg13[%swap3A_537, %swap3A_538], %dot_general3A_536 {strides = array<i32>} : memref<1024x1024xf32, #tpu.memory_space<vmem>>, vector<512x64xf32>,
    %get3A_540 = arith.constant 0 : index
    %get3A_541 = arith.constant 896 : index
    %get3A_542 = vector.load %arg10[%get3A_540, %get3A_541] : memref<1024x1024xf32, #tpu.memory_space<vmem>>, vector<512x64xf32>
    %get3A_543 = arith.constant 0 : index
    %get3A_544 = arith.constant 896 : index
    %get3A_545 = vector.load %arg11[%get3A_543, %get3A_544] : memref<1024x1024xf32, #tpu.memory_space<vmem>>, vector<512x64xf32>
    %get3A_546 = arith.constant 0 : index
    %get3A_547 = arith.constant 896 : index
    %get3A_548 = vector.load %arg12[%get3A_546, %get3A_547] : memref<1024x1024xf32, #tpu.memory_space<vmem>>, vector<512x64xf32>
    %dot_general3A_549 = arith.constant dense<0.000000e+00> : vector<512x512xf32>
    %dot_general3A_550 = tpu.matmul %get3A_542, %get3A_545, %dot_general3A_549 {dimension_numbers = #tpu.dot_dimension_numbers<[1], [1], [0], [0], [0, 0, 1, 0], [], []>, transpose_lhs_hint = false} : vector<512x64xf32>, vector<512x64xf32>, vector<512x512xf32> -> vector<512x512xf32>
    %mul3A_551 = arith.constant 1.250000e-01 : f32
    %mul3A_552 = vector.broadcast %mul3A_551 : f32 to vector<512x512xf32>
    %mul3A_553 = arith.mulf %dot_general3A_550, %mul3A_552 : vector<512x512xf32>
    %jit3A_554 = arith.constant -1.000000e+09 : f32
    %broadcast_in_dim3A_555 = vector.broadcast %jit3A_554 : f32 to vector<512x512xf32>
    %select_n3A_556 = arith.select %le3A, %mul3A_553, %broadcast_in_dim3A_555 : vector<512x512xi1>, vector<512x512xf32>
    %reduce_max3A_557 = arith.constant dense<0xFF800000> : vector<512xf32>
    %reduce_max3A_558 = vector.multi_reduction <maximumf>, %select_n3A_556, %reduce_max3A_557 [1] : vector<512x512xf32> to vector<512xf32>
    %broadcast_in_dim3A_559 = vector.shape_cast %reduce_max3A_558 : vector<512xf32> to vector<512x1xf32>
    %sub3A_560 = vector.broadcast %broadcast_in_dim3A_559 : vector<512x1xf32> to vector<512x512xf32>
    %sub3A_561 = arith.subf %select_n3A_556, %sub3A_560 : vector<512x512xf32>
    %exp3A_562 = math.exp %sub3A_561 : vector<512x512xf32>
    %reduce_sum3A_563 = arith.constant dense<0.000000e+00> : vector<512xf32>
    %reduce_sum3A_564 = vector.multi_reduction <add>, %exp3A_562, %reduce_sum3A_563 [1] : vector<512x512xf32> to vector<512xf32>
    %broadcast_in_dim3A_565 = vector.shape_cast %reduce_sum3A_564 : vector<512xf32> to vector<512x1xf32>
    %div3A_566 = vector.broadcast %broadcast_in_dim3A_565 : vector<512x1xf32> to vector<512x512xf32>
    %div3A_567 = arith.divf %exp3A_562, %div3A_566 : vector<512x512xf32>
    %dot_general3A_568 = arith.constant dense<0.000000e+00> : vector<512x64xf32>
    %dot_general3A_569 = tpu.matmul %div3A_567, %get3A_548, %dot_general3A_568 {dimension_numbers = #tpu.dot_dimension_numbers<[1], [0], [0], [1], [0, 0, 1, 1], [], []>, transpose_lhs_hint = false} : vector<512x512xf32>, vector<512x64xf32>, vector<512x64xf32> -> vector<512x64xf32>
    %swap3A_570 = arith.constant 0 : index
    %swap3A_571 = arith.constant 896 : index
    %swap3A_572 = vector.load %arg13[%swap3A_570, %swap3A_571] : memref<1024x1024xf32, #tpu.memory_space<vmem>>, vector<512x64xf32>
    tpu.vector_store %arg13[%swap3A_570, %swap3A_571], %dot_general3A_569 {strides = array<i32>} : memref<1024x1024xf32, #tpu.memory_space<vmem>>, vector<512x64xf32>,
    %get3A_573 = arith.constant 0 : index
    %get3A_574 = arith.constant 960 : index
    %get3A_575 = vector.load %arg10[%get3A_573, %get3A_574] : memref<1024x1024xf32, #tpu.memory_space<vmem>>, vector<512x64xf32>
    %get3A_576 = arith.constant 0 : index
    %get3A_577 = arith.constant 960 : index
    %get3A_578 = vector.load %arg11[%get3A_576, %get3A_577] : memref<1024x1024xf32, #tpu.memory_space<vmem>>, vector<512x64xf32>
    %get3A_579 = arith.constant 0 : index
    %get3A_580 = arith.constant 960 : index
    %get3A_581 = vector.load %arg12[%get3A_579, %get3A_580] : memref<1024x1024xf32, #tpu.memory_space<vmem>>, vector<512x64xf32>
    %dot_general3A_582 = arith.constant dense<0.000000e+00> : vector<512x512xf32>
    %dot_general3A_583 = tpu.matmul %get3A_575, %get3A_578, %dot_general3A_582 {dimension_numbers = #tpu.dot_dimension_numbers<[1], [1], [0], [0], [0, 0, 1, 0], [], []>, transpose_lhs_hint = false} : vector<512x64xf32>, vector<512x64xf32>, vector<512x512xf32> -> vector<512x512xf32>
    %mul3A_584 = arith.constant 1.250000e-01 : f32
    %mul3A_585 = vector.broadcast %mul3A_584 : f32 to vector<512x512xf32>
    %mul3A_586 = arith.mulf %dot_general3A_583, %mul3A_585 : vector<512x512xf32>
    %jit3A_587 = arith.constant -1.000000e+09 : f32
    %broadcast_in_dim3A_588 = vector.broadcast %jit3A_587 : f32 to vector<512x512xf32>
    %select_n3A_589 = arith.select %le3A, %mul3A_586, %broadcast_in_dim3A_588 : vector<512x512xi1>, vector<512x512xf32>
    %reduce_max3A_590 = arith.constant dense<0xFF800000> : vector<512xf32>
    %reduce_max3A_591 = vector.multi_reduction <maximumf>, %select_n3A_589, %reduce_max3A_590 [1] : vector<512x512xf32> to vector<512xf32>
    %broadcast_in_dim3A_592 = vector.shape_cast %reduce_max3A_591 : vector<512xf32> to vector<512x1xf32>
    %sub3A_593 = vector.broadcast %broadcast_in_dim3A_592 : vector<512x1xf32> to vector<512x512xf32>
    %sub3A_594 = arith.subf %select_n3A_589, %sub3A_593 : vector<512x512xf32>
    %exp3A_595 = math.exp %sub3A_594 : vector<512x512xf32>
    %reduce_sum3A_596 = arith.constant dense<0.000000e+00> : vector<512xf32>
    %reduce_sum3A_597 = vector.multi_reduction <add>, %exp3A_595, %reduce_sum3A_596 [1] : vector<512x512xf32> to vector<512xf32>
    %broadcast_in_dim3A_598 = vector.shape_cast %reduce_sum3A_597 : vector<512xf32> to vector<512x1xf32>
    %div3A_599 = vector.broadcast %broadcast_in_dim3A_598 : vector<512x1xf32> to vector<512x512xf32>
    %div3A_600 = arith.divf %exp3A_595, %div3A_599 : vector<512x512xf32>
    %dot_general3A_601 = arith.constant dense<0.000000e+00> : vector<512x64xf32>
    %dot_general3A_602 = tpu.matmul %div3A_600, %get3A_581, %dot_general3A_601 {dimension_numbers = #tpu.dot_dimension_numbers<[1], [0], [0], [1], [0, 0, 1, 1], [], []>, transpose_lhs_hint = false} : vector<512x512xf32>, vector<512x64xf32>, vector<512x64xf32> -> vector<512x64xf32>
    %swap3A_603 = arith.constant 0 : index
    %swap3A_604 = arith.constant 960 : index
    %swap3A_605 = vector.load %arg13[%swap3A_603, %swap3A_604] : memref<1024x1024xf32, #tpu.memory_space<vmem>>, vector<512x64xf32>
    tpu.vector_store %arg13[%swap3A_603, %swap3A_604], %dot_general3A_602 {strides = array<i32>} : memref<1024x1024xf32, #tpu.memory_space<vmem>>, vector<512x64xf32>,
    %get3A_606 = arith.constant 512 : index
    %get3A_607 = arith.constant 0 : index
    %get3A_608 = vector.load %arg10[%get3A_606, %get3A_607] : memref<1024x1024xf32, #tpu.memory_space<vmem>>, vector<512x64xf32>
    %get3A_609 = arith.constant 512 : index
    %get3A_610 = arith.constant 0 : index
    %get3A_611 = vector.load %arg11[%get3A_609, %get3A_610] : memref<1024x1024xf32, #tpu.memory_space<vmem>>, vector<512x64xf32>
    %get3A_612 = arith.constant 512 : index
    %get3A_613 = arith.constant 0 : index
    %get3A_614 = vector.load %arg12[%get3A_612, %get3A_613] : memref<1024x1024xf32, #tpu.memory_space<vmem>>, vector<512x64xf32>
    %dot_general3A_615 = arith.constant dense<0.000000e+00> : vector<512x512xf32>
    %dot_general3A_616 = tpu.matmul %get3A_608, %get3A_611, %dot_general3A_615 {dimension_numbers = #tpu.dot_dimension_numbers<[1], [1], [0], [0], [0, 0, 1, 0], [], []>, transpose_lhs_hint = false} : vector<512x64xf32>, vector<512x64xf32>, vector<512x512xf32> -> vector<512x512xf32>
    %mul3A_617 = arith.constant 1.250000e-01 : f32
    %mul3A_618 = vector.broadcast %mul3A_617 : f32 to vector<512x512xf32>
    %mul3A_619 = arith.mulf %dot_general3A_616, %mul3A_618 : vector<512x512xf32>
    %jit3A_620 = arith.constant -1.000000e+09 : f32
    %broadcast_in_dim3A_621 = vector.broadcast %jit3A_620 : f32 to vector<512x512xf32>
    %select_n3A_622 = arith.select %le3A, %mul3A_619, %broadcast_in_dim3A_621 : vector<512x512xi1>, vector<512x512xf32>
    %reduce_max3A_623 = arith.constant dense<0xFF800000> : vector<512xf32>
    %reduce_max3A_624 = vector.multi_reduction <maximumf>, %select_n3A_622, %reduce_max3A_623 [1] : vector<512x512xf32> to vector<512xf32>
    %broadcast_in_dim3A_625 = vector.shape_cast %reduce_max3A_624 : vector<512xf32> to vector<512x1xf32>
    %sub3A_626 = vector.broadcast %broadcast_in_dim3A_625 : vector<512x1xf32> to vector<512x512xf32>
    %sub3A_627 = arith.subf %select_n3A_622, %sub3A_626 : vector<512x512xf32>
    %exp3A_628 = math.exp %sub3A_627 : vector<512x512xf32>
    %reduce_sum3A_629 = arith.constant dense<0.000000e+00> : vector<512xf32>
    %reduce_sum3A_630 = vector.multi_reduction <add>, %exp3A_628, %reduce_sum3A_629 [1] : vector<512x512xf32> to vector<512xf32>
    %broadcast_in_dim3A_631 = vector.shape_cast %reduce_sum3A_630 : vector<512xf32> to vector<512x1xf32>
    %div3A_632 = vector.broadcast %broadcast_in_dim3A_631 : vector<512x1xf32> to vector<512x512xf32>
    %div3A_633 = arith.divf %exp3A_628, %div3A_632 : vector<512x512xf32>
    %dot_general3A_634 = arith.constant dense<0.000000e+00> : vector<512x64xf32>
    %dot_general3A_635 = tpu.matmul %div3A_633, %get3A_614, %dot_general3A_634 {dimension_numbers = #tpu.dot_dimension_numbers<[1], [0], [0], [1], [0, 0, 1, 1], [], []>, transpose_lhs_hint = false} : vector<512x512xf32>, vector<512x64xf32>, vector<512x64xf32> -> vector<512x64xf32>
    %swap3A_636 = arith.constant 512 : index
    %swap3A_637 = arith.constant 0 : index
    %swap3A_638 = vector.load %arg13[%swap3A_636, %swap3A_637] : memref<1024x1024xf32, #tpu.memory_space<vmem>>, vector<512x64xf32>
    tpu.vector_store %arg13[%swap3A_636, %swap3A_637], %dot_general3A_635 {strides = array<i32>} : memref<1024x1024xf32, #tpu.memory_space<vmem>>, vector<512x64xf32>,
    %get3A_639 = arith.constant 512 : index
    %get3A_640 = arith.constant 64 : index
    %get3A_641 = vector.load %arg10[%get3A_639, %get3A_640] : memref<1024x1024xf32, #tpu.memory_space<vmem>>, vector<512x64xf32>
    %get3A_642 = arith.constant 512 : index
    %get3A_643 = arith.constant 64 : index
    %get3A_644 = vector.load %arg11[%get3A_642, %get3A_643] : memref<1024x1024xf32, #tpu.memory_space<vmem>>, vector<512x64xf32>
    %get3A_645 = arith.constant 512 : index
    %get3A_646 = arith.constant 64 : index
    %get3A_647 = vector.load %arg12[%get3A_645, %get3A_646] : memref<1024x1024xf32, #tpu.memory_space<vmem>>, vector<512x64xf32>
    %dot_general3A_648 = arith.constant dense<0.000000e+00> : vector<512x512xf32>
    %dot_general3A_649 = tpu.matmul %get3A_641, %get3A_644, %dot_general3A_648 {dimension_numbers = #tpu.dot_dimension_numbers<[1], [1], [0], [0], [0, 0, 1, 0], [], []>, transpose_lhs_hint = false} : vector<512x64xf32>, vector<512x64xf32>, vector<512x512xf32> -> vector<512x512xf32>
    %mul3A_650 = arith.constant 1.250000e-01 : f32
    %mul3A_651 = vector.broadcast %mul3A_650 : f32 to vector<512x512xf32>
    %mul3A_652 = arith.mulf %dot_general3A_649, %mul3A_651 : vector<512x512xf32>
    %jit3A_653 = arith.constant -1.000000e+09 : f32
    %broadcast_in_dim3A_654 = vector.broadcast %jit3A_653 : f32 to vector<512x512xf32>
    %select_n3A_655 = arith.select %le3A, %mul3A_652, %broadcast_in_dim3A_654 : vector<512x512xi1>, vector<512x512xf32>
    %reduce_max3A_656 = arith.constant dense<0xFF800000> : vector<512xf32>
    %reduce_max3A_657 = vector.multi_reduction <maximumf>, %select_n3A_655, %reduce_max3A_656 [1] : vector<512x512xf32> to vector<512xf32>
    %broadcast_in_dim3A_658 = vector.shape_cast %reduce_max3A_657 : vector<512xf32> to vector<512x1xf32>
    %sub3A_659 = vector.broadcast %broadcast_in_dim3A_658 : vector<512x1xf32> to vector<512x512xf32>
    %sub3A_660 = arith.subf %select_n3A_655, %sub3A_659 : vector<512x512xf32>
    %exp3A_661 = math.exp %sub3A_660 : vector<512x512xf32>
    %reduce_sum3A_662 = arith.constant dense<0.000000e+00> : vector<512xf32>
    %reduce_sum3A_663 = vector.multi_reduction <add>, %exp3A_661, %reduce_sum3A_662 [1] : vector<512x512xf32> to vector<512xf32>
    %broadcast_in_dim3A_664 = vector.shape_cast %reduce_sum3A_663 : vector<512xf32> to vector<512x1xf32>
    %div3A_665 = vector.broadcast %broadcast_in_dim3A_664 : vector<512x1xf32> to vector<512x512xf32>
    %div3A_666 = arith.divf %exp3A_661, %div3A_665 : vector<512x512xf32>
    %dot_general3A_667 = arith.constant dense<0.000000e+00> : vector<512x64xf32>
    %dot_general3A_668 = tpu.matmul %div3A_666, %get3A_647, %dot_general3A_667 {dimension_numbers = #tpu.dot_dimension_numbers<[1], [0], [0], [1], [0, 0, 1, 1], [], []>, transpose_lhs_hint = false} : vector<512x512xf32>, vector<512x64xf32>, vector<512x64xf32> -> vector<512x64xf32>
    %swap3A_669 = arith.constant 512 : index
    %swap3A_670 = arith.constant 64 : index
    %swap3A_671 = vector.load %arg13[%swap3A_669, %swap3A_670] : memref<1024x1024xf32, #tpu.memory_space<vmem>>, vector<512x64xf32>
    tpu.vector_store %arg13[%swap3A_669, %swap3A_670], %dot_general3A_668 {strides = array<i32>} : memref<1024x1024xf32, #tpu.memory_space<vmem>>, vector<512x64xf32>,
    %get3A_672 = arith.constant 512 : index
    %get3A_673 = arith.constant 128 : index
    %get3A_674 = vector.load %arg10[%get3A_672, %get3A_673] : memref<1024x1024xf32, #tpu.memory_space<vmem>>, vector<512x64xf32>
    %get3A_675 = arith.constant 512 : index
    %get3A_676 = arith.constant 128 : index
    %get3A_677 = vector.load %arg11[%get3A_675, %get3A_676] : memref<1024x1024xf32, #tpu.memory_space<vmem>>, vector<512x64xf32>
    %get3A_678 = arith.constant 512 : index
    %get3A_679 = arith.constant 128 : index
    %get3A_680 = vector.load %arg12[%get3A_678, %get3A_679] : memref<1024x1024xf32, #tpu.memory_space<vmem>>, vector<512x64xf32>
    %dot_general3A_681 = arith.constant dense<0.000000e+00> : vector<512x512xf32>
    %dot_general3A_682 = tpu.matmul %get3A_674, %get3A_677, %dot_general3A_681 {dimension_numbers = #tpu.dot_dimension_numbers<[1], [1], [0], [0], [0, 0, 1, 0], [], []>, transpose_lhs_hint = false} : vector<512x64xf32>, vector<512x64xf32>, vector<512x512xf32> -> vector<512x512xf32>
    %mul3A_683 = arith.constant 1.250000e-01 : f32
    %mul3A_684 = vector.broadcast %mul3A_683 : f32 to vector<512x512xf32>
    %mul3A_685 = arith.mulf %dot_general3A_682, %mul3A_684 : vector<512x512xf32>
    %jit3A_686 = arith.constant -1.000000e+09 : f32
    %broadcast_in_dim3A_687 = vector.broadcast %jit3A_686 : f32 to vector<512x512xf32>
    %select_n3A_688 = arith.select %le3A, %mul3A_685, %broadcast_in_dim3A_687 : vector<512x512xi1>, vector<512x512xf32>
    %reduce_max3A_689 = arith.constant dense<0xFF800000> : vector<512xf32>
    %reduce_max3A_690 = vector.multi_reduction <maximumf>, %select_n3A_688, %reduce_max3A_689 [1] : vector<512x512xf32> to vector<512xf32>
    %broadcast_in_dim3A_691 = vector.shape_cast %reduce_max3A_690 : vector<512xf32> to vector<512x1xf32>
    %sub3A_692 = vector.broadcast %broadcast_in_dim3A_691 : vector<512x1xf32> to vector<512x512xf32>
    %sub3A_693 = arith.subf %select_n3A_688, %sub3A_692 : vector<512x512xf32>
    %exp3A_694 = math.exp %sub3A_693 : vector<512x512xf32>
    %reduce_sum3A_695 = arith.constant dense<0.000000e+00> : vector<512xf32>
    %reduce_sum3A_696 = vector.multi_reduction <add>, %exp3A_694, %reduce_sum3A_695 [1] : vector<512x512xf32> to vector<512xf32>
    %broadcast_in_dim3A_697 = vector.shape_cast %reduce_sum3A_696 : vector<512xf32> to vector<512x1xf32>
    %div3A_698 = vector.broadcast %broadcast_in_dim3A_697 : vector<512x1xf32> to vector<512x512xf32>
    %div3A_699 = arith.divf %exp3A_694, %div3A_698 : vector<512x512xf32>
    %dot_general3A_700 = arith.constant dense<0.000000e+00> : vector<512x64xf32>
    %dot_general3A_701 = tpu.matmul %div3A_699, %get3A_680, %dot_general3A_700 {dimension_numbers = #tpu.dot_dimension_numbers<[1], [0], [0], [1], [0, 0, 1, 1], [], []>, transpose_lhs_hint = false} : vector<512x512xf32>, vector<512x64xf32>, vector<512x64xf32> -> vector<512x64xf32>
    %swap3A_702 = arith.constant 512 : index
    %swap3A_703 = arith.constant 128 : index
    %swap3A_704 = vector.load %arg13[%swap3A_702, %swap3A_703] : memref<1024x1024xf32, #tpu.memory_space<vmem>>, vector<512x64xf32>
    tpu.vector_store %arg13[%swap3A_702, %swap3A_703], %dot_general3A_701 {strides = array<i32>} : memref<1024x1024xf32, #tpu.memory_space<vmem>>, vector<512x64xf32>,
    %get3A_705 = arith.constant 512 : index
    %get3A_706 = arith.constant 192 : index
    %get3A_707 = vector.load %arg10[%get3A_705, %get3A_706] : memref<1024x1024xf32, #tpu.memory_space<vmem>>, vector<512x64xf32>
    %get3A_708 = arith.constant 512 : index
    %get3A_709 = arith.constant 192 : index
    %get3A_710 = vector.load %arg11[%get3A_708, %get3A_709] : memref<1024x1024xf32, #tpu.memory_space<vmem>>, vector<512x64xf32>
    %get3A_711 = arith.constant 512 : index
    %get3A_712 = arith.constant 192 : index
    %get3A_713 = vector.load %arg12[%get3A_711, %get3A_712] : memref<1024x1024xf32, #tpu.memory_space<vmem>>, vector<512x64xf32>
    %dot_general3A_714 = arith.constant dense<0.000000e+00> : vector<512x512xf32>
    %dot_general3A_715 = tpu.matmul %get3A_707, %get3A_710, %dot_general3A_714 {dimension_numbers = #tpu.dot_dimension_numbers<[1], [1], [0], [0], [0, 0, 1, 0], [], []>, transpose_lhs_hint = false} : vector<512x64xf32>, vector<512x64xf32>, vector<512x512xf32> -> vector<512x512xf32>
    %mul3A_716 = arith.constant 1.250000e-01 : f32
    %mul3A_717 = vector.broadcast %mul3A_716 : f32 to vector<512x512xf32>
    %mul3A_718 = arith.mulf %dot_general3A_715, %mul3A_717 : vector<512x512xf32>
    %jit3A_719 = arith.constant -1.000000e+09 : f32
    %broadcast_in_dim3A_720 = vector.broadcast %jit3A_719 : f32 to vector<512x512xf32>
    %select_n3A_721 = arith.select %le3A, %mul3A_718, %broadcast_in_dim3A_720 : vector<512x512xi1>, vector<512x512xf32>
    %reduce_max3A_722 = arith.constant dense<0xFF800000> : vector<512xf32>
    %reduce_max3A_723 = vector.multi_reduction <maximumf>, %select_n3A_721, %reduce_max3A_722 [1] : vector<512x512xf32> to vector<512xf32>
    %broadcast_in_dim3A_724 = vector.shape_cast %reduce_max3A_723 : vector<512xf32> to vector<512x1xf32>
    %sub3A_725 = vector.broadcast %broadcast_in_dim3A_724 : vector<512x1xf32> to vector<512x512xf32>
    %sub3A_726 = arith.subf %select_n3A_721, %sub3A_725 : vector<512x512xf32>
    %exp3A_727 = math.exp %sub3A_726 : vector<512x512xf32>
    %reduce_sum3A_728 = arith.constant dense<0.000000e+00> : vector<512xf32>
    %reduce_sum3A_729 = vector.multi_reduction <add>, %exp3A_727, %reduce_sum3A_728 [1] : vector<512x512xf32> to vector<512xf32>
    %broadcast_in_dim3A_730 = vector.shape_cast %reduce_sum3A_729 : vector<512xf32> to vector<512x1xf32>
    %div3A_731 = vector.broadcast %broadcast_in_dim3A_730 : vector<512x1xf32> to vector<512x512xf32>
    %div3A_732 = arith.divf %exp3A_727, %div3A_731 : vector<512x512xf32>
    %dot_general3A_733 = arith.constant dense<0.000000e+00> : vector<512x64xf32>
    %dot_general3A_734 = tpu.matmul %div3A_732, %get3A_713, %dot_general3A_733 {dimension_numbers = #tpu.dot_dimension_numbers<[1], [0], [0], [1], [0, 0, 1, 1], [], []>, transpose_lhs_hint = false} : vector<512x512xf32>, vector<512x64xf32>, vector<512x64xf32> -> vector<512x64xf32>
    %swap3A_735 = arith.constant 512 : index
    %swap3A_736 = arith.constant 192 : index
    %swap3A_737 = vector.load %arg13[%swap3A_735, %swap3A_736] : memref<1024x1024xf32, #tpu.memory_space<vmem>>, vector<512x64xf32>
    tpu.vector_store %arg13[%swap3A_735, %swap3A_736], %dot_general3A_734 {strides = array<i32>} : memref<1024x1024xf32, #tpu.memory_space<vmem>>, vector<512x64xf32>,
    %get3A_738 = arith.constant 512 : index
    %get3A_739 = arith.constant 256 : index
    %get3A_740 = vector.load %arg10[%get3A_738, %get3A_739] : memref<1024x1024xf32, #tpu.memory_space<vmem>>, vector<512x64xf32>
    %get3A_741 = arith.constant 512 : index
    %get3A_742 = arith.constant 256 : index
    %get3A_743 = vector.load %arg11[%get3A_741, %get3A_742] : memref<1024x1024xf32, #tpu.memory_space<vmem>>, vector<512x64xf32>
    %get3A_744 = arith.constant 512 : index
    %get3A_745 = arith.constant 256 : index
    %get3A_746 = vector.load %arg12[%get3A_744, %get3A_745] : memref<1024x1024xf32, #tpu.memory_space<vmem>>, vector<512x64xf32>
    %dot_general3A_747 = arith.constant dense<0.000000e+00> : vector<512x512xf32>
    %dot_general3A_748 = tpu.matmul %get3A_740, %get3A_743, %dot_general3A_747 {dimension_numbers = #tpu.dot_dimension_numbers<[1], [1], [0], [0], [0, 0, 1, 0], [], []>, transpose_lhs_hint = false} : vector<512x64xf32>, vector<512x64xf32>, vector<512x512xf32> -> vector<512x512xf32>
    %mul3A_749 = arith.constant 1.250000e-01 : f32
    %mul3A_750 = vector.broadcast %mul3A_749 : f32 to vector<512x512xf32>
    %mul3A_751 = arith.mulf %dot_general3A_748, %mul3A_750 : vector<512x512xf32>
    %jit3A_752 = arith.constant -1.000000e+09 : f32
    %broadcast_in_dim3A_753 = vector.broadcast %jit3A_752 : f32 to vector<512x512xf32>
    %select_n3A_754 = arith.select %le3A, %mul3A_751, %broadcast_in_dim3A_753 : vector<512x512xi1>, vector<512x512xf32>
    %reduce_max3A_755 = arith.constant dense<0xFF800000> : vector<512xf32>
    %reduce_max3A_756 = vector.multi_reduction <maximumf>, %select_n3A_754, %reduce_max3A_755 [1] : vector<512x512xf32> to vector<512xf32>
    %broadcast_in_dim3A_757 = vector.shape_cast %reduce_max3A_756 : vector<512xf32> to vector<512x1xf32>
    %sub3A_758 = vector.broadcast %broadcast_in_dim3A_757 : vector<512x1xf32> to vector<512x512xf32>
    %sub3A_759 = arith.subf %select_n3A_754, %sub3A_758 : vector<512x512xf32>
    %exp3A_760 = math.exp %sub3A_759 : vector<512x512xf32>
    %reduce_sum3A_761 = arith.constant dense<0.000000e+00> : vector<512xf32>
    %reduce_sum3A_762 = vector.multi_reduction <add>, %exp3A_760, %reduce_sum3A_761 [1] : vector<512x512xf32> to vector<512xf32>
    %broadcast_in_dim3A_763 = vector.shape_cast %reduce_sum3A_762 : vector<512xf32> to vector<512x1xf32>
    %div3A_764 = vector.broadcast %broadcast_in_dim3A_763 : vector<512x1xf32> to vector<512x512xf32>
    %div3A_765 = arith.divf %exp3A_760, %div3A_764 : vector<512x512xf32>
    %dot_general3A_766 = arith.constant dense<0.000000e+00> : vector<512x64xf32>
    %dot_general3A_767 = tpu.matmul %div3A_765, %get3A_746, %dot_general3A_766 {dimension_numbers = #tpu.dot_dimension_numbers<[1], [0], [0], [1], [0, 0, 1, 1], [], []>, transpose_lhs_hint = false} : vector<512x512xf32>, vector<512x64xf32>, vector<512x64xf32> -> vector<512x64xf32>
    %swap3A_768 = arith.constant 512 : index
    %swap3A_769 = arith.constant 256 : index
    %swap3A_770 = vector.load %arg13[%swap3A_768, %swap3A_769] : memref<1024x1024xf32, #tpu.memory_space<vmem>>, vector<512x64xf32>
    tpu.vector_store %arg13[%swap3A_768, %swap3A_769], %dot_general3A_767 {strides = array<i32>} : memref<1024x1024xf32, #tpu.memory_space<vmem>>, vector<512x64xf32>,
    %get3A_771 = arith.constant 512 : index
    %get3A_772 = arith.constant 320 : index
    %get3A_773 = vector.load %arg10[%get3A_771, %get3A_772] : memref<1024x1024xf32, #tpu.memory_space<vmem>>, vector<512x64xf32>
    %get3A_774 = arith.constant 512 : index
    %get3A_775 = arith.constant 320 : index
    %get3A_776 = vector.load %arg11[%get3A_774, %get3A_775] : memref<1024x1024xf32, #tpu.memory_space<vmem>>, vector<512x64xf32>
    %get3A_777 = arith.constant 512 : index
    %get3A_778 = arith.constant 320 : index
    %get3A_779 = vector.load %arg12[%get3A_777, %get3A_778] : memref<1024x1024xf32, #tpu.memory_space<vmem>>, vector<512x64xf32>
    %dot_general3A_780 = arith.constant dense<0.000000e+00> : vector<512x512xf32>
    %dot_general3A_781 = tpu.matmul %get3A_773, %get3A_776, %dot_general3A_780 {dimension_numbers = #tpu.dot_dimension_numbers<[1], [1], [0], [0], [0, 0, 1, 0], [], []>, transpose_lhs_hint = false} : vector<512x64xf32>, vector<512x64xf32>, vector<512x512xf32> -> vector<512x512xf32>
    %mul3A_782 = arith.constant 1.250000e-01 : f32
    %mul3A_783 = vector.broadcast %mul3A_782 : f32 to vector<512x512xf32>
    %mul3A_784 = arith.mulf %dot_general3A_781, %mul3A_783 : vector<512x512xf32>
    %jit3A_785 = arith.constant -1.000000e+09 : f32
    %broadcast_in_dim3A_786 = vector.broadcast %jit3A_785 : f32 to vector<512x512xf32>
    %select_n3A_787 = arith.select %le3A, %mul3A_784, %broadcast_in_dim3A_786 : vector<512x512xi1>, vector<512x512xf32>
    %reduce_max3A_788 = arith.constant dense<0xFF800000> : vector<512xf32>
    %reduce_max3A_789 = vector.multi_reduction <maximumf>, %select_n3A_787, %reduce_max3A_788 [1] : vector<512x512xf32> to vector<512xf32>
    %broadcast_in_dim3A_790 = vector.shape_cast %reduce_max3A_789 : vector<512xf32> to vector<512x1xf32>
    %sub3A_791 = vector.broadcast %broadcast_in_dim3A_790 : vector<512x1xf32> to vector<512x512xf32>
    %sub3A_792 = arith.subf %select_n3A_787, %sub3A_791 : vector<512x512xf32>
    %exp3A_793 = math.exp %sub3A_792 : vector<512x512xf32>
    %reduce_sum3A_794 = arith.constant dense<0.000000e+00> : vector<512xf32>
    %reduce_sum3A_795 = vector.multi_reduction <add>, %exp3A_793, %reduce_sum3A_794 [1] : vector<512x512xf32> to vector<512xf32>
    %broadcast_in_dim3A_796 = vector.shape_cast %reduce_sum3A_795 : vector<512xf32> to vector<512x1xf32>
    %div3A_797 = vector.broadcast %broadcast_in_dim3A_796 : vector<512x1xf32> to vector<512x512xf32>
    %div3A_798 = arith.divf %exp3A_793, %div3A_797 : vector<512x512xf32>
    %dot_general3A_799 = arith.constant dense<0.000000e+00> : vector<512x64xf32>
    %dot_general3A_800 = tpu.matmul %div3A_798, %get3A_779, %dot_general3A_799 {dimension_numbers = #tpu.dot_dimension_numbers<[1], [0], [0], [1], [0, 0, 1, 1], [], []>, transpose_lhs_hint = false} : vector<512x512xf32>, vector<512x64xf32>, vector<512x64xf32> -> vector<512x64xf32>
    %swap3A_801 = arith.constant 512 : index
    %swap3A_802 = arith.constant 320 : index
    %swap3A_803 = vector.load %arg13[%swap3A_801, %swap3A_802] : memref<1024x1024xf32, #tpu.memory_space<vmem>>, vector<512x64xf32>
    tpu.vector_store %arg13[%swap3A_801, %swap3A_802], %dot_general3A_800 {strides = array<i32>} : memref<1024x1024xf32, #tpu.memory_space<vmem>>, vector<512x64xf32>,
    %get3A_804 = arith.constant 512 : index
    %get3A_805 = arith.constant 384 : index
    %get3A_806 = vector.load %arg10[%get3A_804, %get3A_805] : memref<1024x1024xf32, #tpu.memory_space<vmem>>, vector<512x64xf32>
    %get3A_807 = arith.constant 512 : index
    %get3A_808 = arith.constant 384 : index
    %get3A_809 = vector.load %arg11[%get3A_807, %get3A_808] : memref<1024x1024xf32, #tpu.memory_space<vmem>>, vector<512x64xf32>
    %get3A_810 = arith.constant 512 : index
    %get3A_811 = arith.constant 384 : index
    %get3A_812 = vector.load %arg12[%get3A_810, %get3A_811] : memref<1024x1024xf32, #tpu.memory_space<vmem>>, vector<512x64xf32>
    %dot_general3A_813 = arith.constant dense<0.000000e+00> : vector<512x512xf32>
    %dot_general3A_814 = tpu.matmul %get3A_806, %get3A_809, %dot_general3A_813 {dimension_numbers = #tpu.dot_dimension_numbers<[1], [1], [0], [0], [0, 0, 1, 0], [], []>, transpose_lhs_hint = false} : vector<512x64xf32>, vector<512x64xf32>, vector<512x512xf32> -> vector<512x512xf32>
    %mul3A_815 = arith.constant 1.250000e-01 : f32
    %mul3A_816 = vector.broadcast %mul3A_815 : f32 to vector<512x512xf32>
    %mul3A_817 = arith.mulf %dot_general3A_814, %mul3A_816 : vector<512x512xf32>
    %jit3A_818 = arith.constant -1.000000e+09 : f32
    %broadcast_in_dim3A_819 = vector.broadcast %jit3A_818 : f32 to vector<512x512xf32>
    %select_n3A_820 = arith.select %le3A, %mul3A_817, %broadcast_in_dim3A_819 : vector<512x512xi1>, vector<512x512xf32>
    %reduce_max3A_821 = arith.constant dense<0xFF800000> : vector<512xf32>
    %reduce_max3A_822 = vector.multi_reduction <maximumf>, %select_n3A_820, %reduce_max3A_821 [1] : vector<512x512xf32> to vector<512xf32>
    %broadcast_in_dim3A_823 = vector.shape_cast %reduce_max3A_822 : vector<512xf32> to vector<512x1xf32>
    %sub3A_824 = vector.broadcast %broadcast_in_dim3A_823 : vector<512x1xf32> to vector<512x512xf32>
    %sub3A_825 = arith.subf %select_n3A_820, %sub3A_824 : vector<512x512xf32>
    %exp3A_826 = math.exp %sub3A_825 : vector<512x512xf32>
    %reduce_sum3A_827 = arith.constant dense<0.000000e+00> : vector<512xf32>
    %reduce_sum3A_828 = vector.multi_reduction <add>, %exp3A_826, %reduce_sum3A_827 [1] : vector<512x512xf32> to vector<512xf32>
    %broadcast_in_dim3A_829 = vector.shape_cast %reduce_sum3A_828 : vector<512xf32> to vector<512x1xf32>
    %div3A_830 = vector.broadcast %broadcast_in_dim3A_829 : vector<512x1xf32> to vector<512x512xf32>
    %div3A_831 = arith.divf %exp3A_826, %div3A_830 : vector<512x512xf32>
    %dot_general3A_832 = arith.constant dense<0.000000e+00> : vector<512x64xf32>
    %dot_general3A_833 = tpu.matmul %div3A_831, %get3A_812, %dot_general3A_832 {dimension_numbers = #tpu.dot_dimension_numbers<[1], [0], [0], [1], [0, 0, 1, 1], [], []>, transpose_lhs_hint = false} : vector<512x512xf32>, vector<512x64xf32>, vector<512x64xf32> -> vector<512x64xf32>
    %swap3A_834 = arith.constant 512 : index
    %swap3A_835 = arith.constant 384 : index
    %swap3A_836 = vector.load %arg13[%swap3A_834, %swap3A_835] : memref<1024x1024xf32, #tpu.memory_space<vmem>>, vector<512x64xf32>
    tpu.vector_store %arg13[%swap3A_834, %swap3A_835], %dot_general3A_833 {strides = array<i32>} : memref<1024x1024xf32, #tpu.memory_space<vmem>>, vector<512x64xf32>,
    %get3A_837 = arith.constant 512 : index
    %get3A_838 = arith.constant 448 : index
    %get3A_839 = vector.load %arg10[%get3A_837, %get3A_838] : memref<1024x1024xf32, #tpu.memory_space<vmem>>, vector<512x64xf32>
    %get3A_840 = arith.constant 512 : index
    %get3A_841 = arith.constant 448 : index
    %get3A_842 = vector.load %arg11[%get3A_840, %get3A_841] : memref<1024x1024xf32, #tpu.memory_space<vmem>>, vector<512x64xf32>
    %get3A_843 = arith.constant 512 : index
    %get3A_844 = arith.constant 448 : index
    %get3A_845 = vector.load %arg12[%get3A_843, %get3A_844] : memref<1024x1024xf32, #tpu.memory_space<vmem>>, vector<512x64xf32>
    %dot_general3A_846 = arith.constant dense<0.000000e+00> : vector<512x512xf32>
    %dot_general3A_847 = tpu.matmul %get3A_839, %get3A_842, %dot_general3A_846 {dimension_numbers = #tpu.dot_dimension_numbers<[1], [1], [0], [0], [0, 0, 1, 0], [], []>, transpose_lhs_hint = false} : vector<512x64xf32>, vector<512x64xf32>, vector<512x512xf32> -> vector<512x512xf32>
    %mul3A_848 = arith.constant 1.250000e-01 : f32
    %mul3A_849 = vector.broadcast %mul3A_848 : f32 to vector<512x512xf32>
    %mul3A_850 = arith.mulf %dot_general3A_847, %mul3A_849 : vector<512x512xf32>
    %jit3A_851 = arith.constant -1.000000e+09 : f32
    %broadcast_in_dim3A_852 = vector.broadcast %jit3A_851 : f32 to vector<512x512xf32>
    %select_n3A_853 = arith.select %le3A, %mul3A_850, %broadcast_in_dim3A_852 : vector<512x512xi1>, vector<512x512xf32>
    %reduce_max3A_854 = arith.constant dense<0xFF800000> : vector<512xf32>
    %reduce_max3A_855 = vector.multi_reduction <maximumf>, %select_n3A_853, %reduce_max3A_854 [1] : vector<512x512xf32> to vector<512xf32>
    %broadcast_in_dim3A_856 = vector.shape_cast %reduce_max3A_855 : vector<512xf32> to vector<512x1xf32>
    %sub3A_857 = vector.broadcast %broadcast_in_dim3A_856 : vector<512x1xf32> to vector<512x512xf32>
    %sub3A_858 = arith.subf %select_n3A_853, %sub3A_857 : vector<512x512xf32>
    %exp3A_859 = math.exp %sub3A_858 : vector<512x512xf32>
    %reduce_sum3A_860 = arith.constant dense<0.000000e+00> : vector<512xf32>
    %reduce_sum3A_861 = vector.multi_reduction <add>, %exp3A_859, %reduce_sum3A_860 [1] : vector<512x512xf32> to vector<512xf32>
    %broadcast_in_dim3A_862 = vector.shape_cast %reduce_sum3A_861 : vector<512xf32> to vector<512x1xf32>
    %div3A_863 = vector.broadcast %broadcast_in_dim3A_862 : vector<512x1xf32> to vector<512x512xf32>
    %div3A_864 = arith.divf %exp3A_859, %div3A_863 : vector<512x512xf32>
    %dot_general3A_865 = arith.constant dense<0.000000e+00> : vector<512x64xf32>
    %dot_general3A_866 = tpu.matmul %div3A_864, %get3A_845, %dot_general3A_865 {dimension_numbers = #tpu.dot_dimension_numbers<[1], [0], [0], [1], [0, 0, 1, 1], [], []>, transpose_lhs_hint = false} : vector<512x512xf32>, vector<512x64xf32>, vector<512x64xf32> -> vector<512x64xf32>
    %swap3A_867 = arith.constant 512 : index
    %swap3A_868 = arith.constant 448 : index
    %swap3A_869 = vector.load %arg13[%swap3A_867, %swap3A_868] : memref<1024x1024xf32, #tpu.memory_space<vmem>>, vector<512x64xf32>
    tpu.vector_store %arg13[%swap3A_867, %swap3A_868], %dot_general3A_866 {strides = array<i32>} : memref<1024x1024xf32, #tpu.memory_space<vmem>>, vector<512x64xf32>,
    %get3A_870 = arith.constant 512 : index
    %get3A_871 = arith.constant 512 : index
    %get3A_872 = vector.load %arg10[%get3A_870, %get3A_871] : memref<1024x1024xf32, #tpu.memory_space<vmem>>, vector<512x64xf32>
    %get3A_873 = arith.constant 512 : index
    %get3A_874 = arith.constant 512 : index
    %get3A_875 = vector.load %arg11[%get3A_873, %get3A_874] : memref<1024x1024xf32, #tpu.memory_space<vmem>>, vector<512x64xf32>
    %get3A_876 = arith.constant 512 : index
    %get3A_877 = arith.constant 512 : index
    %get3A_878 = vector.load %arg12[%get3A_876, %get3A_877] : memref<1024x1024xf32, #tpu.memory_space<vmem>>, vector<512x64xf32>
    %dot_general3A_879 = arith.constant dense<0.000000e+00> : vector<512x512xf32>
    %dot_general3A_880 = tpu.matmul %get3A_872, %get3A_875, %dot_general3A_879 {dimension_numbers = #tpu.dot_dimension_numbers<[1], [1], [0], [0], [0, 0, 1, 0], [], []>, transpose_lhs_hint = false} : vector<512x64xf32>, vector<512x64xf32>, vector<512x512xf32> -> vector<512x512xf32>
    %mul3A_881 = arith.constant 1.250000e-01 : f32
    %mul3A_882 = vector.broadcast %mul3A_881 : f32 to vector<512x512xf32>
    %mul3A_883 = arith.mulf %dot_general3A_880, %mul3A_882 : vector<512x512xf32>
    %jit3A_884 = arith.constant -1.000000e+09 : f32
    %broadcast_in_dim3A_885 = vector.broadcast %jit3A_884 : f32 to vector<512x512xf32>
    %select_n3A_886 = arith.select %le3A, %mul3A_883, %broadcast_in_dim3A_885 : vector<512x512xi1>, vector<512x512xf32>
    %reduce_max3A_887 = arith.constant dense<0xFF800000> : vector<512xf32>
    %reduce_max3A_888 = vector.multi_reduction <maximumf>, %select_n3A_886, %reduce_max3A_887 [1] : vector<512x512xf32> to vector<512xf32>
    %broadcast_in_dim3A_889 = vector.shape_cast %reduce_max3A_888 : vector<512xf32> to vector<512x1xf32>
    %sub3A_890 = vector.broadcast %broadcast_in_dim3A_889 : vector<512x1xf32> to vector<512x512xf32>
    %sub3A_891 = arith.subf %select_n3A_886, %sub3A_890 : vector<512x512xf32>
    %exp3A_892 = math.exp %sub3A_891 : vector<512x512xf32>
    %reduce_sum3A_893 = arith.constant dense<0.000000e+00> : vector<512xf32>
    %reduce_sum3A_894 = vector.multi_reduction <add>, %exp3A_892, %reduce_sum3A_893 [1] : vector<512x512xf32> to vector<512xf32>
    %broadcast_in_dim3A_895 = vector.shape_cast %reduce_sum3A_894 : vector<512xf32> to vector<512x1xf32>
    %div3A_896 = vector.broadcast %broadcast_in_dim3A_895 : vector<512x1xf32> to vector<512x512xf32>
    %div3A_897 = arith.divf %exp3A_892, %div3A_896 : vector<512x512xf32>
    %dot_general3A_898 = arith.constant dense<0.000000e+00> : vector<512x64xf32>
    %dot_general3A_899 = tpu.matmul %div3A_897, %get3A_878, %dot_general3A_898 {dimension_numbers = #tpu.dot_dimension_numbers<[1], [0], [0], [1], [0, 0, 1, 1], [], []>, transpose_lhs_hint = false} : vector<512x512xf32>, vector<512x64xf32>, vector<512x64xf32> -> vector<512x64xf32>
    %swap3A_900 = arith.constant 512 : index
    %swap3A_901 = arith.constant 512 : index
    %swap3A_902 = vector.load %arg13[%swap3A_900, %swap3A_901] : memref<1024x1024xf32, #tpu.memory_space<vmem>>, vector<512x64xf32>
    tpu.vector_store %arg13[%swap3A_900, %swap3A_901], %dot_general3A_899 {strides = array<i32>} : memref<1024x1024xf32, #tpu.memory_space<vmem>>, vector<512x64xf32>,
    %get3A_903 = arith.constant 512 : index
    %get3A_904 = arith.constant 576 : index
    %get3A_905 = vector.load %arg10[%get3A_903, %get3A_904] : memref<1024x1024xf32, #tpu.memory_space<vmem>>, vector<512x64xf32>
    %get3A_906 = arith.constant 512 : index
    %get3A_907 = arith.constant 576 : index
    %get3A_908 = vector.load %arg11[%get3A_906, %get3A_907] : memref<1024x1024xf32, #tpu.memory_space<vmem>>, vector<512x64xf32>
    %get3A_909 = arith.constant 512 : index
    %get3A_910 = arith.constant 576 : index
    %get3A_911 = vector.load %arg12[%get3A_909, %get3A_910] : memref<1024x1024xf32, #tpu.memory_space<vmem>>, vector<512x64xf32>
    %dot_general3A_912 = arith.constant dense<0.000000e+00> : vector<512x512xf32>
    %dot_general3A_913 = tpu.matmul %get3A_905, %get3A_908, %dot_general3A_912 {dimension_numbers = #tpu.dot_dimension_numbers<[1], [1], [0], [0], [0, 0, 1, 0], [], []>, transpose_lhs_hint = false} : vector<512x64xf32>, vector<512x64xf32>, vector<512x512xf32> -> vector<512x512xf32>
    %mul3A_914 = arith.constant 1.250000e-01 : f32
    %mul3A_915 = vector.broadcast %mul3A_914 : f32 to vector<512x512xf32>
    %mul3A_916 = arith.mulf %dot_general3A_913, %mul3A_915 : vector<512x512xf32>
    %jit3A_917 = arith.constant -1.000000e+09 : f32
    %broadcast_in_dim3A_918 = vector.broadcast %jit3A_917 : f32 to vector<512x512xf32>
    %select_n3A_919 = arith.select %le3A, %mul3A_916, %broadcast_in_dim3A_918 : vector<512x512xi1>, vector<512x512xf32>
    %reduce_max3A_920 = arith.constant dense<0xFF800000> : vector<512xf32>
    %reduce_max3A_921 = vector.multi_reduction <maximumf>, %select_n3A_919, %reduce_max3A_920 [1] : vector<512x512xf32> to vector<512xf32>
    %broadcast_in_dim3A_922 = vector.shape_cast %reduce_max3A_921 : vector<512xf32> to vector<512x1xf32>
    %sub3A_923 = vector.broadcast %broadcast_in_dim3A_922 : vector<512x1xf32> to vector<512x512xf32>
    %sub3A_924 = arith.subf %select_n3A_919, %sub3A_923 : vector<512x512xf32>
    %exp3A_925 = math.exp %sub3A_924 : vector<512x512xf32>
    %reduce_sum3A_926 = arith.constant dense<0.000000e+00> : vector<512xf32>
    %reduce_sum3A_927 = vector.multi_reduction <add>, %exp3A_925, %reduce_sum3A_926 [1] : vector<512x512xf32> to vector<512xf32>
    %broadcast_in_dim3A_928 = vector.shape_cast %reduce_sum3A_927 : vector<512xf32> to vector<512x1xf32>
    %div3A_929 = vector.broadcast %broadcast_in_dim3A_928 : vector<512x1xf32> to vector<512x512xf32>
    %div3A_930 = arith.divf %exp3A_925, %div3A_929 : vector<512x512xf32>
    %dot_general3A_931 = arith.constant dense<0.000000e+00> : vector<512x64xf32>
    %dot_general3A_932 = tpu.matmul %div3A_930, %get3A_911, %dot_general3A_931 {dimension_numbers = #tpu.dot_dimension_numbers<[1], [0], [0], [1], [0, 0, 1, 1], [], []>, transpose_lhs_hint = false} : vector<512x512xf32>, vector<512x64xf32>, vector<512x64xf32> -> vector<512x64xf32>
    %swap3A_933 = arith.constant 512 : index
    %swap3A_934 = arith.constant 576 : index
    %swap3A_935 = vector.load %arg13[%swap3A_933, %swap3A_934] : memref<1024x1024xf32, #tpu.memory_space<vmem>>, vector<512x64xf32>
    tpu.vector_store %arg13[%swap3A_933, %swap3A_934], %dot_general3A_932 {strides = array<i32>} : memref<1024x1024xf32, #tpu.memory_space<vmem>>, vector<512x64xf32>,
    %get3A_936 = arith.constant 512 : index
    %get3A_937 = arith.constant 640 : index
    %get3A_938 = vector.load %arg10[%get3A_936, %get3A_937] : memref<1024x1024xf32, #tpu.memory_space<vmem>>, vector<512x64xf32>
    %get3A_939 = arith.constant 512 : index
    %get3A_940 = arith.constant 640 : index
    %get3A_941 = vector.load %arg11[%get3A_939, %get3A_940] : memref<1024x1024xf32, #tpu.memory_space<vmem>>, vector<512x64xf32>
    %get3A_942 = arith.constant 512 : index
    %get3A_943 = arith.constant 640 : index
    %get3A_944 = vector.load %arg12[%get3A_942, %get3A_943] : memref<1024x1024xf32, #tpu.memory_space<vmem>>, vector<512x64xf32>
    %dot_general3A_945 = arith.constant dense<0.000000e+00> : vector<512x512xf32>
    %dot_general3A_946 = tpu.matmul %get3A_938, %get3A_941, %dot_general3A_945 {dimension_numbers = #tpu.dot_dimension_numbers<[1], [1], [0], [0], [0, 0, 1, 0], [], []>, transpose_lhs_hint = false} : vector<512x64xf32>, vector<512x64xf32>, vector<512x512xf32> -> vector<512x512xf32>
    %mul3A_947 = arith.constant 1.250000e-01 : f32
    %mul3A_948 = vector.broadcast %mul3A_947 : f32 to vector<512x512xf32>
    %mul3A_949 = arith.mulf %dot_general3A_946, %mul3A_948 : vector<512x512xf32>
    %jit3A_950 = arith.constant -1.000000e+09 : f32
    %broadcast_in_dim3A_951 = vector.broadcast %jit3A_950 : f32 to vector<512x512xf32>
    %select_n3A_952 = arith.select %le3A, %mul3A_949, %broadcast_in_dim3A_951 : vector<512x512xi1>, vector<512x512xf32>
    %reduce_max3A_953 = arith.constant dense<0xFF800000> : vector<512xf32>
    %reduce_max3A_954 = vector.multi_reduction <maximumf>, %select_n3A_952, %reduce_max3A_953 [1] : vector<512x512xf32> to vector<512xf32>
    %broadcast_in_dim3A_955 = vector.shape_cast %reduce_max3A_954 : vector<512xf32> to vector<512x1xf32>
    %sub3A_956 = vector.broadcast %broadcast_in_dim3A_955 : vector<512x1xf32> to vector<512x512xf32>
    %sub3A_957 = arith.subf %select_n3A_952, %sub3A_956 : vector<512x512xf32>
    %exp3A_958 = math.exp %sub3A_957 : vector<512x512xf32>
    %reduce_sum3A_959 = arith.constant dense<0.000000e+00> : vector<512xf32>
    %reduce_sum3A_960 = vector.multi_reduction <add>, %exp3A_958, %reduce_sum3A_959 [1] : vector<512x512xf32> to vector<512xf32>
    %broadcast_in_dim3A_961 = vector.shape_cast %reduce_sum3A_960 : vector<512xf32> to vector<512x1xf32>
    %div3A_962 = vector.broadcast %broadcast_in_dim3A_961 : vector<512x1xf32> to vector<512x512xf32>
    %div3A_963 = arith.divf %exp3A_958, %div3A_962 : vector<512x512xf32>
    %dot_general3A_964 = arith.constant dense<0.000000e+00> : vector<512x64xf32>
    %dot_general3A_965 = tpu.matmul %div3A_963, %get3A_944, %dot_general3A_964 {dimension_numbers = #tpu.dot_dimension_numbers<[1], [0], [0], [1], [0, 0, 1, 1], [], []>, transpose_lhs_hint = false} : vector<512x512xf32>, vector<512x64xf32>, vector<512x64xf32> -> vector<512x64xf32>
    %swap3A_966 = arith.constant 512 : index
    %swap3A_967 = arith.constant 640 : index
    %swap3A_968 = vector.load %arg13[%swap3A_966, %swap3A_967] : memref<1024x1024xf32, #tpu.memory_space<vmem>>, vector<512x64xf32>
    tpu.vector_store %arg13[%swap3A_966, %swap3A_967], %dot_general3A_965 {strides = array<i32>} : memref<1024x1024xf32, #tpu.memory_space<vmem>>, vector<512x64xf32>,
    %get3A_969 = arith.constant 512 : index
    %get3A_970 = arith.constant 704 : index
    %get3A_971 = vector.load %arg10[%get3A_969, %get3A_970] : memref<1024x1024xf32, #tpu.memory_space<vmem>>, vector<512x64xf32>
    %get3A_972 = arith.constant 512 : index
    %get3A_973 = arith.constant 704 : index
    %get3A_974 = vector.load %arg11[%get3A_972, %get3A_973] : memref<1024x1024xf32, #tpu.memory_space<vmem>>, vector<512x64xf32>
    %get3A_975 = arith.constant 512 : index
    %get3A_976 = arith.constant 704 : index
    %get3A_977 = vector.load %arg12[%get3A_975, %get3A_976] : memref<1024x1024xf32, #tpu.memory_space<vmem>>, vector<512x64xf32>
    %dot_general3A_978 = arith.constant dense<0.000000e+00> : vector<512x512xf32>
    %dot_general3A_979 = tpu.matmul %get3A_971, %get3A_974, %dot_general3A_978 {dimension_numbers = #tpu.dot_dimension_numbers<[1], [1], [0], [0], [0, 0, 1, 0], [], []>, transpose_lhs_hint = false} : vector<512x64xf32>, vector<512x64xf32>, vector<512x512xf32> -> vector<512x512xf32>
    %mul3A_980 = arith.constant 1.250000e-01 : f32
    %mul3A_981 = vector.broadcast %mul3A_980 : f32 to vector<512x512xf32>
    %mul3A_982 = arith.mulf %dot_general3A_979, %mul3A_981 : vector<512x512xf32>
    %jit3A_983 = arith.constant -1.000000e+09 : f32
    %broadcast_in_dim3A_984 = vector.broadcast %jit3A_983 : f32 to vector<512x512xf32>
    %select_n3A_985 = arith.select %le3A, %mul3A_982, %broadcast_in_dim3A_984 : vector<512x512xi1>, vector<512x512xf32>
    %reduce_max3A_986 = arith.constant dense<0xFF800000> : vector<512xf32>
    %reduce_max3A_987 = vector.multi_reduction <maximumf>, %select_n3A_985, %reduce_max3A_986 [1] : vector<512x512xf32> to vector<512xf32>
    %broadcast_in_dim3A_988 = vector.shape_cast %reduce_max3A_987 : vector<512xf32> to vector<512x1xf32>
    %sub3A_989 = vector.broadcast %broadcast_in_dim3A_988 : vector<512x1xf32> to vector<512x512xf32>
    %sub3A_990 = arith.subf %select_n3A_985, %sub3A_989 : vector<512x512xf32>
    %exp3A_991 = math.exp %sub3A_990 : vector<512x512xf32>
    %reduce_sum3A_992 = arith.constant dense<0.000000e+00> : vector<512xf32>
    %reduce_sum3A_993 = vector.multi_reduction <add>, %exp3A_991, %reduce_sum3A_992 [1] : vector<512x512xf32> to vector<512xf32>
    %broadcast_in_dim3A_994 = vector.shape_cast %reduce_sum3A_993 : vector<512xf32> to vector<512x1xf32>
    %div3A_995 = vector.broadcast %broadcast_in_dim3A_994 : vector<512x1xf32> to vector<512x512xf32>
    %div3A_996 = arith.divf %exp3A_991, %div3A_995 : vector<512x512xf32>
    %dot_general3A_997 = arith.constant dense<0.000000e+00> : vector<512x64xf32>
    %dot_general3A_998 = tpu.matmul %div3A_996, %get3A_977, %dot_general3A_997 {dimension_numbers = #tpu.dot_dimension_numbers<[1], [0], [0], [1], [0, 0, 1, 1], [], []>, transpose_lhs_hint = false} : vector<512x512xf32>, vector<512x64xf32>, vector<512x64xf32> -> vector<512x64xf32>
    %swap3A_999 = arith.constant 512 : index
    %swap3A_1000 = arith.constant 704 : index
    %swap3A_1001 = vector.load %arg13[%swap3A_999, %swap3A_1000] : memref<1024x1024xf32, #tpu.memory_space<vmem>>, vector<512x64xf32>
    tpu.vector_store %arg13[%swap3A_999, %swap3A_1000], %dot_general3A_998 {strides = array<i32>} : memref<1024x1024xf32, #tpu.memory_space<vmem>>, vector<512x64xf32>,
    %get3A_1002 = arith.constant 512 : index
    %get3A_1003 = arith.constant 768 : index
    %get3A_1004 = vector.load %arg10[%get3A_1002, %get3A_1003] : memref<1024x1024xf32, #tpu.memory_space<vmem>>, vector<512x64xf32>
    %get3A_1005 = arith.constant 512 : index
    %get3A_1006 = arith.constant 768 : index
    %get3A_1007 = vector.load %arg11[%get3A_1005, %get3A_1006] : memref<1024x1024xf32, #tpu.memory_space<vmem>>, vector<512x64xf32>
    %get3A_1008 = arith.constant 512 : index
    %get3A_1009 = arith.constant 768 : index
    %get3A_1010 = vector.load %arg12[%get3A_1008, %get3A_1009] : memref<1024x1024xf32, #tpu.memory_space<vmem>>, vector<512x64xf32>
    %dot_general3A_1011 = arith.constant dense<0.000000e+00> : vector<512x512xf32>
    %dot_general3A_1012 = tpu.matmul %get3A_1004, %get3A_1007, %dot_general3A_1011 {dimension_numbers = #tpu.dot_dimension_numbers<[1], [1], [0], [0], [0, 0, 1, 0], [], []>, transpose_lhs_hint = false} : vector<512x64xf32>, vector<512x64xf32>, vector<512x512xf32> -> vector<512x512xf32>
    %mul3A_1013 = arith.constant 1.250000e-01 : f32
    %mul3A_1014 = vector.broadcast %mul3A_1013 : f32 to vector<512x512xf32>
    %mul3A_1015 = arith.mulf %dot_general3A_1012, %mul3A_1014 : vector<512x512xf32>
    %jit3A_1016 = arith.constant -1.000000e+09 : f32
    %broadcast_in_dim3A_1017 = vector.broadcast %jit3A_1016 : f32 to vector<512x512xf32>
    %select_n3A_1018 = arith.select %le3A, %mul3A_1015, %broadcast_in_dim3A_1017 : vector<512x512xi1>, vector<512x512xf32>
    %reduce_max3A_1019 = arith.constant dense<0xFF800000> : vector<512xf32>
    %reduce_max3A_1020 = vector.multi_reduction <maximumf>, %select_n3A_1018, %reduce_max3A_1019 [1] : vector<512x512xf32> to vector<512xf32>
    %broadcast_in_dim3A_1021 = vector.shape_cast %reduce_max3A_1020 : vector<512xf32> to vector<512x1xf32>
    %sub3A_1022 = vector.broadcast %broadcast_in_dim3A_1021 : vector<512x1xf32> to vector<512x512xf32>
    %sub3A_1023 = arith.subf %select_n3A_1018, %sub3A_1022 : vector<512x512xf32>
    %exp3A_1024 = math.exp %sub3A_1023 : vector<512x512xf32>
    %reduce_sum3A_1025 = arith.constant dense<0.000000e+00> : vector<512xf32>
    %reduce_sum3A_1026 = vector.multi_reduction <add>, %exp3A_1024, %reduce_sum3A_1025 [1] : vector<512x512xf32> to vector<512xf32>
    %broadcast_in_dim3A_1027 = vector.shape_cast %reduce_sum3A_1026 : vector<512xf32> to vector<512x1xf32>
    %div3A_1028 = vector.broadcast %broadcast_in_dim3A_1027 : vector<512x1xf32> to vector<512x512xf32>
    %div3A_1029 = arith.divf %exp3A_1024, %div3A_1028 : vector<512x512xf32>
    %dot_general3A_1030 = arith.constant dense<0.000000e+00> : vector<512x64xf32>
    %dot_general3A_1031 = tpu.matmul %div3A_1029, %get3A_1010, %dot_general3A_1030 {dimension_numbers = #tpu.dot_dimension_numbers<[1], [0], [0], [1], [0, 0, 1, 1], [], []>, transpose_lhs_hint = false} : vector<512x512xf32>, vector<512x64xf32>, vector<512x64xf32> -> vector<512x64xf32>
    %swap3A_1032 = arith.constant 512 : index
    %swap3A_1033 = arith.constant 768 : index
    %swap3A_1034 = vector.load %arg13[%swap3A_1032, %swap3A_1033] : memref<1024x1024xf32, #tpu.memory_space<vmem>>, vector<512x64xf32>
    tpu.vector_store %arg13[%swap3A_1032, %swap3A_1033], %dot_general3A_1031 {strides = array<i32>} : memref<1024x1024xf32, #tpu.memory_space<vmem>>, vector<512x64xf32>,
    %get3A_1035 = arith.constant 512 : index
    %get3A_1036 = arith.constant 832 : index
    %get3A_1037 = vector.load %arg10[%get3A_1035, %get3A_1036] : memref<1024x1024xf32, #tpu.memory_space<vmem>>, vector<512x64xf32>
    %get3A_1038 = arith.constant 512 : index
    %get3A_1039 = arith.constant 832 : index
    %get3A_1040 = vector.load %arg11[%get3A_1038, %get3A_1039] : memref<1024x1024xf32, #tpu.memory_space<vmem>>, vector<512x64xf32>
    %get3A_1041 = arith.constant 512 : index
    %get3A_1042 = arith.constant 832 : index
    %get3A_1043 = vector.load %arg12[%get3A_1041, %get3A_1042] : memref<1024x1024xf32, #tpu.memory_space<vmem>>, vector<512x64xf32>
    %dot_general3A_1044 = arith.constant dense<0.000000e+00> : vector<512x512xf32>
    %dot_general3A_1045 = tpu.matmul %get3A_1037, %get3A_1040, %dot_general3A_1044 {dimension_numbers = #tpu.dot_dimension_numbers<[1], [1], [0], [0], [0, 0, 1, 0], [], []>, transpose_lhs_hint = false} : vector<512x64xf32>, vector<512x64xf32>, vector<512x512xf32> -> vector<512x512xf32>
    %mul3A_1046 = arith.constant 1.250000e-01 : f32
    %mul3A_1047 = vector.broadcast %mul3A_1046 : f32 to vector<512x512xf32>
    %mul3A_1048 = arith.mulf %dot_general3A_1045, %mul3A_1047 : vector<512x512xf32>
    %jit3A_1049 = arith.constant -1.000000e+09 : f32
    %broadcast_in_dim3A_1050 = vector.broadcast %jit3A_1049 : f32 to vector<512x512xf32>
    %select_n3A_1051 = arith.select %le3A, %mul3A_1048, %broadcast_in_dim3A_1050 : vector<512x512xi1>, vector<512x512xf32>
    %reduce_max3A_1052 = arith.constant dense<0xFF800000> : vector<512xf32>
    %reduce_max3A_1053 = vector.multi_reduction <maximumf>, %select_n3A_1051, %reduce_max3A_1052 [1] : vector<512x512xf32> to vector<512xf32>
    %broadcast_in_dim3A_1054 = vector.shape_cast %reduce_max3A_1053 : vector<512xf32> to vector<512x1xf32>
    %sub3A_1055 = vector.broadcast %broadcast_in_dim3A_1054 : vector<512x1xf32> to vector<512x512xf32>
    %sub3A_1056 = arith.subf %select_n3A_1051, %sub3A_1055 : vector<512x512xf32>
    %exp3A_1057 = math.exp %sub3A_1056 : vector<512x512xf32>
    %reduce_sum3A_1058 = arith.constant dense<0.000000e+00> : vector<512xf32>
    %reduce_sum3A_1059 = vector.multi_reduction <add>, %exp3A_1057, %reduce_sum3A_1058 [1] : vector<512x512xf32> to vector<512xf32>
    %broadcast_in_dim3A_1060 = vector.shape_cast %reduce_sum3A_1059 : vector<512xf32> to vector<512x1xf32>
    %div3A_1061 = vector.broadcast %broadcast_in_dim3A_1060 : vector<512x1xf32> to vector<512x512xf32>
    %div3A_1062 = arith.divf %exp3A_1057, %div3A_1061 : vector<512x512xf32>
    %dot_general3A_1063 = arith.constant dense<0.000000e+00> : vector<512x64xf32>
    %dot_general3A_1064 = tpu.matmul %div3A_1062, %get3A_1043, %dot_general3A_1063 {dimension_numbers = #tpu.dot_dimension_numbers<[1], [0], [0], [1], [0, 0, 1, 1], [], []>, transpose_lhs_hint = false} : vector<512x512xf32>, vector<512x64xf32>, vector<512x64xf32> -> vector<512x64xf32>
    %swap3A_1065 = arith.constant 512 : index
    %swap3A_1066 = arith.constant 832 : index
    %swap3A_1067 = vector.load %arg13[%swap3A_1065, %swap3A_1066] : memref<1024x1024xf32, #tpu.memory_space<vmem>>, vector<512x64xf32>
    tpu.vector_store %arg13[%swap3A_1065, %swap3A_1066], %dot_general3A_1064 {strides = array<i32>} : memref<1024x1024xf32, #tpu.memory_space<vmem>>, vector<512x64xf32>,
    %get3A_1068 = arith.constant 512 : index
    %get3A_1069 = arith.constant 896 : index
    %get3A_1070 = vector.load %arg10[%get3A_1068, %get3A_1069] : memref<1024x1024xf32, #tpu.memory_space<vmem>>, vector<512x64xf32>
    %get3A_1071 = arith.constant 512 : index
    %get3A_1072 = arith.constant 896 : index
    %get3A_1073 = vector.load %arg11[%get3A_1071, %get3A_1072] : memref<1024x1024xf32, #tpu.memory_space<vmem>>, vector<512x64xf32>
    %get3A_1074 = arith.constant 512 : index
    %get3A_1075 = arith.constant 896 : index
    %get3A_1076 = vector.load %arg12[%get3A_1074, %get3A_1075] : memref<1024x1024xf32, #tpu.memory_space<vmem>>, vector<512x64xf32>
    %dot_general3A_1077 = arith.constant dense<0.000000e+00> : vector<512x512xf32>
    %dot_general3A_1078 = tpu.matmul %get3A_1070, %get3A_1073, %dot_general3A_1077 {dimension_numbers = #tpu.dot_dimension_numbers<[1], [1], [0], [0], [0, 0, 1, 0], [], []>, transpose_lhs_hint = false} : vector<512x64xf32>, vector<512x64xf32>, vector<512x512xf32> -> vector<512x512xf32>
    %mul3A_1079 = arith.constant 1.250000e-01 : f32
    %mul3A_1080 = vector.broadcast %mul3A_1079 : f32 to vector<512x512xf32>
    %mul3A_1081 = arith.mulf %dot_general3A_1078, %mul3A_1080 : vector<512x512xf32>
    %jit3A_1082 = arith.constant -1.000000e+09 : f32
    %broadcast_in_dim3A_1083 = vector.broadcast %jit3A_1082 : f32 to vector<512x512xf32>
    %select_n3A_1084 = arith.select %le3A, %mul3A_1081, %broadcast_in_dim3A_1083 : vector<512x512xi1>, vector<512x512xf32>
    %reduce_max3A_1085 = arith.constant dense<0xFF800000> : vector<512xf32>
    %reduce_max3A_1086 = vector.multi_reduction <maximumf>, %select_n3A_1084, %reduce_max3A_1085 [1] : vector<512x512xf32> to vector<512xf32>
    %broadcast_in_dim3A_1087 = vector.shape_cast %reduce_max3A_1086 : vector<512xf32> to vector<512x1xf32>
    %sub3A_1088 = vector.broadcast %broadcast_in_dim3A_1087 : vector<512x1xf32> to vector<512x512xf32>
    %sub3A_1089 = arith.subf %select_n3A_1084, %sub3A_1088 : vector<512x512xf32>
    %exp3A_1090 = math.exp %sub3A_1089 : vector<512x512xf32>
    %reduce_sum3A_1091 = arith.constant dense<0.000000e+00> : vector<512xf32>
    %reduce_sum3A_1092 = vector.multi_reduction <add>, %exp3A_1090, %reduce_sum3A_1091 [1] : vector<512x512xf32> to vector<512xf32>
    %broadcast_in_dim3A_1093 = vector.shape_cast %reduce_sum3A_1092 : vector<512xf32> to vector<512x1xf32>
    %div3A_1094 = vector.broadcast %broadcast_in_dim3A_1093 : vector<512x1xf32> to vector<512x512xf32>
    %div3A_1095 = arith.divf %exp3A_1090, %div3A_1094 : vector<512x512xf32>
    %dot_general3A_1096 = arith.constant dense<0.000000e+00> : vector<512x64xf32>
    %dot_general3A_1097 = tpu.matmul %div3A_1095, %get3A_1076, %dot_general3A_1096 {dimension_numbers = #tpu.dot_dimension_numbers<[1], [0], [0], [1], [0, 0, 1, 1], [], []>, transpose_lhs_hint = false} : vector<512x512xf32>, vector<512x64xf32>, vector<512x64xf32> -> vector<512x64xf32>
    %swap3A_1098 = arith.constant 512 : index
    %swap3A_1099 = arith.constant 896 : index
    %swap3A_1100 = vector.load %arg13[%swap3A_1098, %swap3A_1099] : memref<1024x1024xf32, #tpu.memory_space<vmem>>, vector<512x64xf32>
    tpu.vector_store %arg13[%swap3A_1098, %swap3A_1099], %dot_general3A_1097 {strides = array<i32>} : memref<1024x1024xf32, #tpu.memory_space<vmem>>, vector<512x64xf32>,
    %get3A_1101 = arith.constant 512 : index
    %get3A_1102 = arith.constant 960 : index
    %get3A_1103 = vector.load %arg10[%get3A_1101, %get3A_1102] : memref<1024x1024xf32, #tpu.memory_space<vmem>>, vector<512x64xf32>
    %get3A_1104 = arith.constant 512 : index
    %get3A_1105 = arith.constant 960 : index
    %get3A_1106 = vector.load %arg11[%get3A_1104, %get3A_1105] : memref<1024x1024xf32, #tpu.memory_space<vmem>>, vector<512x64xf32>
    %get3A_1107 = arith.constant 512 : index
    %get3A_1108 = arith.constant 960 : index
    %get3A_1109 = vector.load %arg12[%get3A_1107, %get3A_1108] : memref<1024x1024xf32, #tpu.memory_space<vmem>>, vector<512x64xf32>
    %dot_general3A_1110 = arith.constant dense<0.000000e+00> : vector<512x512xf32>
    %dot_general3A_1111 = tpu.matmul %get3A_1103, %get3A_1106, %dot_general3A_1110 {dimension_numbers = #tpu.dot_dimension_numbers<[1], [1], [0], [0], [0, 0, 1, 0], [], []>, transpose_lhs_hint = false} : vector<512x64xf32>, vector<512x64xf32>, vector<512x512xf32> -> vector<512x512xf32>
    %mul3A_1112 = arith.constant 1.250000e-01 : f32
    %mul3A_1113 = vector.broadcast %mul3A_1112 : f32 to vector<512x512xf32>
    %mul3A_1114 = arith.mulf %dot_general3A_1111, %mul3A_1113 : vector<512x512xf32>
    %jit3A_1115 = arith.constant -1.000000e+09 : f32
    %broadcast_in_dim3A_1116 = vector.broadcast %jit3A_1115 : f32 to vector<512x512xf32>
    %select_n3A_1117 = arith.select %le3A, %mul3A_1114, %broadcast_in_dim3A_1116 : vector<512x512xi1>, vector<512x512xf32>
    %reduce_max3A_1118 = arith.constant dense<0xFF800000> : vector<512xf32>
    %reduce_max3A_1119 = vector.multi_reduction <maximumf>, %select_n3A_1117, %reduce_max3A_1118 [1] : vector<512x512xf32> to vector<512xf32>
    %broadcast_in_dim3A_1120 = vector.shape_cast %reduce_max3A_1119 : vector<512xf32> to vector<512x1xf32>
    %sub3A_1121 = vector.broadcast %broadcast_in_dim3A_1120 : vector<512x1xf32> to vector<512x512xf32>
    %sub3A_1122 = arith.subf %select_n3A_1117, %sub3A_1121 : vector<512x512xf32>
    %exp3A_1123 = math.exp %sub3A_1122 : vector<512x512xf32>
    %reduce_sum3A_1124 = arith.constant dense<0.000000e+00> : vector<512xf32>
    %reduce_sum3A_1125 = vector.multi_reduction <add>, %exp3A_1123, %reduce_sum3A_1124 [1] : vector<512x512xf32> to vector<512xf32>
    %broadcast_in_dim3A_1126 = vector.shape_cast %reduce_sum3A_1125 : vector<512xf32> to vector<512x1xf32>
    %div3A_1127 = vector.broadcast %broadcast_in_dim3A_1126 : vector<512x1xf32> to vector<512x512xf32>
    %div3A_1128 = arith.divf %exp3A_1123, %div3A_1127 : vector<512x512xf32>
    %dot_general3A_1129 = arith.constant dense<0.000000e+00> : vector<512x64xf32>
    %dot_general3A_1130 = tpu.matmul %div3A_1128, %get3A_1109, %dot_general3A_1129 {dimension_numbers = #tpu.dot_dimension_numbers<[1], [0], [0], [1], [0, 0, 1, 1], [], []>, transpose_lhs_hint = false} : vector<512x512xf32>, vector<512x64xf32>, vector<512x64xf32> -> vector<512x64xf32>
    %swap3A_1131 = arith.constant 512 : index
    %swap3A_1132 = arith.constant 960 : index
    %swap3A_1133 = vector.load %arg13[%swap3A_1131, %swap3A_1132] : memref<1024x1024xf32, #tpu.memory_space<vmem>>, vector<512x64xf32>
    tpu.vector_store %arg13[%swap3A_1131, %swap3A_1132], %dot_general3A_1130 {strides = array<i32>} : memref<1024x1024xf32, #tpu.memory_space<vmem>>, vector<512x64xf32>,
    %get3A_1134 = arith.constant 0 : index
    %get3A_1135 = arith.constant 0 : index
    %get3A_1136 = vector.load %arg9[%get3A_1134, %get3A_1135] : memref<1024x1024xf32, #tpu.memory_space<vmem>>, vector<1024x1024xf32>
    %get3A_1137 = arith.constant 0 : index
    %get3A_1138 = arith.constant 0 : index
    %get3A_1139 = vector.load %arg13[%get3A_1137, %get3A_1138] : memref<1024x1024xf32, #tpu.memory_space<vmem>>, vector<1024x1024xf32>
    %get3A_1140 = arith.constant 0 : index
    %get3A_1141 = arith.constant 0 : index
    %get3A_1142 = arith.constant 0 : index
    %get3A_1143 = vector.load %arg8[%get3A_1140, %get3A_1141, %get3A_1142] : memref<1x1024x1024xf32, #tpu.memory_space<vmem>>, vector<1x1024x1024xf32>
    %get3A_1144 = vector.shape_cast %get3A_1143 : vector<1x1024x1024xf32> to vector<1024x1024xf32>
    %dot_general3A_1145 = arith.constant dense<0.000000e+00> : vector<1024x1024xf32>
    %dot_general3A_1146 = tpu.matmul %get3A_1139, %get3A_1144, %dot_general3A_1145 {dimension_numbers = #tpu.dot_dimension_numbers<[1], [0], [0], [1], [0, 0, 1, 1], [], []>, transpose_lhs_hint = false} : vector<1024x1024xf32>, vector<1024x1024xf32>, vector<1024x1024xf32> -> vector<1024x1024xf32>
    %add3A_1147 = arith.addf %get3A_1136, %dot_general3A_1146 : vector<1024x1024xf32>
    %swap3A_1148 = arith.constant 0 : index
    %swap3A_1149 = arith.constant 0 : index
    %swap3A_1150 = vector.load %arg9[%swap3A_1148, %swap3A_1149] : memref<1024x1024xf32, #tpu.memory_space<vmem>>, vector<1024x1024xf32>
    tpu.vector_store %arg9[%swap3A_1148, %swap3A_1149], %add3A_1147 {strides = array<i32>} : memref<1024x1024xf32, #tpu.memory_space<vmem>>, vector<1024x1024xf32>,
    return
  }
  func.func @transform_0(%arg0: i32) -> (i32, i32) {
    %c0_i32 = arith.constant 0 : i32
    %c0_i32_0 = arith.constant 0 : i32
    %c0_i32_1 = arith.constant 0 : i32
    return %c0_i32, %c0_i32_0 : i32, i32
  }
  func.func @transform_1(%arg0: i32) -> (i32, i32) {
    %c0_i32 = arith.constant 0 : i32
    %c0_i32_0 = arith.constant 0 : i32
    %c0_i32_1 = arith.constant 0 : i32
    return %c0_i32, %c0_i32_0 : i32, i32
  }
  func.func @transform_2(%arg0: i32) -> (i32, i32, i32) {
    %c0_i32 = arith.constant 0 : i32
    %c0_i32_0 = arith.constant 0 : i32
    %c0_i32_1 = arith.constant 0 : i32
    %c0_i32_2 = arith.constant 0 : i32
    return %c0_i32, %c0_i32_0, %c0_i32_1 : i32, i32, i32
  }
  func.func @transform_3(%arg0: i32) -> (i32, i32, i32) {
    %c0_i32 = arith.constant 0 : i32
    %c0_i32_0 = arith.constant 0 : i32
    %c0_i32_1 = arith.constant 0 : i32
    %c0_i32_2 = arith.constant 0 : i32
    return %c0_i32, %c0_i32_0, %c0_i32_1 : i32, i32, i32
  }
  func.func @transform_4(%arg0: i32) -> (i32, i32, i32) {
    %c0_i32 = arith.constant 0 : i32
    %c0_i32_0 = arith.constant 0 : i32
    %c0_i32_1 = arith.constant 0 : i32
    %c0_i32_2 = arith.constant 0 : i32
    return %c0_i32, %c0_i32_0, %c0_i32_1 : i32, i32, i32
  }
  func.func @transform_5(%arg0: i32) -> (i32, i32, i32) {
    %c0_i32 = arith.constant 0 : i32
    %c0_i32_0 = arith.constant 0 : i32
    %c0_i32_1 = arith.constant 0 : i32
    %c0_i32_2 = arith.constant 0 : i32
    return %c0_i32, %c0_i32_0, %c0_i32_1 : i32, i32, i32
  }
  func.func @transform_6(%arg0: i32) -> (i32, i32, i32) {
    %c0_i32 = arith.constant 0 : i32
    %c0_i32_0 = arith.constant 0 : i32
    %c0_i32_1 = arith.constant 0 : i32
    %c0_i32_2 = arith.constant 0 : i32
    return %c0_i32, %c0_i32_0, %c0_i32_1 : i32, i32, i32
  }
  func.func @transform_7(%arg0: i32) -> (i32, i32, i32) {
    %c0_i32 = arith.constant 0 : i32
    %c0_i32_0 = arith.constant 0 : i32
    %c0_i32_1 = arith.constant 0 : i32
    %c0_i32_2 = arith.constant 0 : i32
    return %c0_i32, %c0_i32_0, %c0_i32_1 : i32, i32, i32
  }
  func.func @transform_8(%arg0: i32) -> (i32, i32) {
    %c0_i32 = arith.constant 0 : i32
    %c0_i32_0 = arith.constant 0 : i32
    %c0_i32_1 = arith.constant 0 : i32
    return %c0_i32, %c0_i32_0 : i32, i32
  }
}

module attributes {stable_mosaic.version = 14 : i64} {
  func.func @body(%arg0: i32, %arg1: memref<1024x1024xf32, #tpu.memory_space<vmem>>, %arg2: memref<1x1x1024xf32, #tpu.memory_space<vmem>>, %arg3: memref<1x1x1024xf32, #tpu.memory_space<vmem>>, %arg4: memref<1x1024x1024xf32, #tpu.memory_space<vmem>>, %arg5: memref<1x1024x1024xf32, #tpu.memory_space<vmem>>, %arg6: memref<1x1024x1024xf32, #tpu.memory_space<vmem>>, %arg7: memref<1024x1024xf32, #tpu.memory_space<vmem>>, %arg8: memref<1024x1024xf32, #tpu.memory_space<vmem>>) attributes {dimension_semantics = [#tpu.dimension_semantics<arbitrary>], iteration_bounds = array<i64: 4>, scalar_prefetch = 0 : i64, scratch_operands = 1 : i64, tpu.core_type = #tpu.core_type<tc>, window_params = [{pipeline_mode = #tpu.pipeline_mode<synchronous>, transform_indices = @transform_0, window_bounds = array<i64: 1024, 1024>}, {transform_indices = @transform_1, window_bounds = array<i64: 1, 1, 1024>}, {transform_indices = @transform_2, window_bounds = array<i64: 1, 1, 1024>}, {transform_indices = @transform_3, window_bounds = array<i64: 1, 1024, 1024>}, {transform_indices = @transform_4, window_bounds = array<i64: 1, 1024, 1024>}, {transform_indices = @transform_5, window_bounds = array<i64: 1, 1024, 1024>}, {pipeline_mode = #tpu.pipeline_mode<synchronous>, transform_indices = @transform_6, window_bounds = array<i64: 1024, 1024>}]} {
    %eq3A = arith.constant 0 : i32
    %eq3A_0 = arith.cmpi eq, %arg0, %eq3A : i32
    %convert_element_type3A = arith.extui %eq3A_0 : i1 to i32
    %cond3A = arith.constant 0 : i32
    %cond3A_1 = arith.cmpi ne, %convert_element_type3A, %cond3A : i32
    scf.if %cond3A_1 {
      %get3A_37 = arith.constant 0 : index
      %get3A_38 = arith.constant 0 : index
      %get3A_39 = vector.load %arg1[%get3A_37, %get3A_38] : memref<1024x1024xf32, #tpu.memory_space<vmem>>, vector<1024x1024xf32>
      %swap3A_40 = arith.constant 0 : index
      %swap3A_41 = arith.constant 0 : index
      %swap3A_42 = vector.load %arg7[%swap3A_40, %swap3A_41] : memref<1024x1024xf32, #tpu.memory_space<vmem>>, vector<1024x1024xf32>
      tpu.vector_store %arg7[%swap3A_40, %swap3A_41], %get3A_39 {strides = array<i32>} : memref<1024x1024xf32, #tpu.memory_space<vmem>>, vector<1024x1024xf32>,
      %get3A_43 = arith.constant 0 : index
      %get3A_44 = arith.constant 0 : index
      %get3A_45 = arith.constant 0 : index
      %get3A_46 = vector.load %arg2[%get3A_43, %get3A_44, %get3A_45] : memref<1x1x1024xf32, #tpu.memory_space<vmem>>, vector<1x1x1024xf32>
      %get3A_47 = vector.shape_cast %get3A_46 : vector<1x1x1024xf32> to vector<1x1024xf32>
      %get3A_48 = arith.constant 0 : index
      %get3A_49 = arith.constant 0 : index
      %get3A_50 = arith.constant 0 : index
      %get3A_51 = vector.load %arg3[%get3A_48, %get3A_49, %get3A_50] : memref<1x1x1024xf32, #tpu.memory_space<vmem>>, vector<1x1x1024xf32>
      %get3A_52 = vector.shape_cast %get3A_51 : vector<1x1x1024xf32> to vector<1x1024xf32>
      %reduce_sum3A = arith.constant dense<0.000000e+00> : vector<1024xf32>
      %reduce_sum3A_53 = vector.multi_reduction <add>, %get3A_39, %reduce_sum3A [1] : vector<1024x1024xf32> to vector<1024xf32>
      %broadcast_in_dim3A = vector.shape_cast %reduce_sum3A_53 : vector<1024xf32> to vector<1024x1xf32>
      %div3A_54 = arith.constant 1.024000e+03 : f32
      %div3A_55 = vector.broadcast %div3A_54 : f32 to vector<1024x1xf32>
      %div3A_56 = arith.divf %broadcast_in_dim3A, %div3A_55 : vector<1024x1xf32>
      %sub3A = vector.broadcast %div3A_56 : vector<1024x1xf32> to vector<1024x1024xf32>
      %sub3A_57 = arith.subf %get3A_39, %sub3A : vector<1024x1024xf32>
      %integer_pow3A = arith.mulf %sub3A_57, %sub3A_57 : vector<1024x1024xf32>
      %reduce_sum3A_58 = arith.constant dense<0.000000e+00> : vector<1024xf32>
      %reduce_sum3A_59 = vector.multi_reduction <add>, %integer_pow3A, %reduce_sum3A_58 [1] : vector<1024x1024xf32> to vector<1024xf32>
      %broadcast_in_dim3A_60 = vector.shape_cast %reduce_sum3A_59 : vector<1024xf32> to vector<1024x1xf32>
      %div3A_61 = arith.constant 1.024000e+03 : f32
      %div3A_62 = vector.broadcast %div3A_61 : f32 to vector<1024x1xf32>
      %div3A_63 = arith.divf %broadcast_in_dim3A_60, %div3A_62 : vector<1024x1xf32>
      %sub3A_64 = vector.broadcast %div3A_56 : vector<1024x1xf32> to vector<1024x1024xf32>
      %sub3A_65 = arith.subf %get3A_39, %sub3A_64 : vector<1024x1024xf32>
      %add3A_66 = arith.constant 9.99999974E-6 : f32
      %add3A_67 = vector.broadcast %add3A_66 : f32 to vector<1024x1xf32>
      %add3A_68 = arith.addf %div3A_63, %add3A_67 : vector<1024x1xf32>
      %sqrt3A = math.sqrt %add3A_68 : vector<1024x1xf32>
      %div3A_69 = vector.broadcast %sqrt3A : vector<1024x1xf32> to vector<1024x1024xf32>
      %div3A_70 = arith.divf %sub3A_65, %div3A_69 : vector<1024x1024xf32>
      %mul3A_71 = vector.broadcast %get3A_47 : vector<1x1024xf32> to vector<1024x1024xf32>
      %mul3A_72 = arith.mulf %div3A_70, %mul3A_71 : vector<1024x1024xf32>
      %add3A_73 = vector.broadcast %get3A_52 : vector<1x1024xf32> to vector<1024x1024xf32>
      %add3A_74 = arith.addf %mul3A_72, %add3A_73 : vector<1024x1024xf32>
      %swap3A_75 = arith.constant 0 : index
      %swap3A_76 = arith.constant 0 : index
      %swap3A_77 = vector.load %arg8[%swap3A_75, %swap3A_76] : memref<1024x1024xf32, #tpu.memory_space<vmem>>, vector<1024x1024xf32>
      tpu.vector_store %arg8[%swap3A_75, %swap3A_76], %add3A_74 {strides = array<i32>} : memref<1024x1024xf32, #tpu.memory_space<vmem>>, vector<1024x1024xf32>,
    } else {
    }
    %get3A = arith.constant 0 : index
    %get3A_2 = arith.constant 0 : index
    %get3A_3 = vector.load %arg8[%get3A, %get3A_2] : memref<1024x1024xf32, #tpu.memory_space<vmem>>, vector<1024x1024xf32>
    %get3A_4 = arith.constant 0 : index
    %get3A_5 = arith.constant 0 : index
    %get3A_6 = arith.constant 0 : index
    %get3A_7 = vector.load %arg4[%get3A_4, %get3A_5, %get3A_6] : memref<1x1024x1024xf32, #tpu.memory_space<vmem>>, vector<1x1024x1024xf32>
    %get3A_8 = vector.shape_cast %get3A_7 : vector<1x1024x1024xf32> to vector<1024x1024xf32>
    %dot_general3A = arith.constant dense<0.000000e+00> : vector<1024x1024xf32>
    %dot_general3A_9 = tpu.matmul %get3A_3, %get3A_8, %dot_general3A {dimension_numbers = #tpu.dot_dimension_numbers<[1], [0], [0], [1], [0, 0, 1, 1], [], []>, transpose_lhs_hint = false} : vector<1024x1024xf32>, vector<1024x1024xf32>, vector<1024x1024xf32> -> vector<1024x1024xf32>
    %get3A_10 = arith.constant 0 : index
    %get3A_11 = arith.constant 0 : index
    %get3A_12 = vector.load %arg8[%get3A_10, %get3A_11] : memref<1024x1024xf32, #tpu.memory_space<vmem>>, vector<1024x1024xf32>
    %get3A_13 = arith.constant 0 : index
    %get3A_14 = arith.constant 0 : index
    %get3A_15 = arith.constant 0 : index
    %get3A_16 = vector.load %arg5[%get3A_13, %get3A_14, %get3A_15] : memref<1x1024x1024xf32, #tpu.memory_space<vmem>>, vector<1x1024x1024xf32>
    %get3A_17 = vector.shape_cast %get3A_16 : vector<1x1024x1024xf32> to vector<1024x1024xf32>
    %dot_general3A_18 = arith.constant dense<0.000000e+00> : vector<1024x1024xf32>
    %dot_general3A_19 = tpu.matmul %get3A_12, %get3A_17, %dot_general3A_18 {dimension_numbers = #tpu.dot_dimension_numbers<[1], [0], [0], [1], [0, 0, 1, 1], [], []>, transpose_lhs_hint = false} : vector<1024x1024xf32>, vector<1024x1024xf32>, vector<1024x1024xf32> -> vector<1024x1024xf32>
    %neg3A = arith.constant 0.000000e+00 : f32
    %neg3A_20 = vector.broadcast %neg3A : f32 to vector<1024x1024xf32>
    %neg3A_21 = arith.subf %neg3A_20, %dot_general3A_9 : vector<1024x1024xf32>
    %exp3A = math.exp %neg3A_21 : vector<1024x1024xf32>
    %add3A = arith.constant 1.000000e+00 : f32
    %add3A_22 = vector.broadcast %add3A : f32 to vector<1024x1024xf32>
    %add3A_23 = arith.addf %add3A_22, %exp3A : vector<1024x1024xf32>
    %div3A = arith.divf %dot_general3A_9, %add3A_23 : vector<1024x1024xf32>
    %mul3A = arith.mulf %div3A, %dot_general3A_19 : vector<1024x1024xf32>
    %get3A_24 = arith.constant 0 : index
    %get3A_25 = arith.constant 0 : index
    %get3A_26 = vector.load %arg7[%get3A_24, %get3A_25] : memref<1024x1024xf32, #tpu.memory_space<vmem>>, vector<1024x1024xf32>
    %get3A_27 = arith.constant 0 : index
    %get3A_28 = arith.constant 0 : index
    %get3A_29 = arith.constant 0 : index
    %get3A_30 = vector.load %arg6[%get3A_27, %get3A_28, %get3A_29] : memref<1x1024x1024xf32, #tpu.memory_space<vmem>>, vector<1x1024x1024xf32>
    %get3A_31 = vector.shape_cast %get3A_30 : vector<1x1024x1024xf32> to vector<1024x1024xf32>
    %dot_general3A_32 = arith.constant dense<0.000000e+00> : vector<1024x1024xf32>
    %dot_general3A_33 = tpu.matmul %mul3A, %get3A_31, %dot_general3A_32 {dimension_numbers = #tpu.dot_dimension_numbers<[1], [0], [0], [1], [0, 0, 1, 1], [], []>, transpose_lhs_hint = false} : vector<1024x1024xf32>, vector<1024x1024xf32>, vector<1024x1024xf32> -> vector<1024x1024xf32>
    %add3A_34 = arith.addf %get3A_26, %dot_general3A_33 : vector<1024x1024xf32>
    %swap3A = arith.constant 0 : index
    %swap3A_35 = arith.constant 0 : index
    %swap3A_36 = vector.load %arg7[%swap3A, %swap3A_35] : memref<1024x1024xf32, #tpu.memory_space<vmem>>, vector<1024x1024xf32>
    tpu.vector_store %arg7[%swap3A, %swap3A_35], %add3A_34 {strides = array<i32>} : memref<1024x1024xf32, #tpu.memory_space<vmem>>, vector<1024x1024xf32>,
    return
  }
  func.func @transform_0(%arg0: i32) -> (i32, i32) {
    %c0_i32 = arith.constant 0 : i32
    %c0_i32_0 = arith.constant 0 : i32
    %c0_i32_1 = arith.constant 0 : i32
    return %c0_i32, %c0_i32_0 : i32, i32
  }
  func.func @transform_1(%arg0: i32) -> (i32, i32, i32) {
    %c1_i32 = arith.constant 1 : i32
    %c0_i32 = arith.constant 0 : i32
    %c0_i32_0 = arith.constant 0 : i32
    %c0_i32_1 = arith.constant 0 : i32
    return %c1_i32, %c0_i32, %c0_i32_0 : i32, i32, i32
  }
  func.func @transform_2(%arg0: i32) -> (i32, i32, i32) {
    %c1_i32 = arith.constant 1 : i32
    %c0_i32 = arith.constant 0 : i32
    %c0_i32_0 = arith.constant 0 : i32
    %c0_i32_1 = arith.constant 0 : i32
    return %c1_i32, %c0_i32, %c0_i32_0 : i32, i32, i32
  }
  func.func @transform_3(%arg0: i32) -> (i32, i32, i32) {
    %c1_i32 = arith.constant 1 : i32
    %c0_i32 = arith.constant 0 : i32
    %c0_i32_0 = arith.constant 0 : i32
    return %c1_i32, %c0_i32, %arg0 : i32, i32, i32
  }
  func.func @transform_4(%arg0: i32) -> (i32, i32, i32) {
    %c1_i32 = arith.constant 1 : i32
    %c0_i32 = arith.constant 0 : i32
    %c0_i32_0 = arith.constant 0 : i32
    return %c1_i32, %c0_i32, %arg0 : i32, i32, i32
  }
  func.func @transform_5(%arg0: i32) -> (i32, i32, i32) {
    %c1_i32 = arith.constant 1 : i32
    %c0_i32 = arith.constant 0 : i32
    %c0_i32_0 = arith.constant 0 : i32
    return %c1_i32, %arg0, %c0_i32 : i32, i32, i32
  }
  func.func @transform_6(%arg0: i32) -> (i32, i32) {
    %c0_i32 = arith.constant 0 : i32
    %c0_i32_0 = arith.constant 0 : i32
    %c0_i32_1 = arith.constant 0 : i32
    return %c0_i32, %c0_i32_0 : i32, i32
  }
}

module attributes {stable_mosaic.version = 14 : i64} {
  func.func @body(%arg0: i32, %arg1: memref<1024x1024xf32, #tpu.memory_space<vmem>>, %arg2: memref<1x1x1024xf32, #tpu.memory_space<vmem>>, %arg3: memref<1x1x1024xf32, #tpu.memory_space<vmem>>, %arg4: memref<1x1024x1024xf32, #tpu.memory_space<vmem>>, %arg5: memref<1x1024x1024xf32, #tpu.memory_space<vmem>>, %arg6: memref<1x1024x1024xf32, #tpu.memory_space<vmem>>, %arg7: memref<1x1024x1024xf32, #tpu.memory_space<vmem>>, %arg8: memref<1024x1024xf32, #tpu.memory_space<vmem>>, %arg9: memref<1024x1024xf32, #tpu.memory_space<vmem>>, %arg10: memref<1024x1024xf32, #tpu.memory_space<vmem>>, %arg11: memref<1024x1024xf32, #tpu.memory_space<vmem>>, %arg12: memref<1024x1024xf32, #tpu.memory_space<vmem>>) attributes {dimension_semantics = [#tpu.dimension_semantics<arbitrary>], iteration_bounds = array<i64: 1>, scalar_prefetch = 0 : i64, scratch_operands = 4 : i64, tpu.core_type = #tpu.core_type<tc>, window_params = [{pipeline_mode = #tpu.pipeline_mode<synchronous>, transform_indices = @transform_0, window_bounds = array<i64: 1024, 1024>}, {transform_indices = @transform_1, window_bounds = array<i64: 1, 1, 1024>}, {transform_indices = @transform_2, window_bounds = array<i64: 1, 1, 1024>}, {transform_indices = @transform_3, window_bounds = array<i64: 1, 1024, 1024>}, {transform_indices = @transform_4, window_bounds = array<i64: 1, 1024, 1024>}, {transform_indices = @transform_5, window_bounds = array<i64: 1, 1024, 1024>}, {transform_indices = @transform_6, window_bounds = array<i64: 1, 1024, 1024>}, {pipeline_mode = #tpu.pipeline_mode<synchronous>, transform_indices = @transform_7, window_bounds = array<i64: 1024, 1024>}]} {
    %get3A = arith.constant 0 : index
    %get3A_0 = arith.constant 0 : index
    %get3A_1 = vector.load %arg1[%get3A, %get3A_0] : memref<1024x1024xf32, #tpu.memory_space<vmem>>, vector<1024x1024xf32>
    %swap3A = arith.constant 0 : index
    %swap3A_2 = arith.constant 0 : index
    %swap3A_3 = vector.load %arg8[%swap3A, %swap3A_2] : memref<1024x1024xf32, #tpu.memory_space<vmem>>, vector<1024x1024xf32>
    tpu.vector_store %arg8[%swap3A, %swap3A_2], %get3A_1 {strides = array<i32>} : memref<1024x1024xf32, #tpu.memory_space<vmem>>, vector<1024x1024xf32>,
    %get3A_4 = arith.constant 0 : index
    %get3A_5 = arith.constant 0 : index
    %get3A_6 = arith.constant 0 : index
    %get3A_7 = vector.load %arg2[%get3A_4, %get3A_5, %get3A_6] : memref<1x1x1024xf32, #tpu.memory_space<vmem>>, vector<1x1x1024xf32>
    %get3A_8 = vector.shape_cast %get3A_7 : vector<1x1x1024xf32> to vector<1x1024xf32>
    %get3A_9 = arith.constant 0 : index
    %get3A_10 = arith.constant 0 : index
    %get3A_11 = arith.constant 0 : index
    %get3A_12 = vector.load %arg3[%get3A_9, %get3A_10, %get3A_11] : memref<1x1x1024xf32, #tpu.memory_space<vmem>>, vector<1x1x1024xf32>
    %get3A_13 = vector.shape_cast %get3A_12 : vector<1x1x1024xf32> to vector<1x1024xf32>
    %reduce_sum3A = arith.constant dense<0.000000e+00> : vector<1024xf32>
    %reduce_sum3A_14 = vector.multi_reduction <add>, %get3A_1, %reduce_sum3A [1] : vector<1024x1024xf32> to vector<1024xf32>
    %broadcast_in_dim3A = vector.shape_cast %reduce_sum3A_14 : vector<1024xf32> to vector<1024x1xf32>
    %div3A = arith.constant 1.024000e+03 : f32
    %div3A_15 = vector.broadcast %div3A : f32 to vector<1024x1xf32>
    %div3A_16 = arith.divf %broadcast_in_dim3A, %div3A_15 : vector<1024x1xf32>
    %sub3A = vector.broadcast %div3A_16 : vector<1024x1xf32> to vector<1024x1024xf32>
    %sub3A_17 = arith.subf %get3A_1, %sub3A : vector<1024x1024xf32>
    %integer_pow3A = arith.mulf %sub3A_17, %sub3A_17 : vector<1024x1024xf32>
    %reduce_sum3A_18 = arith.constant dense<0.000000e+00> : vector<1024xf32>
    %reduce_sum3A_19 = vector.multi_reduction <add>, %integer_pow3A, %reduce_sum3A_18 [1] : vector<1024x1024xf32> to vector<1024xf32>
    %broadcast_in_dim3A_20 = vector.shape_cast %reduce_sum3A_19 : vector<1024xf32> to vector<1024x1xf32>
    %div3A_21 = arith.constant 1.024000e+03 : f32
    %div3A_22 = vector.broadcast %div3A_21 : f32 to vector<1024x1xf32>
    %div3A_23 = arith.divf %broadcast_in_dim3A_20, %div3A_22 : vector<1024x1xf32>
    %sub3A_24 = vector.broadcast %div3A_16 : vector<1024x1xf32> to vector<1024x1024xf32>
    %sub3A_25 = arith.subf %get3A_1, %sub3A_24 : vector<1024x1024xf32>
    %add3A = arith.constant 9.99999974E-6 : f32
    %add3A_26 = vector.broadcast %add3A : f32 to vector<1024x1xf32>
    %add3A_27 = arith.addf %div3A_23, %add3A_26 : vector<1024x1xf32>
    %sqrt3A = math.sqrt %add3A_27 : vector<1024x1xf32>
    %div3A_28 = vector.broadcast %sqrt3A : vector<1024x1xf32> to vector<1024x1024xf32>
    %div3A_29 = arith.divf %sub3A_25, %div3A_28 : vector<1024x1024xf32>
    %mul3A = vector.broadcast %get3A_8 : vector<1x1024xf32> to vector<1024x1024xf32>
    %mul3A_30 = arith.mulf %div3A_29, %mul3A : vector<1024x1024xf32>
    %add3A_31 = vector.broadcast %get3A_13 : vector<1x1024xf32> to vector<1024x1024xf32>
    %add3A_32 = arith.addf %mul3A_30, %add3A_31 : vector<1024x1024xf32>
    %swap3A_33 = arith.constant 0 : index
    %swap3A_34 = arith.constant 0 : index
    %swap3A_35 = vector.load %arg12[%swap3A_33, %swap3A_34] : memref<1024x1024xf32, #tpu.memory_space<vmem>>, vector<1024x1024xf32>
    tpu.vector_store %arg12[%swap3A_33, %swap3A_34], %add3A_32 {strides = array<i32>} : memref<1024x1024xf32, #tpu.memory_space<vmem>>, vector<1024x1024xf32>,
    %get3A_36 = arith.constant 0 : index
    %get3A_37 = arith.constant 0 : index
    %get3A_38 = vector.load %arg12[%get3A_36, %get3A_37] : memref<1024x1024xf32, #tpu.memory_space<vmem>>, vector<1024x1024xf32>
    %get3A_39 = arith.constant 0 : index
    %get3A_40 = arith.constant 0 : index
    %get3A_41 = arith.constant 0 : index
    %get3A_42 = vector.load %arg4[%get3A_39, %get3A_40, %get3A_41] : memref<1x1024x1024xf32, #tpu.memory_space<vmem>>, vector<1x1024x1024xf32>
    %get3A_43 = vector.shape_cast %get3A_42 : vector<1x1024x1024xf32> to vector<1024x1024xf32>
    %dot_general3A = arith.constant dense<0.000000e+00> : vector<1024x1024xf32>
    %dot_general3A_44 = tpu.matmul %get3A_38, %get3A_43, %dot_general3A {dimension_numbers = #tpu.dot_dimension_numbers<[1], [0], [0], [1], [0, 0, 1, 1], [], []>, transpose_lhs_hint = false} : vector<1024x1024xf32>, vector<1024x1024xf32>, vector<1024x1024xf32> -> vector<1024x1024xf32>
    %swap3A_45 = arith.constant 0 : index
    %swap3A_46 = arith.constant 0 : index
    %swap3A_47 = vector.load %arg9[%swap3A_45, %swap3A_46] : memref<1024x1024xf32, #tpu.memory_space<vmem>>, vector<1024x1024xf32>
    tpu.vector_store %arg9[%swap3A_45, %swap3A_46], %dot_general3A_44 {strides = array<i32>} : memref<1024x1024xf32, #tpu.memory_space<vmem>>, vector<1024x1024xf32>,
    %get3A_48 = arith.constant 0 : index
    %get3A_49 = arith.constant 0 : index
    %get3A_50 = vector.load %arg12[%get3A_48, %get3A_49] : memref<1024x1024xf32, #tpu.memory_space<vmem>>, vector<1024x1024xf32>
    %get3A_51 = arith.constant 0 : index
    %get3A_52 = arith.constant 0 : index
    %get3A_53 = arith.constant 0 : index
    %get3A_54 = vector.load %arg5[%get3A_51, %get3A_52, %get3A_53] : memref<1x1024x1024xf32, #tpu.memory_space<vmem>>, vector<1x1024x1024xf32>
    %get3A_55 = vector.shape_cast %get3A_54 : vector<1x1024x1024xf32> to vector<1024x1024xf32>
    %dot_general3A_56 = arith.constant dense<0.000000e+00> : vector<1024x1024xf32>
    %dot_general3A_57 = tpu.matmul %get3A_50, %get3A_55, %dot_general3A_56 {dimension_numbers = #tpu.dot_dimension_numbers<[1], [0], [0], [1], [0, 0, 1, 1], [], []>, transpose_lhs_hint = false} : vector<1024x1024xf32>, vector<1024x1024xf32>, vector<1024x1024xf32> -> vector<1024x1024xf32>
    %swap3A_58 = arith.constant 0 : index
    %swap3A_59 = arith.constant 0 : index
    %swap3A_60 = vector.load %arg10[%swap3A_58, %swap3A_59] : memref<1024x1024xf32, #tpu.memory_space<vmem>>, vector<1024x1024xf32>
    tpu.vector_store %arg10[%swap3A_58, %swap3A_59], %dot_general3A_57 {strides = array<i32>} : memref<1024x1024xf32, #tpu.memory_space<vmem>>, vector<1024x1024xf32>,
    %get3A_61 = arith.constant 0 : index
    %get3A_62 = arith.constant 0 : index
    %get3A_63 = vector.load %arg12[%get3A_61, %get3A_62] : memref<1024x1024xf32, #tpu.memory_space<vmem>>, vector<1024x1024xf32>
    %get3A_64 = arith.constant 0 : index
    %get3A_65 = arith.constant 0 : index
    %get3A_66 = arith.constant 0 : index
    %get3A_67 = vector.load %arg6[%get3A_64, %get3A_65, %get3A_66] : memref<1x1024x1024xf32, #tpu.memory_space<vmem>>, vector<1x1024x1024xf32>
    %get3A_68 = vector.shape_cast %get3A_67 : vector<1x1024x1024xf32> to vector<1024x1024xf32>
    %dot_general3A_69 = arith.constant dense<0.000000e+00> : vector<1024x1024xf32>
    %dot_general3A_70 = tpu.matmul %get3A_63, %get3A_68, %dot_general3A_69 {dimension_numbers = #tpu.dot_dimension_numbers<[1], [0], [0], [1], [0, 0, 1, 1], [], []>, transpose_lhs_hint = false} : vector<1024x1024xf32>, vector<1024x1024xf32>, vector<1024x1024xf32> -> vector<1024x1024xf32>
    %swap3A_71 = arith.constant 0 : index
    %swap3A_72 = arith.constant 0 : index
    %swap3A_73 = vector.load %arg11[%swap3A_71, %swap3A_72] : memref<1024x1024xf32, #tpu.memory_space<vmem>>, vector<1024x1024xf32>
    tpu.vector_store %arg11[%swap3A_71, %swap3A_72], %dot_general3A_70 {strides = array<i32>} : memref<1024x1024xf32, #tpu.memory_space<vmem>>, vector<1024x1024xf32>,
    %iota3A = tpu.iota {dimensions = array<i32: 0>} : vector<512x512xi32>
    %iota3A_74 = tpu.iota {dimensions = array<i32: 1>} : vector<512x512xi32>
    %le3A = arith.cmpi sle, %iota3A_74, %iota3A : vector<512x512xi32>
    %get3A_75 = arith.constant 0 : index
    %get3A_76 = arith.constant 0 : index
    %get3A_77 = vector.load %arg9[%get3A_75, %get3A_76] : memref<1024x1024xf32, #tpu.memory_space<vmem>>, vector<512x64xf32>
    %get3A_78 = arith.constant 0 : index
    %get3A_79 = arith.constant 0 : index
    %get3A_80 = vector.load %arg10[%get3A_78, %get3A_79] : memref<1024x1024xf32, #tpu.memory_space<vmem>>, vector<512x64xf32>
    %get3A_81 = arith.constant 0 : index
    %get3A_82 = arith.constant 0 : index
    %get3A_83 = vector.load %arg11[%get3A_81, %get3A_82] : memref<1024x1024xf32, #tpu.memory_space<vmem>>, vector<512x64xf32>
    %dot_general3A_84 = arith.constant dense<0.000000e+00> : vector<512x512xf32>
    %dot_general3A_85 = tpu.matmul %get3A_77, %get3A_80, %dot_general3A_84 {dimension_numbers = #tpu.dot_dimension_numbers<[1], [1], [0], [0], [0, 0, 1, 0], [], []>, transpose_lhs_hint = false} : vector<512x64xf32>, vector<512x64xf32>, vector<512x512xf32> -> vector<512x512xf32>
    %mul3A_86 = arith.constant 1.250000e-01 : f32
    %mul3A_87 = vector.broadcast %mul3A_86 : f32 to vector<512x512xf32>
    %mul3A_88 = arith.mulf %dot_general3A_85, %mul3A_87 : vector<512x512xf32>
    %jit3A = arith.constant -1.000000e+09 : f32
    %broadcast_in_dim3A_89 = vector.broadcast %jit3A : f32 to vector<512x512xf32>
    %select_n3A = arith.select %le3A, %mul3A_88, %broadcast_in_dim3A_89 : vector<512x512xi1>, vector<512x512xf32>
    %reduce_max3A = arith.constant dense<0xFF800000> : vector<512xf32>
    %reduce_max3A_90 = vector.multi_reduction <maximumf>, %select_n3A, %reduce_max3A [1] : vector<512x512xf32> to vector<512xf32>
    %broadcast_in_dim3A_91 = vector.shape_cast %reduce_max3A_90 : vector<512xf32> to vector<512x1xf32>
    %sub3A_92 = vector.broadcast %broadcast_in_dim3A_91 : vector<512x1xf32> to vector<512x512xf32>
    %sub3A_93 = arith.subf %select_n3A, %sub3A_92 : vector<512x512xf32>
    %exp3A = math.exp %sub3A_93 : vector<512x512xf32>
    %reduce_sum3A_94 = arith.constant dense<0.000000e+00> : vector<512xf32>
    %reduce_sum3A_95 = vector.multi_reduction <add>, %exp3A, %reduce_sum3A_94 [1] : vector<512x512xf32> to vector<512xf32>
    %broadcast_in_dim3A_96 = vector.shape_cast %reduce_sum3A_95 : vector<512xf32> to vector<512x1xf32>
    %div3A_97 = vector.broadcast %broadcast_in_dim3A_96 : vector<512x1xf32> to vector<512x512xf32>
    %div3A_98 = arith.divf %exp3A, %div3A_97 : vector<512x512xf32>
    %dot_general3A_99 = arith.constant dense<0.000000e+00> : vector<512x64xf32>
    %dot_general3A_100 = tpu.matmul %div3A_98, %get3A_83, %dot_general3A_99 {dimension_numbers = #tpu.dot_dimension_numbers<[1], [0], [0], [1], [0, 0, 1, 1], [], []>, transpose_lhs_hint = false} : vector<512x512xf32>, vector<512x64xf32>, vector<512x64xf32> -> vector<512x64xf32>
    %swap3A_101 = arith.constant 0 : index
    %swap3A_102 = arith.constant 0 : index
    %swap3A_103 = vector.load %arg12[%swap3A_101, %swap3A_102] : memref<1024x1024xf32, #tpu.memory_space<vmem>>, vector<512x64xf32>
    tpu.vector_store %arg12[%swap3A_101, %swap3A_102], %dot_general3A_100 {strides = array<i32>} : memref<1024x1024xf32, #tpu.memory_space<vmem>>, vector<512x64xf32>,
    %get3A_104 = arith.constant 0 : index
    %get3A_105 = arith.constant 64 : index
    %get3A_106 = vector.load %arg9[%get3A_104, %get3A_105] : memref<1024x1024xf32, #tpu.memory_space<vmem>>, vector<512x64xf32>
    %get3A_107 = arith.constant 0 : index
    %get3A_108 = arith.constant 64 : index
    %get3A_109 = vector.load %arg10[%get3A_107, %get3A_108] : memref<1024x1024xf32, #tpu.memory_space<vmem>>, vector<512x64xf32>
    %get3A_110 = arith.constant 0 : index
    %get3A_111 = arith.constant 64 : index
    %get3A_112 = vector.load %arg11[%get3A_110, %get3A_111] : memref<1024x1024xf32, #tpu.memory_space<vmem>>, vector<512x64xf32>
    %dot_general3A_113 = arith.constant dense<0.000000e+00> : vector<512x512xf32>
    %dot_general3A_114 = tpu.matmul %get3A_106, %get3A_109, %dot_general3A_113 {dimension_numbers = #tpu.dot_dimension_numbers<[1], [1], [0], [0], [0, 0, 1, 0], [], []>, transpose_lhs_hint = false} : vector<512x64xf32>, vector<512x64xf32>, vector<512x512xf32> -> vector<512x512xf32>
    %mul3A_115 = arith.constant 1.250000e-01 : f32
    %mul3A_116 = vector.broadcast %mul3A_115 : f32 to vector<512x512xf32>
    %mul3A_117 = arith.mulf %dot_general3A_114, %mul3A_116 : vector<512x512xf32>
    %jit3A_118 = arith.constant -1.000000e+09 : f32
    %broadcast_in_dim3A_119 = vector.broadcast %jit3A_118 : f32 to vector<512x512xf32>
    %select_n3A_120 = arith.select %le3A, %mul3A_117, %broadcast_in_dim3A_119 : vector<512x512xi1>, vector<512x512xf32>
    %reduce_max3A_121 = arith.constant dense<0xFF800000> : vector<512xf32>
    %reduce_max3A_122 = vector.multi_reduction <maximumf>, %select_n3A_120, %reduce_max3A_121 [1] : vector<512x512xf32> to vector<512xf32>
    %broadcast_in_dim3A_123 = vector.shape_cast %reduce_max3A_122 : vector<512xf32> to vector<512x1xf32>
    %sub3A_124 = vector.broadcast %broadcast_in_dim3A_123 : vector<512x1xf32> to vector<512x512xf32>
    %sub3A_125 = arith.subf %select_n3A_120, %sub3A_124 : vector<512x512xf32>
    %exp3A_126 = math.exp %sub3A_125 : vector<512x512xf32>
    %reduce_sum3A_127 = arith.constant dense<0.000000e+00> : vector<512xf32>
    %reduce_sum3A_128 = vector.multi_reduction <add>, %exp3A_126, %reduce_sum3A_127 [1] : vector<512x512xf32> to vector<512xf32>
    %broadcast_in_dim3A_129 = vector.shape_cast %reduce_sum3A_128 : vector<512xf32> to vector<512x1xf32>
    %div3A_130 = vector.broadcast %broadcast_in_dim3A_129 : vector<512x1xf32> to vector<512x512xf32>
    %div3A_131 = arith.divf %exp3A_126, %div3A_130 : vector<512x512xf32>
    %dot_general3A_132 = arith.constant dense<0.000000e+00> : vector<512x64xf32>
    %dot_general3A_133 = tpu.matmul %div3A_131, %get3A_112, %dot_general3A_132 {dimension_numbers = #tpu.dot_dimension_numbers<[1], [0], [0], [1], [0, 0, 1, 1], [], []>, transpose_lhs_hint = false} : vector<512x512xf32>, vector<512x64xf32>, vector<512x64xf32> -> vector<512x64xf32>
    %swap3A_134 = arith.constant 0 : index
    %swap3A_135 = arith.constant 64 : index
    %swap3A_136 = vector.load %arg12[%swap3A_134, %swap3A_135] : memref<1024x1024xf32, #tpu.memory_space<vmem>>, vector<512x64xf32>
    tpu.vector_store %arg12[%swap3A_134, %swap3A_135], %dot_general3A_133 {strides = array<i32>} : memref<1024x1024xf32, #tpu.memory_space<vmem>>, vector<512x64xf32>,
    %get3A_137 = arith.constant 0 : index
    %get3A_138 = arith.constant 128 : index
    %get3A_139 = vector.load %arg9[%get3A_137, %get3A_138] : memref<1024x1024xf32, #tpu.memory_space<vmem>>, vector<512x64xf32>
    %get3A_140 = arith.constant 0 : index
    %get3A_141 = arith.constant 128 : index
    %get3A_142 = vector.load %arg10[%get3A_140, %get3A_141] : memref<1024x1024xf32, #tpu.memory_space<vmem>>, vector<512x64xf32>
    %get3A_143 = arith.constant 0 : index
    %get3A_144 = arith.constant 128 : index
    %get3A_145 = vector.load %arg11[%get3A_143, %get3A_144] : memref<1024x1024xf32, #tpu.memory_space<vmem>>, vector<512x64xf32>
    %dot_general3A_146 = arith.constant dense<0.000000e+00> : vector<512x512xf32>
    %dot_general3A_147 = tpu.matmul %get3A_139, %get3A_142, %dot_general3A_146 {dimension_numbers = #tpu.dot_dimension_numbers<[1], [1], [0], [0], [0, 0, 1, 0], [], []>, transpose_lhs_hint = false} : vector<512x64xf32>, vector<512x64xf32>, vector<512x512xf32> -> vector<512x512xf32>
    %mul3A_148 = arith.constant 1.250000e-01 : f32
    %mul3A_149 = vector.broadcast %mul3A_148 : f32 to vector<512x512xf32>
    %mul3A_150 = arith.mulf %dot_general3A_147, %mul3A_149 : vector<512x512xf32>
    %jit3A_151 = arith.constant -1.000000e+09 : f32
    %broadcast_in_dim3A_152 = vector.broadcast %jit3A_151 : f32 to vector<512x512xf32>
    %select_n3A_153 = arith.select %le3A, %mul3A_150, %broadcast_in_dim3A_152 : vector<512x512xi1>, vector<512x512xf32>
    %reduce_max3A_154 = arith.constant dense<0xFF800000> : vector<512xf32>
    %reduce_max3A_155 = vector.multi_reduction <maximumf>, %select_n3A_153, %reduce_max3A_154 [1] : vector<512x512xf32> to vector<512xf32>
    %broadcast_in_dim3A_156 = vector.shape_cast %reduce_max3A_155 : vector<512xf32> to vector<512x1xf32>
    %sub3A_157 = vector.broadcast %broadcast_in_dim3A_156 : vector<512x1xf32> to vector<512x512xf32>
    %sub3A_158 = arith.subf %select_n3A_153, %sub3A_157 : vector<512x512xf32>
    %exp3A_159 = math.exp %sub3A_158 : vector<512x512xf32>
    %reduce_sum3A_160 = arith.constant dense<0.000000e+00> : vector<512xf32>
    %reduce_sum3A_161 = vector.multi_reduction <add>, %exp3A_159, %reduce_sum3A_160 [1] : vector<512x512xf32> to vector<512xf32>
    %broadcast_in_dim3A_162 = vector.shape_cast %reduce_sum3A_161 : vector<512xf32> to vector<512x1xf32>
    %div3A_163 = vector.broadcast %broadcast_in_dim3A_162 : vector<512x1xf32> to vector<512x512xf32>
    %div3A_164 = arith.divf %exp3A_159, %div3A_163 : vector<512x512xf32>
    %dot_general3A_165 = arith.constant dense<0.000000e+00> : vector<512x64xf32>
    %dot_general3A_166 = tpu.matmul %div3A_164, %get3A_145, %dot_general3A_165 {dimension_numbers = #tpu.dot_dimension_numbers<[1], [0], [0], [1], [0, 0, 1, 1], [], []>, transpose_lhs_hint = false} : vector<512x512xf32>, vector<512x64xf32>, vector<512x64xf32> -> vector<512x64xf32>
    %swap3A_167 = arith.constant 0 : index
    %swap3A_168 = arith.constant 128 : index
    %swap3A_169 = vector.load %arg12[%swap3A_167, %swap3A_168] : memref<1024x1024xf32, #tpu.memory_space<vmem>>, vector<512x64xf32>
    tpu.vector_store %arg12[%swap3A_167, %swap3A_168], %dot_general3A_166 {strides = array<i32>} : memref<1024x1024xf32, #tpu.memory_space<vmem>>, vector<512x64xf32>,
    %get3A_170 = arith.constant 0 : index
    %get3A_171 = arith.constant 192 : index
    %get3A_172 = vector.load %arg9[%get3A_170, %get3A_171] : memref<1024x1024xf32, #tpu.memory_space<vmem>>, vector<512x64xf32>
    %get3A_173 = arith.constant 0 : index
    %get3A_174 = arith.constant 192 : index
    %get3A_175 = vector.load %arg10[%get3A_173, %get3A_174] : memref<1024x1024xf32, #tpu.memory_space<vmem>>, vector<512x64xf32>
    %get3A_176 = arith.constant 0 : index
    %get3A_177 = arith.constant 192 : index
    %get3A_178 = vector.load %arg11[%get3A_176, %get3A_177] : memref<1024x1024xf32, #tpu.memory_space<vmem>>, vector<512x64xf32>
    %dot_general3A_179 = arith.constant dense<0.000000e+00> : vector<512x512xf32>
    %dot_general3A_180 = tpu.matmul %get3A_172, %get3A_175, %dot_general3A_179 {dimension_numbers = #tpu.dot_dimension_numbers<[1], [1], [0], [0], [0, 0, 1, 0], [], []>, transpose_lhs_hint = false} : vector<512x64xf32>, vector<512x64xf32>, vector<512x512xf32> -> vector<512x512xf32>
    %mul3A_181 = arith.constant 1.250000e-01 : f32
    %mul3A_182 = vector.broadcast %mul3A_181 : f32 to vector<512x512xf32>
    %mul3A_183 = arith.mulf %dot_general3A_180, %mul3A_182 : vector<512x512xf32>
    %jit3A_184 = arith.constant -1.000000e+09 : f32
    %broadcast_in_dim3A_185 = vector.broadcast %jit3A_184 : f32 to vector<512x512xf32>
    %select_n3A_186 = arith.select %le3A, %mul3A_183, %broadcast_in_dim3A_185 : vector<512x512xi1>, vector<512x512xf32>
    %reduce_max3A_187 = arith.constant dense<0xFF800000> : vector<512xf32>
    %reduce_max3A_188 = vector.multi_reduction <maximumf>, %select_n3A_186, %reduce_max3A_187 [1] : vector<512x512xf32> to vector<512xf32>
    %broadcast_in_dim3A_189 = vector.shape_cast %reduce_max3A_188 : vector<512xf32> to vector<512x1xf32>
    %sub3A_190 = vector.broadcast %broadcast_in_dim3A_189 : vector<512x1xf32> to vector<512x512xf32>
    %sub3A_191 = arith.subf %select_n3A_186, %sub3A_190 : vector<512x512xf32>
    %exp3A_192 = math.exp %sub3A_191 : vector<512x512xf32>
    %reduce_sum3A_193 = arith.constant dense<0.000000e+00> : vector<512xf32>
    %reduce_sum3A_194 = vector.multi_reduction <add>, %exp3A_192, %reduce_sum3A_193 [1] : vector<512x512xf32> to vector<512xf32>
    %broadcast_in_dim3A_195 = vector.shape_cast %reduce_sum3A_194 : vector<512xf32> to vector<512x1xf32>
    %div3A_196 = vector.broadcast %broadcast_in_dim3A_195 : vector<512x1xf32> to vector<512x512xf32>
    %div3A_197 = arith.divf %exp3A_192, %div3A_196 : vector<512x512xf32>
    %dot_general3A_198 = arith.constant dense<0.000000e+00> : vector<512x64xf32>
    %dot_general3A_199 = tpu.matmul %div3A_197, %get3A_178, %dot_general3A_198 {dimension_numbers = #tpu.dot_dimension_numbers<[1], [0], [0], [1], [0, 0, 1, 1], [], []>, transpose_lhs_hint = false} : vector<512x512xf32>, vector<512x64xf32>, vector<512x64xf32> -> vector<512x64xf32>
    %swap3A_200 = arith.constant 0 : index
    %swap3A_201 = arith.constant 192 : index
    %swap3A_202 = vector.load %arg12[%swap3A_200, %swap3A_201] : memref<1024x1024xf32, #tpu.memory_space<vmem>>, vector<512x64xf32>
    tpu.vector_store %arg12[%swap3A_200, %swap3A_201], %dot_general3A_199 {strides = array<i32>} : memref<1024x1024xf32, #tpu.memory_space<vmem>>, vector<512x64xf32>,
    %get3A_203 = arith.constant 0 : index
    %get3A_204 = arith.constant 256 : index
    %get3A_205 = vector.load %arg9[%get3A_203, %get3A_204] : memref<1024x1024xf32, #tpu.memory_space<vmem>>, vector<512x64xf32>
    %get3A_206 = arith.constant 0 : index
    %get3A_207 = arith.constant 256 : index
    %get3A_208 = vector.load %arg10[%get3A_206, %get3A_207] : memref<1024x1024xf32, #tpu.memory_space<vmem>>, vector<512x64xf32>
    %get3A_209 = arith.constant 0 : index
    %get3A_210 = arith.constant 256 : index
    %get3A_211 = vector.load %arg11[%get3A_209, %get3A_210] : memref<1024x1024xf32, #tpu.memory_space<vmem>>, vector<512x64xf32>
    %dot_general3A_212 = arith.constant dense<0.000000e+00> : vector<512x512xf32>
    %dot_general3A_213 = tpu.matmul %get3A_205, %get3A_208, %dot_general3A_212 {dimension_numbers = #tpu.dot_dimension_numbers<[1], [1], [0], [0], [0, 0, 1, 0], [], []>, transpose_lhs_hint = false} : vector<512x64xf32>, vector<512x64xf32>, vector<512x512xf32> -> vector<512x512xf32>
    %mul3A_214 = arith.constant 1.250000e-01 : f32
    %mul3A_215 = vector.broadcast %mul3A_214 : f32 to vector<512x512xf32>
    %mul3A_216 = arith.mulf %dot_general3A_213, %mul3A_215 : vector<512x512xf32>
    %jit3A_217 = arith.constant -1.000000e+09 : f32
    %broadcast_in_dim3A_218 = vector.broadcast %jit3A_217 : f32 to vector<512x512xf32>
    %select_n3A_219 = arith.select %le3A, %mul3A_216, %broadcast_in_dim3A_218 : vector<512x512xi1>, vector<512x512xf32>
    %reduce_max3A_220 = arith.constant dense<0xFF800000> : vector<512xf32>
    %reduce_max3A_221 = vector.multi_reduction <maximumf>, %select_n3A_219, %reduce_max3A_220 [1] : vector<512x512xf32> to vector<512xf32>
    %broadcast_in_dim3A_222 = vector.shape_cast %reduce_max3A_221 : vector<512xf32> to vector<512x1xf32>
    %sub3A_223 = vector.broadcast %broadcast_in_dim3A_222 : vector<512x1xf32> to vector<512x512xf32>
    %sub3A_224 = arith.subf %select_n3A_219, %sub3A_223 : vector<512x512xf32>
    %exp3A_225 = math.exp %sub3A_224 : vector<512x512xf32>
    %reduce_sum3A_226 = arith.constant dense<0.000000e+00> : vector<512xf32>
    %reduce_sum3A_227 = vector.multi_reduction <add>, %exp3A_225, %reduce_sum3A_226 [1] : vector<512x512xf32> to vector<512xf32>
    %broadcast_in_dim3A_228 = vector.shape_cast %reduce_sum3A_227 : vector<512xf32> to vector<512x1xf32>
    %div3A_229 = vector.broadcast %broadcast_in_dim3A_228 : vector<512x1xf32> to vector<512x512xf32>
    %div3A_230 = arith.divf %exp3A_225, %div3A_229 : vector<512x512xf32>
    %dot_general3A_231 = arith.constant dense<0.000000e+00> : vector<512x64xf32>
    %dot_general3A_232 = tpu.matmul %div3A_230, %get3A_211, %dot_general3A_231 {dimension_numbers = #tpu.dot_dimension_numbers<[1], [0], [0], [1], [0, 0, 1, 1], [], []>, transpose_lhs_hint = false} : vector<512x512xf32>, vector<512x64xf32>, vector<512x64xf32> -> vector<512x64xf32>
    %swap3A_233 = arith.constant 0 : index
    %swap3A_234 = arith.constant 256 : index
    %swap3A_235 = vector.load %arg12[%swap3A_233, %swap3A_234] : memref<1024x1024xf32, #tpu.memory_space<vmem>>, vector<512x64xf32>
    tpu.vector_store %arg12[%swap3A_233, %swap3A_234], %dot_general3A_232 {strides = array<i32>} : memref<1024x1024xf32, #tpu.memory_space<vmem>>, vector<512x64xf32>,
    %get3A_236 = arith.constant 0 : index
    %get3A_237 = arith.constant 320 : index
    %get3A_238 = vector.load %arg9[%get3A_236, %get3A_237] : memref<1024x1024xf32, #tpu.memory_space<vmem>>, vector<512x64xf32>
    %get3A_239 = arith.constant 0 : index
    %get3A_240 = arith.constant 320 : index
    %get3A_241 = vector.load %arg10[%get3A_239, %get3A_240] : memref<1024x1024xf32, #tpu.memory_space<vmem>>, vector<512x64xf32>
    %get3A_242 = arith.constant 0 : index
    %get3A_243 = arith.constant 320 : index
    %get3A_244 = vector.load %arg11[%get3A_242, %get3A_243] : memref<1024x1024xf32, #tpu.memory_space<vmem>>, vector<512x64xf32>
    %dot_general3A_245 = arith.constant dense<0.000000e+00> : vector<512x512xf32>
    %dot_general3A_246 = tpu.matmul %get3A_238, %get3A_241, %dot_general3A_245 {dimension_numbers = #tpu.dot_dimension_numbers<[1], [1], [0], [0], [0, 0, 1, 0], [], []>, transpose_lhs_hint = false} : vector<512x64xf32>, vector<512x64xf32>, vector<512x512xf32> -> vector<512x512xf32>
    %mul3A_247 = arith.constant 1.250000e-01 : f32
    %mul3A_248 = vector.broadcast %mul3A_247 : f32 to vector<512x512xf32>
    %mul3A_249 = arith.mulf %dot_general3A_246, %mul3A_248 : vector<512x512xf32>
    %jit3A_250 = arith.constant -1.000000e+09 : f32
    %broadcast_in_dim3A_251 = vector.broadcast %jit3A_250 : f32 to vector<512x512xf32>
    %select_n3A_252 = arith.select %le3A, %mul3A_249, %broadcast_in_dim3A_251 : vector<512x512xi1>, vector<512x512xf32>
    %reduce_max3A_253 = arith.constant dense<0xFF800000> : vector<512xf32>
    %reduce_max3A_254 = vector.multi_reduction <maximumf>, %select_n3A_252, %reduce_max3A_253 [1] : vector<512x512xf32> to vector<512xf32>
    %broadcast_in_dim3A_255 = vector.shape_cast %reduce_max3A_254 : vector<512xf32> to vector<512x1xf32>
    %sub3A_256 = vector.broadcast %broadcast_in_dim3A_255 : vector<512x1xf32> to vector<512x512xf32>
    %sub3A_257 = arith.subf %select_n3A_252, %sub3A_256 : vector<512x512xf32>
    %exp3A_258 = math.exp %sub3A_257 : vector<512x512xf32>
    %reduce_sum3A_259 = arith.constant dense<0.000000e+00> : vector<512xf32>
    %reduce_sum3A_260 = vector.multi_reduction <add>, %exp3A_258, %reduce_sum3A_259 [1] : vector<512x512xf32> to vector<512xf32>
    %broadcast_in_dim3A_261 = vector.shape_cast %reduce_sum3A_260 : vector<512xf32> to vector<512x1xf32>
    %div3A_262 = vector.broadcast %broadcast_in_dim3A_261 : vector<512x1xf32> to vector<512x512xf32>
    %div3A_263 = arith.divf %exp3A_258, %div3A_262 : vector<512x512xf32>
    %dot_general3A_264 = arith.constant dense<0.000000e+00> : vector<512x64xf32>
    %dot_general3A_265 = tpu.matmul %div3A_263, %get3A_244, %dot_general3A_264 {dimension_numbers = #tpu.dot_dimension_numbers<[1], [0], [0], [1], [0, 0, 1, 1], [], []>, transpose_lhs_hint = false} : vector<512x512xf32>, vector<512x64xf32>, vector<512x64xf32> -> vector<512x64xf32>
    %swap3A_266 = arith.constant 0 : index
    %swap3A_267 = arith.constant 320 : index
    %swap3A_268 = vector.load %arg12[%swap3A_266, %swap3A_267] : memref<1024x1024xf32, #tpu.memory_space<vmem>>, vector<512x64xf32>
    tpu.vector_store %arg12[%swap3A_266, %swap3A_267], %dot_general3A_265 {strides = array<i32>} : memref<1024x1024xf32, #tpu.memory_space<vmem>>, vector<512x64xf32>,
    %get3A_269 = arith.constant 0 : index
    %get3A_270 = arith.constant 384 : index
    %get3A_271 = vector.load %arg9[%get3A_269, %get3A_270] : memref<1024x1024xf32, #tpu.memory_space<vmem>>, vector<512x64xf32>
    %get3A_272 = arith.constant 0 : index
    %get3A_273 = arith.constant 384 : index
    %get3A_274 = vector.load %arg10[%get3A_272, %get3A_273] : memref<1024x1024xf32, #tpu.memory_space<vmem>>, vector<512x64xf32>
    %get3A_275 = arith.constant 0 : index
    %get3A_276 = arith.constant 384 : index
    %get3A_277 = vector.load %arg11[%get3A_275, %get3A_276] : memref<1024x1024xf32, #tpu.memory_space<vmem>>, vector<512x64xf32>
    %dot_general3A_278 = arith.constant dense<0.000000e+00> : vector<512x512xf32>
    %dot_general3A_279 = tpu.matmul %get3A_271, %get3A_274, %dot_general3A_278 {dimension_numbers = #tpu.dot_dimension_numbers<[1], [1], [0], [0], [0, 0, 1, 0], [], []>, transpose_lhs_hint = false} : vector<512x64xf32>, vector<512x64xf32>, vector<512x512xf32> -> vector<512x512xf32>
    %mul3A_280 = arith.constant 1.250000e-01 : f32
    %mul3A_281 = vector.broadcast %mul3A_280 : f32 to vector<512x512xf32>
    %mul3A_282 = arith.mulf %dot_general3A_279, %mul3A_281 : vector<512x512xf32>
    %jit3A_283 = arith.constant -1.000000e+09 : f32
    %broadcast_in_dim3A_284 = vector.broadcast %jit3A_283 : f32 to vector<512x512xf32>
    %select_n3A_285 = arith.select %le3A, %mul3A_282, %broadcast_in_dim3A_284 : vector<512x512xi1>, vector<512x512xf32>
    %reduce_max3A_286 = arith.constant dense<0xFF800000> : vector<512xf32>
    %reduce_max3A_287 = vector.multi_reduction <maximumf>, %select_n3A_285, %reduce_max3A_286 [1] : vector<512x512xf32> to vector<512xf32>
    %broadcast_in_dim3A_288 = vector.shape_cast %reduce_max3A_287 : vector<512xf32> to vector<512x1xf32>
    %sub3A_289 = vector.broadcast %broadcast_in_dim3A_288 : vector<512x1xf32> to vector<512x512xf32>
    %sub3A_290 = arith.subf %select_n3A_285, %sub3A_289 : vector<512x512xf32>
    %exp3A_291 = math.exp %sub3A_290 : vector<512x512xf32>
    %reduce_sum3A_292 = arith.constant dense<0.000000e+00> : vector<512xf32>
    %reduce_sum3A_293 = vector.multi_reduction <add>, %exp3A_291, %reduce_sum3A_292 [1] : vector<512x512xf32> to vector<512xf32>
    %broadcast_in_dim3A_294 = vector.shape_cast %reduce_sum3A_293 : vector<512xf32> to vector<512x1xf32>
    %div3A_295 = vector.broadcast %broadcast_in_dim3A_294 : vector<512x1xf32> to vector<512x512xf32>
    %div3A_296 = arith.divf %exp3A_291, %div3A_295 : vector<512x512xf32>
    %dot_general3A_297 = arith.constant dense<0.000000e+00> : vector<512x64xf32>
    %dot_general3A_298 = tpu.matmul %div3A_296, %get3A_277, %dot_general3A_297 {dimension_numbers = #tpu.dot_dimension_numbers<[1], [0], [0], [1], [0, 0, 1, 1], [], []>, transpose_lhs_hint = false} : vector<512x512xf32>, vector<512x64xf32>, vector<512x64xf32> -> vector<512x64xf32>
    %swap3A_299 = arith.constant 0 : index
    %swap3A_300 = arith.constant 384 : index
    %swap3A_301 = vector.load %arg12[%swap3A_299, %swap3A_300] : memref<1024x1024xf32, #tpu.memory_space<vmem>>, vector<512x64xf32>
    tpu.vector_store %arg12[%swap3A_299, %swap3A_300], %dot_general3A_298 {strides = array<i32>} : memref<1024x1024xf32, #tpu.memory_space<vmem>>, vector<512x64xf32>,
    %get3A_302 = arith.constant 0 : index
    %get3A_303 = arith.constant 448 : index
    %get3A_304 = vector.load %arg9[%get3A_302, %get3A_303] : memref<1024x1024xf32, #tpu.memory_space<vmem>>, vector<512x64xf32>
    %get3A_305 = arith.constant 0 : index
    %get3A_306 = arith.constant 448 : index
    %get3A_307 = vector.load %arg10[%get3A_305, %get3A_306] : memref<1024x1024xf32, #tpu.memory_space<vmem>>, vector<512x64xf32>
    %get3A_308 = arith.constant 0 : index
    %get3A_309 = arith.constant 448 : index
    %get3A_310 = vector.load %arg11[%get3A_308, %get3A_309] : memref<1024x1024xf32, #tpu.memory_space<vmem>>, vector<512x64xf32>
    %dot_general3A_311 = arith.constant dense<0.000000e+00> : vector<512x512xf32>
    %dot_general3A_312 = tpu.matmul %get3A_304, %get3A_307, %dot_general3A_311 {dimension_numbers = #tpu.dot_dimension_numbers<[1], [1], [0], [0], [0, 0, 1, 0], [], []>, transpose_lhs_hint = false} : vector<512x64xf32>, vector<512x64xf32>, vector<512x512xf32> -> vector<512x512xf32>
    %mul3A_313 = arith.constant 1.250000e-01 : f32
    %mul3A_314 = vector.broadcast %mul3A_313 : f32 to vector<512x512xf32>
    %mul3A_315 = arith.mulf %dot_general3A_312, %mul3A_314 : vector<512x512xf32>
    %jit3A_316 = arith.constant -1.000000e+09 : f32
    %broadcast_in_dim3A_317 = vector.broadcast %jit3A_316 : f32 to vector<512x512xf32>
    %select_n3A_318 = arith.select %le3A, %mul3A_315, %broadcast_in_dim3A_317 : vector<512x512xi1>, vector<512x512xf32>
    %reduce_max3A_319 = arith.constant dense<0xFF800000> : vector<512xf32>
    %reduce_max3A_320 = vector.multi_reduction <maximumf>, %select_n3A_318, %reduce_max3A_319 [1] : vector<512x512xf32> to vector<512xf32>
    %broadcast_in_dim3A_321 = vector.shape_cast %reduce_max3A_320 : vector<512xf32> to vector<512x1xf32>
    %sub3A_322 = vector.broadcast %broadcast_in_dim3A_321 : vector<512x1xf32> to vector<512x512xf32>
    %sub3A_323 = arith.subf %select_n3A_318, %sub3A_322 : vector<512x512xf32>
    %exp3A_324 = math.exp %sub3A_323 : vector<512x512xf32>
    %reduce_sum3A_325 = arith.constant dense<0.000000e+00> : vector<512xf32>
    %reduce_sum3A_326 = vector.multi_reduction <add>, %exp3A_324, %reduce_sum3A_325 [1] : vector<512x512xf32> to vector<512xf32>
    %broadcast_in_dim3A_327 = vector.shape_cast %reduce_sum3A_326 : vector<512xf32> to vector<512x1xf32>
    %div3A_328 = vector.broadcast %broadcast_in_dim3A_327 : vector<512x1xf32> to vector<512x512xf32>
    %div3A_329 = arith.divf %exp3A_324, %div3A_328 : vector<512x512xf32>
    %dot_general3A_330 = arith.constant dense<0.000000e+00> : vector<512x64xf32>
    %dot_general3A_331 = tpu.matmul %div3A_329, %get3A_310, %dot_general3A_330 {dimension_numbers = #tpu.dot_dimension_numbers<[1], [0], [0], [1], [0, 0, 1, 1], [], []>, transpose_lhs_hint = false} : vector<512x512xf32>, vector<512x64xf32>, vector<512x64xf32> -> vector<512x64xf32>
    %swap3A_332 = arith.constant 0 : index
    %swap3A_333 = arith.constant 448 : index
    %swap3A_334 = vector.load %arg12[%swap3A_332, %swap3A_333] : memref<1024x1024xf32, #tpu.memory_space<vmem>>, vector<512x64xf32>
    tpu.vector_store %arg12[%swap3A_332, %swap3A_333], %dot_general3A_331 {strides = array<i32>} : memref<1024x1024xf32, #tpu.memory_space<vmem>>, vector<512x64xf32>,
    %get3A_335 = arith.constant 0 : index
    %get3A_336 = arith.constant 512 : index
    %get3A_337 = vector.load %arg9[%get3A_335, %get3A_336] : memref<1024x1024xf32, #tpu.memory_space<vmem>>, vector<512x64xf32>
    %get3A_338 = arith.constant 0 : index
    %get3A_339 = arith.constant 512 : index
    %get3A_340 = vector.load %arg10[%get3A_338, %get3A_339] : memref<1024x1024xf32, #tpu.memory_space<vmem>>, vector<512x64xf32>
    %get3A_341 = arith.constant 0 : index
    %get3A_342 = arith.constant 512 : index
    %get3A_343 = vector.load %arg11[%get3A_341, %get3A_342] : memref<1024x1024xf32, #tpu.memory_space<vmem>>, vector<512x64xf32>
    %dot_general3A_344 = arith.constant dense<0.000000e+00> : vector<512x512xf32>
    %dot_general3A_345 = tpu.matmul %get3A_337, %get3A_340, %dot_general3A_344 {dimension_numbers = #tpu.dot_dimension_numbers<[1], [1], [0], [0], [0, 0, 1, 0], [], []>, transpose_lhs_hint = false} : vector<512x64xf32>, vector<512x64xf32>, vector<512x512xf32> -> vector<512x512xf32>
    %mul3A_346 = arith.constant 1.250000e-01 : f32
    %mul3A_347 = vector.broadcast %mul3A_346 : f32 to vector<512x512xf32>
    %mul3A_348 = arith.mulf %dot_general3A_345, %mul3A_347 : vector<512x512xf32>
    %jit3A_349 = arith.constant -1.000000e+09 : f32
    %broadcast_in_dim3A_350 = vector.broadcast %jit3A_349 : f32 to vector<512x512xf32>
    %select_n3A_351 = arith.select %le3A, %mul3A_348, %broadcast_in_dim3A_350 : vector<512x512xi1>, vector<512x512xf32>
    %reduce_max3A_352 = arith.constant dense<0xFF800000> : vector<512xf32>
    %reduce_max3A_353 = vector.multi_reduction <maximumf>, %select_n3A_351, %reduce_max3A_352 [1] : vector<512x512xf32> to vector<512xf32>
    %broadcast_in_dim3A_354 = vector.shape_cast %reduce_max3A_353 : vector<512xf32> to vector<512x1xf32>
    %sub3A_355 = vector.broadcast %broadcast_in_dim3A_354 : vector<512x1xf32> to vector<512x512xf32>
    %sub3A_356 = arith.subf %select_n3A_351, %sub3A_355 : vector<512x512xf32>
    %exp3A_357 = math.exp %sub3A_356 : vector<512x512xf32>
    %reduce_sum3A_358 = arith.constant dense<0.000000e+00> : vector<512xf32>
    %reduce_sum3A_359 = vector.multi_reduction <add>, %exp3A_357, %reduce_sum3A_358 [1] : vector<512x512xf32> to vector<512xf32>
    %broadcast_in_dim3A_360 = vector.shape_cast %reduce_sum3A_359 : vector<512xf32> to vector<512x1xf32>
    %div3A_361 = vector.broadcast %broadcast_in_dim3A_360 : vector<512x1xf32> to vector<512x512xf32>
    %div3A_362 = arith.divf %exp3A_357, %div3A_361 : vector<512x512xf32>
    %dot_general3A_363 = arith.constant dense<0.000000e+00> : vector<512x64xf32>
    %dot_general3A_364 = tpu.matmul %div3A_362, %get3A_343, %dot_general3A_363 {dimension_numbers = #tpu.dot_dimension_numbers<[1], [0], [0], [1], [0, 0, 1, 1], [], []>, transpose_lhs_hint = false} : vector<512x512xf32>, vector<512x64xf32>, vector<512x64xf32> -> vector<512x64xf32>
    %swap3A_365 = arith.constant 0 : index
    %swap3A_366 = arith.constant 512 : index
    %swap3A_367 = vector.load %arg12[%swap3A_365, %swap3A_366] : memref<1024x1024xf32, #tpu.memory_space<vmem>>, vector<512x64xf32>
    tpu.vector_store %arg12[%swap3A_365, %swap3A_366], %dot_general3A_364 {strides = array<i32>} : memref<1024x1024xf32, #tpu.memory_space<vmem>>, vector<512x64xf32>,
    %get3A_368 = arith.constant 0 : index
    %get3A_369 = arith.constant 576 : index
    %get3A_370 = vector.load %arg9[%get3A_368, %get3A_369] : memref<1024x1024xf32, #tpu.memory_space<vmem>>, vector<512x64xf32>
    %get3A_371 = arith.constant 0 : index
    %get3A_372 = arith.constant 576 : index
    %get3A_373 = vector.load %arg10[%get3A_371, %get3A_372] : memref<1024x1024xf32, #tpu.memory_space<vmem>>, vector<512x64xf32>
    %get3A_374 = arith.constant 0 : index
    %get3A_375 = arith.constant 576 : index
    %get3A_376 = vector.load %arg11[%get3A_374, %get3A_375] : memref<1024x1024xf32, #tpu.memory_space<vmem>>, vector<512x64xf32>
    %dot_general3A_377 = arith.constant dense<0.000000e+00> : vector<512x512xf32>
    %dot_general3A_378 = tpu.matmul %get3A_370, %get3A_373, %dot_general3A_377 {dimension_numbers = #tpu.dot_dimension_numbers<[1], [1], [0], [0], [0, 0, 1, 0], [], []>, transpose_lhs_hint = false} : vector<512x64xf32>, vector<512x64xf32>, vector<512x512xf32> -> vector<512x512xf32>
    %mul3A_379 = arith.constant 1.250000e-01 : f32
    %mul3A_380 = vector.broadcast %mul3A_379 : f32 to vector<512x512xf32>
    %mul3A_381 = arith.mulf %dot_general3A_378, %mul3A_380 : vector<512x512xf32>
    %jit3A_382 = arith.constant -1.000000e+09 : f32
    %broadcast_in_dim3A_383 = vector.broadcast %jit3A_382 : f32 to vector<512x512xf32>
    %select_n3A_384 = arith.select %le3A, %mul3A_381, %broadcast_in_dim3A_383 : vector<512x512xi1>, vector<512x512xf32>
    %reduce_max3A_385 = arith.constant dense<0xFF800000> : vector<512xf32>
    %reduce_max3A_386 = vector.multi_reduction <maximumf>, %select_n3A_384, %reduce_max3A_385 [1] : vector<512x512xf32> to vector<512xf32>
    %broadcast_in_dim3A_387 = vector.shape_cast %reduce_max3A_386 : vector<512xf32> to vector<512x1xf32>
    %sub3A_388 = vector.broadcast %broadcast_in_dim3A_387 : vector<512x1xf32> to vector<512x512xf32>
    %sub3A_389 = arith.subf %select_n3A_384, %sub3A_388 : vector<512x512xf32>
    %exp3A_390 = math.exp %sub3A_389 : vector<512x512xf32>
    %reduce_sum3A_391 = arith.constant dense<0.000000e+00> : vector<512xf32>
    %reduce_sum3A_392 = vector.multi_reduction <add>, %exp3A_390, %reduce_sum3A_391 [1] : vector<512x512xf32> to vector<512xf32>
    %broadcast_in_dim3A_393 = vector.shape_cast %reduce_sum3A_392 : vector<512xf32> to vector<512x1xf32>
    %div3A_394 = vector.broadcast %broadcast_in_dim3A_393 : vector<512x1xf32> to vector<512x512xf32>
    %div3A_395 = arith.divf %exp3A_390, %div3A_394 : vector<512x512xf32>
    %dot_general3A_396 = arith.constant dense<0.000000e+00> : vector<512x64xf32>
    %dot_general3A_397 = tpu.matmul %div3A_395, %get3A_376, %dot_general3A_396 {dimension_numbers = #tpu.dot_dimension_numbers<[1], [0], [0], [1], [0, 0, 1, 1], [], []>, transpose_lhs_hint = false} : vector<512x512xf32>, vector<512x64xf32>, vector<512x64xf32> -> vector<512x64xf32>
    %swap3A_398 = arith.constant 0 : index
    %swap3A_399 = arith.constant 576 : index
    %swap3A_400 = vector.load %arg12[%swap3A_398, %swap3A_399] : memref<1024x1024xf32, #tpu.memory_space<vmem>>, vector<512x64xf32>
    tpu.vector_store %arg12[%swap3A_398, %swap3A_399], %dot_general3A_397 {strides = array<i32>} : memref<1024x1024xf32, #tpu.memory_space<vmem>>, vector<512x64xf32>,
    %get3A_401 = arith.constant 0 : index
    %get3A_402 = arith.constant 640 : index
    %get3A_403 = vector.load %arg9[%get3A_401, %get3A_402] : memref<1024x1024xf32, #tpu.memory_space<vmem>>, vector<512x64xf32>
    %get3A_404 = arith.constant 0 : index
    %get3A_405 = arith.constant 640 : index
    %get3A_406 = vector.load %arg10[%get3A_404, %get3A_405] : memref<1024x1024xf32, #tpu.memory_space<vmem>>, vector<512x64xf32>
    %get3A_407 = arith.constant 0 : index
    %get3A_408 = arith.constant 640 : index
    %get3A_409 = vector.load %arg11[%get3A_407, %get3A_408] : memref<1024x1024xf32, #tpu.memory_space<vmem>>, vector<512x64xf32>
    %dot_general3A_410 = arith.constant dense<0.000000e+00> : vector<512x512xf32>
    %dot_general3A_411 = tpu.matmul %get3A_403, %get3A_406, %dot_general3A_410 {dimension_numbers = #tpu.dot_dimension_numbers<[1], [1], [0], [0], [0, 0, 1, 0], [], []>, transpose_lhs_hint = false} : vector<512x64xf32>, vector<512x64xf32>, vector<512x512xf32> -> vector<512x512xf32>
    %mul3A_412 = arith.constant 1.250000e-01 : f32
    %mul3A_413 = vector.broadcast %mul3A_412 : f32 to vector<512x512xf32>
    %mul3A_414 = arith.mulf %dot_general3A_411, %mul3A_413 : vector<512x512xf32>
    %jit3A_415 = arith.constant -1.000000e+09 : f32
    %broadcast_in_dim3A_416 = vector.broadcast %jit3A_415 : f32 to vector<512x512xf32>
    %select_n3A_417 = arith.select %le3A, %mul3A_414, %broadcast_in_dim3A_416 : vector<512x512xi1>, vector<512x512xf32>
    %reduce_max3A_418 = arith.constant dense<0xFF800000> : vector<512xf32>
    %reduce_max3A_419 = vector.multi_reduction <maximumf>, %select_n3A_417, %reduce_max3A_418 [1] : vector<512x512xf32> to vector<512xf32>
    %broadcast_in_dim3A_420 = vector.shape_cast %reduce_max3A_419 : vector<512xf32> to vector<512x1xf32>
    %sub3A_421 = vector.broadcast %broadcast_in_dim3A_420 : vector<512x1xf32> to vector<512x512xf32>
    %sub3A_422 = arith.subf %select_n3A_417, %sub3A_421 : vector<512x512xf32>
    %exp3A_423 = math.exp %sub3A_422 : vector<512x512xf32>
    %reduce_sum3A_424 = arith.constant dense<0.000000e+00> : vector<512xf32>
    %reduce_sum3A_425 = vector.multi_reduction <add>, %exp3A_423, %reduce_sum3A_424 [1] : vector<512x512xf32> to vector<512xf32>
    %broadcast_in_dim3A_426 = vector.shape_cast %reduce_sum3A_425 : vector<512xf32> to vector<512x1xf32>
    %div3A_427 = vector.broadcast %broadcast_in_dim3A_426 : vector<512x1xf32> to vector<512x512xf32>
    %div3A_428 = arith.divf %exp3A_423, %div3A_427 : vector<512x512xf32>
    %dot_general3A_429 = arith.constant dense<0.000000e+00> : vector<512x64xf32>
    %dot_general3A_430 = tpu.matmul %div3A_428, %get3A_409, %dot_general3A_429 {dimension_numbers = #tpu.dot_dimension_numbers<[1], [0], [0], [1], [0, 0, 1, 1], [], []>, transpose_lhs_hint = false} : vector<512x512xf32>, vector<512x64xf32>, vector<512x64xf32> -> vector<512x64xf32>
    %swap3A_431 = arith.constant 0 : index
    %swap3A_432 = arith.constant 640 : index
    %swap3A_433 = vector.load %arg12[%swap3A_431, %swap3A_432] : memref<1024x1024xf32, #tpu.memory_space<vmem>>, vector<512x64xf32>
    tpu.vector_store %arg12[%swap3A_431, %swap3A_432], %dot_general3A_430 {strides = array<i32>} : memref<1024x1024xf32, #tpu.memory_space<vmem>>, vector<512x64xf32>,
    %get3A_434 = arith.constant 0 : index
    %get3A_435 = arith.constant 704 : index
    %get3A_436 = vector.load %arg9[%get3A_434, %get3A_435] : memref<1024x1024xf32, #tpu.memory_space<vmem>>, vector<512x64xf32>
    %get3A_437 = arith.constant 0 : index
    %get3A_438 = arith.constant 704 : index
    %get3A_439 = vector.load %arg10[%get3A_437, %get3A_438] : memref<1024x1024xf32, #tpu.memory_space<vmem>>, vector<512x64xf32>
    %get3A_440 = arith.constant 0 : index
    %get3A_441 = arith.constant 704 : index
    %get3A_442 = vector.load %arg11[%get3A_440, %get3A_441] : memref<1024x1024xf32, #tpu.memory_space<vmem>>, vector<512x64xf32>
    %dot_general3A_443 = arith.constant dense<0.000000e+00> : vector<512x512xf32>
    %dot_general3A_444 = tpu.matmul %get3A_436, %get3A_439, %dot_general3A_443 {dimension_numbers = #tpu.dot_dimension_numbers<[1], [1], [0], [0], [0, 0, 1, 0], [], []>, transpose_lhs_hint = false} : vector<512x64xf32>, vector<512x64xf32>, vector<512x512xf32> -> vector<512x512xf32>
    %mul3A_445 = arith.constant 1.250000e-01 : f32
    %mul3A_446 = vector.broadcast %mul3A_445 : f32 to vector<512x512xf32>
    %mul3A_447 = arith.mulf %dot_general3A_444, %mul3A_446 : vector<512x512xf32>
    %jit3A_448 = arith.constant -1.000000e+09 : f32
    %broadcast_in_dim3A_449 = vector.broadcast %jit3A_448 : f32 to vector<512x512xf32>
    %select_n3A_450 = arith.select %le3A, %mul3A_447, %broadcast_in_dim3A_449 : vector<512x512xi1>, vector<512x512xf32>
    %reduce_max3A_451 = arith.constant dense<0xFF800000> : vector<512xf32>
    %reduce_max3A_452 = vector.multi_reduction <maximumf>, %select_n3A_450, %reduce_max3A_451 [1] : vector<512x512xf32> to vector<512xf32>
    %broadcast_in_dim3A_453 = vector.shape_cast %reduce_max3A_452 : vector<512xf32> to vector<512x1xf32>
    %sub3A_454 = vector.broadcast %broadcast_in_dim3A_453 : vector<512x1xf32> to vector<512x512xf32>
    %sub3A_455 = arith.subf %select_n3A_450, %sub3A_454 : vector<512x512xf32>
    %exp3A_456 = math.exp %sub3A_455 : vector<512x512xf32>
    %reduce_sum3A_457 = arith.constant dense<0.000000e+00> : vector<512xf32>
    %reduce_sum3A_458 = vector.multi_reduction <add>, %exp3A_456, %reduce_sum3A_457 [1] : vector<512x512xf32> to vector<512xf32>
    %broadcast_in_dim3A_459 = vector.shape_cast %reduce_sum3A_458 : vector<512xf32> to vector<512x1xf32>
    %div3A_460 = vector.broadcast %broadcast_in_dim3A_459 : vector<512x1xf32> to vector<512x512xf32>
    %div3A_461 = arith.divf %exp3A_456, %div3A_460 : vector<512x512xf32>
    %dot_general3A_462 = arith.constant dense<0.000000e+00> : vector<512x64xf32>
    %dot_general3A_463 = tpu.matmul %div3A_461, %get3A_442, %dot_general3A_462 {dimension_numbers = #tpu.dot_dimension_numbers<[1], [0], [0], [1], [0, 0, 1, 1], [], []>, transpose_lhs_hint = false} : vector<512x512xf32>, vector<512x64xf32>, vector<512x64xf32> -> vector<512x64xf32>
    %swap3A_464 = arith.constant 0 : index
    %swap3A_465 = arith.constant 704 : index
    %swap3A_466 = vector.load %arg12[%swap3A_464, %swap3A_465] : memref<1024x1024xf32, #tpu.memory_space<vmem>>, vector<512x64xf32>
    tpu.vector_store %arg12[%swap3A_464, %swap3A_465], %dot_general3A_463 {strides = array<i32>} : memref<1024x1024xf32, #tpu.memory_space<vmem>>, vector<512x64xf32>,
    %get3A_467 = arith.constant 0 : index
    %get3A_468 = arith.constant 768 : index
    %get3A_469 = vector.load %arg9[%get3A_467, %get3A_468] : memref<1024x1024xf32, #tpu.memory_space<vmem>>, vector<512x64xf32>
    %get3A_470 = arith.constant 0 : index
    %get3A_471 = arith.constant 768 : index
    %get3A_472 = vector.load %arg10[%get3A_470, %get3A_471] : memref<1024x1024xf32, #tpu.memory_space<vmem>>, vector<512x64xf32>
    %get3A_473 = arith.constant 0 : index
    %get3A_474 = arith.constant 768 : index
    %get3A_475 = vector.load %arg11[%get3A_473, %get3A_474] : memref<1024x1024xf32, #tpu.memory_space<vmem>>, vector<512x64xf32>
    %dot_general3A_476 = arith.constant dense<0.000000e+00> : vector<512x512xf32>
    %dot_general3A_477 = tpu.matmul %get3A_469, %get3A_472, %dot_general3A_476 {dimension_numbers = #tpu.dot_dimension_numbers<[1], [1], [0], [0], [0, 0, 1, 0], [], []>, transpose_lhs_hint = false} : vector<512x64xf32>, vector<512x64xf32>, vector<512x512xf32> -> vector<512x512xf32>
    %mul3A_478 = arith.constant 1.250000e-01 : f32
    %mul3A_479 = vector.broadcast %mul3A_478 : f32 to vector<512x512xf32>
    %mul3A_480 = arith.mulf %dot_general3A_477, %mul3A_479 : vector<512x512xf32>
    %jit3A_481 = arith.constant -1.000000e+09 : f32
    %broadcast_in_dim3A_482 = vector.broadcast %jit3A_481 : f32 to vector<512x512xf32>
    %select_n3A_483 = arith.select %le3A, %mul3A_480, %broadcast_in_dim3A_482 : vector<512x512xi1>, vector<512x512xf32>
    %reduce_max3A_484 = arith.constant dense<0xFF800000> : vector<512xf32>
    %reduce_max3A_485 = vector.multi_reduction <maximumf>, %select_n3A_483, %reduce_max3A_484 [1] : vector<512x512xf32> to vector<512xf32>
    %broadcast_in_dim3A_486 = vector.shape_cast %reduce_max3A_485 : vector<512xf32> to vector<512x1xf32>
    %sub3A_487 = vector.broadcast %broadcast_in_dim3A_486 : vector<512x1xf32> to vector<512x512xf32>
    %sub3A_488 = arith.subf %select_n3A_483, %sub3A_487 : vector<512x512xf32>
    %exp3A_489 = math.exp %sub3A_488 : vector<512x512xf32>
    %reduce_sum3A_490 = arith.constant dense<0.000000e+00> : vector<512xf32>
    %reduce_sum3A_491 = vector.multi_reduction <add>, %exp3A_489, %reduce_sum3A_490 [1] : vector<512x512xf32> to vector<512xf32>
    %broadcast_in_dim3A_492 = vector.shape_cast %reduce_sum3A_491 : vector<512xf32> to vector<512x1xf32>
    %div3A_493 = vector.broadcast %broadcast_in_dim3A_492 : vector<512x1xf32> to vector<512x512xf32>
    %div3A_494 = arith.divf %exp3A_489, %div3A_493 : vector<512x512xf32>
    %dot_general3A_495 = arith.constant dense<0.000000e+00> : vector<512x64xf32>
    %dot_general3A_496 = tpu.matmul %div3A_494, %get3A_475, %dot_general3A_495 {dimension_numbers = #tpu.dot_dimension_numbers<[1], [0], [0], [1], [0, 0, 1, 1], [], []>, transpose_lhs_hint = false} : vector<512x512xf32>, vector<512x64xf32>, vector<512x64xf32> -> vector<512x64xf32>
    %swap3A_497 = arith.constant 0 : index
    %swap3A_498 = arith.constant 768 : index
    %swap3A_499 = vector.load %arg12[%swap3A_497, %swap3A_498] : memref<1024x1024xf32, #tpu.memory_space<vmem>>, vector<512x64xf32>
    tpu.vector_store %arg12[%swap3A_497, %swap3A_498], %dot_general3A_496 {strides = array<i32>} : memref<1024x1024xf32, #tpu.memory_space<vmem>>, vector<512x64xf32>,
    %get3A_500 = arith.constant 0 : index
    %get3A_501 = arith.constant 832 : index
    %get3A_502 = vector.load %arg9[%get3A_500, %get3A_501] : memref<1024x1024xf32, #tpu.memory_space<vmem>>, vector<512x64xf32>
    %get3A_503 = arith.constant 0 : index
    %get3A_504 = arith.constant 832 : index
    %get3A_505 = vector.load %arg10[%get3A_503, %get3A_504] : memref<1024x1024xf32, #tpu.memory_space<vmem>>, vector<512x64xf32>
    %get3A_506 = arith.constant 0 : index
    %get3A_507 = arith.constant 832 : index
    %get3A_508 = vector.load %arg11[%get3A_506, %get3A_507] : memref<1024x1024xf32, #tpu.memory_space<vmem>>, vector<512x64xf32>
    %dot_general3A_509 = arith.constant dense<0.000000e+00> : vector<512x512xf32>
    %dot_general3A_510 = tpu.matmul %get3A_502, %get3A_505, %dot_general3A_509 {dimension_numbers = #tpu.dot_dimension_numbers<[1], [1], [0], [0], [0, 0, 1, 0], [], []>, transpose_lhs_hint = false} : vector<512x64xf32>, vector<512x64xf32>, vector<512x512xf32> -> vector<512x512xf32>
    %mul3A_511 = arith.constant 1.250000e-01 : f32
    %mul3A_512 = vector.broadcast %mul3A_511 : f32 to vector<512x512xf32>
    %mul3A_513 = arith.mulf %dot_general3A_510, %mul3A_512 : vector<512x512xf32>
    %jit3A_514 = arith.constant -1.000000e+09 : f32
    %broadcast_in_dim3A_515 = vector.broadcast %jit3A_514 : f32 to vector<512x512xf32>
    %select_n3A_516 = arith.select %le3A, %mul3A_513, %broadcast_in_dim3A_515 : vector<512x512xi1>, vector<512x512xf32>
    %reduce_max3A_517 = arith.constant dense<0xFF800000> : vector<512xf32>
    %reduce_max3A_518 = vector.multi_reduction <maximumf>, %select_n3A_516, %reduce_max3A_517 [1] : vector<512x512xf32> to vector<512xf32>
    %broadcast_in_dim3A_519 = vector.shape_cast %reduce_max3A_518 : vector<512xf32> to vector<512x1xf32>
    %sub3A_520 = vector.broadcast %broadcast_in_dim3A_519 : vector<512x1xf32> to vector<512x512xf32>
    %sub3A_521 = arith.subf %select_n3A_516, %sub3A_520 : vector<512x512xf32>
    %exp3A_522 = math.exp %sub3A_521 : vector<512x512xf32>
    %reduce_sum3A_523 = arith.constant dense<0.000000e+00> : vector<512xf32>
    %reduce_sum3A_524 = vector.multi_reduction <add>, %exp3A_522, %reduce_sum3A_523 [1] : vector<512x512xf32> to vector<512xf32>
    %broadcast_in_dim3A_525 = vector.shape_cast %reduce_sum3A_524 : vector<512xf32> to vector<512x1xf32>
    %div3A_526 = vector.broadcast %broadcast_in_dim3A_525 : vector<512x1xf32> to vector<512x512xf32>
    %div3A_527 = arith.divf %exp3A_522, %div3A_526 : vector<512x512xf32>
    %dot_general3A_528 = arith.constant dense<0.000000e+00> : vector<512x64xf32>
    %dot_general3A_529 = tpu.matmul %div3A_527, %get3A_508, %dot_general3A_528 {dimension_numbers = #tpu.dot_dimension_numbers<[1], [0], [0], [1], [0, 0, 1, 1], [], []>, transpose_lhs_hint = false} : vector<512x512xf32>, vector<512x64xf32>, vector<512x64xf32> -> vector<512x64xf32>
    %swap3A_530 = arith.constant 0 : index
    %swap3A_531 = arith.constant 832 : index
    %swap3A_532 = vector.load %arg12[%swap3A_530, %swap3A_531] : memref<1024x1024xf32, #tpu.memory_space<vmem>>, vector<512x64xf32>
    tpu.vector_store %arg12[%swap3A_530, %swap3A_531], %dot_general3A_529 {strides = array<i32>} : memref<1024x1024xf32, #tpu.memory_space<vmem>>, vector<512x64xf32>,
    %get3A_533 = arith.constant 0 : index
    %get3A_534 = arith.constant 896 : index
    %get3A_535 = vector.load %arg9[%get3A_533, %get3A_534] : memref<1024x1024xf32, #tpu.memory_space<vmem>>, vector<512x64xf32>
    %get3A_536 = arith.constant 0 : index
    %get3A_537 = arith.constant 896 : index
    %get3A_538 = vector.load %arg10[%get3A_536, %get3A_537] : memref<1024x1024xf32, #tpu.memory_space<vmem>>, vector<512x64xf32>
    %get3A_539 = arith.constant 0 : index
    %get3A_540 = arith.constant 896 : index
    %get3A_541 = vector.load %arg11[%get3A_539, %get3A_540] : memref<1024x1024xf32, #tpu.memory_space<vmem>>, vector<512x64xf32>
    %dot_general3A_542 = arith.constant dense<0.000000e+00> : vector<512x512xf32>
    %dot_general3A_543 = tpu.matmul %get3A_535, %get3A_538, %dot_general3A_542 {dimension_numbers = #tpu.dot_dimension_numbers<[1], [1], [0], [0], [0, 0, 1, 0], [], []>, transpose_lhs_hint = false} : vector<512x64xf32>, vector<512x64xf32>, vector<512x512xf32> -> vector<512x512xf32>
    %mul3A_544 = arith.constant 1.250000e-01 : f32
    %mul3A_545 = vector.broadcast %mul3A_544 : f32 to vector<512x512xf32>
    %mul3A_546 = arith.mulf %dot_general3A_543, %mul3A_545 : vector<512x512xf32>
    %jit3A_547 = arith.constant -1.000000e+09 : f32
    %broadcast_in_dim3A_548 = vector.broadcast %jit3A_547 : f32 to vector<512x512xf32>
    %select_n3A_549 = arith.select %le3A, %mul3A_546, %broadcast_in_dim3A_548 : vector<512x512xi1>, vector<512x512xf32>
    %reduce_max3A_550 = arith.constant dense<0xFF800000> : vector<512xf32>
    %reduce_max3A_551 = vector.multi_reduction <maximumf>, %select_n3A_549, %reduce_max3A_550 [1] : vector<512x512xf32> to vector<512xf32>
    %broadcast_in_dim3A_552 = vector.shape_cast %reduce_max3A_551 : vector<512xf32> to vector<512x1xf32>
    %sub3A_553 = vector.broadcast %broadcast_in_dim3A_552 : vector<512x1xf32> to vector<512x512xf32>
    %sub3A_554 = arith.subf %select_n3A_549, %sub3A_553 : vector<512x512xf32>
    %exp3A_555 = math.exp %sub3A_554 : vector<512x512xf32>
    %reduce_sum3A_556 = arith.constant dense<0.000000e+00> : vector<512xf32>
    %reduce_sum3A_557 = vector.multi_reduction <add>, %exp3A_555, %reduce_sum3A_556 [1] : vector<512x512xf32> to vector<512xf32>
    %broadcast_in_dim3A_558 = vector.shape_cast %reduce_sum3A_557 : vector<512xf32> to vector<512x1xf32>
    %div3A_559 = vector.broadcast %broadcast_in_dim3A_558 : vector<512x1xf32> to vector<512x512xf32>
    %div3A_560 = arith.divf %exp3A_555, %div3A_559 : vector<512x512xf32>
    %dot_general3A_561 = arith.constant dense<0.000000e+00> : vector<512x64xf32>
    %dot_general3A_562 = tpu.matmul %div3A_560, %get3A_541, %dot_general3A_561 {dimension_numbers = #tpu.dot_dimension_numbers<[1], [0], [0], [1], [0, 0, 1, 1], [], []>, transpose_lhs_hint = false} : vector<512x512xf32>, vector<512x64xf32>, vector<512x64xf32> -> vector<512x64xf32>
    %swap3A_563 = arith.constant 0 : index
    %swap3A_564 = arith.constant 896 : index
    %swap3A_565 = vector.load %arg12[%swap3A_563, %swap3A_564] : memref<1024x1024xf32, #tpu.memory_space<vmem>>, vector<512x64xf32>
    tpu.vector_store %arg12[%swap3A_563, %swap3A_564], %dot_general3A_562 {strides = array<i32>} : memref<1024x1024xf32, #tpu.memory_space<vmem>>, vector<512x64xf32>,
    %get3A_566 = arith.constant 0 : index
    %get3A_567 = arith.constant 960 : index
    %get3A_568 = vector.load %arg9[%get3A_566, %get3A_567] : memref<1024x1024xf32, #tpu.memory_space<vmem>>, vector<512x64xf32>
    %get3A_569 = arith.constant 0 : index
    %get3A_570 = arith.constant 960 : index
    %get3A_571 = vector.load %arg10[%get3A_569, %get3A_570] : memref<1024x1024xf32, #tpu.memory_space<vmem>>, vector<512x64xf32>
    %get3A_572 = arith.constant 0 : index
    %get3A_573 = arith.constant 960 : index
    %get3A_574 = vector.load %arg11[%get3A_572, %get3A_573] : memref<1024x1024xf32, #tpu.memory_space<vmem>>, vector<512x64xf32>
    %dot_general3A_575 = arith.constant dense<0.000000e+00> : vector<512x512xf32>
    %dot_general3A_576 = tpu.matmul %get3A_568, %get3A_571, %dot_general3A_575 {dimension_numbers = #tpu.dot_dimension_numbers<[1], [1], [0], [0], [0, 0, 1, 0], [], []>, transpose_lhs_hint = false} : vector<512x64xf32>, vector<512x64xf32>, vector<512x512xf32> -> vector<512x512xf32>
    %mul3A_577 = arith.constant 1.250000e-01 : f32
    %mul3A_578 = vector.broadcast %mul3A_577 : f32 to vector<512x512xf32>
    %mul3A_579 = arith.mulf %dot_general3A_576, %mul3A_578 : vector<512x512xf32>
    %jit3A_580 = arith.constant -1.000000e+09 : f32
    %broadcast_in_dim3A_581 = vector.broadcast %jit3A_580 : f32 to vector<512x512xf32>
    %select_n3A_582 = arith.select %le3A, %mul3A_579, %broadcast_in_dim3A_581 : vector<512x512xi1>, vector<512x512xf32>
    %reduce_max3A_583 = arith.constant dense<0xFF800000> : vector<512xf32>
    %reduce_max3A_584 = vector.multi_reduction <maximumf>, %select_n3A_582, %reduce_max3A_583 [1] : vector<512x512xf32> to vector<512xf32>
    %broadcast_in_dim3A_585 = vector.shape_cast %reduce_max3A_584 : vector<512xf32> to vector<512x1xf32>
    %sub3A_586 = vector.broadcast %broadcast_in_dim3A_585 : vector<512x1xf32> to vector<512x512xf32>
    %sub3A_587 = arith.subf %select_n3A_582, %sub3A_586 : vector<512x512xf32>
    %exp3A_588 = math.exp %sub3A_587 : vector<512x512xf32>
    %reduce_sum3A_589 = arith.constant dense<0.000000e+00> : vector<512xf32>
    %reduce_sum3A_590 = vector.multi_reduction <add>, %exp3A_588, %reduce_sum3A_589 [1] : vector<512x512xf32> to vector<512xf32>
    %broadcast_in_dim3A_591 = vector.shape_cast %reduce_sum3A_590 : vector<512xf32> to vector<512x1xf32>
    %div3A_592 = vector.broadcast %broadcast_in_dim3A_591 : vector<512x1xf32> to vector<512x512xf32>
    %div3A_593 = arith.divf %exp3A_588, %div3A_592 : vector<512x512xf32>
    %dot_general3A_594 = arith.constant dense<0.000000e+00> : vector<512x64xf32>
    %dot_general3A_595 = tpu.matmul %div3A_593, %get3A_574, %dot_general3A_594 {dimension_numbers = #tpu.dot_dimension_numbers<[1], [0], [0], [1], [0, 0, 1, 1], [], []>, transpose_lhs_hint = false} : vector<512x512xf32>, vector<512x64xf32>, vector<512x64xf32> -> vector<512x64xf32>
    %swap3A_596 = arith.constant 0 : index
    %swap3A_597 = arith.constant 960 : index
    %swap3A_598 = vector.load %arg12[%swap3A_596, %swap3A_597] : memref<1024x1024xf32, #tpu.memory_space<vmem>>, vector<512x64xf32>
    tpu.vector_store %arg12[%swap3A_596, %swap3A_597], %dot_general3A_595 {strides = array<i32>} : memref<1024x1024xf32, #tpu.memory_space<vmem>>, vector<512x64xf32>,
    %get3A_599 = arith.constant 512 : index
    %get3A_600 = arith.constant 0 : index
    %get3A_601 = vector.load %arg9[%get3A_599, %get3A_600] : memref<1024x1024xf32, #tpu.memory_space<vmem>>, vector<512x64xf32>
    %get3A_602 = arith.constant 512 : index
    %get3A_603 = arith.constant 0 : index
    %get3A_604 = vector.load %arg10[%get3A_602, %get3A_603] : memref<1024x1024xf32, #tpu.memory_space<vmem>>, vector<512x64xf32>
    %get3A_605 = arith.constant 512 : index
    %get3A_606 = arith.constant 0 : index
    %get3A_607 = vector.load %arg11[%get3A_605, %get3A_606] : memref<1024x1024xf32, #tpu.memory_space<vmem>>, vector<512x64xf32>
    %dot_general3A_608 = arith.constant dense<0.000000e+00> : vector<512x512xf32>
    %dot_general3A_609 = tpu.matmul %get3A_601, %get3A_604, %dot_general3A_608 {dimension_numbers = #tpu.dot_dimension_numbers<[1], [1], [0], [0], [0, 0, 1, 0], [], []>, transpose_lhs_hint = false} : vector<512x64xf32>, vector<512x64xf32>, vector<512x512xf32> -> vector<512x512xf32>
    %mul3A_610 = arith.constant 1.250000e-01 : f32
    %mul3A_611 = vector.broadcast %mul3A_610 : f32 to vector<512x512xf32>
    %mul3A_612 = arith.mulf %dot_general3A_609, %mul3A_611 : vector<512x512xf32>
    %jit3A_613 = arith.constant -1.000000e+09 : f32
    %broadcast_in_dim3A_614 = vector.broadcast %jit3A_613 : f32 to vector<512x512xf32>
    %select_n3A_615 = arith.select %le3A, %mul3A_612, %broadcast_in_dim3A_614 : vector<512x512xi1>, vector<512x512xf32>
    %reduce_max3A_616 = arith.constant dense<0xFF800000> : vector<512xf32>
    %reduce_max3A_617 = vector.multi_reduction <maximumf>, %select_n3A_615, %reduce_max3A_616 [1] : vector<512x512xf32> to vector<512xf32>
    %broadcast_in_dim3A_618 = vector.shape_cast %reduce_max3A_617 : vector<512xf32> to vector<512x1xf32>
    %sub3A_619 = vector.broadcast %broadcast_in_dim3A_618 : vector<512x1xf32> to vector<512x512xf32>
    %sub3A_620 = arith.subf %select_n3A_615, %sub3A_619 : vector<512x512xf32>
    %exp3A_621 = math.exp %sub3A_620 : vector<512x512xf32>
    %reduce_sum3A_622 = arith.constant dense<0.000000e+00> : vector<512xf32>
    %reduce_sum3A_623 = vector.multi_reduction <add>, %exp3A_621, %reduce_sum3A_622 [1] : vector<512x512xf32> to vector<512xf32>
    %broadcast_in_dim3A_624 = vector.shape_cast %reduce_sum3A_623 : vector<512xf32> to vector<512x1xf32>
    %div3A_625 = vector.broadcast %broadcast_in_dim3A_624 : vector<512x1xf32> to vector<512x512xf32>
    %div3A_626 = arith.divf %exp3A_621, %div3A_625 : vector<512x512xf32>
    %dot_general3A_627 = arith.constant dense<0.000000e+00> : vector<512x64xf32>
    %dot_general3A_628 = tpu.matmul %div3A_626, %get3A_607, %dot_general3A_627 {dimension_numbers = #tpu.dot_dimension_numbers<[1], [0], [0], [1], [0, 0, 1, 1], [], []>, transpose_lhs_hint = false} : vector<512x512xf32>, vector<512x64xf32>, vector<512x64xf32> -> vector<512x64xf32>
    %swap3A_629 = arith.constant 512 : index
    %swap3A_630 = arith.constant 0 : index
    %swap3A_631 = vector.load %arg12[%swap3A_629, %swap3A_630] : memref<1024x1024xf32, #tpu.memory_space<vmem>>, vector<512x64xf32>
    tpu.vector_store %arg12[%swap3A_629, %swap3A_630], %dot_general3A_628 {strides = array<i32>} : memref<1024x1024xf32, #tpu.memory_space<vmem>>, vector<512x64xf32>,
    %get3A_632 = arith.constant 512 : index
    %get3A_633 = arith.constant 64 : index
    %get3A_634 = vector.load %arg9[%get3A_632, %get3A_633] : memref<1024x1024xf32, #tpu.memory_space<vmem>>, vector<512x64xf32>
    %get3A_635 = arith.constant 512 : index
    %get3A_636 = arith.constant 64 : index
    %get3A_637 = vector.load %arg10[%get3A_635, %get3A_636] : memref<1024x1024xf32, #tpu.memory_space<vmem>>, vector<512x64xf32>
    %get3A_638 = arith.constant 512 : index
    %get3A_639 = arith.constant 64 : index
    %get3A_640 = vector.load %arg11[%get3A_638, %get3A_639] : memref<1024x1024xf32, #tpu.memory_space<vmem>>, vector<512x64xf32>
    %dot_general3A_641 = arith.constant dense<0.000000e+00> : vector<512x512xf32>
    %dot_general3A_642 = tpu.matmul %get3A_634, %get3A_637, %dot_general3A_641 {dimension_numbers = #tpu.dot_dimension_numbers<[1], [1], [0], [0], [0, 0, 1, 0], [], []>, transpose_lhs_hint = false} : vector<512x64xf32>, vector<512x64xf32>, vector<512x512xf32> -> vector<512x512xf32>
    %mul3A_643 = arith.constant 1.250000e-01 : f32
    %mul3A_644 = vector.broadcast %mul3A_643 : f32 to vector<512x512xf32>
    %mul3A_645 = arith.mulf %dot_general3A_642, %mul3A_644 : vector<512x512xf32>
    %jit3A_646 = arith.constant -1.000000e+09 : f32
    %broadcast_in_dim3A_647 = vector.broadcast %jit3A_646 : f32 to vector<512x512xf32>
    %select_n3A_648 = arith.select %le3A, %mul3A_645, %broadcast_in_dim3A_647 : vector<512x512xi1>, vector<512x512xf32>
    %reduce_max3A_649 = arith.constant dense<0xFF800000> : vector<512xf32>
    %reduce_max3A_650 = vector.multi_reduction <maximumf>, %select_n3A_648, %reduce_max3A_649 [1] : vector<512x512xf32> to vector<512xf32>
    %broadcast_in_dim3A_651 = vector.shape_cast %reduce_max3A_650 : vector<512xf32> to vector<512x1xf32>
    %sub3A_652 = vector.broadcast %broadcast_in_dim3A_651 : vector<512x1xf32> to vector<512x512xf32>
    %sub3A_653 = arith.subf %select_n3A_648, %sub3A_652 : vector<512x512xf32>
    %exp3A_654 = math.exp %sub3A_653 : vector<512x512xf32>
    %reduce_sum3A_655 = arith.constant dense<0.000000e+00> : vector<512xf32>
    %reduce_sum3A_656 = vector.multi_reduction <add>, %exp3A_654, %reduce_sum3A_655 [1] : vector<512x512xf32> to vector<512xf32>
    %broadcast_in_dim3A_657 = vector.shape_cast %reduce_sum3A_656 : vector<512xf32> to vector<512x1xf32>
    %div3A_658 = vector.broadcast %broadcast_in_dim3A_657 : vector<512x1xf32> to vector<512x512xf32>
    %div3A_659 = arith.divf %exp3A_654, %div3A_658 : vector<512x512xf32>
    %dot_general3A_660 = arith.constant dense<0.000000e+00> : vector<512x64xf32>
    %dot_general3A_661 = tpu.matmul %div3A_659, %get3A_640, %dot_general3A_660 {dimension_numbers = #tpu.dot_dimension_numbers<[1], [0], [0], [1], [0, 0, 1, 1], [], []>, transpose_lhs_hint = false} : vector<512x512xf32>, vector<512x64xf32>, vector<512x64xf32> -> vector<512x64xf32>
    %swap3A_662 = arith.constant 512 : index
    %swap3A_663 = arith.constant 64 : index
    %swap3A_664 = vector.load %arg12[%swap3A_662, %swap3A_663] : memref<1024x1024xf32, #tpu.memory_space<vmem>>, vector<512x64xf32>
    tpu.vector_store %arg12[%swap3A_662, %swap3A_663], %dot_general3A_661 {strides = array<i32>} : memref<1024x1024xf32, #tpu.memory_space<vmem>>, vector<512x64xf32>,
    %get3A_665 = arith.constant 512 : index
    %get3A_666 = arith.constant 128 : index
    %get3A_667 = vector.load %arg9[%get3A_665, %get3A_666] : memref<1024x1024xf32, #tpu.memory_space<vmem>>, vector<512x64xf32>
    %get3A_668 = arith.constant 512 : index
    %get3A_669 = arith.constant 128 : index
    %get3A_670 = vector.load %arg10[%get3A_668, %get3A_669] : memref<1024x1024xf32, #tpu.memory_space<vmem>>, vector<512x64xf32>
    %get3A_671 = arith.constant 512 : index
    %get3A_672 = arith.constant 128 : index
    %get3A_673 = vector.load %arg11[%get3A_671, %get3A_672] : memref<1024x1024xf32, #tpu.memory_space<vmem>>, vector<512x64xf32>
    %dot_general3A_674 = arith.constant dense<0.000000e+00> : vector<512x512xf32>
    %dot_general3A_675 = tpu.matmul %get3A_667, %get3A_670, %dot_general3A_674 {dimension_numbers = #tpu.dot_dimension_numbers<[1], [1], [0], [0], [0, 0, 1, 0], [], []>, transpose_lhs_hint = false} : vector<512x64xf32>, vector<512x64xf32>, vector<512x512xf32> -> vector<512x512xf32>
    %mul3A_676 = arith.constant 1.250000e-01 : f32
    %mul3A_677 = vector.broadcast %mul3A_676 : f32 to vector<512x512xf32>
    %mul3A_678 = arith.mulf %dot_general3A_675, %mul3A_677 : vector<512x512xf32>
    %jit3A_679 = arith.constant -1.000000e+09 : f32
    %broadcast_in_dim3A_680 = vector.broadcast %jit3A_679 : f32 to vector<512x512xf32>
    %select_n3A_681 = arith.select %le3A, %mul3A_678, %broadcast_in_dim3A_680 : vector<512x512xi1>, vector<512x512xf32>
    %reduce_max3A_682 = arith.constant dense<0xFF800000> : vector<512xf32>
    %reduce_max3A_683 = vector.multi_reduction <maximumf>, %select_n3A_681, %reduce_max3A_682 [1] : vector<512x512xf32> to vector<512xf32>
    %broadcast_in_dim3A_684 = vector.shape_cast %reduce_max3A_683 : vector<512xf32> to vector<512x1xf32>
    %sub3A_685 = vector.broadcast %broadcast_in_dim3A_684 : vector<512x1xf32> to vector<512x512xf32>
    %sub3A_686 = arith.subf %select_n3A_681, %sub3A_685 : vector<512x512xf32>
    %exp3A_687 = math.exp %sub3A_686 : vector<512x512xf32>
    %reduce_sum3A_688 = arith.constant dense<0.000000e+00> : vector<512xf32>
    %reduce_sum3A_689 = vector.multi_reduction <add>, %exp3A_687, %reduce_sum3A_688 [1] : vector<512x512xf32> to vector<512xf32>
    %broadcast_in_dim3A_690 = vector.shape_cast %reduce_sum3A_689 : vector<512xf32> to vector<512x1xf32>
    %div3A_691 = vector.broadcast %broadcast_in_dim3A_690 : vector<512x1xf32> to vector<512x512xf32>
    %div3A_692 = arith.divf %exp3A_687, %div3A_691 : vector<512x512xf32>
    %dot_general3A_693 = arith.constant dense<0.000000e+00> : vector<512x64xf32>
    %dot_general3A_694 = tpu.matmul %div3A_692, %get3A_673, %dot_general3A_693 {dimension_numbers = #tpu.dot_dimension_numbers<[1], [0], [0], [1], [0, 0, 1, 1], [], []>, transpose_lhs_hint = false} : vector<512x512xf32>, vector<512x64xf32>, vector<512x64xf32> -> vector<512x64xf32>
    %swap3A_695 = arith.constant 512 : index
    %swap3A_696 = arith.constant 128 : index
    %swap3A_697 = vector.load %arg12[%swap3A_695, %swap3A_696] : memref<1024x1024xf32, #tpu.memory_space<vmem>>, vector<512x64xf32>
    tpu.vector_store %arg12[%swap3A_695, %swap3A_696], %dot_general3A_694 {strides = array<i32>} : memref<1024x1024xf32, #tpu.memory_space<vmem>>, vector<512x64xf32>,
    %get3A_698 = arith.constant 512 : index
    %get3A_699 = arith.constant 192 : index
    %get3A_700 = vector.load %arg9[%get3A_698, %get3A_699] : memref<1024x1024xf32, #tpu.memory_space<vmem>>, vector<512x64xf32>
    %get3A_701 = arith.constant 512 : index
    %get3A_702 = arith.constant 192 : index
    %get3A_703 = vector.load %arg10[%get3A_701, %get3A_702] : memref<1024x1024xf32, #tpu.memory_space<vmem>>, vector<512x64xf32>
    %get3A_704 = arith.constant 512 : index
    %get3A_705 = arith.constant 192 : index
    %get3A_706 = vector.load %arg11[%get3A_704, %get3A_705] : memref<1024x1024xf32, #tpu.memory_space<vmem>>, vector<512x64xf32>
    %dot_general3A_707 = arith.constant dense<0.000000e+00> : vector<512x512xf32>
    %dot_general3A_708 = tpu.matmul %get3A_700, %get3A_703, %dot_general3A_707 {dimension_numbers = #tpu.dot_dimension_numbers<[1], [1], [0], [0], [0, 0, 1, 0], [], []>, transpose_lhs_hint = false} : vector<512x64xf32>, vector<512x64xf32>, vector<512x512xf32> -> vector<512x512xf32>
    %mul3A_709 = arith.constant 1.250000e-01 : f32
    %mul3A_710 = vector.broadcast %mul3A_709 : f32 to vector<512x512xf32>
    %mul3A_711 = arith.mulf %dot_general3A_708, %mul3A_710 : vector<512x512xf32>
    %jit3A_712 = arith.constant -1.000000e+09 : f32
    %broadcast_in_dim3A_713 = vector.broadcast %jit3A_712 : f32 to vector<512x512xf32>
    %select_n3A_714 = arith.select %le3A, %mul3A_711, %broadcast_in_dim3A_713 : vector<512x512xi1>, vector<512x512xf32>
    %reduce_max3A_715 = arith.constant dense<0xFF800000> : vector<512xf32>
    %reduce_max3A_716 = vector.multi_reduction <maximumf>, %select_n3A_714, %reduce_max3A_715 [1] : vector<512x512xf32> to vector<512xf32>
    %broadcast_in_dim3A_717 = vector.shape_cast %reduce_max3A_716 : vector<512xf32> to vector<512x1xf32>
    %sub3A_718 = vector.broadcast %broadcast_in_dim3A_717 : vector<512x1xf32> to vector<512x512xf32>
    %sub3A_719 = arith.subf %select_n3A_714, %sub3A_718 : vector<512x512xf32>
    %exp3A_720 = math.exp %sub3A_719 : vector<512x512xf32>
    %reduce_sum3A_721 = arith.constant dense<0.000000e+00> : vector<512xf32>
    %reduce_sum3A_722 = vector.multi_reduction <add>, %exp3A_720, %reduce_sum3A_721 [1] : vector<512x512xf32> to vector<512xf32>
    %broadcast_in_dim3A_723 = vector.shape_cast %reduce_sum3A_722 : vector<512xf32> to vector<512x1xf32>
    %div3A_724 = vector.broadcast %broadcast_in_dim3A_723 : vector<512x1xf32> to vector<512x512xf32>
    %div3A_725 = arith.divf %exp3A_720, %div3A_724 : vector<512x512xf32>
    %dot_general3A_726 = arith.constant dense<0.000000e+00> : vector<512x64xf32>
    %dot_general3A_727 = tpu.matmul %div3A_725, %get3A_706, %dot_general3A_726 {dimension_numbers = #tpu.dot_dimension_numbers<[1], [0], [0], [1], [0, 0, 1, 1], [], []>, transpose_lhs_hint = false} : vector<512x512xf32>, vector<512x64xf32>, vector<512x64xf32> -> vector<512x64xf32>
    %swap3A_728 = arith.constant 512 : index
    %swap3A_729 = arith.constant 192 : index
    %swap3A_730 = vector.load %arg12[%swap3A_728, %swap3A_729] : memref<1024x1024xf32, #tpu.memory_space<vmem>>, vector<512x64xf32>
    tpu.vector_store %arg12[%swap3A_728, %swap3A_729], %dot_general3A_727 {strides = array<i32>} : memref<1024x1024xf32, #tpu.memory_space<vmem>>, vector<512x64xf32>,
    %get3A_731 = arith.constant 512 : index
    %get3A_732 = arith.constant 256 : index
    %get3A_733 = vector.load %arg9[%get3A_731, %get3A_732] : memref<1024x1024xf32, #tpu.memory_space<vmem>>, vector<512x64xf32>
    %get3A_734 = arith.constant 512 : index
    %get3A_735 = arith.constant 256 : index
    %get3A_736 = vector.load %arg10[%get3A_734, %get3A_735] : memref<1024x1024xf32, #tpu.memory_space<vmem>>, vector<512x64xf32>
    %get3A_737 = arith.constant 512 : index
    %get3A_738 = arith.constant 256 : index
    %get3A_739 = vector.load %arg11[%get3A_737, %get3A_738] : memref<1024x1024xf32, #tpu.memory_space<vmem>>, vector<512x64xf32>
    %dot_general3A_740 = arith.constant dense<0.000000e+00> : vector<512x512xf32>
    %dot_general3A_741 = tpu.matmul %get3A_733, %get3A_736, %dot_general3A_740 {dimension_numbers = #tpu.dot_dimension_numbers<[1], [1], [0], [0], [0, 0, 1, 0], [], []>, transpose_lhs_hint = false} : vector<512x64xf32>, vector<512x64xf32>, vector<512x512xf32> -> vector<512x512xf32>
    %mul3A_742 = arith.constant 1.250000e-01 : f32
    %mul3A_743 = vector.broadcast %mul3A_742 : f32 to vector<512x512xf32>
    %mul3A_744 = arith.mulf %dot_general3A_741, %mul3A_743 : vector<512x512xf32>
    %jit3A_745 = arith.constant -1.000000e+09 : f32
    %broadcast_in_dim3A_746 = vector.broadcast %jit3A_745 : f32 to vector<512x512xf32>
    %select_n3A_747 = arith.select %le3A, %mul3A_744, %broadcast_in_dim3A_746 : vector<512x512xi1>, vector<512x512xf32>
    %reduce_max3A_748 = arith.constant dense<0xFF800000> : vector<512xf32>
    %reduce_max3A_749 = vector.multi_reduction <maximumf>, %select_n3A_747, %reduce_max3A_748 [1] : vector<512x512xf32> to vector<512xf32>
    %broadcast_in_dim3A_750 = vector.shape_cast %reduce_max3A_749 : vector<512xf32> to vector<512x1xf32>
    %sub3A_751 = vector.broadcast %broadcast_in_dim3A_750 : vector<512x1xf32> to vector<512x512xf32>
    %sub3A_752 = arith.subf %select_n3A_747, %sub3A_751 : vector<512x512xf32>
    %exp3A_753 = math.exp %sub3A_752 : vector<512x512xf32>
    %reduce_sum3A_754 = arith.constant dense<0.000000e+00> : vector<512xf32>
    %reduce_sum3A_755 = vector.multi_reduction <add>, %exp3A_753, %reduce_sum3A_754 [1] : vector<512x512xf32> to vector<512xf32>
    %broadcast_in_dim3A_756 = vector.shape_cast %reduce_sum3A_755 : vector<512xf32> to vector<512x1xf32>
    %div3A_757 = vector.broadcast %broadcast_in_dim3A_756 : vector<512x1xf32> to vector<512x512xf32>
    %div3A_758 = arith.divf %exp3A_753, %div3A_757 : vector<512x512xf32>
    %dot_general3A_759 = arith.constant dense<0.000000e+00> : vector<512x64xf32>
    %dot_general3A_760 = tpu.matmul %div3A_758, %get3A_739, %dot_general3A_759 {dimension_numbers = #tpu.dot_dimension_numbers<[1], [0], [0], [1], [0, 0, 1, 1], [], []>, transpose_lhs_hint = false} : vector<512x512xf32>, vector<512x64xf32>, vector<512x64xf32> -> vector<512x64xf32>
    %swap3A_761 = arith.constant 512 : index
    %swap3A_762 = arith.constant 256 : index
    %swap3A_763 = vector.load %arg12[%swap3A_761, %swap3A_762] : memref<1024x1024xf32, #tpu.memory_space<vmem>>, vector<512x64xf32>
    tpu.vector_store %arg12[%swap3A_761, %swap3A_762], %dot_general3A_760 {strides = array<i32>} : memref<1024x1024xf32, #tpu.memory_space<vmem>>, vector<512x64xf32>,
    %get3A_764 = arith.constant 512 : index
    %get3A_765 = arith.constant 320 : index
    %get3A_766 = vector.load %arg9[%get3A_764, %get3A_765] : memref<1024x1024xf32, #tpu.memory_space<vmem>>, vector<512x64xf32>
    %get3A_767 = arith.constant 512 : index
    %get3A_768 = arith.constant 320 : index
    %get3A_769 = vector.load %arg10[%get3A_767, %get3A_768] : memref<1024x1024xf32, #tpu.memory_space<vmem>>, vector<512x64xf32>
    %get3A_770 = arith.constant 512 : index
    %get3A_771 = arith.constant 320 : index
    %get3A_772 = vector.load %arg11[%get3A_770, %get3A_771] : memref<1024x1024xf32, #tpu.memory_space<vmem>>, vector<512x64xf32>
    %dot_general3A_773 = arith.constant dense<0.000000e+00> : vector<512x512xf32>
    %dot_general3A_774 = tpu.matmul %get3A_766, %get3A_769, %dot_general3A_773 {dimension_numbers = #tpu.dot_dimension_numbers<[1], [1], [0], [0], [0, 0, 1, 0], [], []>, transpose_lhs_hint = false} : vector<512x64xf32>, vector<512x64xf32>, vector<512x512xf32> -> vector<512x512xf32>
    %mul3A_775 = arith.constant 1.250000e-01 : f32
    %mul3A_776 = vector.broadcast %mul3A_775 : f32 to vector<512x512xf32>
    %mul3A_777 = arith.mulf %dot_general3A_774, %mul3A_776 : vector<512x512xf32>
    %jit3A_778 = arith.constant -1.000000e+09 : f32
    %broadcast_in_dim3A_779 = vector.broadcast %jit3A_778 : f32 to vector<512x512xf32>
    %select_n3A_780 = arith.select %le3A, %mul3A_777, %broadcast_in_dim3A_779 : vector<512x512xi1>, vector<512x512xf32>
    %reduce_max3A_781 = arith.constant dense<0xFF800000> : vector<512xf32>
    %reduce_max3A_782 = vector.multi_reduction <maximumf>, %select_n3A_780, %reduce_max3A_781 [1] : vector<512x512xf32> to vector<512xf32>
    %broadcast_in_dim3A_783 = vector.shape_cast %reduce_max3A_782 : vector<512xf32> to vector<512x1xf32>
    %sub3A_784 = vector.broadcast %broadcast_in_dim3A_783 : vector<512x1xf32> to vector<512x512xf32>
    %sub3A_785 = arith.subf %select_n3A_780, %sub3A_784 : vector<512x512xf32>
    %exp3A_786 = math.exp %sub3A_785 : vector<512x512xf32>
    %reduce_sum3A_787 = arith.constant dense<0.000000e+00> : vector<512xf32>
    %reduce_sum3A_788 = vector.multi_reduction <add>, %exp3A_786, %reduce_sum3A_787 [1] : vector<512x512xf32> to vector<512xf32>
    %broadcast_in_dim3A_789 = vector.shape_cast %reduce_sum3A_788 : vector<512xf32> to vector<512x1xf32>
    %div3A_790 = vector.broadcast %broadcast_in_dim3A_789 : vector<512x1xf32> to vector<512x512xf32>
    %div3A_791 = arith.divf %exp3A_786, %div3A_790 : vector<512x512xf32>
    %dot_general3A_792 = arith.constant dense<0.000000e+00> : vector<512x64xf32>
    %dot_general3A_793 = tpu.matmul %div3A_791, %get3A_772, %dot_general3A_792 {dimension_numbers = #tpu.dot_dimension_numbers<[1], [0], [0], [1], [0, 0, 1, 1], [], []>, transpose_lhs_hint = false} : vector<512x512xf32>, vector<512x64xf32>, vector<512x64xf32> -> vector<512x64xf32>
    %swap3A_794 = arith.constant 512 : index
    %swap3A_795 = arith.constant 320 : index
    %swap3A_796 = vector.load %arg12[%swap3A_794, %swap3A_795] : memref<1024x1024xf32, #tpu.memory_space<vmem>>, vector<512x64xf32>
    tpu.vector_store %arg12[%swap3A_794, %swap3A_795], %dot_general3A_793 {strides = array<i32>} : memref<1024x1024xf32, #tpu.memory_space<vmem>>, vector<512x64xf32>,
    %get3A_797 = arith.constant 512 : index
    %get3A_798 = arith.constant 384 : index
    %get3A_799 = vector.load %arg9[%get3A_797, %get3A_798] : memref<1024x1024xf32, #tpu.memory_space<vmem>>, vector<512x64xf32>
    %get3A_800 = arith.constant 512 : index
    %get3A_801 = arith.constant 384 : index
    %get3A_802 = vector.load %arg10[%get3A_800, %get3A_801] : memref<1024x1024xf32, #tpu.memory_space<vmem>>, vector<512x64xf32>
    %get3A_803 = arith.constant 512 : index
    %get3A_804 = arith.constant 384 : index
    %get3A_805 = vector.load %arg11[%get3A_803, %get3A_804] : memref<1024x1024xf32, #tpu.memory_space<vmem>>, vector<512x64xf32>
    %dot_general3A_806 = arith.constant dense<0.000000e+00> : vector<512x512xf32>
    %dot_general3A_807 = tpu.matmul %get3A_799, %get3A_802, %dot_general3A_806 {dimension_numbers = #tpu.dot_dimension_numbers<[1], [1], [0], [0], [0, 0, 1, 0], [], []>, transpose_lhs_hint = false} : vector<512x64xf32>, vector<512x64xf32>, vector<512x512xf32> -> vector<512x512xf32>
    %mul3A_808 = arith.constant 1.250000e-01 : f32
    %mul3A_809 = vector.broadcast %mul3A_808 : f32 to vector<512x512xf32>
    %mul3A_810 = arith.mulf %dot_general3A_807, %mul3A_809 : vector<512x512xf32>
    %jit3A_811 = arith.constant -1.000000e+09 : f32
    %broadcast_in_dim3A_812 = vector.broadcast %jit3A_811 : f32 to vector<512x512xf32>
    %select_n3A_813 = arith.select %le3A, %mul3A_810, %broadcast_in_dim3A_812 : vector<512x512xi1>, vector<512x512xf32>
    %reduce_max3A_814 = arith.constant dense<0xFF800000> : vector<512xf32>
    %reduce_max3A_815 = vector.multi_reduction <maximumf>, %select_n3A_813, %reduce_max3A_814 [1] : vector<512x512xf32> to vector<512xf32>
    %broadcast_in_dim3A_816 = vector.shape_cast %reduce_max3A_815 : vector<512xf32> to vector<512x1xf32>
    %sub3A_817 = vector.broadcast %broadcast_in_dim3A_816 : vector<512x1xf32> to vector<512x512xf32>
    %sub3A_818 = arith.subf %select_n3A_813, %sub3A_817 : vector<512x512xf32>
    %exp3A_819 = math.exp %sub3A_818 : vector<512x512xf32>
    %reduce_sum3A_820 = arith.constant dense<0.000000e+00> : vector<512xf32>
    %reduce_sum3A_821 = vector.multi_reduction <add>, %exp3A_819, %reduce_sum3A_820 [1] : vector<512x512xf32> to vector<512xf32>
    %broadcast_in_dim3A_822 = vector.shape_cast %reduce_sum3A_821 : vector<512xf32> to vector<512x1xf32>
    %div3A_823 = vector.broadcast %broadcast_in_dim3A_822 : vector<512x1xf32> to vector<512x512xf32>
    %div3A_824 = arith.divf %exp3A_819, %div3A_823 : vector<512x512xf32>
    %dot_general3A_825 = arith.constant dense<0.000000e+00> : vector<512x64xf32>
    %dot_general3A_826 = tpu.matmul %div3A_824, %get3A_805, %dot_general3A_825 {dimension_numbers = #tpu.dot_dimension_numbers<[1], [0], [0], [1], [0, 0, 1, 1], [], []>, transpose_lhs_hint = false} : vector<512x512xf32>, vector<512x64xf32>, vector<512x64xf32> -> vector<512x64xf32>
    %swap3A_827 = arith.constant 512 : index
    %swap3A_828 = arith.constant 384 : index
    %swap3A_829 = vector.load %arg12[%swap3A_827, %swap3A_828] : memref<1024x1024xf32, #tpu.memory_space<vmem>>, vector<512x64xf32>
    tpu.vector_store %arg12[%swap3A_827, %swap3A_828], %dot_general3A_826 {strides = array<i32>} : memref<1024x1024xf32, #tpu.memory_space<vmem>>, vector<512x64xf32>,
    %get3A_830 = arith.constant 512 : index
    %get3A_831 = arith.constant 448 : index
    %get3A_832 = vector.load %arg9[%get3A_830, %get3A_831] : memref<1024x1024xf32, #tpu.memory_space<vmem>>, vector<512x64xf32>
    %get3A_833 = arith.constant 512 : index
    %get3A_834 = arith.constant 448 : index
    %get3A_835 = vector.load %arg10[%get3A_833, %get3A_834] : memref<1024x1024xf32, #tpu.memory_space<vmem>>, vector<512x64xf32>
    %get3A_836 = arith.constant 512 : index
    %get3A_837 = arith.constant 448 : index
    %get3A_838 = vector.load %arg11[%get3A_836, %get3A_837] : memref<1024x1024xf32, #tpu.memory_space<vmem>>, vector<512x64xf32>
    %dot_general3A_839 = arith.constant dense<0.000000e+00> : vector<512x512xf32>
    %dot_general3A_840 = tpu.matmul %get3A_832, %get3A_835, %dot_general3A_839 {dimension_numbers = #tpu.dot_dimension_numbers<[1], [1], [0], [0], [0, 0, 1, 0], [], []>, transpose_lhs_hint = false} : vector<512x64xf32>, vector<512x64xf32>, vector<512x512xf32> -> vector<512x512xf32>
    %mul3A_841 = arith.constant 1.250000e-01 : f32
    %mul3A_842 = vector.broadcast %mul3A_841 : f32 to vector<512x512xf32>
    %mul3A_843 = arith.mulf %dot_general3A_840, %mul3A_842 : vector<512x512xf32>
    %jit3A_844 = arith.constant -1.000000e+09 : f32
    %broadcast_in_dim3A_845 = vector.broadcast %jit3A_844 : f32 to vector<512x512xf32>
    %select_n3A_846 = arith.select %le3A, %mul3A_843, %broadcast_in_dim3A_845 : vector<512x512xi1>, vector<512x512xf32>
    %reduce_max3A_847 = arith.constant dense<0xFF800000> : vector<512xf32>
    %reduce_max3A_848 = vector.multi_reduction <maximumf>, %select_n3A_846, %reduce_max3A_847 [1] : vector<512x512xf32> to vector<512xf32>
    %broadcast_in_dim3A_849 = vector.shape_cast %reduce_max3A_848 : vector<512xf32> to vector<512x1xf32>
    %sub3A_850 = vector.broadcast %broadcast_in_dim3A_849 : vector<512x1xf32> to vector<512x512xf32>
    %sub3A_851 = arith.subf %select_n3A_846, %sub3A_850 : vector<512x512xf32>
    %exp3A_852 = math.exp %sub3A_851 : vector<512x512xf32>
    %reduce_sum3A_853 = arith.constant dense<0.000000e+00> : vector<512xf32>
    %reduce_sum3A_854 = vector.multi_reduction <add>, %exp3A_852, %reduce_sum3A_853 [1] : vector<512x512xf32> to vector<512xf32>
    %broadcast_in_dim3A_855 = vector.shape_cast %reduce_sum3A_854 : vector<512xf32> to vector<512x1xf32>
    %div3A_856 = vector.broadcast %broadcast_in_dim3A_855 : vector<512x1xf32> to vector<512x512xf32>
    %div3A_857 = arith.divf %exp3A_852, %div3A_856 : vector<512x512xf32>
    %dot_general3A_858 = arith.constant dense<0.000000e+00> : vector<512x64xf32>
    %dot_general3A_859 = tpu.matmul %div3A_857, %get3A_838, %dot_general3A_858 {dimension_numbers = #tpu.dot_dimension_numbers<[1], [0], [0], [1], [0, 0, 1, 1], [], []>, transpose_lhs_hint = false} : vector<512x512xf32>, vector<512x64xf32>, vector<512x64xf32> -> vector<512x64xf32>
    %swap3A_860 = arith.constant 512 : index
    %swap3A_861 = arith.constant 448 : index
    %swap3A_862 = vector.load %arg12[%swap3A_860, %swap3A_861] : memref<1024x1024xf32, #tpu.memory_space<vmem>>, vector<512x64xf32>
    tpu.vector_store %arg12[%swap3A_860, %swap3A_861], %dot_general3A_859 {strides = array<i32>} : memref<1024x1024xf32, #tpu.memory_space<vmem>>, vector<512x64xf32>,
    %get3A_863 = arith.constant 512 : index
    %get3A_864 = arith.constant 512 : index
    %get3A_865 = vector.load %arg9[%get3A_863, %get3A_864] : memref<1024x1024xf32, #tpu.memory_space<vmem>>, vector<512x64xf32>
    %get3A_866 = arith.constant 512 : index
    %get3A_867 = arith.constant 512 : index
    %get3A_868 = vector.load %arg10[%get3A_866, %get3A_867] : memref<1024x1024xf32, #tpu.memory_space<vmem>>, vector<512x64xf32>
    %get3A_869 = arith.constant 512 : index
    %get3A_870 = arith.constant 512 : index
    %get3A_871 = vector.load %arg11[%get3A_869, %get3A_870] : memref<1024x1024xf32, #tpu.memory_space<vmem>>, vector<512x64xf32>
    %dot_general3A_872 = arith.constant dense<0.000000e+00> : vector<512x512xf32>
    %dot_general3A_873 = tpu.matmul %get3A_865, %get3A_868, %dot_general3A_872 {dimension_numbers = #tpu.dot_dimension_numbers<[1], [1], [0], [0], [0, 0, 1, 0], [], []>, transpose_lhs_hint = false} : vector<512x64xf32>, vector<512x64xf32>, vector<512x512xf32> -> vector<512x512xf32>
    %mul3A_874 = arith.constant 1.250000e-01 : f32
    %mul3A_875 = vector.broadcast %mul3A_874 : f32 to vector<512x512xf32>
    %mul3A_876 = arith.mulf %dot_general3A_873, %mul3A_875 : vector<512x512xf32>
    %jit3A_877 = arith.constant -1.000000e+09 : f32
    %broadcast_in_dim3A_878 = vector.broadcast %jit3A_877 : f32 to vector<512x512xf32>
    %select_n3A_879 = arith.select %le3A, %mul3A_876, %broadcast_in_dim3A_878 : vector<512x512xi1>, vector<512x512xf32>
    %reduce_max3A_880 = arith.constant dense<0xFF800000> : vector<512xf32>
    %reduce_max3A_881 = vector.multi_reduction <maximumf>, %select_n3A_879, %reduce_max3A_880 [1] : vector<512x512xf32> to vector<512xf32>
    %broadcast_in_dim3A_882 = vector.shape_cast %reduce_max3A_881 : vector<512xf32> to vector<512x1xf32>
    %sub3A_883 = vector.broadcast %broadcast_in_dim3A_882 : vector<512x1xf32> to vector<512x512xf32>
    %sub3A_884 = arith.subf %select_n3A_879, %sub3A_883 : vector<512x512xf32>
    %exp3A_885 = math.exp %sub3A_884 : vector<512x512xf32>
    %reduce_sum3A_886 = arith.constant dense<0.000000e+00> : vector<512xf32>
    %reduce_sum3A_887 = vector.multi_reduction <add>, %exp3A_885, %reduce_sum3A_886 [1] : vector<512x512xf32> to vector<512xf32>
    %broadcast_in_dim3A_888 = vector.shape_cast %reduce_sum3A_887 : vector<512xf32> to vector<512x1xf32>
    %div3A_889 = vector.broadcast %broadcast_in_dim3A_888 : vector<512x1xf32> to vector<512x512xf32>
    %div3A_890 = arith.divf %exp3A_885, %div3A_889 : vector<512x512xf32>
    %dot_general3A_891 = arith.constant dense<0.000000e+00> : vector<512x64xf32>
    %dot_general3A_892 = tpu.matmul %div3A_890, %get3A_871, %dot_general3A_891 {dimension_numbers = #tpu.dot_dimension_numbers<[1], [0], [0], [1], [0, 0, 1, 1], [], []>, transpose_lhs_hint = false} : vector<512x512xf32>, vector<512x64xf32>, vector<512x64xf32> -> vector<512x64xf32>
    %swap3A_893 = arith.constant 512 : index
    %swap3A_894 = arith.constant 512 : index
    %swap3A_895 = vector.load %arg12[%swap3A_893, %swap3A_894] : memref<1024x1024xf32, #tpu.memory_space<vmem>>, vector<512x64xf32>
    tpu.vector_store %arg12[%swap3A_893, %swap3A_894], %dot_general3A_892 {strides = array<i32>} : memref<1024x1024xf32, #tpu.memory_space<vmem>>, vector<512x64xf32>,
    %get3A_896 = arith.constant 512 : index
    %get3A_897 = arith.constant 576 : index
    %get3A_898 = vector.load %arg9[%get3A_896, %get3A_897] : memref<1024x1024xf32, #tpu.memory_space<vmem>>, vector<512x64xf32>
    %get3A_899 = arith.constant 512 : index
    %get3A_900 = arith.constant 576 : index
    %get3A_901 = vector.load %arg10[%get3A_899, %get3A_900] : memref<1024x1024xf32, #tpu.memory_space<vmem>>, vector<512x64xf32>
    %get3A_902 = arith.constant 512 : index
    %get3A_903 = arith.constant 576 : index
    %get3A_904 = vector.load %arg11[%get3A_902, %get3A_903] : memref<1024x1024xf32, #tpu.memory_space<vmem>>, vector<512x64xf32>
    %dot_general3A_905 = arith.constant dense<0.000000e+00> : vector<512x512xf32>
    %dot_general3A_906 = tpu.matmul %get3A_898, %get3A_901, %dot_general3A_905 {dimension_numbers = #tpu.dot_dimension_numbers<[1], [1], [0], [0], [0, 0, 1, 0], [], []>, transpose_lhs_hint = false} : vector<512x64xf32>, vector<512x64xf32>, vector<512x512xf32> -> vector<512x512xf32>
    %mul3A_907 = arith.constant 1.250000e-01 : f32
    %mul3A_908 = vector.broadcast %mul3A_907 : f32 to vector<512x512xf32>
    %mul3A_909 = arith.mulf %dot_general3A_906, %mul3A_908 : vector<512x512xf32>
    %jit3A_910 = arith.constant -1.000000e+09 : f32
    %broadcast_in_dim3A_911 = vector.broadcast %jit3A_910 : f32 to vector<512x512xf32>
    %select_n3A_912 = arith.select %le3A, %mul3A_909, %broadcast_in_dim3A_911 : vector<512x512xi1>, vector<512x512xf32>
    %reduce_max3A_913 = arith.constant dense<0xFF800000> : vector<512xf32>
    %reduce_max3A_914 = vector.multi_reduction <maximumf>, %select_n3A_912, %reduce_max3A_913 [1] : vector<512x512xf32> to vector<512xf32>
    %broadcast_in_dim3A_915 = vector.shape_cast %reduce_max3A_914 : vector<512xf32> to vector<512x1xf32>
    %sub3A_916 = vector.broadcast %broadcast_in_dim3A_915 : vector<512x1xf32> to vector<512x512xf32>
    %sub3A_917 = arith.subf %select_n3A_912, %sub3A_916 : vector<512x512xf32>
    %exp3A_918 = math.exp %sub3A_917 : vector<512x512xf32>
    %reduce_sum3A_919 = arith.constant dense<0.000000e+00> : vector<512xf32>
    %reduce_sum3A_920 = vector.multi_reduction <add>, %exp3A_918, %reduce_sum3A_919 [1] : vector<512x512xf32> to vector<512xf32>
    %broadcast_in_dim3A_921 = vector.shape_cast %reduce_sum3A_920 : vector<512xf32> to vector<512x1xf32>
    %div3A_922 = vector.broadcast %broadcast_in_dim3A_921 : vector<512x1xf32> to vector<512x512xf32>
    %div3A_923 = arith.divf %exp3A_918, %div3A_922 : vector<512x512xf32>
    %dot_general3A_924 = arith.constant dense<0.000000e+00> : vector<512x64xf32>
    %dot_general3A_925 = tpu.matmul %div3A_923, %get3A_904, %dot_general3A_924 {dimension_numbers = #tpu.dot_dimension_numbers<[1], [0], [0], [1], [0, 0, 1, 1], [], []>, transpose_lhs_hint = false} : vector<512x512xf32>, vector<512x64xf32>, vector<512x64xf32> -> vector<512x64xf32>
    %swap3A_926 = arith.constant 512 : index
    %swap3A_927 = arith.constant 576 : index
    %swap3A_928 = vector.load %arg12[%swap3A_926, %swap3A_927] : memref<1024x1024xf32, #tpu.memory_space<vmem>>, vector<512x64xf32>
    tpu.vector_store %arg12[%swap3A_926, %swap3A_927], %dot_general3A_925 {strides = array<i32>} : memref<1024x1024xf32, #tpu.memory_space<vmem>>, vector<512x64xf32>,
    %get3A_929 = arith.constant 512 : index
    %get3A_930 = arith.constant 640 : index
    %get3A_931 = vector.load %arg9[%get3A_929, %get3A_930] : memref<1024x1024xf32, #tpu.memory_space<vmem>>, vector<512x64xf32>
    %get3A_932 = arith.constant 512 : index
    %get3A_933 = arith.constant 640 : index
    %get3A_934 = vector.load %arg10[%get3A_932, %get3A_933] : memref<1024x1024xf32, #tpu.memory_space<vmem>>, vector<512x64xf32>
    %get3A_935 = arith.constant 512 : index
    %get3A_936 = arith.constant 640 : index
    %get3A_937 = vector.load %arg11[%get3A_935, %get3A_936] : memref<1024x1024xf32, #tpu.memory_space<vmem>>, vector<512x64xf32>
    %dot_general3A_938 = arith.constant dense<0.000000e+00> : vector<512x512xf32>
    %dot_general3A_939 = tpu.matmul %get3A_931, %get3A_934, %dot_general3A_938 {dimension_numbers = #tpu.dot_dimension_numbers<[1], [1], [0], [0], [0, 0, 1, 0], [], []>, transpose_lhs_hint = false} : vector<512x64xf32>, vector<512x64xf32>, vector<512x512xf32> -> vector<512x512xf32>
    %mul3A_940 = arith.constant 1.250000e-01 : f32
    %mul3A_941 = vector.broadcast %mul3A_940 : f32 to vector<512x512xf32>
    %mul3A_942 = arith.mulf %dot_general3A_939, %mul3A_941 : vector<512x512xf32>
    %jit3A_943 = arith.constant -1.000000e+09 : f32
    %broadcast_in_dim3A_944 = vector.broadcast %jit3A_943 : f32 to vector<512x512xf32>
    %select_n3A_945 = arith.select %le3A, %mul3A_942, %broadcast_in_dim3A_944 : vector<512x512xi1>, vector<512x512xf32>
    %reduce_max3A_946 = arith.constant dense<0xFF800000> : vector<512xf32>
    %reduce_max3A_947 = vector.multi_reduction <maximumf>, %select_n3A_945, %reduce_max3A_946 [1] : vector<512x512xf32> to vector<512xf32>
    %broadcast_in_dim3A_948 = vector.shape_cast %reduce_max3A_947 : vector<512xf32> to vector<512x1xf32>
    %sub3A_949 = vector.broadcast %broadcast_in_dim3A_948 : vector<512x1xf32> to vector<512x512xf32>
    %sub3A_950 = arith.subf %select_n3A_945, %sub3A_949 : vector<512x512xf32>
    %exp3A_951 = math.exp %sub3A_950 : vector<512x512xf32>
    %reduce_sum3A_952 = arith.constant dense<0.000000e+00> : vector<512xf32>
    %reduce_sum3A_953 = vector.multi_reduction <add>, %exp3A_951, %reduce_sum3A_952 [1] : vector<512x512xf32> to vector<512xf32>
    %broadcast_in_dim3A_954 = vector.shape_cast %reduce_sum3A_953 : vector<512xf32> to vector<512x1xf32>
    %div3A_955 = vector.broadcast %broadcast_in_dim3A_954 : vector<512x1xf32> to vector<512x512xf32>
    %div3A_956 = arith.divf %exp3A_951, %div3A_955 : vector<512x512xf32>
    %dot_general3A_957 = arith.constant dense<0.000000e+00> : vector<512x64xf32>
    %dot_general3A_958 = tpu.matmul %div3A_956, %get3A_937, %dot_general3A_957 {dimension_numbers = #tpu.dot_dimension_numbers<[1], [0], [0], [1], [0, 0, 1, 1], [], []>, transpose_lhs_hint = false} : vector<512x512xf32>, vector<512x64xf32>, vector<512x64xf32> -> vector<512x64xf32>
    %swap3A_959 = arith.constant 512 : index
    %swap3A_960 = arith.constant 640 : index
    %swap3A_961 = vector.load %arg12[%swap3A_959, %swap3A_960] : memref<1024x1024xf32, #tpu.memory_space<vmem>>, vector<512x64xf32>
    tpu.vector_store %arg12[%swap3A_959, %swap3A_960], %dot_general3A_958 {strides = array<i32>} : memref<1024x1024xf32, #tpu.memory_space<vmem>>, vector<512x64xf32>,
    %get3A_962 = arith.constant 512 : index
    %get3A_963 = arith.constant 704 : index
    %get3A_964 = vector.load %arg9[%get3A_962, %get3A_963] : memref<1024x1024xf32, #tpu.memory_space<vmem>>, vector<512x64xf32>
    %get3A_965 = arith.constant 512 : index
    %get3A_966 = arith.constant 704 : index
    %get3A_967 = vector.load %arg10[%get3A_965, %get3A_966] : memref<1024x1024xf32, #tpu.memory_space<vmem>>, vector<512x64xf32>
    %get3A_968 = arith.constant 512 : index
    %get3A_969 = arith.constant 704 : index
    %get3A_970 = vector.load %arg11[%get3A_968, %get3A_969] : memref<1024x1024xf32, #tpu.memory_space<vmem>>, vector<512x64xf32>
    %dot_general3A_971 = arith.constant dense<0.000000e+00> : vector<512x512xf32>
    %dot_general3A_972 = tpu.matmul %get3A_964, %get3A_967, %dot_general3A_971 {dimension_numbers = #tpu.dot_dimension_numbers<[1], [1], [0], [0], [0, 0, 1, 0], [], []>, transpose_lhs_hint = false} : vector<512x64xf32>, vector<512x64xf32>, vector<512x512xf32> -> vector<512x512xf32>
    %mul3A_973 = arith.constant 1.250000e-01 : f32
    %mul3A_974 = vector.broadcast %mul3A_973 : f32 to vector<512x512xf32>
    %mul3A_975 = arith.mulf %dot_general3A_972, %mul3A_974 : vector<512x512xf32>
    %jit3A_976 = arith.constant -1.000000e+09 : f32
    %broadcast_in_dim3A_977 = vector.broadcast %jit3A_976 : f32 to vector<512x512xf32>
    %select_n3A_978 = arith.select %le3A, %mul3A_975, %broadcast_in_dim3A_977 : vector<512x512xi1>, vector<512x512xf32>
    %reduce_max3A_979 = arith.constant dense<0xFF800000> : vector<512xf32>
    %reduce_max3A_980 = vector.multi_reduction <maximumf>, %select_n3A_978, %reduce_max3A_979 [1] : vector<512x512xf32> to vector<512xf32>
    %broadcast_in_dim3A_981 = vector.shape_cast %reduce_max3A_980 : vector<512xf32> to vector<512x1xf32>
    %sub3A_982 = vector.broadcast %broadcast_in_dim3A_981 : vector<512x1xf32> to vector<512x512xf32>
    %sub3A_983 = arith.subf %select_n3A_978, %sub3A_982 : vector<512x512xf32>
    %exp3A_984 = math.exp %sub3A_983 : vector<512x512xf32>
    %reduce_sum3A_985 = arith.constant dense<0.000000e+00> : vector<512xf32>
    %reduce_sum3A_986 = vector.multi_reduction <add>, %exp3A_984, %reduce_sum3A_985 [1] : vector<512x512xf32> to vector<512xf32>
    %broadcast_in_dim3A_987 = vector.shape_cast %reduce_sum3A_986 : vector<512xf32> to vector<512x1xf32>
    %div3A_988 = vector.broadcast %broadcast_in_dim3A_987 : vector<512x1xf32> to vector<512x512xf32>
    %div3A_989 = arith.divf %exp3A_984, %div3A_988 : vector<512x512xf32>
    %dot_general3A_990 = arith.constant dense<0.000000e+00> : vector<512x64xf32>
    %dot_general3A_991 = tpu.matmul %div3A_989, %get3A_970, %dot_general3A_990 {dimension_numbers = #tpu.dot_dimension_numbers<[1], [0], [0], [1], [0, 0, 1, 1], [], []>, transpose_lhs_hint = false} : vector<512x512xf32>, vector<512x64xf32>, vector<512x64xf32> -> vector<512x64xf32>
    %swap3A_992 = arith.constant 512 : index
    %swap3A_993 = arith.constant 704 : index
    %swap3A_994 = vector.load %arg12[%swap3A_992, %swap3A_993] : memref<1024x1024xf32, #tpu.memory_space<vmem>>, vector<512x64xf32>
    tpu.vector_store %arg12[%swap3A_992, %swap3A_993], %dot_general3A_991 {strides = array<i32>} : memref<1024x1024xf32, #tpu.memory_space<vmem>>, vector<512x64xf32>,
    %get3A_995 = arith.constant 512 : index
    %get3A_996 = arith.constant 768 : index
    %get3A_997 = vector.load %arg9[%get3A_995, %get3A_996] : memref<1024x1024xf32, #tpu.memory_space<vmem>>, vector<512x64xf32>
    %get3A_998 = arith.constant 512 : index
    %get3A_999 = arith.constant 768 : index
    %get3A_1000 = vector.load %arg10[%get3A_998, %get3A_999] : memref<1024x1024xf32, #tpu.memory_space<vmem>>, vector<512x64xf32>
    %get3A_1001 = arith.constant 512 : index
    %get3A_1002 = arith.constant 768 : index
    %get3A_1003 = vector.load %arg11[%get3A_1001, %get3A_1002] : memref<1024x1024xf32, #tpu.memory_space<vmem>>, vector<512x64xf32>
    %dot_general3A_1004 = arith.constant dense<0.000000e+00> : vector<512x512xf32>
    %dot_general3A_1005 = tpu.matmul %get3A_997, %get3A_1000, %dot_general3A_1004 {dimension_numbers = #tpu.dot_dimension_numbers<[1], [1], [0], [0], [0, 0, 1, 0], [], []>, transpose_lhs_hint = false} : vector<512x64xf32>, vector<512x64xf32>, vector<512x512xf32> -> vector<512x512xf32>
    %mul3A_1006 = arith.constant 1.250000e-01 : f32
    %mul3A_1007 = vector.broadcast %mul3A_1006 : f32 to vector<512x512xf32>
    %mul3A_1008 = arith.mulf %dot_general3A_1005, %mul3A_1007 : vector<512x512xf32>
    %jit3A_1009 = arith.constant -1.000000e+09 : f32
    %broadcast_in_dim3A_1010 = vector.broadcast %jit3A_1009 : f32 to vector<512x512xf32>
    %select_n3A_1011 = arith.select %le3A, %mul3A_1008, %broadcast_in_dim3A_1010 : vector<512x512xi1>, vector<512x512xf32>
    %reduce_max3A_1012 = arith.constant dense<0xFF800000> : vector<512xf32>
    %reduce_max3A_1013 = vector.multi_reduction <maximumf>, %select_n3A_1011, %reduce_max3A_1012 [1] : vector<512x512xf32> to vector<512xf32>
    %broadcast_in_dim3A_1014 = vector.shape_cast %reduce_max3A_1013 : vector<512xf32> to vector<512x1xf32>
    %sub3A_1015 = vector.broadcast %broadcast_in_dim3A_1014 : vector<512x1xf32> to vector<512x512xf32>
    %sub3A_1016 = arith.subf %select_n3A_1011, %sub3A_1015 : vector<512x512xf32>
    %exp3A_1017 = math.exp %sub3A_1016 : vector<512x512xf32>
    %reduce_sum3A_1018 = arith.constant dense<0.000000e+00> : vector<512xf32>
    %reduce_sum3A_1019 = vector.multi_reduction <add>, %exp3A_1017, %reduce_sum3A_1018 [1] : vector<512x512xf32> to vector<512xf32>
    %broadcast_in_dim3A_1020 = vector.shape_cast %reduce_sum3A_1019 : vector<512xf32> to vector<512x1xf32>
    %div3A_1021 = vector.broadcast %broadcast_in_dim3A_1020 : vector<512x1xf32> to vector<512x512xf32>
    %div3A_1022 = arith.divf %exp3A_1017, %div3A_1021 : vector<512x512xf32>
    %dot_general3A_1023 = arith.constant dense<0.000000e+00> : vector<512x64xf32>
    %dot_general3A_1024 = tpu.matmul %div3A_1022, %get3A_1003, %dot_general3A_1023 {dimension_numbers = #tpu.dot_dimension_numbers<[1], [0], [0], [1], [0, 0, 1, 1], [], []>, transpose_lhs_hint = false} : vector<512x512xf32>, vector<512x64xf32>, vector<512x64xf32> -> vector<512x64xf32>
    %swap3A_1025 = arith.constant 512 : index
    %swap3A_1026 = arith.constant 768 : index
    %swap3A_1027 = vector.load %arg12[%swap3A_1025, %swap3A_1026] : memref<1024x1024xf32, #tpu.memory_space<vmem>>, vector<512x64xf32>
    tpu.vector_store %arg12[%swap3A_1025, %swap3A_1026], %dot_general3A_1024 {strides = array<i32>} : memref<1024x1024xf32, #tpu.memory_space<vmem>>, vector<512x64xf32>,
    %get3A_1028 = arith.constant 512 : index
    %get3A_1029 = arith.constant 832 : index
    %get3A_1030 = vector.load %arg9[%get3A_1028, %get3A_1029] : memref<1024x1024xf32, #tpu.memory_space<vmem>>, vector<512x64xf32>
    %get3A_1031 = arith.constant 512 : index
    %get3A_1032 = arith.constant 832 : index
    %get3A_1033 = vector.load %arg10[%get3A_1031, %get3A_1032] : memref<1024x1024xf32, #tpu.memory_space<vmem>>, vector<512x64xf32>
    %get3A_1034 = arith.constant 512 : index
    %get3A_1035 = arith.constant 832 : index
    %get3A_1036 = vector.load %arg11[%get3A_1034, %get3A_1035] : memref<1024x1024xf32, #tpu.memory_space<vmem>>, vector<512x64xf32>
    %dot_general3A_1037 = arith.constant dense<0.000000e+00> : vector<512x512xf32>
    %dot_general3A_1038 = tpu.matmul %get3A_1030, %get3A_1033, %dot_general3A_1037 {dimension_numbers = #tpu.dot_dimension_numbers<[1], [1], [0], [0], [0, 0, 1, 0], [], []>, transpose_lhs_hint = false} : vector<512x64xf32>, vector<512x64xf32>, vector<512x512xf32> -> vector<512x512xf32>
    %mul3A_1039 = arith.constant 1.250000e-01 : f32
    %mul3A_1040 = vector.broadcast %mul3A_1039 : f32 to vector<512x512xf32>
    %mul3A_1041 = arith.mulf %dot_general3A_1038, %mul3A_1040 : vector<512x512xf32>
    %jit3A_1042 = arith.constant -1.000000e+09 : f32
    %broadcast_in_dim3A_1043 = vector.broadcast %jit3A_1042 : f32 to vector<512x512xf32>
    %select_n3A_1044 = arith.select %le3A, %mul3A_1041, %broadcast_in_dim3A_1043 : vector<512x512xi1>, vector<512x512xf32>
    %reduce_max3A_1045 = arith.constant dense<0xFF800000> : vector<512xf32>
    %reduce_max3A_1046 = vector.multi_reduction <maximumf>, %select_n3A_1044, %reduce_max3A_1045 [1] : vector<512x512xf32> to vector<512xf32>
    %broadcast_in_dim3A_1047 = vector.shape_cast %reduce_max3A_1046 : vector<512xf32> to vector<512x1xf32>
    %sub3A_1048 = vector.broadcast %broadcast_in_dim3A_1047 : vector<512x1xf32> to vector<512x512xf32>
    %sub3A_1049 = arith.subf %select_n3A_1044, %sub3A_1048 : vector<512x512xf32>
    %exp3A_1050 = math.exp %sub3A_1049 : vector<512x512xf32>
    %reduce_sum3A_1051 = arith.constant dense<0.000000e+00> : vector<512xf32>
    %reduce_sum3A_1052 = vector.multi_reduction <add>, %exp3A_1050, %reduce_sum3A_1051 [1] : vector<512x512xf32> to vector<512xf32>
    %broadcast_in_dim3A_1053 = vector.shape_cast %reduce_sum3A_1052 : vector<512xf32> to vector<512x1xf32>
    %div3A_1054 = vector.broadcast %broadcast_in_dim3A_1053 : vector<512x1xf32> to vector<512x512xf32>
    %div3A_1055 = arith.divf %exp3A_1050, %div3A_1054 : vector<512x512xf32>
    %dot_general3A_1056 = arith.constant dense<0.000000e+00> : vector<512x64xf32>
    %dot_general3A_1057 = tpu.matmul %div3A_1055, %get3A_1036, %dot_general3A_1056 {dimension_numbers = #tpu.dot_dimension_numbers<[1], [0], [0], [1], [0, 0, 1, 1], [], []>, transpose_lhs_hint = false} : vector<512x512xf32>, vector<512x64xf32>, vector<512x64xf32> -> vector<512x64xf32>
    %swap3A_1058 = arith.constant 512 : index
    %swap3A_1059 = arith.constant 832 : index
    %swap3A_1060 = vector.load %arg12[%swap3A_1058, %swap3A_1059] : memref<1024x1024xf32, #tpu.memory_space<vmem>>, vector<512x64xf32>
    tpu.vector_store %arg12[%swap3A_1058, %swap3A_1059], %dot_general3A_1057 {strides = array<i32>} : memref<1024x1024xf32, #tpu.memory_space<vmem>>, vector<512x64xf32>,
    %get3A_1061 = arith.constant 512 : index
    %get3A_1062 = arith.constant 896 : index
    %get3A_1063 = vector.load %arg9[%get3A_1061, %get3A_1062] : memref<1024x1024xf32, #tpu.memory_space<vmem>>, vector<512x64xf32>
    %get3A_1064 = arith.constant 512 : index
    %get3A_1065 = arith.constant 896 : index
    %get3A_1066 = vector.load %arg10[%get3A_1064, %get3A_1065] : memref<1024x1024xf32, #tpu.memory_space<vmem>>, vector<512x64xf32>
    %get3A_1067 = arith.constant 512 : index
    %get3A_1068 = arith.constant 896 : index
    %get3A_1069 = vector.load %arg11[%get3A_1067, %get3A_1068] : memref<1024x1024xf32, #tpu.memory_space<vmem>>, vector<512x64xf32>
    %dot_general3A_1070 = arith.constant dense<0.000000e+00> : vector<512x512xf32>
    %dot_general3A_1071 = tpu.matmul %get3A_1063, %get3A_1066, %dot_general3A_1070 {dimension_numbers = #tpu.dot_dimension_numbers<[1], [1], [0], [0], [0, 0, 1, 0], [], []>, transpose_lhs_hint = false} : vector<512x64xf32>, vector<512x64xf32>, vector<512x512xf32> -> vector<512x512xf32>
    %mul3A_1072 = arith.constant 1.250000e-01 : f32
    %mul3A_1073 = vector.broadcast %mul3A_1072 : f32 to vector<512x512xf32>
    %mul3A_1074 = arith.mulf %dot_general3A_1071, %mul3A_1073 : vector<512x512xf32>
    %jit3A_1075 = arith.constant -1.000000e+09 : f32
    %broadcast_in_dim3A_1076 = vector.broadcast %jit3A_1075 : f32 to vector<512x512xf32>
    %select_n3A_1077 = arith.select %le3A, %mul3A_1074, %broadcast_in_dim3A_1076 : vector<512x512xi1>, vector<512x512xf32>
    %reduce_max3A_1078 = arith.constant dense<0xFF800000> : vector<512xf32>
    %reduce_max3A_1079 = vector.multi_reduction <maximumf>, %select_n3A_1077, %reduce_max3A_1078 [1] : vector<512x512xf32> to vector<512xf32>
    %broadcast_in_dim3A_1080 = vector.shape_cast %reduce_max3A_1079 : vector<512xf32> to vector<512x1xf32>
    %sub3A_1081 = vector.broadcast %broadcast_in_dim3A_1080 : vector<512x1xf32> to vector<512x512xf32>
    %sub3A_1082 = arith.subf %select_n3A_1077, %sub3A_1081 : vector<512x512xf32>
    %exp3A_1083 = math.exp %sub3A_1082 : vector<512x512xf32>
    %reduce_sum3A_1084 = arith.constant dense<0.000000e+00> : vector<512xf32>
    %reduce_sum3A_1085 = vector.multi_reduction <add>, %exp3A_1083, %reduce_sum3A_1084 [1] : vector<512x512xf32> to vector<512xf32>
    %broadcast_in_dim3A_1086 = vector.shape_cast %reduce_sum3A_1085 : vector<512xf32> to vector<512x1xf32>
    %div3A_1087 = vector.broadcast %broadcast_in_dim3A_1086 : vector<512x1xf32> to vector<512x512xf32>
    %div3A_1088 = arith.divf %exp3A_1083, %div3A_1087 : vector<512x512xf32>
    %dot_general3A_1089 = arith.constant dense<0.000000e+00> : vector<512x64xf32>
    %dot_general3A_1090 = tpu.matmul %div3A_1088, %get3A_1069, %dot_general3A_1089 {dimension_numbers = #tpu.dot_dimension_numbers<[1], [0], [0], [1], [0, 0, 1, 1], [], []>, transpose_lhs_hint = false} : vector<512x512xf32>, vector<512x64xf32>, vector<512x64xf32> -> vector<512x64xf32>
    %swap3A_1091 = arith.constant 512 : index
    %swap3A_1092 = arith.constant 896 : index
    %swap3A_1093 = vector.load %arg12[%swap3A_1091, %swap3A_1092] : memref<1024x1024xf32, #tpu.memory_space<vmem>>, vector<512x64xf32>
    tpu.vector_store %arg12[%swap3A_1091, %swap3A_1092], %dot_general3A_1090 {strides = array<i32>} : memref<1024x1024xf32, #tpu.memory_space<vmem>>, vector<512x64xf32>,
    %get3A_1094 = arith.constant 512 : index
    %get3A_1095 = arith.constant 960 : index
    %get3A_1096 = vector.load %arg9[%get3A_1094, %get3A_1095] : memref<1024x1024xf32, #tpu.memory_space<vmem>>, vector<512x64xf32>
    %get3A_1097 = arith.constant 512 : index
    %get3A_1098 = arith.constant 960 : index
    %get3A_1099 = vector.load %arg10[%get3A_1097, %get3A_1098] : memref<1024x1024xf32, #tpu.memory_space<vmem>>, vector<512x64xf32>
    %get3A_1100 = arith.constant 512 : index
    %get3A_1101 = arith.constant 960 : index
    %get3A_1102 = vector.load %arg11[%get3A_1100, %get3A_1101] : memref<1024x1024xf32, #tpu.memory_space<vmem>>, vector<512x64xf32>
    %dot_general3A_1103 = arith.constant dense<0.000000e+00> : vector<512x512xf32>
    %dot_general3A_1104 = tpu.matmul %get3A_1096, %get3A_1099, %dot_general3A_1103 {dimension_numbers = #tpu.dot_dimension_numbers<[1], [1], [0], [0], [0, 0, 1, 0], [], []>, transpose_lhs_hint = false} : vector<512x64xf32>, vector<512x64xf32>, vector<512x512xf32> -> vector<512x512xf32>
    %mul3A_1105 = arith.constant 1.250000e-01 : f32
    %mul3A_1106 = vector.broadcast %mul3A_1105 : f32 to vector<512x512xf32>
    %mul3A_1107 = arith.mulf %dot_general3A_1104, %mul3A_1106 : vector<512x512xf32>
    %jit3A_1108 = arith.constant -1.000000e+09 : f32
    %broadcast_in_dim3A_1109 = vector.broadcast %jit3A_1108 : f32 to vector<512x512xf32>
    %select_n3A_1110 = arith.select %le3A, %mul3A_1107, %broadcast_in_dim3A_1109 : vector<512x512xi1>, vector<512x512xf32>
    %reduce_max3A_1111 = arith.constant dense<0xFF800000> : vector<512xf32>
    %reduce_max3A_1112 = vector.multi_reduction <maximumf>, %select_n3A_1110, %reduce_max3A_1111 [1] : vector<512x512xf32> to vector<512xf32>
    %broadcast_in_dim3A_1113 = vector.shape_cast %reduce_max3A_1112 : vector<512xf32> to vector<512x1xf32>
    %sub3A_1114 = vector.broadcast %broadcast_in_dim3A_1113 : vector<512x1xf32> to vector<512x512xf32>
    %sub3A_1115 = arith.subf %select_n3A_1110, %sub3A_1114 : vector<512x512xf32>
    %exp3A_1116 = math.exp %sub3A_1115 : vector<512x512xf32>
    %reduce_sum3A_1117 = arith.constant dense<0.000000e+00> : vector<512xf32>
    %reduce_sum3A_1118 = vector.multi_reduction <add>, %exp3A_1116, %reduce_sum3A_1117 [1] : vector<512x512xf32> to vector<512xf32>
    %broadcast_in_dim3A_1119 = vector.shape_cast %reduce_sum3A_1118 : vector<512xf32> to vector<512x1xf32>
    %div3A_1120 = vector.broadcast %broadcast_in_dim3A_1119 : vector<512x1xf32> to vector<512x512xf32>
    %div3A_1121 = arith.divf %exp3A_1116, %div3A_1120 : vector<512x512xf32>
    %dot_general3A_1122 = arith.constant dense<0.000000e+00> : vector<512x64xf32>
    %dot_general3A_1123 = tpu.matmul %div3A_1121, %get3A_1102, %dot_general3A_1122 {dimension_numbers = #tpu.dot_dimension_numbers<[1], [0], [0], [1], [0, 0, 1, 1], [], []>, transpose_lhs_hint = false} : vector<512x512xf32>, vector<512x64xf32>, vector<512x64xf32> -> vector<512x64xf32>
    %swap3A_1124 = arith.constant 512 : index
    %swap3A_1125 = arith.constant 960 : index
    %swap3A_1126 = vector.load %arg12[%swap3A_1124, %swap3A_1125] : memref<1024x1024xf32, #tpu.memory_space<vmem>>, vector<512x64xf32>
    tpu.vector_store %arg12[%swap3A_1124, %swap3A_1125], %dot_general3A_1123 {strides = array<i32>} : memref<1024x1024xf32, #tpu.memory_space<vmem>>, vector<512x64xf32>,
    %get3A_1127 = arith.constant 0 : index
    %get3A_1128 = arith.constant 0 : index
    %get3A_1129 = vector.load %arg8[%get3A_1127, %get3A_1128] : memref<1024x1024xf32, #tpu.memory_space<vmem>>, vector<1024x1024xf32>
    %get3A_1130 = arith.constant 0 : index
    %get3A_1131 = arith.constant 0 : index
    %get3A_1132 = vector.load %arg12[%get3A_1130, %get3A_1131] : memref<1024x1024xf32, #tpu.memory_space<vmem>>, vector<1024x1024xf32>
    %get3A_1133 = arith.constant 0 : index
    %get3A_1134 = arith.constant 0 : index
    %get3A_1135 = arith.constant 0 : index
    %get3A_1136 = vector.load %arg7[%get3A_1133, %get3A_1134, %get3A_1135] : memref<1x1024x1024xf32, #tpu.memory_space<vmem>>, vector<1x1024x1024xf32>
    %get3A_1137 = vector.shape_cast %get3A_1136 : vector<1x1024x1024xf32> to vector<1024x1024xf32>
    %dot_general3A_1138 = arith.constant dense<0.000000e+00> : vector<1024x1024xf32>
    %dot_general3A_1139 = tpu.matmul %get3A_1132, %get3A_1137, %dot_general3A_1138 {dimension_numbers = #tpu.dot_dimension_numbers<[1], [0], [0], [1], [0, 0, 1, 1], [], []>, transpose_lhs_hint = false} : vector<1024x1024xf32>, vector<1024x1024xf32>, vector<1024x1024xf32> -> vector<1024x1024xf32>
    %add3A_1140 = arith.addf %get3A_1129, %dot_general3A_1139 : vector<1024x1024xf32>
    %swap3A_1141 = arith.constant 0 : index
    %swap3A_1142 = arith.constant 0 : index
    %swap3A_1143 = vector.load %arg8[%swap3A_1141, %swap3A_1142] : memref<1024x1024xf32, #tpu.memory_space<vmem>>, vector<1024x1024xf32>
    tpu.vector_store %arg8[%swap3A_1141, %swap3A_1142], %add3A_1140 {strides = array<i32>} : memref<1024x1024xf32, #tpu.memory_space<vmem>>, vector<1024x1024xf32>,
    return
  }
  func.func @transform_0(%arg0: i32) -> (i32, i32) {
    %c0_i32 = arith.constant 0 : i32
    %c0_i32_0 = arith.constant 0 : i32
    %c0_i32_1 = arith.constant 0 : i32
    return %c0_i32, %c0_i32_0 : i32, i32
  }
  func.func @transform_1(%arg0: i32) -> (i32, i32, i32) {
    %c1_i32 = arith.constant 1 : i32
    %c0_i32 = arith.constant 0 : i32
    %c0_i32_0 = arith.constant 0 : i32
    %c0_i32_1 = arith.constant 0 : i32
    return %c1_i32, %c0_i32, %c0_i32_0 : i32, i32, i32
  }
  func.func @transform_2(%arg0: i32) -> (i32, i32, i32) {
    %c1_i32 = arith.constant 1 : i32
    %c0_i32 = arith.constant 0 : i32
    %c0_i32_0 = arith.constant 0 : i32
    %c0_i32_1 = arith.constant 0 : i32
    return %c1_i32, %c0_i32, %c0_i32_0 : i32, i32, i32
  }
  func.func @transform_3(%arg0: i32) -> (i32, i32, i32) {
    %c1_i32 = arith.constant 1 : i32
    %c0_i32 = arith.constant 0 : i32
    %c0_i32_0 = arith.constant 0 : i32
    %c0_i32_1 = arith.constant 0 : i32
    return %c1_i32, %c0_i32, %c0_i32_0 : i32, i32, i32
  }
  func.func @transform_4(%arg0: i32) -> (i32, i32, i32) {
    %c1_i32 = arith.constant 1 : i32
    %c0_i32 = arith.constant 0 : i32
    %c0_i32_0 = arith.constant 0 : i32
    %c0_i32_1 = arith.constant 0 : i32
    return %c1_i32, %c0_i32, %c0_i32_0 : i32, i32, i32
  }
  func.func @transform_5(%arg0: i32) -> (i32, i32, i32) {
    %c1_i32 = arith.constant 1 : i32
    %c0_i32 = arith.constant 0 : i32
    %c0_i32_0 = arith.constant 0 : i32
    %c0_i32_1 = arith.constant 0 : i32
    return %c1_i32, %c0_i32, %c0_i32_0 : i32, i32, i32
  }
  func.func @transform_6(%arg0: i32) -> (i32, i32, i32) {
    %c1_i32 = arith.constant 1 : i32
    %c0_i32 = arith.constant 0 : i32
    %c0_i32_0 = arith.constant 0 : i32
    %c0_i32_1 = arith.constant 0 : i32
    return %c1_i32, %c0_i32, %c0_i32_0 : i32, i32, i32
  }
  func.func @transform_7(%arg0: i32) -> (i32, i32) {
    %c0_i32 = arith.constant 0 : i32
    %c0_i32_0 = arith.constant 0 : i32
    %c0_i32_1 = arith.constant 0 : i32
    return %c0_i32, %c0_i32_0 : i32, i32
  }
}

module attributes {stable_mosaic.version = 14 : i64} {
  func.func @body(%arg0: i32, %arg1: memref<1024x1024xf32, #tpu.memory_space<vmem>>, %arg2: memref<1x1x1024xf32, #tpu.memory_space<vmem>>, %arg3: memref<1x1x1024xf32, #tpu.memory_space<vmem>>, %arg4: memref<1x1024x1024xf32, #tpu.memory_space<vmem>>, %arg5: memref<1x1024x1024xf32, #tpu.memory_space<vmem>>, %arg6: memref<1x1024x1024xf32, #tpu.memory_space<vmem>>, %arg7: memref<1x1024x1024xf32, #tpu.memory_space<vmem>>, %arg8: memref<1024x1024xf32, #tpu.memory_space<vmem>>, %arg9: memref<1024x1024xf32, #tpu.memory_space<vmem>>, %arg10: memref<1024x1024xf32, #tpu.memory_space<vmem>>, %arg11: memref<1024x1024xf32, #tpu.memory_space<vmem>>, %arg12: memref<1024x1024xf32, #tpu.memory_space<vmem>>) attributes {dimension_semantics = [#tpu.dimension_semantics<arbitrary>], iteration_bounds = array<i64: 1>, scalar_prefetch = 0 : i64, scratch_operands = 4 : i64, tpu.core_type = #tpu.core_type<tc>, window_params = [{pipeline_mode = #tpu.pipeline_mode<synchronous>, transform_indices = @transform_0, window_bounds = array<i64: 1024, 1024>}, {transform_indices = @transform_1, window_bounds = array<i64: 1, 1, 1024>}, {transform_indices = @transform_2, window_bounds = array<i64: 1, 1, 1024>}, {transform_indices = @transform_3, window_bounds = array<i64: 1, 1024, 1024>}, {transform_indices = @transform_4, window_bounds = array<i64: 1, 1024, 1024>}, {transform_indices = @transform_5, window_bounds = array<i64: 1, 1024, 1024>}, {transform_indices = @transform_6, window_bounds = array<i64: 1, 1024, 1024>}, {pipeline_mode = #tpu.pipeline_mode<synchronous>, transform_indices = @transform_7, window_bounds = array<i64: 1024, 1024>}]} {
    %get3A = arith.constant 0 : index
    %get3A_0 = arith.constant 0 : index
    %get3A_1 = vector.load %arg1[%get3A, %get3A_0] : memref<1024x1024xf32, #tpu.memory_space<vmem>>, vector<1024x1024xf32>
    %swap3A = arith.constant 0 : index
    %swap3A_2 = arith.constant 0 : index
    %swap3A_3 = vector.load %arg8[%swap3A, %swap3A_2] : memref<1024x1024xf32, #tpu.memory_space<vmem>>, vector<1024x1024xf32>
    tpu.vector_store %arg8[%swap3A, %swap3A_2], %get3A_1 {strides = array<i32>} : memref<1024x1024xf32, #tpu.memory_space<vmem>>, vector<1024x1024xf32>,
    %get3A_4 = arith.constant 0 : index
    %get3A_5 = arith.constant 0 : index
    %get3A_6 = arith.constant 0 : index
    %get3A_7 = vector.load %arg2[%get3A_4, %get3A_5, %get3A_6] : memref<1x1x1024xf32, #tpu.memory_space<vmem>>, vector<1x1x1024xf32>
    %get3A_8 = vector.shape_cast %get3A_7 : vector<1x1x1024xf32> to vector<1x1024xf32>
    %get3A_9 = arith.constant 0 : index
    %get3A_10 = arith.constant 0 : index
    %get3A_11 = arith.constant 0 : index
    %get3A_12 = vector.load %arg3[%get3A_9, %get3A_10, %get3A_11] : memref<1x1x1024xf32, #tpu.memory_space<vmem>>, vector<1x1x1024xf32>
    %get3A_13 = vector.shape_cast %get3A_12 : vector<1x1x1024xf32> to vector<1x1024xf32>
    %reduce_sum3A = arith.constant dense<0.000000e+00> : vector<1024xf32>
    %reduce_sum3A_14 = vector.multi_reduction <add>, %get3A_1, %reduce_sum3A [1] : vector<1024x1024xf32> to vector<1024xf32>
    %broadcast_in_dim3A = vector.shape_cast %reduce_sum3A_14 : vector<1024xf32> to vector<1024x1xf32>
    %div3A = arith.constant 1.024000e+03 : f32
    %div3A_15 = vector.broadcast %div3A : f32 to vector<1024x1xf32>
    %div3A_16 = arith.divf %broadcast_in_dim3A, %div3A_15 : vector<1024x1xf32>
    %sub3A = vector.broadcast %div3A_16 : vector<1024x1xf32> to vector<1024x1024xf32>
    %sub3A_17 = arith.subf %get3A_1, %sub3A : vector<1024x1024xf32>
    %integer_pow3A = arith.mulf %sub3A_17, %sub3A_17 : vector<1024x1024xf32>
    %reduce_sum3A_18 = arith.constant dense<0.000000e+00> : vector<1024xf32>
    %reduce_sum3A_19 = vector.multi_reduction <add>, %integer_pow3A, %reduce_sum3A_18 [1] : vector<1024x1024xf32> to vector<1024xf32>
    %broadcast_in_dim3A_20 = vector.shape_cast %reduce_sum3A_19 : vector<1024xf32> to vector<1024x1xf32>
    %div3A_21 = arith.constant 1.024000e+03 : f32
    %div3A_22 = vector.broadcast %div3A_21 : f32 to vector<1024x1xf32>
    %div3A_23 = arith.divf %broadcast_in_dim3A_20, %div3A_22 : vector<1024x1xf32>
    %sub3A_24 = vector.broadcast %div3A_16 : vector<1024x1xf32> to vector<1024x1024xf32>
    %sub3A_25 = arith.subf %get3A_1, %sub3A_24 : vector<1024x1024xf32>
    %add3A = arith.constant 9.99999974E-6 : f32
    %add3A_26 = vector.broadcast %add3A : f32 to vector<1024x1xf32>
    %add3A_27 = arith.addf %div3A_23, %add3A_26 : vector<1024x1xf32>
    %sqrt3A = math.sqrt %add3A_27 : vector<1024x1xf32>
    %div3A_28 = vector.broadcast %sqrt3A : vector<1024x1xf32> to vector<1024x1024xf32>
    %div3A_29 = arith.divf %sub3A_25, %div3A_28 : vector<1024x1024xf32>
    %mul3A = vector.broadcast %get3A_8 : vector<1x1024xf32> to vector<1024x1024xf32>
    %mul3A_30 = arith.mulf %div3A_29, %mul3A : vector<1024x1024xf32>
    %add3A_31 = vector.broadcast %get3A_13 : vector<1x1024xf32> to vector<1024x1024xf32>
    %add3A_32 = arith.addf %mul3A_30, %add3A_31 : vector<1024x1024xf32>
    %swap3A_33 = arith.constant 0 : index
    %swap3A_34 = arith.constant 0 : index
    %swap3A_35 = vector.load %arg12[%swap3A_33, %swap3A_34] : memref<1024x1024xf32, #tpu.memory_space<vmem>>, vector<1024x1024xf32>
    tpu.vector_store %arg12[%swap3A_33, %swap3A_34], %add3A_32 {strides = array<i32>} : memref<1024x1024xf32, #tpu.memory_space<vmem>>, vector<1024x1024xf32>,
    %get3A_36 = arith.constant 0 : index
    %get3A_37 = arith.constant 0 : index
    %get3A_38 = vector.load %arg12[%get3A_36, %get3A_37] : memref<1024x1024xf32, #tpu.memory_space<vmem>>, vector<1024x1024xf32>
    %get3A_39 = arith.constant 0 : index
    %get3A_40 = arith.constant 0 : index
    %get3A_41 = arith.constant 0 : index
    %get3A_42 = vector.load %arg4[%get3A_39, %get3A_40, %get3A_41] : memref<1x1024x1024xf32, #tpu.memory_space<vmem>>, vector<1x1024x1024xf32>
    %get3A_43 = vector.shape_cast %get3A_42 : vector<1x1024x1024xf32> to vector<1024x1024xf32>
    %dot_general3A = arith.constant dense<0.000000e+00> : vector<1024x1024xf32>
    %dot_general3A_44 = tpu.matmul %get3A_38, %get3A_43, %dot_general3A {dimension_numbers = #tpu.dot_dimension_numbers<[1], [0], [0], [1], [0, 0, 1, 1], [], []>, transpose_lhs_hint = false} : vector<1024x1024xf32>, vector<1024x1024xf32>, vector<1024x1024xf32> -> vector<1024x1024xf32>
    %swap3A_45 = arith.constant 0 : index
    %swap3A_46 = arith.constant 0 : index
    %swap3A_47 = vector.load %arg9[%swap3A_45, %swap3A_46] : memref<1024x1024xf32, #tpu.memory_space<vmem>>, vector<1024x1024xf32>
    tpu.vector_store %arg9[%swap3A_45, %swap3A_46], %dot_general3A_44 {strides = array<i32>} : memref<1024x1024xf32, #tpu.memory_space<vmem>>, vector<1024x1024xf32>,
    %get3A_48 = arith.constant 0 : index
    %get3A_49 = arith.constant 0 : index
    %get3A_50 = vector.load %arg12[%get3A_48, %get3A_49] : memref<1024x1024xf32, #tpu.memory_space<vmem>>, vector<1024x1024xf32>
    %get3A_51 = arith.constant 0 : index
    %get3A_52 = arith.constant 0 : index
    %get3A_53 = arith.constant 0 : index
    %get3A_54 = vector.load %arg5[%get3A_51, %get3A_52, %get3A_53] : memref<1x1024x1024xf32, #tpu.memory_space<vmem>>, vector<1x1024x1024xf32>
    %get3A_55 = vector.shape_cast %get3A_54 : vector<1x1024x1024xf32> to vector<1024x1024xf32>
    %dot_general3A_56 = arith.constant dense<0.000000e+00> : vector<1024x1024xf32>
    %dot_general3A_57 = tpu.matmul %get3A_50, %get3A_55, %dot_general3A_56 {dimension_numbers = #tpu.dot_dimension_numbers<[1], [0], [0], [1], [0, 0, 1, 1], [], []>, transpose_lhs_hint = false} : vector<1024x1024xf32>, vector<1024x1024xf32>, vector<1024x1024xf32> -> vector<1024x1024xf32>
    %swap3A_58 = arith.constant 0 : index
    %swap3A_59 = arith.constant 0 : index
    %swap3A_60 = vector.load %arg10[%swap3A_58, %swap3A_59] : memref<1024x1024xf32, #tpu.memory_space<vmem>>, vector<1024x1024xf32>
    tpu.vector_store %arg10[%swap3A_58, %swap3A_59], %dot_general3A_57 {strides = array<i32>} : memref<1024x1024xf32, #tpu.memory_space<vmem>>, vector<1024x1024xf32>,
    %get3A_61 = arith.constant 0 : index
    %get3A_62 = arith.constant 0 : index
    %get3A_63 = vector.load %arg12[%get3A_61, %get3A_62] : memref<1024x1024xf32, #tpu.memory_space<vmem>>, vector<1024x1024xf32>
    %get3A_64 = arith.constant 0 : index
    %get3A_65 = arith.constant 0 : index
    %get3A_66 = arith.constant 0 : index
    %get3A_67 = vector.load %arg6[%get3A_64, %get3A_65, %get3A_66] : memref<1x1024x1024xf32, #tpu.memory_space<vmem>>, vector<1x1024x1024xf32>
    %get3A_68 = vector.shape_cast %get3A_67 : vector<1x1024x1024xf32> to vector<1024x1024xf32>
    %dot_general3A_69 = arith.constant dense<0.000000e+00> : vector<1024x1024xf32>
    %dot_general3A_70 = tpu.matmul %get3A_63, %get3A_68, %dot_general3A_69 {dimension_numbers = #tpu.dot_dimension_numbers<[1], [0], [0], [1], [0, 0, 1, 1], [], []>, transpose_lhs_hint = false} : vector<1024x1024xf32>, vector<1024x1024xf32>, vector<1024x1024xf32> -> vector<1024x1024xf32>
    %swap3A_71 = arith.constant 0 : index
    %swap3A_72 = arith.constant 0 : index
    %swap3A_73 = vector.load %arg11[%swap3A_71, %swap3A_72] : memref<1024x1024xf32, #tpu.memory_space<vmem>>, vector<1024x1024xf32>
    tpu.vector_store %arg11[%swap3A_71, %swap3A_72], %dot_general3A_70 {strides = array<i32>} : memref<1024x1024xf32, #tpu.memory_space<vmem>>, vector<1024x1024xf32>,
    %iota3A = tpu.iota {dimensions = array<i32: 0>} : vector<512x512xi32>
    %iota3A_74 = tpu.iota {dimensions = array<i32: 1>} : vector<512x512xi32>
    %le3A = arith.cmpi sle, %iota3A_74, %iota3A : vector<512x512xi32>
    %get3A_75 = arith.constant 0 : index
    %get3A_76 = arith.constant 0 : index
    %get3A_77 = vector.load %arg9[%get3A_75, %get3A_76] : memref<1024x1024xf32, #tpu.memory_space<vmem>>, vector<512x64xf32>
    %get3A_78 = arith.constant 0 : index
    %get3A_79 = arith.constant 0 : index
    %get3A_80 = vector.load %arg10[%get3A_78, %get3A_79] : memref<1024x1024xf32, #tpu.memory_space<vmem>>, vector<512x64xf32>
    %get3A_81 = arith.constant 0 : index
    %get3A_82 = arith.constant 0 : index
    %get3A_83 = vector.load %arg11[%get3A_81, %get3A_82] : memref<1024x1024xf32, #tpu.memory_space<vmem>>, vector<512x64xf32>
    %dot_general3A_84 = arith.constant dense<0.000000e+00> : vector<512x512xf32>
    %dot_general3A_85 = tpu.matmul %get3A_77, %get3A_80, %dot_general3A_84 {dimension_numbers = #tpu.dot_dimension_numbers<[1], [1], [0], [0], [0, 0, 1, 0], [], []>, transpose_lhs_hint = false} : vector<512x64xf32>, vector<512x64xf32>, vector<512x512xf32> -> vector<512x512xf32>
    %mul3A_86 = arith.constant 1.250000e-01 : f32
    %mul3A_87 = vector.broadcast %mul3A_86 : f32 to vector<512x512xf32>
    %mul3A_88 = arith.mulf %dot_general3A_85, %mul3A_87 : vector<512x512xf32>
    %jit3A = arith.constant -1.000000e+09 : f32
    %broadcast_in_dim3A_89 = vector.broadcast %jit3A : f32 to vector<512x512xf32>
    %select_n3A = arith.select %le3A, %mul3A_88, %broadcast_in_dim3A_89 : vector<512x512xi1>, vector<512x512xf32>
    %reduce_max3A = arith.constant dense<0xFF800000> : vector<512xf32>
    %reduce_max3A_90 = vector.multi_reduction <maximumf>, %select_n3A, %reduce_max3A [1] : vector<512x512xf32> to vector<512xf32>
    %broadcast_in_dim3A_91 = vector.shape_cast %reduce_max3A_90 : vector<512xf32> to vector<512x1xf32>
    %sub3A_92 = vector.broadcast %broadcast_in_dim3A_91 : vector<512x1xf32> to vector<512x512xf32>
    %sub3A_93 = arith.subf %select_n3A, %sub3A_92 : vector<512x512xf32>
    %exp3A = math.exp %sub3A_93 : vector<512x512xf32>
    %reduce_sum3A_94 = arith.constant dense<0.000000e+00> : vector<512xf32>
    %reduce_sum3A_95 = vector.multi_reduction <add>, %exp3A, %reduce_sum3A_94 [1] : vector<512x512xf32> to vector<512xf32>
    %broadcast_in_dim3A_96 = vector.shape_cast %reduce_sum3A_95 : vector<512xf32> to vector<512x1xf32>
    %div3A_97 = vector.broadcast %broadcast_in_dim3A_96 : vector<512x1xf32> to vector<512x512xf32>
    %div3A_98 = arith.divf %exp3A, %div3A_97 : vector<512x512xf32>
    %dot_general3A_99 = arith.constant dense<0.000000e+00> : vector<512x64xf32>
    %dot_general3A_100 = tpu.matmul %div3A_98, %get3A_83, %dot_general3A_99 {dimension_numbers = #tpu.dot_dimension_numbers<[1], [0], [0], [1], [0, 0, 1, 1], [], []>, transpose_lhs_hint = false} : vector<512x512xf32>, vector<512x64xf32>, vector<512x64xf32> -> vector<512x64xf32>
    %swap3A_101 = arith.constant 0 : index
    %swap3A_102 = arith.constant 0 : index
    %swap3A_103 = vector.load %arg12[%swap3A_101, %swap3A_102] : memref<1024x1024xf32, #tpu.memory_space<vmem>>, vector<512x64xf32>
    tpu.vector_store %arg12[%swap3A_101, %swap3A_102], %dot_general3A_100 {strides = array<i32>} : memref<1024x1024xf32, #tpu.memory_space<vmem>>, vector<512x64xf32>,
    %get3A_104 = arith.constant 0 : index
    %get3A_105 = arith.constant 64 : index
    %get3A_106 = vector.load %arg9[%get3A_104, %get3A_105] : memref<1024x1024xf32, #tpu.memory_space<vmem>>, vector<512x64xf32>
    %get3A_107 = arith.constant 0 : index
    %get3A_108 = arith.constant 64 : index
    %get3A_109 = vector.load %arg10[%get3A_107, %get3A_108] : memref<1024x1024xf32, #tpu.memory_space<vmem>>, vector<512x64xf32>
    %get3A_110 = arith.constant 0 : index
    %get3A_111 = arith.constant 64 : index
    %get3A_112 = vector.load %arg11[%get3A_110, %get3A_111] : memref<1024x1024xf32, #tpu.memory_space<vmem>>, vector<512x64xf32>
    %dot_general3A_113 = arith.constant dense<0.000000e+00> : vector<512x512xf32>
    %dot_general3A_114 = tpu.matmul %get3A_106, %get3A_109, %dot_general3A_113 {dimension_numbers = #tpu.dot_dimension_numbers<[1], [1], [0], [0], [0, 0, 1, 0], [], []>, transpose_lhs_hint = false} : vector<512x64xf32>, vector<512x64xf32>, vector<512x512xf32> -> vector<512x512xf32>
    %mul3A_115 = arith.constant 1.250000e-01 : f32
    %mul3A_116 = vector.broadcast %mul3A_115 : f32 to vector<512x512xf32>
    %mul3A_117 = arith.mulf %dot_general3A_114, %mul3A_116 : vector<512x512xf32>
    %jit3A_118 = arith.constant -1.000000e+09 : f32
    %broadcast_in_dim3A_119 = vector.broadcast %jit3A_118 : f32 to vector<512x512xf32>
    %select_n3A_120 = arith.select %le3A, %mul3A_117, %broadcast_in_dim3A_119 : vector<512x512xi1>, vector<512x512xf32>
    %reduce_max3A_121 = arith.constant dense<0xFF800000> : vector<512xf32>
    %reduce_max3A_122 = vector.multi_reduction <maximumf>, %select_n3A_120, %reduce_max3A_121 [1] : vector<512x512xf32> to vector<512xf32>
    %broadcast_in_dim3A_123 = vector.shape_cast %reduce_max3A_122 : vector<512xf32> to vector<512x1xf32>
    %sub3A_124 = vector.broadcast %broadcast_in_dim3A_123 : vector<512x1xf32> to vector<512x512xf32>
    %sub3A_125 = arith.subf %select_n3A_120, %sub3A_124 : vector<512x512xf32>
    %exp3A_126 = math.exp %sub3A_125 : vector<512x512xf32>
    %reduce_sum3A_127 = arith.constant dense<0.000000e+00> : vector<512xf32>
    %reduce_sum3A_128 = vector.multi_reduction <add>, %exp3A_126, %reduce_sum3A_127 [1] : vector<512x512xf32> to vector<512xf32>
    %broadcast_in_dim3A_129 = vector.shape_cast %reduce_sum3A_128 : vector<512xf32> to vector<512x1xf32>
    %div3A_130 = vector.broadcast %broadcast_in_dim3A_129 : vector<512x1xf32> to vector<512x512xf32>
    %div3A_131 = arith.divf %exp3A_126, %div3A_130 : vector<512x512xf32>
    %dot_general3A_132 = arith.constant dense<0.000000e+00> : vector<512x64xf32>
    %dot_general3A_133 = tpu.matmul %div3A_131, %get3A_112, %dot_general3A_132 {dimension_numbers = #tpu.dot_dimension_numbers<[1], [0], [0], [1], [0, 0, 1, 1], [], []>, transpose_lhs_hint = false} : vector<512x512xf32>, vector<512x64xf32>, vector<512x64xf32> -> vector<512x64xf32>
    %swap3A_134 = arith.constant 0 : index
    %swap3A_135 = arith.constant 64 : index
    %swap3A_136 = vector.load %arg12[%swap3A_134, %swap3A_135] : memref<1024x1024xf32, #tpu.memory_space<vmem>>, vector<512x64xf32>
    tpu.vector_store %arg12[%swap3A_134, %swap3A_135], %dot_general3A_133 {strides = array<i32>} : memref<1024x1024xf32, #tpu.memory_space<vmem>>, vector<512x64xf32>,
    %get3A_137 = arith.constant 0 : index
    %get3A_138 = arith.constant 128 : index
    %get3A_139 = vector.load %arg9[%get3A_137, %get3A_138] : memref<1024x1024xf32, #tpu.memory_space<vmem>>, vector<512x64xf32>
    %get3A_140 = arith.constant 0 : index
    %get3A_141 = arith.constant 128 : index
    %get3A_142 = vector.load %arg10[%get3A_140, %get3A_141] : memref<1024x1024xf32, #tpu.memory_space<vmem>>, vector<512x64xf32>
    %get3A_143 = arith.constant 0 : index
    %get3A_144 = arith.constant 128 : index
    %get3A_145 = vector.load %arg11[%get3A_143, %get3A_144] : memref<1024x1024xf32, #tpu.memory_space<vmem>>, vector<512x64xf32>
    %dot_general3A_146 = arith.constant dense<0.000000e+00> : vector<512x512xf32>
    %dot_general3A_147 = tpu.matmul %get3A_139, %get3A_142, %dot_general3A_146 {dimension_numbers = #tpu.dot_dimension_numbers<[1], [1], [0], [0], [0, 0, 1, 0], [], []>, transpose_lhs_hint = false} : vector<512x64xf32>, vector<512x64xf32>, vector<512x512xf32> -> vector<512x512xf32>
    %mul3A_148 = arith.constant 1.250000e-01 : f32
    %mul3A_149 = vector.broadcast %mul3A_148 : f32 to vector<512x512xf32>
    %mul3A_150 = arith.mulf %dot_general3A_147, %mul3A_149 : vector<512x512xf32>
    %jit3A_151 = arith.constant -1.000000e+09 : f32
    %broadcast_in_dim3A_152 = vector.broadcast %jit3A_151 : f32 to vector<512x512xf32>
    %select_n3A_153 = arith.select %le3A, %mul3A_150, %broadcast_in_dim3A_152 : vector<512x512xi1>, vector<512x512xf32>
    %reduce_max3A_154 = arith.constant dense<0xFF800000> : vector<512xf32>
    %reduce_max3A_155 = vector.multi_reduction <maximumf>, %select_n3A_153, %reduce_max3A_154 [1] : vector<512x512xf32> to vector<512xf32>
    %broadcast_in_dim3A_156 = vector.shape_cast %reduce_max3A_155 : vector<512xf32> to vector<512x1xf32>
    %sub3A_157 = vector.broadcast %broadcast_in_dim3A_156 : vector<512x1xf32> to vector<512x512xf32>
    %sub3A_158 = arith.subf %select_n3A_153, %sub3A_157 : vector<512x512xf32>
    %exp3A_159 = math.exp %sub3A_158 : vector<512x512xf32>
    %reduce_sum3A_160 = arith.constant dense<0.000000e+00> : vector<512xf32>
    %reduce_sum3A_161 = vector.multi_reduction <add>, %exp3A_159, %reduce_sum3A_160 [1] : vector<512x512xf32> to vector<512xf32>
    %broadcast_in_dim3A_162 = vector.shape_cast %reduce_sum3A_161 : vector<512xf32> to vector<512x1xf32>
    %div3A_163 = vector.broadcast %broadcast_in_dim3A_162 : vector<512x1xf32> to vector<512x512xf32>
    %div3A_164 = arith.divf %exp3A_159, %div3A_163 : vector<512x512xf32>
    %dot_general3A_165 = arith.constant dense<0.000000e+00> : vector<512x64xf32>
    %dot_general3A_166 = tpu.matmul %div3A_164, %get3A_145, %dot_general3A_165 {dimension_numbers = #tpu.dot_dimension_numbers<[1], [0], [0], [1], [0, 0, 1, 1], [], []>, transpose_lhs_hint = false} : vector<512x512xf32>, vector<512x64xf32>, vector<512x64xf32> -> vector<512x64xf32>
    %swap3A_167 = arith.constant 0 : index
    %swap3A_168 = arith.constant 128 : index
    %swap3A_169 = vector.load %arg12[%swap3A_167, %swap3A_168] : memref<1024x1024xf32, #tpu.memory_space<vmem>>, vector<512x64xf32>
    tpu.vector_store %arg12[%swap3A_167, %swap3A_168], %dot_general3A_166 {strides = array<i32>} : memref<1024x1024xf32, #tpu.memory_space<vmem>>, vector<512x64xf32>,
    %get3A_170 = arith.constant 0 : index
    %get3A_171 = arith.constant 192 : index
    %get3A_172 = vector.load %arg9[%get3A_170, %get3A_171] : memref<1024x1024xf32, #tpu.memory_space<vmem>>, vector<512x64xf32>
    %get3A_173 = arith.constant 0 : index
    %get3A_174 = arith.constant 192 : index
    %get3A_175 = vector.load %arg10[%get3A_173, %get3A_174] : memref<1024x1024xf32, #tpu.memory_space<vmem>>, vector<512x64xf32>
    %get3A_176 = arith.constant 0 : index
    %get3A_177 = arith.constant 192 : index
    %get3A_178 = vector.load %arg11[%get3A_176, %get3A_177] : memref<1024x1024xf32, #tpu.memory_space<vmem>>, vector<512x64xf32>
    %dot_general3A_179 = arith.constant dense<0.000000e+00> : vector<512x512xf32>
    %dot_general3A_180 = tpu.matmul %get3A_172, %get3A_175, %dot_general3A_179 {dimension_numbers = #tpu.dot_dimension_numbers<[1], [1], [0], [0], [0, 0, 1, 0], [], []>, transpose_lhs_hint = false} : vector<512x64xf32>, vector<512x64xf32>, vector<512x512xf32> -> vector<512x512xf32>
    %mul3A_181 = arith.constant 1.250000e-01 : f32
    %mul3A_182 = vector.broadcast %mul3A_181 : f32 to vector<512x512xf32>
    %mul3A_183 = arith.mulf %dot_general3A_180, %mul3A_182 : vector<512x512xf32>
    %jit3A_184 = arith.constant -1.000000e+09 : f32
    %broadcast_in_dim3A_185 = vector.broadcast %jit3A_184 : f32 to vector<512x512xf32>
    %select_n3A_186 = arith.select %le3A, %mul3A_183, %broadcast_in_dim3A_185 : vector<512x512xi1>, vector<512x512xf32>
    %reduce_max3A_187 = arith.constant dense<0xFF800000> : vector<512xf32>
    %reduce_max3A_188 = vector.multi_reduction <maximumf>, %select_n3A_186, %reduce_max3A_187 [1] : vector<512x512xf32> to vector<512xf32>
    %broadcast_in_dim3A_189 = vector.shape_cast %reduce_max3A_188 : vector<512xf32> to vector<512x1xf32>
    %sub3A_190 = vector.broadcast %broadcast_in_dim3A_189 : vector<512x1xf32> to vector<512x512xf32>
    %sub3A_191 = arith.subf %select_n3A_186, %sub3A_190 : vector<512x512xf32>
    %exp3A_192 = math.exp %sub3A_191 : vector<512x512xf32>
    %reduce_sum3A_193 = arith.constant dense<0.000000e+00> : vector<512xf32>
    %reduce_sum3A_194 = vector.multi_reduction <add>, %exp3A_192, %reduce_sum3A_193 [1] : vector<512x512xf32> to vector<512xf32>
    %broadcast_in_dim3A_195 = vector.shape_cast %reduce_sum3A_194 : vector<512xf32> to vector<512x1xf32>
    %div3A_196 = vector.broadcast %broadcast_in_dim3A_195 : vector<512x1xf32> to vector<512x512xf32>
    %div3A_197 = arith.divf %exp3A_192, %div3A_196 : vector<512x512xf32>
    %dot_general3A_198 = arith.constant dense<0.000000e+00> : vector<512x64xf32>
    %dot_general3A_199 = tpu.matmul %div3A_197, %get3A_178, %dot_general3A_198 {dimension_numbers = #tpu.dot_dimension_numbers<[1], [0], [0], [1], [0, 0, 1, 1], [], []>, transpose_lhs_hint = false} : vector<512x512xf32>, vector<512x64xf32>, vector<512x64xf32> -> vector<512x64xf32>
    %swap3A_200 = arith.constant 0 : index
    %swap3A_201 = arith.constant 192 : index
    %swap3A_202 = vector.load %arg12[%swap3A_200, %swap3A_201] : memref<1024x1024xf32, #tpu.memory_space<vmem>>, vector<512x64xf32>
    tpu.vector_store %arg12[%swap3A_200, %swap3A_201], %dot_general3A_199 {strides = array<i32>} : memref<1024x1024xf32, #tpu.memory_space<vmem>>, vector<512x64xf32>,
    %get3A_203 = arith.constant 0 : index
    %get3A_204 = arith.constant 256 : index
    %get3A_205 = vector.load %arg9[%get3A_203, %get3A_204] : memref<1024x1024xf32, #tpu.memory_space<vmem>>, vector<512x64xf32>
    %get3A_206 = arith.constant 0 : index
    %get3A_207 = arith.constant 256 : index
    %get3A_208 = vector.load %arg10[%get3A_206, %get3A_207] : memref<1024x1024xf32, #tpu.memory_space<vmem>>, vector<512x64xf32>
    %get3A_209 = arith.constant 0 : index
    %get3A_210 = arith.constant 256 : index
    %get3A_211 = vector.load %arg11[%get3A_209, %get3A_210] : memref<1024x1024xf32, #tpu.memory_space<vmem>>, vector<512x64xf32>
    %dot_general3A_212 = arith.constant dense<0.000000e+00> : vector<512x512xf32>
    %dot_general3A_213 = tpu.matmul %get3A_205, %get3A_208, %dot_general3A_212 {dimension_numbers = #tpu.dot_dimension_numbers<[1], [1], [0], [0], [0, 0, 1, 0], [], []>, transpose_lhs_hint = false} : vector<512x64xf32>, vector<512x64xf32>, vector<512x512xf32> -> vector<512x512xf32>
    %mul3A_214 = arith.constant 1.250000e-01 : f32
    %mul3A_215 = vector.broadcast %mul3A_214 : f32 to vector<512x512xf32>
    %mul3A_216 = arith.mulf %dot_general3A_213, %mul3A_215 : vector<512x512xf32>
    %jit3A_217 = arith.constant -1.000000e+09 : f32
    %broadcast_in_dim3A_218 = vector.broadcast %jit3A_217 : f32 to vector<512x512xf32>
    %select_n3A_219 = arith.select %le3A, %mul3A_216, %broadcast_in_dim3A_218 : vector<512x512xi1>, vector<512x512xf32>
    %reduce_max3A_220 = arith.constant dense<0xFF800000> : vector<512xf32>
    %reduce_max3A_221 = vector.multi_reduction <maximumf>, %select_n3A_219, %reduce_max3A_220 [1] : vector<512x512xf32> to vector<512xf32>
    %broadcast_in_dim3A_222 = vector.shape_cast %reduce_max3A_221 : vector<512xf32> to vector<512x1xf32>
    %sub3A_223 = vector.broadcast %broadcast_in_dim3A_222 : vector<512x1xf32> to vector<512x512xf32>
    %sub3A_224 = arith.subf %select_n3A_219, %sub3A_223 : vector<512x512xf32>
    %exp3A_225 = math.exp %sub3A_224 : vector<512x512xf32>
    %reduce_sum3A_226 = arith.constant dense<0.000000e+00> : vector<512xf32>
    %reduce_sum3A_227 = vector.multi_reduction <add>, %exp3A_225, %reduce_sum3A_226 [1] : vector<512x512xf32> to vector<512xf32>
    %broadcast_in_dim3A_228 = vector.shape_cast %reduce_sum3A_227 : vector<512xf32> to vector<512x1xf32>
    %div3A_229 = vector.broadcast %broadcast_in_dim3A_228 : vector<512x1xf32> to vector<512x512xf32>
    %div3A_230 = arith.divf %exp3A_225, %div3A_229 : vector<512x512xf32>
    %dot_general3A_231 = arith.constant dense<0.000000e+00> : vector<512x64xf32>
    %dot_general3A_232 = tpu.matmul %div3A_230, %get3A_211, %dot_general3A_231 {dimension_numbers = #tpu.dot_dimension_numbers<[1], [0], [0], [1], [0, 0, 1, 1], [], []>, transpose_lhs_hint = false} : vector<512x512xf32>, vector<512x64xf32>, vector<512x64xf32> -> vector<512x64xf32>
    %swap3A_233 = arith.constant 0 : index
    %swap3A_234 = arith.constant 256 : index
    %swap3A_235 = vector.load %arg12[%swap3A_233, %swap3A_234] : memref<1024x1024xf32, #tpu.memory_space<vmem>>, vector<512x64xf32>
    tpu.vector_store %arg12[%swap3A_233, %swap3A_234], %dot_general3A_232 {strides = array<i32>} : memref<1024x1024xf32, #tpu.memory_space<vmem>>, vector<512x64xf32>,
    %get3A_236 = arith.constant 0 : index
    %get3A_237 = arith.constant 320 : index
    %get3A_238 = vector.load %arg9[%get3A_236, %get3A_237] : memref<1024x1024xf32, #tpu.memory_space<vmem>>, vector<512x64xf32>
    %get3A_239 = arith.constant 0 : index
    %get3A_240 = arith.constant 320 : index
    %get3A_241 = vector.load %arg10[%get3A_239, %get3A_240] : memref<1024x1024xf32, #tpu.memory_space<vmem>>, vector<512x64xf32>
    %get3A_242 = arith.constant 0 : index
    %get3A_243 = arith.constant 320 : index
    %get3A_244 = vector.load %arg11[%get3A_242, %get3A_243] : memref<1024x1024xf32, #tpu.memory_space<vmem>>, vector<512x64xf32>
    %dot_general3A_245 = arith.constant dense<0.000000e+00> : vector<512x512xf32>
    %dot_general3A_246 = tpu.matmul %get3A_238, %get3A_241, %dot_general3A_245 {dimension_numbers = #tpu.dot_dimension_numbers<[1], [1], [0], [0], [0, 0, 1, 0], [], []>, transpose_lhs_hint = false} : vector<512x64xf32>, vector<512x64xf32>, vector<512x512xf32> -> vector<512x512xf32>
    %mul3A_247 = arith.constant 1.250000e-01 : f32
    %mul3A_248 = vector.broadcast %mul3A_247 : f32 to vector<512x512xf32>
    %mul3A_249 = arith.mulf %dot_general3A_246, %mul3A_248 : vector<512x512xf32>
    %jit3A_250 = arith.constant -1.000000e+09 : f32
    %broadcast_in_dim3A_251 = vector.broadcast %jit3A_250 : f32 to vector<512x512xf32>
    %select_n3A_252 = arith.select %le3A, %mul3A_249, %broadcast_in_dim3A_251 : vector<512x512xi1>, vector<512x512xf32>
    %reduce_max3A_253 = arith.constant dense<0xFF800000> : vector<512xf32>
    %reduce_max3A_254 = vector.multi_reduction <maximumf>, %select_n3A_252, %reduce_max3A_253 [1] : vector<512x512xf32> to vector<512xf32>
    %broadcast_in_dim3A_255 = vector.shape_cast %reduce_max3A_254 : vector<512xf32> to vector<512x1xf32>
    %sub3A_256 = vector.broadcast %broadcast_in_dim3A_255 : vector<512x1xf32> to vector<512x512xf32>
    %sub3A_257 = arith.subf %select_n3A_252, %sub3A_256 : vector<512x512xf32>
    %exp3A_258 = math.exp %sub3A_257 : vector<512x512xf32>
    %reduce_sum3A_259 = arith.constant dense<0.000000e+00> : vector<512xf32>
    %reduce_sum3A_260 = vector.multi_reduction <add>, %exp3A_258, %reduce_sum3A_259 [1] : vector<512x512xf32> to vector<512xf32>
    %broadcast_in_dim3A_261 = vector.shape_cast %reduce_sum3A_260 : vector<512xf32> to vector<512x1xf32>
    %div3A_262 = vector.broadcast %broadcast_in_dim3A_261 : vector<512x1xf32> to vector<512x512xf32>
    %div3A_263 = arith.divf %exp3A_258, %div3A_262 : vector<512x512xf32>
    %dot_general3A_264 = arith.constant dense<0.000000e+00> : vector<512x64xf32>
    %dot_general3A_265 = tpu.matmul %div3A_263, %get3A_244, %dot_general3A_264 {dimension_numbers = #tpu.dot_dimension_numbers<[1], [0], [0], [1], [0, 0, 1, 1], [], []>, transpose_lhs_hint = false} : vector<512x512xf32>, vector<512x64xf32>, vector<512x64xf32> -> vector<512x64xf32>
    %swap3A_266 = arith.constant 0 : index
    %swap3A_267 = arith.constant 320 : index
    %swap3A_268 = vector.load %arg12[%swap3A_266, %swap3A_267] : memref<1024x1024xf32, #tpu.memory_space<vmem>>, vector<512x64xf32>
    tpu.vector_store %arg12[%swap3A_266, %swap3A_267], %dot_general3A_265 {strides = array<i32>} : memref<1024x1024xf32, #tpu.memory_space<vmem>>, vector<512x64xf32>,
    %get3A_269 = arith.constant 0 : index
    %get3A_270 = arith.constant 384 : index
    %get3A_271 = vector.load %arg9[%get3A_269, %get3A_270] : memref<1024x1024xf32, #tpu.memory_space<vmem>>, vector<512x64xf32>
    %get3A_272 = arith.constant 0 : index
    %get3A_273 = arith.constant 384 : index
    %get3A_274 = vector.load %arg10[%get3A_272, %get3A_273] : memref<1024x1024xf32, #tpu.memory_space<vmem>>, vector<512x64xf32>
    %get3A_275 = arith.constant 0 : index
    %get3A_276 = arith.constant 384 : index
    %get3A_277 = vector.load %arg11[%get3A_275, %get3A_276] : memref<1024x1024xf32, #tpu.memory_space<vmem>>, vector<512x64xf32>
    %dot_general3A_278 = arith.constant dense<0.000000e+00> : vector<512x512xf32>
    %dot_general3A_279 = tpu.matmul %get3A_271, %get3A_274, %dot_general3A_278 {dimension_numbers = #tpu.dot_dimension_numbers<[1], [1], [0], [0], [0, 0, 1, 0], [], []>, transpose_lhs_hint = false} : vector<512x64xf32>, vector<512x64xf32>, vector<512x512xf32> -> vector<512x512xf32>
    %mul3A_280 = arith.constant 1.250000e-01 : f32
    %mul3A_281 = vector.broadcast %mul3A_280 : f32 to vector<512x512xf32>
    %mul3A_282 = arith.mulf %dot_general3A_279, %mul3A_281 : vector<512x512xf32>
    %jit3A_283 = arith.constant -1.000000e+09 : f32
    %broadcast_in_dim3A_284 = vector.broadcast %jit3A_283 : f32 to vector<512x512xf32>
    %select_n3A_285 = arith.select %le3A, %mul3A_282, %broadcast_in_dim3A_284 : vector<512x512xi1>, vector<512x512xf32>
    %reduce_max3A_286 = arith.constant dense<0xFF800000> : vector<512xf32>
    %reduce_max3A_287 = vector.multi_reduction <maximumf>, %select_n3A_285, %reduce_max3A_286 [1] : vector<512x512xf32> to vector<512xf32>
    %broadcast_in_dim3A_288 = vector.shape_cast %reduce_max3A_287 : vector<512xf32> to vector<512x1xf32>
    %sub3A_289 = vector.broadcast %broadcast_in_dim3A_288 : vector<512x1xf32> to vector<512x512xf32>
    %sub3A_290 = arith.subf %select_n3A_285, %sub3A_289 : vector<512x512xf32>
    %exp3A_291 = math.exp %sub3A_290 : vector<512x512xf32>
    %reduce_sum3A_292 = arith.constant dense<0.000000e+00> : vector<512xf32>
    %reduce_sum3A_293 = vector.multi_reduction <add>, %exp3A_291, %reduce_sum3A_292 [1] : vector<512x512xf32> to vector<512xf32>
    %broadcast_in_dim3A_294 = vector.shape_cast %reduce_sum3A_293 : vector<512xf32> to vector<512x1xf32>
    %div3A_295 = vector.broadcast %broadcast_in_dim3A_294 : vector<512x1xf32> to vector<512x512xf32>
    %div3A_296 = arith.divf %exp3A_291, %div3A_295 : vector<512x512xf32>
    %dot_general3A_297 = arith.constant dense<0.000000e+00> : vector<512x64xf32>
    %dot_general3A_298 = tpu.matmul %div3A_296, %get3A_277, %dot_general3A_297 {dimension_numbers = #tpu.dot_dimension_numbers<[1], [0], [0], [1], [0, 0, 1, 1], [], []>, transpose_lhs_hint = false} : vector<512x512xf32>, vector<512x64xf32>, vector<512x64xf32> -> vector<512x64xf32>
    %swap3A_299 = arith.constant 0 : index
    %swap3A_300 = arith.constant 384 : index
    %swap3A_301 = vector.load %arg12[%swap3A_299, %swap3A_300] : memref<1024x1024xf32, #tpu.memory_space<vmem>>, vector<512x64xf32>
    tpu.vector_store %arg12[%swap3A_299, %swap3A_300], %dot_general3A_298 {strides = array<i32>} : memref<1024x1024xf32, #tpu.memory_space<vmem>>, vector<512x64xf32>,
    %get3A_302 = arith.constant 0 : index
    %get3A_303 = arith.constant 448 : index
    %get3A_304 = vector.load %arg9[%get3A_302, %get3A_303] : memref<1024x1024xf32, #tpu.memory_space<vmem>>, vector<512x64xf32>
    %get3A_305 = arith.constant 0 : index
    %get3A_306 = arith.constant 448 : index
    %get3A_307 = vector.load %arg10[%get3A_305, %get3A_306] : memref<1024x1024xf32, #tpu.memory_space<vmem>>, vector<512x64xf32>
    %get3A_308 = arith.constant 0 : index
    %get3A_309 = arith.constant 448 : index
    %get3A_310 = vector.load %arg11[%get3A_308, %get3A_309] : memref<1024x1024xf32, #tpu.memory_space<vmem>>, vector<512x64xf32>
    %dot_general3A_311 = arith.constant dense<0.000000e+00> : vector<512x512xf32>
    %dot_general3A_312 = tpu.matmul %get3A_304, %get3A_307, %dot_general3A_311 {dimension_numbers = #tpu.dot_dimension_numbers<[1], [1], [0], [0], [0, 0, 1, 0], [], []>, transpose_lhs_hint = false} : vector<512x64xf32>, vector<512x64xf32>, vector<512x512xf32> -> vector<512x512xf32>
    %mul3A_313 = arith.constant 1.250000e-01 : f32
    %mul3A_314 = vector.broadcast %mul3A_313 : f32 to vector<512x512xf32>
    %mul3A_315 = arith.mulf %dot_general3A_312, %mul3A_314 : vector<512x512xf32>
    %jit3A_316 = arith.constant -1.000000e+09 : f32
    %broadcast_in_dim3A_317 = vector.broadcast %jit3A_316 : f32 to vector<512x512xf32>
    %select_n3A_318 = arith.select %le3A, %mul3A_315, %broadcast_in_dim3A_317 : vector<512x512xi1>, vector<512x512xf32>
    %reduce_max3A_319 = arith.constant dense<0xFF800000> : vector<512xf32>
    %reduce_max3A_320 = vector.multi_reduction <maximumf>, %select_n3A_318, %reduce_max3A_319 [1] : vector<512x512xf32> to vector<512xf32>
    %broadcast_in_dim3A_321 = vector.shape_cast %reduce_max3A_320 : vector<512xf32> to vector<512x1xf32>
    %sub3A_322 = vector.broadcast %broadcast_in_dim3A_321 : vector<512x1xf32> to vector<512x512xf32>
    %sub3A_323 = arith.subf %select_n3A_318, %sub3A_322 : vector<512x512xf32>
    %exp3A_324 = math.exp %sub3A_323 : vector<512x512xf32>
    %reduce_sum3A_325 = arith.constant dense<0.000000e+00> : vector<512xf32>
    %reduce_sum3A_326 = vector.multi_reduction <add>, %exp3A_324, %reduce_sum3A_325 [1] : vector<512x512xf32> to vector<512xf32>
    %broadcast_in_dim3A_327 = vector.shape_cast %reduce_sum3A_326 : vector<512xf32> to vector<512x1xf32>
    %div3A_328 = vector.broadcast %broadcast_in_dim3A_327 : vector<512x1xf32> to vector<512x512xf32>
    %div3A_329 = arith.divf %exp3A_324, %div3A_328 : vector<512x512xf32>
    %dot_general3A_330 = arith.constant dense<0.000000e+00> : vector<512x64xf32>
    %dot_general3A_331 = tpu.matmul %div3A_329, %get3A_310, %dot_general3A_330 {dimension_numbers = #tpu.dot_dimension_numbers<[1], [0], [0], [1], [0, 0, 1, 1], [], []>, transpose_lhs_hint = false} : vector<512x512xf32>, vector<512x64xf32>, vector<512x64xf32> -> vector<512x64xf32>
    %swap3A_332 = arith.constant 0 : index
    %swap3A_333 = arith.constant 448 : index
    %swap3A_334 = vector.load %arg12[%swap3A_332, %swap3A_333] : memref<1024x1024xf32, #tpu.memory_space<vmem>>, vector<512x64xf32>
    tpu.vector_store %arg12[%swap3A_332, %swap3A_333], %dot_general3A_331 {strides = array<i32>} : memref<1024x1024xf32, #tpu.memory_space<vmem>>, vector<512x64xf32>,
    %get3A_335 = arith.constant 0 : index
    %get3A_336 = arith.constant 512 : index
    %get3A_337 = vector.load %arg9[%get3A_335, %get3A_336] : memref<1024x1024xf32, #tpu.memory_space<vmem>>, vector<512x64xf32>
    %get3A_338 = arith.constant 0 : index
    %get3A_339 = arith.constant 512 : index
    %get3A_340 = vector.load %arg10[%get3A_338, %get3A_339] : memref<1024x1024xf32, #tpu.memory_space<vmem>>, vector<512x64xf32>
    %get3A_341 = arith.constant 0 : index
    %get3A_342 = arith.constant 512 : index
    %get3A_343 = vector.load %arg11[%get3A_341, %get3A_342] : memref<1024x1024xf32, #tpu.memory_space<vmem>>, vector<512x64xf32>
    %dot_general3A_344 = arith.constant dense<0.000000e+00> : vector<512x512xf32>
    %dot_general3A_345 = tpu.matmul %get3A_337, %get3A_340, %dot_general3A_344 {dimension_numbers = #tpu.dot_dimension_numbers<[1], [1], [0], [0], [0, 0, 1, 0], [], []>, transpose_lhs_hint = false} : vector<512x64xf32>, vector<512x64xf32>, vector<512x512xf32> -> vector<512x512xf32>
    %mul3A_346 = arith.constant 1.250000e-01 : f32
    %mul3A_347 = vector.broadcast %mul3A_346 : f32 to vector<512x512xf32>
    %mul3A_348 = arith.mulf %dot_general3A_345, %mul3A_347 : vector<512x512xf32>
    %jit3A_349 = arith.constant -1.000000e+09 : f32
    %broadcast_in_dim3A_350 = vector.broadcast %jit3A_349 : f32 to vector<512x512xf32>
    %select_n3A_351 = arith.select %le3A, %mul3A_348, %broadcast_in_dim3A_350 : vector<512x512xi1>, vector<512x512xf32>
    %reduce_max3A_352 = arith.constant dense<0xFF800000> : vector<512xf32>
    %reduce_max3A_353 = vector.multi_reduction <maximumf>, %select_n3A_351, %reduce_max3A_352 [1] : vector<512x512xf32> to vector<512xf32>
    %broadcast_in_dim3A_354 = vector.shape_cast %reduce_max3A_353 : vector<512xf32> to vector<512x1xf32>
    %sub3A_355 = vector.broadcast %broadcast_in_dim3A_354 : vector<512x1xf32> to vector<512x512xf32>
    %sub3A_356 = arith.subf %select_n3A_351, %sub3A_355 : vector<512x512xf32>
    %exp3A_357 = math.exp %sub3A_356 : vector<512x512xf32>
    %reduce_sum3A_358 = arith.constant dense<0.000000e+00> : vector<512xf32>
    %reduce_sum3A_359 = vector.multi_reduction <add>, %exp3A_357, %reduce_sum3A_358 [1] : vector<512x512xf32> to vector<512xf32>
    %broadcast_in_dim3A_360 = vector.shape_cast %reduce_sum3A_359 : vector<512xf32> to vector<512x1xf32>
    %div3A_361 = vector.broadcast %broadcast_in_dim3A_360 : vector<512x1xf32> to vector<512x512xf32>
    %div3A_362 = arith.divf %exp3A_357, %div3A_361 : vector<512x512xf32>
    %dot_general3A_363 = arith.constant dense<0.000000e+00> : vector<512x64xf32>
    %dot_general3A_364 = tpu.matmul %div3A_362, %get3A_343, %dot_general3A_363 {dimension_numbers = #tpu.dot_dimension_numbers<[1], [0], [0], [1], [0, 0, 1, 1], [], []>, transpose_lhs_hint = false} : vector<512x512xf32>, vector<512x64xf32>, vector<512x64xf32> -> vector<512x64xf32>
    %swap3A_365 = arith.constant 0 : index
    %swap3A_366 = arith.constant 512 : index
    %swap3A_367 = vector.load %arg12[%swap3A_365, %swap3A_366] : memref<1024x1024xf32, #tpu.memory_space<vmem>>, vector<512x64xf32>
    tpu.vector_store %arg12[%swap3A_365, %swap3A_366], %dot_general3A_364 {strides = array<i32>} : memref<1024x1024xf32, #tpu.memory_space<vmem>>, vector<512x64xf32>,
    %get3A_368 = arith.constant 0 : index
    %get3A_369 = arith.constant 576 : index
    %get3A_370 = vector.load %arg9[%get3A_368, %get3A_369] : memref<1024x1024xf32, #tpu.memory_space<vmem>>, vector<512x64xf32>
    %get3A_371 = arith.constant 0 : index
    %get3A_372 = arith.constant 576 : index
    %get3A_373 = vector.load %arg10[%get3A_371, %get3A_372] : memref<1024x1024xf32, #tpu.memory_space<vmem>>, vector<512x64xf32>
    %get3A_374 = arith.constant 0 : index
    %get3A_375 = arith.constant 576 : index
    %get3A_376 = vector.load %arg11[%get3A_374, %get3A_375] : memref<1024x1024xf32, #tpu.memory_space<vmem>>, vector<512x64xf32>
    %dot_general3A_377 = arith.constant dense<0.000000e+00> : vector<512x512xf32>
    %dot_general3A_378 = tpu.matmul %get3A_370, %get3A_373, %dot_general3A_377 {dimension_numbers = #tpu.dot_dimension_numbers<[1], [1], [0], [0], [0, 0, 1, 0], [], []>, transpose_lhs_hint = false} : vector<512x64xf32>, vector<512x64xf32>, vector<512x512xf32> -> vector<512x512xf32>
    %mul3A_379 = arith.constant 1.250000e-01 : f32
    %mul3A_380 = vector.broadcast %mul3A_379 : f32 to vector<512x512xf32>
    %mul3A_381 = arith.mulf %dot_general3A_378, %mul3A_380 : vector<512x512xf32>
    %jit3A_382 = arith.constant -1.000000e+09 : f32
    %broadcast_in_dim3A_383 = vector.broadcast %jit3A_382 : f32 to vector<512x512xf32>
    %select_n3A_384 = arith.select %le3A, %mul3A_381, %broadcast_in_dim3A_383 : vector<512x512xi1>, vector<512x512xf32>
    %reduce_max3A_385 = arith.constant dense<0xFF800000> : vector<512xf32>
    %reduce_max3A_386 = vector.multi_reduction <maximumf>, %select_n3A_384, %reduce_max3A_385 [1] : vector<512x512xf32> to vector<512xf32>
    %broadcast_in_dim3A_387 = vector.shape_cast %reduce_max3A_386 : vector<512xf32> to vector<512x1xf32>
    %sub3A_388 = vector.broadcast %broadcast_in_dim3A_387 : vector<512x1xf32> to vector<512x512xf32>
    %sub3A_389 = arith.subf %select_n3A_384, %sub3A_388 : vector<512x512xf32>
    %exp3A_390 = math.exp %sub3A_389 : vector<512x512xf32>
    %reduce_sum3A_391 = arith.constant dense<0.000000e+00> : vector<512xf32>
    %reduce_sum3A_392 = vector.multi_reduction <add>, %exp3A_390, %reduce_sum3A_391 [1] : vector<512x512xf32> to vector<512xf32>
    %broadcast_in_dim3A_393 = vector.shape_cast %reduce_sum3A_392 : vector<512xf32> to vector<512x1xf32>
    %div3A_394 = vector.broadcast %broadcast_in_dim3A_393 : vector<512x1xf32> to vector<512x512xf32>
    %div3A_395 = arith.divf %exp3A_390, %div3A_394 : vector<512x512xf32>
    %dot_general3A_396 = arith.constant dense<0.000000e+00> : vector<512x64xf32>
    %dot_general3A_397 = tpu.matmul %div3A_395, %get3A_376, %dot_general3A_396 {dimension_numbers = #tpu.dot_dimension_numbers<[1], [0], [0], [1], [0, 0, 1, 1], [], []>, transpose_lhs_hint = false} : vector<512x512xf32>, vector<512x64xf32>, vector<512x64xf32> -> vector<512x64xf32>
    %swap3A_398 = arith.constant 0 : index
    %swap3A_399 = arith.constant 576 : index
    %swap3A_400 = vector.load %arg12[%swap3A_398, %swap3A_399] : memref<1024x1024xf32, #tpu.memory_space<vmem>>, vector<512x64xf32>
    tpu.vector_store %arg12[%swap3A_398, %swap3A_399], %dot_general3A_397 {strides = array<i32>} : memref<1024x1024xf32, #tpu.memory_space<vmem>>, vector<512x64xf32>,
    %get3A_401 = arith.constant 0 : index
    %get3A_402 = arith.constant 640 : index
    %get3A_403 = vector.load %arg9[%get3A_401, %get3A_402] : memref<1024x1024xf32, #tpu.memory_space<vmem>>, vector<512x64xf32>
    %get3A_404 = arith.constant 0 : index
    %get3A_405 = arith.constant 640 : index
    %get3A_406 = vector.load %arg10[%get3A_404, %get3A_405] : memref<1024x1024xf32, #tpu.memory_space<vmem>>, vector<512x64xf32>
    %get3A_407 = arith.constant 0 : index
    %get3A_408 = arith.constant 640 : index
    %get3A_409 = vector.load %arg11[%get3A_407, %get3A_408] : memref<1024x1024xf32, #tpu.memory_space<vmem>>, vector<512x64xf32>
    %dot_general3A_410 = arith.constant dense<0.000000e+00> : vector<512x512xf32>
    %dot_general3A_411 = tpu.matmul %get3A_403, %get3A_406, %dot_general3A_410 {dimension_numbers = #tpu.dot_dimension_numbers<[1], [1], [0], [0], [0, 0, 1, 0], [], []>, transpose_lhs_hint = false} : vector<512x64xf32>, vector<512x64xf32>, vector<512x512xf32> -> vector<512x512xf32>
    %mul3A_412 = arith.constant 1.250000e-01 : f32
    %mul3A_413 = vector.broadcast %mul3A_412 : f32 to vector<512x512xf32>
    %mul3A_414 = arith.mulf %dot_general3A_411, %mul3A_413 : vector<512x512xf32>
    %jit3A_415 = arith.constant -1.000000e+09 : f32
    %broadcast_in_dim3A_416 = vector.broadcast %jit3A_415 : f32 to vector<512x512xf32>
    %select_n3A_417 = arith.select %le3A, %mul3A_414, %broadcast_in_dim3A_416 : vector<512x512xi1>, vector<512x512xf32>
    %reduce_max3A_418 = arith.constant dense<0xFF800000> : vector<512xf32>
    %reduce_max3A_419 = vector.multi_reduction <maximumf>, %select_n3A_417, %reduce_max3A_418 [1] : vector<512x512xf32> to vector<512xf32>
    %broadcast_in_dim3A_420 = vector.shape_cast %reduce_max3A_419 : vector<512xf32> to vector<512x1xf32>
    %sub3A_421 = vector.broadcast %broadcast_in_dim3A_420 : vector<512x1xf32> to vector<512x512xf32>
    %sub3A_422 = arith.subf %select_n3A_417, %sub3A_421 : vector<512x512xf32>
    %exp3A_423 = math.exp %sub3A_422 : vector<512x512xf32>
    %reduce_sum3A_424 = arith.constant dense<0.000000e+00> : vector<512xf32>
    %reduce_sum3A_425 = vector.multi_reduction <add>, %exp3A_423, %reduce_sum3A_424 [1] : vector<512x512xf32> to vector<512xf32>
    %broadcast_in_dim3A_426 = vector.shape_cast %reduce_sum3A_425 : vector<512xf32> to vector<512x1xf32>
    %div3A_427 = vector.broadcast %broadcast_in_dim3A_426 : vector<512x1xf32> to vector<512x512xf32>
    %div3A_428 = arith.divf %exp3A_423, %div3A_427 : vector<512x512xf32>
    %dot_general3A_429 = arith.constant dense<0.000000e+00> : vector<512x64xf32>
    %dot_general3A_430 = tpu.matmul %div3A_428, %get3A_409, %dot_general3A_429 {dimension_numbers = #tpu.dot_dimension_numbers<[1], [0], [0], [1], [0, 0, 1, 1], [], []>, transpose_lhs_hint = false} : vector<512x512xf32>, vector<512x64xf32>, vector<512x64xf32> -> vector<512x64xf32>
    %swap3A_431 = arith.constant 0 : index
    %swap3A_432 = arith.constant 640 : index
    %swap3A_433 = vector.load %arg12[%swap3A_431, %swap3A_432] : memref<1024x1024xf32, #tpu.memory_space<vmem>>, vector<512x64xf32>
    tpu.vector_store %arg12[%swap3A_431, %swap3A_432], %dot_general3A_430 {strides = array<i32>} : memref<1024x1024xf32, #tpu.memory_space<vmem>>, vector<512x64xf32>,
    %get3A_434 = arith.constant 0 : index
    %get3A_435 = arith.constant 704 : index
    %get3A_436 = vector.load %arg9[%get3A_434, %get3A_435] : memref<1024x1024xf32, #tpu.memory_space<vmem>>, vector<512x64xf32>
    %get3A_437 = arith.constant 0 : index
    %get3A_438 = arith.constant 704 : index
    %get3A_439 = vector.load %arg10[%get3A_437, %get3A_438] : memref<1024x1024xf32, #tpu.memory_space<vmem>>, vector<512x64xf32>
    %get3A_440 = arith.constant 0 : index
    %get3A_441 = arith.constant 704 : index
    %get3A_442 = vector.load %arg11[%get3A_440, %get3A_441] : memref<1024x1024xf32, #tpu.memory_space<vmem>>, vector<512x64xf32>
    %dot_general3A_443 = arith.constant dense<0.000000e+00> : vector<512x512xf32>
    %dot_general3A_444 = tpu.matmul %get3A_436, %get3A_439, %dot_general3A_443 {dimension_numbers = #tpu.dot_dimension_numbers<[1], [1], [0], [0], [0, 0, 1, 0], [], []>, transpose_lhs_hint = false} : vector<512x64xf32>, vector<512x64xf32>, vector<512x512xf32> -> vector<512x512xf32>
    %mul3A_445 = arith.constant 1.250000e-01 : f32
    %mul3A_446 = vector.broadcast %mul3A_445 : f32 to vector<512x512xf32>
    %mul3A_447 = arith.mulf %dot_general3A_444, %mul3A_446 : vector<512x512xf32>
    %jit3A_448 = arith.constant -1.000000e+09 : f32
    %broadcast_in_dim3A_449 = vector.broadcast %jit3A_448 : f32 to vector<512x512xf32>
    %select_n3A_450 = arith.select %le3A, %mul3A_447, %broadcast_in_dim3A_449 : vector<512x512xi1>, vector<512x512xf32>
    %reduce_max3A_451 = arith.constant dense<0xFF800000> : vector<512xf32>
    %reduce_max3A_452 = vector.multi_reduction <maximumf>, %select_n3A_450, %reduce_max3A_451 [1] : vector<512x512xf32> to vector<512xf32>
    %broadcast_in_dim3A_453 = vector.shape_cast %reduce_max3A_452 : vector<512xf32> to vector<512x1xf32>
    %sub3A_454 = vector.broadcast %broadcast_in_dim3A_453 : vector<512x1xf32> to vector<512x512xf32>
    %sub3A_455 = arith.subf %select_n3A_450, %sub3A_454 : vector<512x512xf32>
    %exp3A_456 = math.exp %sub3A_455 : vector<512x512xf32>
    %reduce_sum3A_457 = arith.constant dense<0.000000e+00> : vector<512xf32>
    %reduce_sum3A_458 = vector.multi_reduction <add>, %exp3A_456, %reduce_sum3A_457 [1] : vector<512x512xf32> to vector<512xf32>
    %broadcast_in_dim3A_459 = vector.shape_cast %reduce_sum3A_458 : vector<512xf32> to vector<512x1xf32>
    %div3A_460 = vector.broadcast %broadcast_in_dim3A_459 : vector<512x1xf32> to vector<512x512xf32>
    %div3A_461 = arith.divf %exp3A_456, %div3A_460 : vector<512x512xf32>
    %dot_general3A_462 = arith.constant dense<0.000000e+00> : vector<512x64xf32>
    %dot_general3A_463 = tpu.matmul %div3A_461, %get3A_442, %dot_general3A_462 {dimension_numbers = #tpu.dot_dimension_numbers<[1], [0], [0], [1], [0, 0, 1, 1], [], []>, transpose_lhs_hint = false} : vector<512x512xf32>, vector<512x64xf32>, vector<512x64xf32> -> vector<512x64xf32>
    %swap3A_464 = arith.constant 0 : index
    %swap3A_465 = arith.constant 704 : index
    %swap3A_466 = vector.load %arg12[%swap3A_464, %swap3A_465] : memref<1024x1024xf32, #tpu.memory_space<vmem>>, vector<512x64xf32>
    tpu.vector_store %arg12[%swap3A_464, %swap3A_465], %dot_general3A_463 {strides = array<i32>} : memref<1024x1024xf32, #tpu.memory_space<vmem>>, vector<512x64xf32>,
    %get3A_467 = arith.constant 0 : index
    %get3A_468 = arith.constant 768 : index
    %get3A_469 = vector.load %arg9[%get3A_467, %get3A_468] : memref<1024x1024xf32, #tpu.memory_space<vmem>>, vector<512x64xf32>
    %get3A_470 = arith.constant 0 : index
    %get3A_471 = arith.constant 768 : index
    %get3A_472 = vector.load %arg10[%get3A_470, %get3A_471] : memref<1024x1024xf32, #tpu.memory_space<vmem>>, vector<512x64xf32>
    %get3A_473 = arith.constant 0 : index
    %get3A_474 = arith.constant 768 : index
    %get3A_475 = vector.load %arg11[%get3A_473, %get3A_474] : memref<1024x1024xf32, #tpu.memory_space<vmem>>, vector<512x64xf32>
    %dot_general3A_476 = arith.constant dense<0.000000e+00> : vector<512x512xf32>
    %dot_general3A_477 = tpu.matmul %get3A_469, %get3A_472, %dot_general3A_476 {dimension_numbers = #tpu.dot_dimension_numbers<[1], [1], [0], [0], [0, 0, 1, 0], [], []>, transpose_lhs_hint = false} : vector<512x64xf32>, vector<512x64xf32>, vector<512x512xf32> -> vector<512x512xf32>
    %mul3A_478 = arith.constant 1.250000e-01 : f32
    %mul3A_479 = vector.broadcast %mul3A_478 : f32 to vector<512x512xf32>
    %mul3A_480 = arith.mulf %dot_general3A_477, %mul3A_479 : vector<512x512xf32>
    %jit3A_481 = arith.constant -1.000000e+09 : f32
    %broadcast_in_dim3A_482 = vector.broadcast %jit3A_481 : f32 to vector<512x512xf32>
    %select_n3A_483 = arith.select %le3A, %mul3A_480, %broadcast_in_dim3A_482 : vector<512x512xi1>, vector<512x512xf32>
    %reduce_max3A_484 = arith.constant dense<0xFF800000> : vector<512xf32>
    %reduce_max3A_485 = vector.multi_reduction <maximumf>, %select_n3A_483, %reduce_max3A_484 [1] : vector<512x512xf32> to vector<512xf32>
    %broadcast_in_dim3A_486 = vector.shape_cast %reduce_max3A_485 : vector<512xf32> to vector<512x1xf32>
    %sub3A_487 = vector.broadcast %broadcast_in_dim3A_486 : vector<512x1xf32> to vector<512x512xf32>
    %sub3A_488 = arith.subf %select_n3A_483, %sub3A_487 : vector<512x512xf32>
    %exp3A_489 = math.exp %sub3A_488 : vector<512x512xf32>
    %reduce_sum3A_490 = arith.constant dense<0.000000e+00> : vector<512xf32>
    %reduce_sum3A_491 = vector.multi_reduction <add>, %exp3A_489, %reduce_sum3A_490 [1] : vector<512x512xf32> to vector<512xf32>
    %broadcast_in_dim3A_492 = vector.shape_cast %reduce_sum3A_491 : vector<512xf32> to vector<512x1xf32>
    %div3A_493 = vector.broadcast %broadcast_in_dim3A_492 : vector<512x1xf32> to vector<512x512xf32>
    %div3A_494 = arith.divf %exp3A_489, %div3A_493 : vector<512x512xf32>
    %dot_general3A_495 = arith.constant dense<0.000000e+00> : vector<512x64xf32>
    %dot_general3A_496 = tpu.matmul %div3A_494, %get3A_475, %dot_general3A_495 {dimension_numbers = #tpu.dot_dimension_numbers<[1], [0], [0], [1], [0, 0, 1, 1], [], []>, transpose_lhs_hint = false} : vector<512x512xf32>, vector<512x64xf32>, vector<512x64xf32> -> vector<512x64xf32>
    %swap3A_497 = arith.constant 0 : index
    %swap3A_498 = arith.constant 768 : index
    %swap3A_499 = vector.load %arg12[%swap3A_497, %swap3A_498] : memref<1024x1024xf32, #tpu.memory_space<vmem>>, vector<512x64xf32>
    tpu.vector_store %arg12[%swap3A_497, %swap3A_498], %dot_general3A_496 {strides = array<i32>} : memref<1024x1024xf32, #tpu.memory_space<vmem>>, vector<512x64xf32>,
    %get3A_500 = arith.constant 0 : index
    %get3A_501 = arith.constant 832 : index
    %get3A_502 = vector.load %arg9[%get3A_500, %get3A_501] : memref<1024x1024xf32, #tpu.memory_space<vmem>>, vector<512x64xf32>
    %get3A_503 = arith.constant 0 : index
    %get3A_504 = arith.constant 832 : index
    %get3A_505 = vector.load %arg10[%get3A_503, %get3A_504] : memref<1024x1024xf32, #tpu.memory_space<vmem>>, vector<512x64xf32>
    %get3A_506 = arith.constant 0 : index
    %get3A_507 = arith.constant 832 : index
    %get3A_508 = vector.load %arg11[%get3A_506, %get3A_507] : memref<1024x1024xf32, #tpu.memory_space<vmem>>, vector<512x64xf32>
    %dot_general3A_509 = arith.constant dense<0.000000e+00> : vector<512x512xf32>
    %dot_general3A_510 = tpu.matmul %get3A_502, %get3A_505, %dot_general3A_509 {dimension_numbers = #tpu.dot_dimension_numbers<[1], [1], [0], [0], [0, 0, 1, 0], [], []>, transpose_lhs_hint = false} : vector<512x64xf32>, vector<512x64xf32>, vector<512x512xf32> -> vector<512x512xf32>
    %mul3A_511 = arith.constant 1.250000e-01 : f32
    %mul3A_512 = vector.broadcast %mul3A_511 : f32 to vector<512x512xf32>
    %mul3A_513 = arith.mulf %dot_general3A_510, %mul3A_512 : vector<512x512xf32>
    %jit3A_514 = arith.constant -1.000000e+09 : f32
    %broadcast_in_dim3A_515 = vector.broadcast %jit3A_514 : f32 to vector<512x512xf32>
    %select_n3A_516 = arith.select %le3A, %mul3A_513, %broadcast_in_dim3A_515 : vector<512x512xi1>, vector<512x512xf32>
    %reduce_max3A_517 = arith.constant dense<0xFF800000> : vector<512xf32>
    %reduce_max3A_518 = vector.multi_reduction <maximumf>, %select_n3A_516, %reduce_max3A_517 [1] : vector<512x512xf32> to vector<512xf32>
    %broadcast_in_dim3A_519 = vector.shape_cast %reduce_max3A_518 : vector<512xf32> to vector<512x1xf32>
    %sub3A_520 = vector.broadcast %broadcast_in_dim3A_519 : vector<512x1xf32> to vector<512x512xf32>
    %sub3A_521 = arith.subf %select_n3A_516, %sub3A_520 : vector<512x512xf32>
    %exp3A_522 = math.exp %sub3A_521 : vector<512x512xf32>
    %reduce_sum3A_523 = arith.constant dense<0.000000e+00> : vector<512xf32>
    %reduce_sum3A_524 = vector.multi_reduction <add>, %exp3A_522, %reduce_sum3A_523 [1] : vector<512x512xf32> to vector<512xf32>
    %broadcast_in_dim3A_525 = vector.shape_cast %reduce_sum3A_524 : vector<512xf32> to vector<512x1xf32>
    %div3A_526 = vector.broadcast %broadcast_in_dim3A_525 : vector<512x1xf32> to vector<512x512xf32>
    %div3A_527 = arith.divf %exp3A_522, %div3A_526 : vector<512x512xf32>
    %dot_general3A_528 = arith.constant dense<0.000000e+00> : vector<512x64xf32>
    %dot_general3A_529 = tpu.matmul %div3A_527, %get3A_508, %dot_general3A_528 {dimension_numbers = #tpu.dot_dimension_numbers<[1], [0], [0], [1], [0, 0, 1, 1], [], []>, transpose_lhs_hint = false} : vector<512x512xf32>, vector<512x64xf32>, vector<512x64xf32> -> vector<512x64xf32>
    %swap3A_530 = arith.constant 0 : index
    %swap3A_531 = arith.constant 832 : index
    %swap3A_532 = vector.load %arg12[%swap3A_530, %swap3A_531] : memref<1024x1024xf32, #tpu.memory_space<vmem>>, vector<512x64xf32>
    tpu.vector_store %arg12[%swap3A_530, %swap3A_531], %dot_general3A_529 {strides = array<i32>} : memref<1024x1024xf32, #tpu.memory_space<vmem>>, vector<512x64xf32>,
    %get3A_533 = arith.constant 0 : index
    %get3A_534 = arith.constant 896 : index
    %get3A_535 = vector.load %arg9[%get3A_533, %get3A_534] : memref<1024x1024xf32, #tpu.memory_space<vmem>>, vector<512x64xf32>
    %get3A_536 = arith.constant 0 : index
    %get3A_537 = arith.constant 896 : index
    %get3A_538 = vector.load %arg10[%get3A_536, %get3A_537] : memref<1024x1024xf32, #tpu.memory_space<vmem>>, vector<512x64xf32>
    %get3A_539 = arith.constant 0 : index
    %get3A_540 = arith.constant 896 : index
    %get3A_541 = vector.load %arg11[%get3A_539, %get3A_540] : memref<1024x1024xf32, #tpu.memory_space<vmem>>, vector<512x64xf32>
    %dot_general3A_542 = arith.constant dense<0.000000e+00> : vector<512x512xf32>
    %dot_general3A_543 = tpu.matmul %get3A_535, %get3A_538, %dot_general3A_542 {dimension_numbers = #tpu.dot_dimension_numbers<[1], [1], [0], [0], [0, 0, 1, 0], [], []>, transpose_lhs_hint = false} : vector<512x64xf32>, vector<512x64xf32>, vector<512x512xf32> -> vector<512x512xf32>
    %mul3A_544 = arith.constant 1.250000e-01 : f32
    %mul3A_545 = vector.broadcast %mul3A_544 : f32 to vector<512x512xf32>
    %mul3A_546 = arith.mulf %dot_general3A_543, %mul3A_545 : vector<512x512xf32>
    %jit3A_547 = arith.constant -1.000000e+09 : f32
    %broadcast_in_dim3A_548 = vector.broadcast %jit3A_547 : f32 to vector<512x512xf32>
    %select_n3A_549 = arith.select %le3A, %mul3A_546, %broadcast_in_dim3A_548 : vector<512x512xi1>, vector<512x512xf32>
    %reduce_max3A_550 = arith.constant dense<0xFF800000> : vector<512xf32>
    %reduce_max3A_551 = vector.multi_reduction <maximumf>, %select_n3A_549, %reduce_max3A_550 [1] : vector<512x512xf32> to vector<512xf32>
    %broadcast_in_dim3A_552 = vector.shape_cast %reduce_max3A_551 : vector<512xf32> to vector<512x1xf32>
    %sub3A_553 = vector.broadcast %broadcast_in_dim3A_552 : vector<512x1xf32> to vector<512x512xf32>
    %sub3A_554 = arith.subf %select_n3A_549, %sub3A_553 : vector<512x512xf32>
    %exp3A_555 = math.exp %sub3A_554 : vector<512x512xf32>
    %reduce_sum3A_556 = arith.constant dense<0.000000e+00> : vector<512xf32>
    %reduce_sum3A_557 = vector.multi_reduction <add>, %exp3A_555, %reduce_sum3A_556 [1] : vector<512x512xf32> to vector<512xf32>
    %broadcast_in_dim3A_558 = vector.shape_cast %reduce_sum3A_557 : vector<512xf32> to vector<512x1xf32>
    %div3A_559 = vector.broadcast %broadcast_in_dim3A_558 : vector<512x1xf32> to vector<512x512xf32>
    %div3A_560 = arith.divf %exp3A_555, %div3A_559 : vector<512x512xf32>
    %dot_general3A_561 = arith.constant dense<0.000000e+00> : vector<512x64xf32>
    %dot_general3A_562 = tpu.matmul %div3A_560, %get3A_541, %dot_general3A_561 {dimension_numbers = #tpu.dot_dimension_numbers<[1], [0], [0], [1], [0, 0, 1, 1], [], []>, transpose_lhs_hint = false} : vector<512x512xf32>, vector<512x64xf32>, vector<512x64xf32> -> vector<512x64xf32>
    %swap3A_563 = arith.constant 0 : index
    %swap3A_564 = arith.constant 896 : index
    %swap3A_565 = vector.load %arg12[%swap3A_563, %swap3A_564] : memref<1024x1024xf32, #tpu.memory_space<vmem>>, vector<512x64xf32>
    tpu.vector_store %arg12[%swap3A_563, %swap3A_564], %dot_general3A_562 {strides = array<i32>} : memref<1024x1024xf32, #tpu.memory_space<vmem>>, vector<512x64xf32>,
    %get3A_566 = arith.constant 0 : index
    %get3A_567 = arith.constant 960 : index
    %get3A_568 = vector.load %arg9[%get3A_566, %get3A_567] : memref<1024x1024xf32, #tpu.memory_space<vmem>>, vector<512x64xf32>
    %get3A_569 = arith.constant 0 : index
    %get3A_570 = arith.constant 960 : index
    %get3A_571 = vector.load %arg10[%get3A_569, %get3A_570] : memref<1024x1024xf32, #tpu.memory_space<vmem>>, vector<512x64xf32>
    %get3A_572 = arith.constant 0 : index
    %get3A_573 = arith.constant 960 : index
    %get3A_574 = vector.load %arg11[%get3A_572, %get3A_573] : memref<1024x1024xf32, #tpu.memory_space<vmem>>, vector<512x64xf32>
    %dot_general3A_575 = arith.constant dense<0.000000e+00> : vector<512x512xf32>
    %dot_general3A_576 = tpu.matmul %get3A_568, %get3A_571, %dot_general3A_575 {dimension_numbers = #tpu.dot_dimension_numbers<[1], [1], [0], [0], [0, 0, 1, 0], [], []>, transpose_lhs_hint = false} : vector<512x64xf32>, vector<512x64xf32>, vector<512x512xf32> -> vector<512x512xf32>
    %mul3A_577 = arith.constant 1.250000e-01 : f32
    %mul3A_578 = vector.broadcast %mul3A_577 : f32 to vector<512x512xf32>
    %mul3A_579 = arith.mulf %dot_general3A_576, %mul3A_578 : vector<512x512xf32>
    %jit3A_580 = arith.constant -1.000000e+09 : f32
    %broadcast_in_dim3A_581 = vector.broadcast %jit3A_580 : f32 to vector<512x512xf32>
    %select_n3A_582 = arith.select %le3A, %mul3A_579, %broadcast_in_dim3A_581 : vector<512x512xi1>, vector<512x512xf32>
    %reduce_max3A_583 = arith.constant dense<0xFF800000> : vector<512xf32>
    %reduce_max3A_584 = vector.multi_reduction <maximumf>, %select_n3A_582, %reduce_max3A_583 [1] : vector<512x512xf32> to vector<512xf32>
    %broadcast_in_dim3A_585 = vector.shape_cast %reduce_max3A_584 : vector<512xf32> to vector<512x1xf32>
    %sub3A_586 = vector.broadcast %broadcast_in_dim3A_585 : vector<512x1xf32> to vector<512x512xf32>
    %sub3A_587 = arith.subf %select_n3A_582, %sub3A_586 : vector<512x512xf32>
    %exp3A_588 = math.exp %sub3A_587 : vector<512x512xf32>
    %reduce_sum3A_589 = arith.constant dense<0.000000e+00> : vector<512xf32>
    %reduce_sum3A_590 = vector.multi_reduction <add>, %exp3A_588, %reduce_sum3A_589 [1] : vector<512x512xf32> to vector<512xf32>
    %broadcast_in_dim3A_591 = vector.shape_cast %reduce_sum3A_590 : vector<512xf32> to vector<512x1xf32>
    %div3A_592 = vector.broadcast %broadcast_in_dim3A_591 : vector<512x1xf32> to vector<512x512xf32>
    %div3A_593 = arith.divf %exp3A_588, %div3A_592 : vector<512x512xf32>
    %dot_general3A_594 = arith.constant dense<0.000000e+00> : vector<512x64xf32>
    %dot_general3A_595 = tpu.matmul %div3A_593, %get3A_574, %dot_general3A_594 {dimension_numbers = #tpu.dot_dimension_numbers<[1], [0], [0], [1], [0, 0, 1, 1], [], []>, transpose_lhs_hint = false} : vector<512x512xf32>, vector<512x64xf32>, vector<512x64xf32> -> vector<512x64xf32>
    %swap3A_596 = arith.constant 0 : index
    %swap3A_597 = arith.constant 960 : index
    %swap3A_598 = vector.load %arg12[%swap3A_596, %swap3A_597] : memref<1024x1024xf32, #tpu.memory_space<vmem>>, vector<512x64xf32>
    tpu.vector_store %arg12[%swap3A_596, %swap3A_597], %dot_general3A_595 {strides = array<i32>} : memref<1024x1024xf32, #tpu.memory_space<vmem>>, vector<512x64xf32>,
    %get3A_599 = arith.constant 512 : index
    %get3A_600 = arith.constant 0 : index
    %get3A_601 = vector.load %arg9[%get3A_599, %get3A_600] : memref<1024x1024xf32, #tpu.memory_space<vmem>>, vector<512x64xf32>
    %get3A_602 = arith.constant 512 : index
    %get3A_603 = arith.constant 0 : index
    %get3A_604 = vector.load %arg10[%get3A_602, %get3A_603] : memref<1024x1024xf32, #tpu.memory_space<vmem>>, vector<512x64xf32>
    %get3A_605 = arith.constant 512 : index
    %get3A_606 = arith.constant 0 : index
    %get3A_607 = vector.load %arg11[%get3A_605, %get3A_606] : memref<1024x1024xf32, #tpu.memory_space<vmem>>, vector<512x64xf32>
    %dot_general3A_608 = arith.constant dense<0.000000e+00> : vector<512x512xf32>
    %dot_general3A_609 = tpu.matmul %get3A_601, %get3A_604, %dot_general3A_608 {dimension_numbers = #tpu.dot_dimension_numbers<[1], [1], [0], [0], [0, 0, 1, 0], [], []>, transpose_lhs_hint = false} : vector<512x64xf32>, vector<512x64xf32>, vector<512x512xf32> -> vector<512x512xf32>
    %mul3A_610 = arith.constant 1.250000e-01 : f32
    %mul3A_611 = vector.broadcast %mul3A_610 : f32 to vector<512x512xf32>
    %mul3A_612 = arith.mulf %dot_general3A_609, %mul3A_611 : vector<512x512xf32>
    %jit3A_613 = arith.constant -1.000000e+09 : f32
    %broadcast_in_dim3A_614 = vector.broadcast %jit3A_613 : f32 to vector<512x512xf32>
    %select_n3A_615 = arith.select %le3A, %mul3A_612, %broadcast_in_dim3A_614 : vector<512x512xi1>, vector<512x512xf32>
    %reduce_max3A_616 = arith.constant dense<0xFF800000> : vector<512xf32>
    %reduce_max3A_617 = vector.multi_reduction <maximumf>, %select_n3A_615, %reduce_max3A_616 [1] : vector<512x512xf32> to vector<512xf32>
    %broadcast_in_dim3A_618 = vector.shape_cast %reduce_max3A_617 : vector<512xf32> to vector<512x1xf32>
    %sub3A_619 = vector.broadcast %broadcast_in_dim3A_618 : vector<512x1xf32> to vector<512x512xf32>
    %sub3A_620 = arith.subf %select_n3A_615, %sub3A_619 : vector<512x512xf32>
    %exp3A_621 = math.exp %sub3A_620 : vector<512x512xf32>
    %reduce_sum3A_622 = arith.constant dense<0.000000e+00> : vector<512xf32>
    %reduce_sum3A_623 = vector.multi_reduction <add>, %exp3A_621, %reduce_sum3A_622 [1] : vector<512x512xf32> to vector<512xf32>
    %broadcast_in_dim3A_624 = vector.shape_cast %reduce_sum3A_623 : vector<512xf32> to vector<512x1xf32>
    %div3A_625 = vector.broadcast %broadcast_in_dim3A_624 : vector<512x1xf32> to vector<512x512xf32>
    %div3A_626 = arith.divf %exp3A_621, %div3A_625 : vector<512x512xf32>
    %dot_general3A_627 = arith.constant dense<0.000000e+00> : vector<512x64xf32>
    %dot_general3A_628 = tpu.matmul %div3A_626, %get3A_607, %dot_general3A_627 {dimension_numbers = #tpu.dot_dimension_numbers<[1], [0], [0], [1], [0, 0, 1, 1], [], []>, transpose_lhs_hint = false} : vector<512x512xf32>, vector<512x64xf32>, vector<512x64xf32> -> vector<512x64xf32>
    %swap3A_629 = arith.constant 512 : index
    %swap3A_630 = arith.constant 0 : index
    %swap3A_631 = vector.load %arg12[%swap3A_629, %swap3A_630] : memref<1024x1024xf32, #tpu.memory_space<vmem>>, vector<512x64xf32>
    tpu.vector_store %arg12[%swap3A_629, %swap3A_630], %dot_general3A_628 {strides = array<i32>} : memref<1024x1024xf32, #tpu.memory_space<vmem>>, vector<512x64xf32>,
    %get3A_632 = arith.constant 512 : index
    %get3A_633 = arith.constant 64 : index
    %get3A_634 = vector.load %arg9[%get3A_632, %get3A_633] : memref<1024x1024xf32, #tpu.memory_space<vmem>>, vector<512x64xf32>
    %get3A_635 = arith.constant 512 : index
    %get3A_636 = arith.constant 64 : index
    %get3A_637 = vector.load %arg10[%get3A_635, %get3A_636] : memref<1024x1024xf32, #tpu.memory_space<vmem>>, vector<512x64xf32>
    %get3A_638 = arith.constant 512 : index
    %get3A_639 = arith.constant 64 : index
    %get3A_640 = vector.load %arg11[%get3A_638, %get3A_639] : memref<1024x1024xf32, #tpu.memory_space<vmem>>, vector<512x64xf32>
    %dot_general3A_641 = arith.constant dense<0.000000e+00> : vector<512x512xf32>
    %dot_general3A_642 = tpu.matmul %get3A_634, %get3A_637, %dot_general3A_641 {dimension_numbers = #tpu.dot_dimension_numbers<[1], [1], [0], [0], [0, 0, 1, 0], [], []>, transpose_lhs_hint = false} : vector<512x64xf32>, vector<512x64xf32>, vector<512x512xf32> -> vector<512x512xf32>
    %mul3A_643 = arith.constant 1.250000e-01 : f32
    %mul3A_644 = vector.broadcast %mul3A_643 : f32 to vector<512x512xf32>
    %mul3A_645 = arith.mulf %dot_general3A_642, %mul3A_644 : vector<512x512xf32>
    %jit3A_646 = arith.constant -1.000000e+09 : f32
    %broadcast_in_dim3A_647 = vector.broadcast %jit3A_646 : f32 to vector<512x512xf32>
    %select_n3A_648 = arith.select %le3A, %mul3A_645, %broadcast_in_dim3A_647 : vector<512x512xi1>, vector<512x512xf32>
    %reduce_max3A_649 = arith.constant dense<0xFF800000> : vector<512xf32>
    %reduce_max3A_650 = vector.multi_reduction <maximumf>, %select_n3A_648, %reduce_max3A_649 [1] : vector<512x512xf32> to vector<512xf32>
    %broadcast_in_dim3A_651 = vector.shape_cast %reduce_max3A_650 : vector<512xf32> to vector<512x1xf32>
    %sub3A_652 = vector.broadcast %broadcast_in_dim3A_651 : vector<512x1xf32> to vector<512x512xf32>
    %sub3A_653 = arith.subf %select_n3A_648, %sub3A_652 : vector<512x512xf32>
    %exp3A_654 = math.exp %sub3A_653 : vector<512x512xf32>
    %reduce_sum3A_655 = arith.constant dense<0.000000e+00> : vector<512xf32>
    %reduce_sum3A_656 = vector.multi_reduction <add>, %exp3A_654, %reduce_sum3A_655 [1] : vector<512x512xf32> to vector<512xf32>
    %broadcast_in_dim3A_657 = vector.shape_cast %reduce_sum3A_656 : vector<512xf32> to vector<512x1xf32>
    %div3A_658 = vector.broadcast %broadcast_in_dim3A_657 : vector<512x1xf32> to vector<512x512xf32>
    %div3A_659 = arith.divf %exp3A_654, %div3A_658 : vector<512x512xf32>
    %dot_general3A_660 = arith.constant dense<0.000000e+00> : vector<512x64xf32>
    %dot_general3A_661 = tpu.matmul %div3A_659, %get3A_640, %dot_general3A_660 {dimension_numbers = #tpu.dot_dimension_numbers<[1], [0], [0], [1], [0, 0, 1, 1], [], []>, transpose_lhs_hint = false} : vector<512x512xf32>, vector<512x64xf32>, vector<512x64xf32> -> vector<512x64xf32>
    %swap3A_662 = arith.constant 512 : index
    %swap3A_663 = arith.constant 64 : index
    %swap3A_664 = vector.load %arg12[%swap3A_662, %swap3A_663] : memref<1024x1024xf32, #tpu.memory_space<vmem>>, vector<512x64xf32>
    tpu.vector_store %arg12[%swap3A_662, %swap3A_663], %dot_general3A_661 {strides = array<i32>} : memref<1024x1024xf32, #tpu.memory_space<vmem>>, vector<512x64xf32>,
    %get3A_665 = arith.constant 512 : index
    %get3A_666 = arith.constant 128 : index
    %get3A_667 = vector.load %arg9[%get3A_665, %get3A_666] : memref<1024x1024xf32, #tpu.memory_space<vmem>>, vector<512x64xf32>
    %get3A_668 = arith.constant 512 : index
    %get3A_669 = arith.constant 128 : index
    %get3A_670 = vector.load %arg10[%get3A_668, %get3A_669] : memref<1024x1024xf32, #tpu.memory_space<vmem>>, vector<512x64xf32>
    %get3A_671 = arith.constant 512 : index
    %get3A_672 = arith.constant 128 : index
    %get3A_673 = vector.load %arg11[%get3A_671, %get3A_672] : memref<1024x1024xf32, #tpu.memory_space<vmem>>, vector<512x64xf32>
    %dot_general3A_674 = arith.constant dense<0.000000e+00> : vector<512x512xf32>
    %dot_general3A_675 = tpu.matmul %get3A_667, %get3A_670, %dot_general3A_674 {dimension_numbers = #tpu.dot_dimension_numbers<[1], [1], [0], [0], [0, 0, 1, 0], [], []>, transpose_lhs_hint = false} : vector<512x64xf32>, vector<512x64xf32>, vector<512x512xf32> -> vector<512x512xf32>
    %mul3A_676 = arith.constant 1.250000e-01 : f32
    %mul3A_677 = vector.broadcast %mul3A_676 : f32 to vector<512x512xf32>
    %mul3A_678 = arith.mulf %dot_general3A_675, %mul3A_677 : vector<512x512xf32>
    %jit3A_679 = arith.constant -1.000000e+09 : f32
    %broadcast_in_dim3A_680 = vector.broadcast %jit3A_679 : f32 to vector<512x512xf32>
    %select_n3A_681 = arith.select %le3A, %mul3A_678, %broadcast_in_dim3A_680 : vector<512x512xi1>, vector<512x512xf32>
    %reduce_max3A_682 = arith.constant dense<0xFF800000> : vector<512xf32>
    %reduce_max3A_683 = vector.multi_reduction <maximumf>, %select_n3A_681, %reduce_max3A_682 [1] : vector<512x512xf32> to vector<512xf32>
    %broadcast_in_dim3A_684 = vector.shape_cast %reduce_max3A_683 : vector<512xf32> to vector<512x1xf32>
    %sub3A_685 = vector.broadcast %broadcast_in_dim3A_684 : vector<512x1xf32> to vector<512x512xf32>
    %sub3A_686 = arith.subf %select_n3A_681, %sub3A_685 : vector<512x512xf32>
    %exp3A_687 = math.exp %sub3A_686 : vector<512x512xf32>
    %reduce_sum3A_688 = arith.constant dense<0.000000e+00> : vector<512xf32>
    %reduce_sum3A_689 = vector.multi_reduction <add>, %exp3A_687, %reduce_sum3A_688 [1] : vector<512x512xf32> to vector<512xf32>
    %broadcast_in_dim3A_690 = vector.shape_cast %reduce_sum3A_689 : vector<512xf32> to vector<512x1xf32>
    %div3A_691 = vector.broadcast %broadcast_in_dim3A_690 : vector<512x1xf32> to vector<512x512xf32>
    %div3A_692 = arith.divf %exp3A_687, %div3A_691 : vector<512x512xf32>
    %dot_general3A_693 = arith.constant dense<0.000000e+00> : vector<512x64xf32>
    %dot_general3A_694 = tpu.matmul %div3A_692, %get3A_673, %dot_general3A_693 {dimension_numbers = #tpu.dot_dimension_numbers<[1], [0], [0], [1], [0, 0, 1, 1], [], []>, transpose_lhs_hint = false} : vector<512x512xf32>, vector<512x64xf32>, vector<512x64xf32> -> vector<512x64xf32>
    %swap3A_695 = arith.constant 512 : index
    %swap3A_696 = arith.constant 128 : index
    %swap3A_697 = vector.load %arg12[%swap3A_695, %swap3A_696] : memref<1024x1024xf32, #tpu.memory_space<vmem>>, vector<512x64xf32>
    tpu.vector_store %arg12[%swap3A_695, %swap3A_696], %dot_general3A_694 {strides = array<i32>} : memref<1024x1024xf32, #tpu.memory_space<vmem>>, vector<512x64xf32>,
    %get3A_698 = arith.constant 512 : index
    %get3A_699 = arith.constant 192 : index
    %get3A_700 = vector.load %arg9[%get3A_698, %get3A_699] : memref<1024x1024xf32, #tpu.memory_space<vmem>>, vector<512x64xf32>
    %get3A_701 = arith.constant 512 : index
    %get3A_702 = arith.constant 192 : index
    %get3A_703 = vector.load %arg10[%get3A_701, %get3A_702] : memref<1024x1024xf32, #tpu.memory_space<vmem>>, vector<512x64xf32>
    %get3A_704 = arith.constant 512 : index
    %get3A_705 = arith.constant 192 : index
    %get3A_706 = vector.load %arg11[%get3A_704, %get3A_705] : memref<1024x1024xf32, #tpu.memory_space<vmem>>, vector<512x64xf32>
    %dot_general3A_707 = arith.constant dense<0.000000e+00> : vector<512x512xf32>
    %dot_general3A_708 = tpu.matmul %get3A_700, %get3A_703, %dot_general3A_707 {dimension_numbers = #tpu.dot_dimension_numbers<[1], [1], [0], [0], [0, 0, 1, 0], [], []>, transpose_lhs_hint = false} : vector<512x64xf32>, vector<512x64xf32>, vector<512x512xf32> -> vector<512x512xf32>
    %mul3A_709 = arith.constant 1.250000e-01 : f32
    %mul3A_710 = vector.broadcast %mul3A_709 : f32 to vector<512x512xf32>
    %mul3A_711 = arith.mulf %dot_general3A_708, %mul3A_710 : vector<512x512xf32>
    %jit3A_712 = arith.constant -1.000000e+09 : f32
    %broadcast_in_dim3A_713 = vector.broadcast %jit3A_712 : f32 to vector<512x512xf32>
    %select_n3A_714 = arith.select %le3A, %mul3A_711, %broadcast_in_dim3A_713 : vector<512x512xi1>, vector<512x512xf32>
    %reduce_max3A_715 = arith.constant dense<0xFF800000> : vector<512xf32>
    %reduce_max3A_716 = vector.multi_reduction <maximumf>, %select_n3A_714, %reduce_max3A_715 [1] : vector<512x512xf32> to vector<512xf32>
    %broadcast_in_dim3A_717 = vector.shape_cast %reduce_max3A_716 : vector<512xf32> to vector<512x1xf32>
    %sub3A_718 = vector.broadcast %broadcast_in_dim3A_717 : vector<512x1xf32> to vector<512x512xf32>
    %sub3A_719 = arith.subf %select_n3A_714, %sub3A_718 : vector<512x512xf32>
    %exp3A_720 = math.exp %sub3A_719 : vector<512x512xf32>
    %reduce_sum3A_721 = arith.constant dense<0.000000e+00> : vector<512xf32>
    %reduce_sum3A_722 = vector.multi_reduction <add>, %exp3A_720, %reduce_sum3A_721 [1] : vector<512x512xf32> to vector<512xf32>
    %broadcast_in_dim3A_723 = vector.shape_cast %reduce_sum3A_722 : vector<512xf32> to vector<512x1xf32>
    %div3A_724 = vector.broadcast %broadcast_in_dim3A_723 : vector<512x1xf32> to vector<512x512xf32>
    %div3A_725 = arith.divf %exp3A_720, %div3A_724 : vector<512x512xf32>
    %dot_general3A_726 = arith.constant dense<0.000000e+00> : vector<512x64xf32>
    %dot_general3A_727 = tpu.matmul %div3A_725, %get3A_706, %dot_general3A_726 {dimension_numbers = #tpu.dot_dimension_numbers<[1], [0], [0], [1], [0, 0, 1, 1], [], []>, transpose_lhs_hint = false} : vector<512x512xf32>, vector<512x64xf32>, vector<512x64xf32> -> vector<512x64xf32>
    %swap3A_728 = arith.constant 512 : index
    %swap3A_729 = arith.constant 192 : index
    %swap3A_730 = vector.load %arg12[%swap3A_728, %swap3A_729] : memref<1024x1024xf32, #tpu.memory_space<vmem>>, vector<512x64xf32>
    tpu.vector_store %arg12[%swap3A_728, %swap3A_729], %dot_general3A_727 {strides = array<i32>} : memref<1024x1024xf32, #tpu.memory_space<vmem>>, vector<512x64xf32>,
    %get3A_731 = arith.constant 512 : index
    %get3A_732 = arith.constant 256 : index
    %get3A_733 = vector.load %arg9[%get3A_731, %get3A_732] : memref<1024x1024xf32, #tpu.memory_space<vmem>>, vector<512x64xf32>
    %get3A_734 = arith.constant 512 : index
    %get3A_735 = arith.constant 256 : index
    %get3A_736 = vector.load %arg10[%get3A_734, %get3A_735] : memref<1024x1024xf32, #tpu.memory_space<vmem>>, vector<512x64xf32>
    %get3A_737 = arith.constant 512 : index
    %get3A_738 = arith.constant 256 : index
    %get3A_739 = vector.load %arg11[%get3A_737, %get3A_738] : memref<1024x1024xf32, #tpu.memory_space<vmem>>, vector<512x64xf32>
    %dot_general3A_740 = arith.constant dense<0.000000e+00> : vector<512x512xf32>
    %dot_general3A_741 = tpu.matmul %get3A_733, %get3A_736, %dot_general3A_740 {dimension_numbers = #tpu.dot_dimension_numbers<[1], [1], [0], [0], [0, 0, 1, 0], [], []>, transpose_lhs_hint = false} : vector<512x64xf32>, vector<512x64xf32>, vector<512x512xf32> -> vector<512x512xf32>
    %mul3A_742 = arith.constant 1.250000e-01 : f32
    %mul3A_743 = vector.broadcast %mul3A_742 : f32 to vector<512x512xf32>
    %mul3A_744 = arith.mulf %dot_general3A_741, %mul3A_743 : vector<512x512xf32>
    %jit3A_745 = arith.constant -1.000000e+09 : f32
    %broadcast_in_dim3A_746 = vector.broadcast %jit3A_745 : f32 to vector<512x512xf32>
    %select_n3A_747 = arith.select %le3A, %mul3A_744, %broadcast_in_dim3A_746 : vector<512x512xi1>, vector<512x512xf32>
    %reduce_max3A_748 = arith.constant dense<0xFF800000> : vector<512xf32>
    %reduce_max3A_749 = vector.multi_reduction <maximumf>, %select_n3A_747, %reduce_max3A_748 [1] : vector<512x512xf32> to vector<512xf32>
    %broadcast_in_dim3A_750 = vector.shape_cast %reduce_max3A_749 : vector<512xf32> to vector<512x1xf32>
    %sub3A_751 = vector.broadcast %broadcast_in_dim3A_750 : vector<512x1xf32> to vector<512x512xf32>
    %sub3A_752 = arith.subf %select_n3A_747, %sub3A_751 : vector<512x512xf32>
    %exp3A_753 = math.exp %sub3A_752 : vector<512x512xf32>
    %reduce_sum3A_754 = arith.constant dense<0.000000e+00> : vector<512xf32>
    %reduce_sum3A_755 = vector.multi_reduction <add>, %exp3A_753, %reduce_sum3A_754 [1] : vector<512x512xf32> to vector<512xf32>
    %broadcast_in_dim3A_756 = vector.shape_cast %reduce_sum3A_755 : vector<512xf32> to vector<512x1xf32>
    %div3A_757 = vector.broadcast %broadcast_in_dim3A_756 : vector<512x1xf32> to vector<512x512xf32>
    %div3A_758 = arith.divf %exp3A_753, %div3A_757 : vector<512x512xf32>
    %dot_general3A_759 = arith.constant dense<0.000000e+00> : vector<512x64xf32>
    %dot_general3A_760 = tpu.matmul %div3A_758, %get3A_739, %dot_general3A_759 {dimension_numbers = #tpu.dot_dimension_numbers<[1], [0], [0], [1], [0, 0, 1, 1], [], []>, transpose_lhs_hint = false} : vector<512x512xf32>, vector<512x64xf32>, vector<512x64xf32> -> vector<512x64xf32>
    %swap3A_761 = arith.constant 512 : index
    %swap3A_762 = arith.constant 256 : index
    %swap3A_763 = vector.load %arg12[%swap3A_761, %swap3A_762] : memref<1024x1024xf32, #tpu.memory_space<vmem>>, vector<512x64xf32>
    tpu.vector_store %arg12[%swap3A_761, %swap3A_762], %dot_general3A_760 {strides = array<i32>} : memref<1024x1024xf32, #tpu.memory_space<vmem>>, vector<512x64xf32>,
    %get3A_764 = arith.constant 512 : index
    %get3A_765 = arith.constant 320 : index
    %get3A_766 = vector.load %arg9[%get3A_764, %get3A_765] : memref<1024x1024xf32, #tpu.memory_space<vmem>>, vector<512x64xf32>
    %get3A_767 = arith.constant 512 : index
    %get3A_768 = arith.constant 320 : index
    %get3A_769 = vector.load %arg10[%get3A_767, %get3A_768] : memref<1024x1024xf32, #tpu.memory_space<vmem>>, vector<512x64xf32>
    %get3A_770 = arith.constant 512 : index
    %get3A_771 = arith.constant 320 : index
    %get3A_772 = vector.load %arg11[%get3A_770, %get3A_771] : memref<1024x1024xf32, #tpu.memory_space<vmem>>, vector<512x64xf32>
    %dot_general3A_773 = arith.constant dense<0.000000e+00> : vector<512x512xf32>
    %dot_general3A_774 = tpu.matmul %get3A_766, %get3A_769, %dot_general3A_773 {dimension_numbers = #tpu.dot_dimension_numbers<[1], [1], [0], [0], [0, 0, 1, 0], [], []>, transpose_lhs_hint = false} : vector<512x64xf32>, vector<512x64xf32>, vector<512x512xf32> -> vector<512x512xf32>
    %mul3A_775 = arith.constant 1.250000e-01 : f32
    %mul3A_776 = vector.broadcast %mul3A_775 : f32 to vector<512x512xf32>
    %mul3A_777 = arith.mulf %dot_general3A_774, %mul3A_776 : vector<512x512xf32>
    %jit3A_778 = arith.constant -1.000000e+09 : f32
    %broadcast_in_dim3A_779 = vector.broadcast %jit3A_778 : f32 to vector<512x512xf32>
    %select_n3A_780 = arith.select %le3A, %mul3A_777, %broadcast_in_dim3A_779 : vector<512x512xi1>, vector<512x512xf32>
    %reduce_max3A_781 = arith.constant dense<0xFF800000> : vector<512xf32>
    %reduce_max3A_782 = vector.multi_reduction <maximumf>, %select_n3A_780, %reduce_max3A_781 [1] : vector<512x512xf32> to vector<512xf32>
    %broadcast_in_dim3A_783 = vector.shape_cast %reduce_max3A_782 : vector<512xf32> to vector<512x1xf32>
    %sub3A_784 = vector.broadcast %broadcast_in_dim3A_783 : vector<512x1xf32> to vector<512x512xf32>
    %sub3A_785 = arith.subf %select_n3A_780, %sub3A_784 : vector<512x512xf32>
    %exp3A_786 = math.exp %sub3A_785 : vector<512x512xf32>
    %reduce_sum3A_787 = arith.constant dense<0.000000e+00> : vector<512xf32>
    %reduce_sum3A_788 = vector.multi_reduction <add>, %exp3A_786, %reduce_sum3A_787 [1] : vector<512x512xf32> to vector<512xf32>
    %broadcast_in_dim3A_789 = vector.shape_cast %reduce_sum3A_788 : vector<512xf32> to vector<512x1xf32>
    %div3A_790 = vector.broadcast %broadcast_in_dim3A_789 : vector<512x1xf32> to vector<512x512xf32>
    %div3A_791 = arith.divf %exp3A_786, %div3A_790 : vector<512x512xf32>
    %dot_general3A_792 = arith.constant dense<0.000000e+00> : vector<512x64xf32>
    %dot_general3A_793 = tpu.matmul %div3A_791, %get3A_772, %dot_general3A_792 {dimension_numbers = #tpu.dot_dimension_numbers<[1], [0], [0], [1], [0, 0, 1, 1], [], []>, transpose_lhs_hint = false} : vector<512x512xf32>, vector<512x64xf32>, vector<512x64xf32> -> vector<512x64xf32>
    %swap3A_794 = arith.constant 512 : index
    %swap3A_795 = arith.constant 320 : index
    %swap3A_796 = vector.load %arg12[%swap3A_794, %swap3A_795] : memref<1024x1024xf32, #tpu.memory_space<vmem>>, vector<512x64xf32>
    tpu.vector_store %arg12[%swap3A_794, %swap3A_795], %dot_general3A_793 {strides = array<i32>} : memref<1024x1024xf32, #tpu.memory_space<vmem>>, vector<512x64xf32>,
    %get3A_797 = arith.constant 512 : index
    %get3A_798 = arith.constant 384 : index
    %get3A_799 = vector.load %arg9[%get3A_797, %get3A_798] : memref<1024x1024xf32, #tpu.memory_space<vmem>>, vector<512x64xf32>
    %get3A_800 = arith.constant 512 : index
    %get3A_801 = arith.constant 384 : index
    %get3A_802 = vector.load %arg10[%get3A_800, %get3A_801] : memref<1024x1024xf32, #tpu.memory_space<vmem>>, vector<512x64xf32>
    %get3A_803 = arith.constant 512 : index
    %get3A_804 = arith.constant 384 : index
    %get3A_805 = vector.load %arg11[%get3A_803, %get3A_804] : memref<1024x1024xf32, #tpu.memory_space<vmem>>, vector<512x64xf32>
    %dot_general3A_806 = arith.constant dense<0.000000e+00> : vector<512x512xf32>
    %dot_general3A_807 = tpu.matmul %get3A_799, %get3A_802, %dot_general3A_806 {dimension_numbers = #tpu.dot_dimension_numbers<[1], [1], [0], [0], [0, 0, 1, 0], [], []>, transpose_lhs_hint = false} : vector<512x64xf32>, vector<512x64xf32>, vector<512x512xf32> -> vector<512x512xf32>
    %mul3A_808 = arith.constant 1.250000e-01 : f32
    %mul3A_809 = vector.broadcast %mul3A_808 : f32 to vector<512x512xf32>
    %mul3A_810 = arith.mulf %dot_general3A_807, %mul3A_809 : vector<512x512xf32>
    %jit3A_811 = arith.constant -1.000000e+09 : f32
    %broadcast_in_dim3A_812 = vector.broadcast %jit3A_811 : f32 to vector<512x512xf32>
    %select_n3A_813 = arith.select %le3A, %mul3A_810, %broadcast_in_dim3A_812 : vector<512x512xi1>, vector<512x512xf32>
    %reduce_max3A_814 = arith.constant dense<0xFF800000> : vector<512xf32>
    %reduce_max3A_815 = vector.multi_reduction <maximumf>, %select_n3A_813, %reduce_max3A_814 [1] : vector<512x512xf32> to vector<512xf32>
    %broadcast_in_dim3A_816 = vector.shape_cast %reduce_max3A_815 : vector<512xf32> to vector<512x1xf32>
    %sub3A_817 = vector.broadcast %broadcast_in_dim3A_816 : vector<512x1xf32> to vector<512x512xf32>
    %sub3A_818 = arith.subf %select_n3A_813, %sub3A_817 : vector<512x512xf32>
    %exp3A_819 = math.exp %sub3A_818 : vector<512x512xf32>
    %reduce_sum3A_820 = arith.constant dense<0.000000e+00> : vector<512xf32>
    %reduce_sum3A_821 = vector.multi_reduction <add>, %exp3A_819, %reduce_sum3A_820 [1] : vector<512x512xf32> to vector<512xf32>
    %broadcast_in_dim3A_822 = vector.shape_cast %reduce_sum3A_821 : vector<512xf32> to vector<512x1xf32>
    %div3A_823 = vector.broadcast %broadcast_in_dim3A_822 : vector<512x1xf32> to vector<512x512xf32>
    %div3A_824 = arith.divf %exp3A_819, %div3A_823 : vector<512x512xf32>
    %dot_general3A_825 = arith.constant dense<0.000000e+00> : vector<512x64xf32>
    %dot_general3A_826 = tpu.matmul %div3A_824, %get3A_805, %dot_general3A_825 {dimension_numbers = #tpu.dot_dimension_numbers<[1], [0], [0], [1], [0, 0, 1, 1], [], []>, transpose_lhs_hint = false} : vector<512x512xf32>, vector<512x64xf32>, vector<512x64xf32> -> vector<512x64xf32>
    %swap3A_827 = arith.constant 512 : index
    %swap3A_828 = arith.constant 384 : index
    %swap3A_829 = vector.load %arg12[%swap3A_827, %swap3A_828] : memref<1024x1024xf32, #tpu.memory_space<vmem>>, vector<512x64xf32>
    tpu.vector_store %arg12[%swap3A_827, %swap3A_828], %dot_general3A_826 {strides = array<i32>} : memref<1024x1024xf32, #tpu.memory_space<vmem>>, vector<512x64xf32>,
    %get3A_830 = arith.constant 512 : index
    %get3A_831 = arith.constant 448 : index
    %get3A_832 = vector.load %arg9[%get3A_830, %get3A_831] : memref<1024x1024xf32, #tpu.memory_space<vmem>>, vector<512x64xf32>
    %get3A_833 = arith.constant 512 : index
    %get3A_834 = arith.constant 448 : index
    %get3A_835 = vector.load %arg10[%get3A_833, %get3A_834] : memref<1024x1024xf32, #tpu.memory_space<vmem>>, vector<512x64xf32>
    %get3A_836 = arith.constant 512 : index
    %get3A_837 = arith.constant 448 : index
    %get3A_838 = vector.load %arg11[%get3A_836, %get3A_837] : memref<1024x1024xf32, #tpu.memory_space<vmem>>, vector<512x64xf32>
    %dot_general3A_839 = arith.constant dense<0.000000e+00> : vector<512x512xf32>
    %dot_general3A_840 = tpu.matmul %get3A_832, %get3A_835, %dot_general3A_839 {dimension_numbers = #tpu.dot_dimension_numbers<[1], [1], [0], [0], [0, 0, 1, 0], [], []>, transpose_lhs_hint = false} : vector<512x64xf32>, vector<512x64xf32>, vector<512x512xf32> -> vector<512x512xf32>
    %mul3A_841 = arith.constant 1.250000e-01 : f32
    %mul3A_842 = vector.broadcast %mul3A_841 : f32 to vector<512x512xf32>
    %mul3A_843 = arith.mulf %dot_general3A_840, %mul3A_842 : vector<512x512xf32>
    %jit3A_844 = arith.constant -1.000000e+09 : f32
    %broadcast_in_dim3A_845 = vector.broadcast %jit3A_844 : f32 to vector<512x512xf32>
    %select_n3A_846 = arith.select %le3A, %mul3A_843, %broadcast_in_dim3A_845 : vector<512x512xi1>, vector<512x512xf32>
    %reduce_max3A_847 = arith.constant dense<0xFF800000> : vector<512xf32>
    %reduce_max3A_848 = vector.multi_reduction <maximumf>, %select_n3A_846, %reduce_max3A_847 [1] : vector<512x512xf32> to vector<512xf32>
    %broadcast_in_dim3A_849 = vector.shape_cast %reduce_max3A_848 : vector<512xf32> to vector<512x1xf32>
    %sub3A_850 = vector.broadcast %broadcast_in_dim3A_849 : vector<512x1xf32> to vector<512x512xf32>
    %sub3A_851 = arith.subf %select_n3A_846, %sub3A_850 : vector<512x512xf32>
    %exp3A_852 = math.exp %sub3A_851 : vector<512x512xf32>
    %reduce_sum3A_853 = arith.constant dense<0.000000e+00> : vector<512xf32>
    %reduce_sum3A_854 = vector.multi_reduction <add>, %exp3A_852, %reduce_sum3A_853 [1] : vector<512x512xf32> to vector<512xf32>
    %broadcast_in_dim3A_855 = vector.shape_cast %reduce_sum3A_854 : vector<512xf32> to vector<512x1xf32>
    %div3A_856 = vector.broadcast %broadcast_in_dim3A_855 : vector<512x1xf32> to vector<512x512xf32>
    %div3A_857 = arith.divf %exp3A_852, %div3A_856 : vector<512x512xf32>
    %dot_general3A_858 = arith.constant dense<0.000000e+00> : vector<512x64xf32>
    %dot_general3A_859 = tpu.matmul %div3A_857, %get3A_838, %dot_general3A_858 {dimension_numbers = #tpu.dot_dimension_numbers<[1], [0], [0], [1], [0, 0, 1, 1], [], []>, transpose_lhs_hint = false} : vector<512x512xf32>, vector<512x64xf32>, vector<512x64xf32> -> vector<512x64xf32>
    %swap3A_860 = arith.constant 512 : index
    %swap3A_861 = arith.constant 448 : index
    %swap3A_862 = vector.load %arg12[%swap3A_860, %swap3A_861] : memref<1024x1024xf32, #tpu.memory_space<vmem>>, vector<512x64xf32>
    tpu.vector_store %arg12[%swap3A_860, %swap3A_861], %dot_general3A_859 {strides = array<i32>} : memref<1024x1024xf32, #tpu.memory_space<vmem>>, vector<512x64xf32>,
    %get3A_863 = arith.constant 512 : index
    %get3A_864 = arith.constant 512 : index
    %get3A_865 = vector.load %arg9[%get3A_863, %get3A_864] : memref<1024x1024xf32, #tpu.memory_space<vmem>>, vector<512x64xf32>
    %get3A_866 = arith.constant 512 : index
    %get3A_867 = arith.constant 512 : index
    %get3A_868 = vector.load %arg10[%get3A_866, %get3A_867] : memref<1024x1024xf32, #tpu.memory_space<vmem>>, vector<512x64xf32>
    %get3A_869 = arith.constant 512 : index
    %get3A_870 = arith.constant 512 : index
    %get3A_871 = vector.load %arg11[%get3A_869, %get3A_870] : memref<1024x1024xf32, #tpu.memory_space<vmem>>, vector<512x64xf32>
    %dot_general3A_872 = arith.constant dense<0.000000e+00> : vector<512x512xf32>
    %dot_general3A_873 = tpu.matmul %get3A_865, %get3A_868, %dot_general3A_872 {dimension_numbers = #tpu.dot_dimension_numbers<[1], [1], [0], [0], [0, 0, 1, 0], [], []>, transpose_lhs_hint = false} : vector<512x64xf32>, vector<512x64xf32>, vector<512x512xf32> -> vector<512x512xf32>
    %mul3A_874 = arith.constant 1.250000e-01 : f32
    %mul3A_875 = vector.broadcast %mul3A_874 : f32 to vector<512x512xf32>
    %mul3A_876 = arith.mulf %dot_general3A_873, %mul3A_875 : vector<512x512xf32>
    %jit3A_877 = arith.constant -1.000000e+09 : f32
    %broadcast_in_dim3A_878 = vector.broadcast %jit3A_877 : f32 to vector<512x512xf32>
    %select_n3A_879 = arith.select %le3A, %mul3A_876, %broadcast_in_dim3A_878 : vector<512x512xi1>, vector<512x512xf32>
    %reduce_max3A_880 = arith.constant dense<0xFF800000> : vector<512xf32>
    %reduce_max3A_881 = vector.multi_reduction <maximumf>, %select_n3A_879, %reduce_max3A_880 [1] : vector<512x512xf32> to vector<512xf32>
    %broadcast_in_dim3A_882 = vector.shape_cast %reduce_max3A_881 : vector<512xf32> to vector<512x1xf32>
    %sub3A_883 = vector.broadcast %broadcast_in_dim3A_882 : vector<512x1xf32> to vector<512x512xf32>
    %sub3A_884 = arith.subf %select_n3A_879, %sub3A_883 : vector<512x512xf32>
    %exp3A_885 = math.exp %sub3A_884 : vector<512x512xf32>
    %reduce_sum3A_886 = arith.constant dense<0.000000e+00> : vector<512xf32>
    %reduce_sum3A_887 = vector.multi_reduction <add>, %exp3A_885, %reduce_sum3A_886 [1] : vector<512x512xf32> to vector<512xf32>
    %broadcast_in_dim3A_888 = vector.shape_cast %reduce_sum3A_887 : vector<512xf32> to vector<512x1xf32>
    %div3A_889 = vector.broadcast %broadcast_in_dim3A_888 : vector<512x1xf32> to vector<512x512xf32>
    %div3A_890 = arith.divf %exp3A_885, %div3A_889 : vector<512x512xf32>
    %dot_general3A_891 = arith.constant dense<0.000000e+00> : vector<512x64xf32>
    %dot_general3A_892 = tpu.matmul %div3A_890, %get3A_871, %dot_general3A_891 {dimension_numbers = #tpu.dot_dimension_numbers<[1], [0], [0], [1], [0, 0, 1, 1], [], []>, transpose_lhs_hint = false} : vector<512x512xf32>, vector<512x64xf32>, vector<512x64xf32> -> vector<512x64xf32>
    %swap3A_893 = arith.constant 512 : index
    %swap3A_894 = arith.constant 512 : index
    %swap3A_895 = vector.load %arg12[%swap3A_893, %swap3A_894] : memref<1024x1024xf32, #tpu.memory_space<vmem>>, vector<512x64xf32>
    tpu.vector_store %arg12[%swap3A_893, %swap3A_894], %dot_general3A_892 {strides = array<i32>} : memref<1024x1024xf32, #tpu.memory_space<vmem>>, vector<512x64xf32>,
    %get3A_896 = arith.constant 512 : index
    %get3A_897 = arith.constant 576 : index
    %get3A_898 = vector.load %arg9[%get3A_896, %get3A_897] : memref<1024x1024xf32, #tpu.memory_space<vmem>>, vector<512x64xf32>
    %get3A_899 = arith.constant 512 : index
    %get3A_900 = arith.constant 576 : index
    %get3A_901 = vector.load %arg10[%get3A_899, %get3A_900] : memref<1024x1024xf32, #tpu.memory_space<vmem>>, vector<512x64xf32>
    %get3A_902 = arith.constant 512 : index
    %get3A_903 = arith.constant 576 : index
    %get3A_904 = vector.load %arg11[%get3A_902, %get3A_903] : memref<1024x1024xf32, #tpu.memory_space<vmem>>, vector<512x64xf32>
    %dot_general3A_905 = arith.constant dense<0.000000e+00> : vector<512x512xf32>
    %dot_general3A_906 = tpu.matmul %get3A_898, %get3A_901, %dot_general3A_905 {dimension_numbers = #tpu.dot_dimension_numbers<[1], [1], [0], [0], [0, 0, 1, 0], [], []>, transpose_lhs_hint = false} : vector<512x64xf32>, vector<512x64xf32>, vector<512x512xf32> -> vector<512x512xf32>
    %mul3A_907 = arith.constant 1.250000e-01 : f32
    %mul3A_908 = vector.broadcast %mul3A_907 : f32 to vector<512x512xf32>
    %mul3A_909 = arith.mulf %dot_general3A_906, %mul3A_908 : vector<512x512xf32>
    %jit3A_910 = arith.constant -1.000000e+09 : f32
    %broadcast_in_dim3A_911 = vector.broadcast %jit3A_910 : f32 to vector<512x512xf32>
    %select_n3A_912 = arith.select %le3A, %mul3A_909, %broadcast_in_dim3A_911 : vector<512x512xi1>, vector<512x512xf32>
    %reduce_max3A_913 = arith.constant dense<0xFF800000> : vector<512xf32>
    %reduce_max3A_914 = vector.multi_reduction <maximumf>, %select_n3A_912, %reduce_max3A_913 [1] : vector<512x512xf32> to vector<512xf32>
    %broadcast_in_dim3A_915 = vector.shape_cast %reduce_max3A_914 : vector<512xf32> to vector<512x1xf32>
    %sub3A_916 = vector.broadcast %broadcast_in_dim3A_915 : vector<512x1xf32> to vector<512x512xf32>
    %sub3A_917 = arith.subf %select_n3A_912, %sub3A_916 : vector<512x512xf32>
    %exp3A_918 = math.exp %sub3A_917 : vector<512x512xf32>
    %reduce_sum3A_919 = arith.constant dense<0.000000e+00> : vector<512xf32>
    %reduce_sum3A_920 = vector.multi_reduction <add>, %exp3A_918, %reduce_sum3A_919 [1] : vector<512x512xf32> to vector<512xf32>
    %broadcast_in_dim3A_921 = vector.shape_cast %reduce_sum3A_920 : vector<512xf32> to vector<512x1xf32>
    %div3A_922 = vector.broadcast %broadcast_in_dim3A_921 : vector<512x1xf32> to vector<512x512xf32>
    %div3A_923 = arith.divf %exp3A_918, %div3A_922 : vector<512x512xf32>
    %dot_general3A_924 = arith.constant dense<0.000000e+00> : vector<512x64xf32>
    %dot_general3A_925 = tpu.matmul %div3A_923, %get3A_904, %dot_general3A_924 {dimension_numbers = #tpu.dot_dimension_numbers<[1], [0], [0], [1], [0, 0, 1, 1], [], []>, transpose_lhs_hint = false} : vector<512x512xf32>, vector<512x64xf32>, vector<512x64xf32> -> vector<512x64xf32>
    %swap3A_926 = arith.constant 512 : index
    %swap3A_927 = arith.constant 576 : index
    %swap3A_928 = vector.load %arg12[%swap3A_926, %swap3A_927] : memref<1024x1024xf32, #tpu.memory_space<vmem>>, vector<512x64xf32>
    tpu.vector_store %arg12[%swap3A_926, %swap3A_927], %dot_general3A_925 {strides = array<i32>} : memref<1024x1024xf32, #tpu.memory_space<vmem>>, vector<512x64xf32>,
    %get3A_929 = arith.constant 512 : index
    %get3A_930 = arith.constant 640 : index
    %get3A_931 = vector.load %arg9[%get3A_929, %get3A_930] : memref<1024x1024xf32, #tpu.memory_space<vmem>>, vector<512x64xf32>
    %get3A_932 = arith.constant 512 : index
    %get3A_933 = arith.constant 640 : index
    %get3A_934 = vector.load %arg10[%get3A_932, %get3A_933] : memref<1024x1024xf32, #tpu.memory_space<vmem>>, vector<512x64xf32>
    %get3A_935 = arith.constant 512 : index
    %get3A_936 = arith.constant 640 : index
    %get3A_937 = vector.load %arg11[%get3A_935, %get3A_936] : memref<1024x1024xf32, #tpu.memory_space<vmem>>, vector<512x64xf32>
    %dot_general3A_938 = arith.constant dense<0.000000e+00> : vector<512x512xf32>
    %dot_general3A_939 = tpu.matmul %get3A_931, %get3A_934, %dot_general3A_938 {dimension_numbers = #tpu.dot_dimension_numbers<[1], [1], [0], [0], [0, 0, 1, 0], [], []>, transpose_lhs_hint = false} : vector<512x64xf32>, vector<512x64xf32>, vector<512x512xf32> -> vector<512x512xf32>
    %mul3A_940 = arith.constant 1.250000e-01 : f32
    %mul3A_941 = vector.broadcast %mul3A_940 : f32 to vector<512x512xf32>
    %mul3A_942 = arith.mulf %dot_general3A_939, %mul3A_941 : vector<512x512xf32>
    %jit3A_943 = arith.constant -1.000000e+09 : f32
    %broadcast_in_dim3A_944 = vector.broadcast %jit3A_943 : f32 to vector<512x512xf32>
    %select_n3A_945 = arith.select %le3A, %mul3A_942, %broadcast_in_dim3A_944 : vector<512x512xi1>, vector<512x512xf32>
    %reduce_max3A_946 = arith.constant dense<0xFF800000> : vector<512xf32>
    %reduce_max3A_947 = vector.multi_reduction <maximumf>, %select_n3A_945, %reduce_max3A_946 [1] : vector<512x512xf32> to vector<512xf32>
    %broadcast_in_dim3A_948 = vector.shape_cast %reduce_max3A_947 : vector<512xf32> to vector<512x1xf32>
    %sub3A_949 = vector.broadcast %broadcast_in_dim3A_948 : vector<512x1xf32> to vector<512x512xf32>
    %sub3A_950 = arith.subf %select_n3A_945, %sub3A_949 : vector<512x512xf32>
    %exp3A_951 = math.exp %sub3A_950 : vector<512x512xf32>
    %reduce_sum3A_952 = arith.constant dense<0.000000e+00> : vector<512xf32>
    %reduce_sum3A_953 = vector.multi_reduction <add>, %exp3A_951, %reduce_sum3A_952 [1] : vector<512x512xf32> to vector<512xf32>
    %broadcast_in_dim3A_954 = vector.shape_cast %reduce_sum3A_953 : vector<512xf32> to vector<512x1xf32>
    %div3A_955 = vector.broadcast %broadcast_in_dim3A_954 : vector<512x1xf32> to vector<512x512xf32>
    %div3A_956 = arith.divf %exp3A_951, %div3A_955 : vector<512x512xf32>
    %dot_general3A_957 = arith.constant dense<0.000000e+00> : vector<512x64xf32>
    %dot_general3A_958 = tpu.matmul %div3A_956, %get3A_937, %dot_general3A_957 {dimension_numbers = #tpu.dot_dimension_numbers<[1], [0], [0], [1], [0, 0, 1, 1], [], []>, transpose_lhs_hint = false} : vector<512x512xf32>, vector<512x64xf32>, vector<512x64xf32> -> vector<512x64xf32>
    %swap3A_959 = arith.constant 512 : index
    %swap3A_960 = arith.constant 640 : index
    %swap3A_961 = vector.load %arg12[%swap3A_959, %swap3A_960] : memref<1024x1024xf32, #tpu.memory_space<vmem>>, vector<512x64xf32>
    tpu.vector_store %arg12[%swap3A_959, %swap3A_960], %dot_general3A_958 {strides = array<i32>} : memref<1024x1024xf32, #tpu.memory_space<vmem>>, vector<512x64xf32>,
    %get3A_962 = arith.constant 512 : index
    %get3A_963 = arith.constant 704 : index
    %get3A_964 = vector.load %arg9[%get3A_962, %get3A_963] : memref<1024x1024xf32, #tpu.memory_space<vmem>>, vector<512x64xf32>
    %get3A_965 = arith.constant 512 : index
    %get3A_966 = arith.constant 704 : index
    %get3A_967 = vector.load %arg10[%get3A_965, %get3A_966] : memref<1024x1024xf32, #tpu.memory_space<vmem>>, vector<512x64xf32>
    %get3A_968 = arith.constant 512 : index
    %get3A_969 = arith.constant 704 : index
    %get3A_970 = vector.load %arg11[%get3A_968, %get3A_969] : memref<1024x1024xf32, #tpu.memory_space<vmem>>, vector<512x64xf32>
    %dot_general3A_971 = arith.constant dense<0.000000e+00> : vector<512x512xf32>
    %dot_general3A_972 = tpu.matmul %get3A_964, %get3A_967, %dot_general3A_971 {dimension_numbers = #tpu.dot_dimension_numbers<[1], [1], [0], [0], [0, 0, 1, 0], [], []>, transpose_lhs_hint = false} : vector<512x64xf32>, vector<512x64xf32>, vector<512x512xf32> -> vector<512x512xf32>
    %mul3A_973 = arith.constant 1.250000e-01 : f32
    %mul3A_974 = vector.broadcast %mul3A_973 : f32 to vector<512x512xf32>
    %mul3A_975 = arith.mulf %dot_general3A_972, %mul3A_974 : vector<512x512xf32>
    %jit3A_976 = arith.constant -1.000000e+09 : f32
    %broadcast_in_dim3A_977 = vector.broadcast %jit3A_976 : f32 to vector<512x512xf32>
    %select_n3A_978 = arith.select %le3A, %mul3A_975, %broadcast_in_dim3A_977 : vector<512x512xi1>, vector<512x512xf32>
    %reduce_max3A_979 = arith.constant dense<0xFF800000> : vector<512xf32>
    %reduce_max3A_980 = vector.multi_reduction <maximumf>, %select_n3A_978, %reduce_max3A_979 [1] : vector<512x512xf32> to vector<512xf32>
    %broadcast_in_dim3A_981 = vector.shape_cast %reduce_max3A_980 : vector<512xf32> to vector<512x1xf32>
    %sub3A_982 = vector.broadcast %broadcast_in_dim3A_981 : vector<512x1xf32> to vector<512x512xf32>
    %sub3A_983 = arith.subf %select_n3A_978, %sub3A_982 : vector<512x512xf32>
    %exp3A_984 = math.exp %sub3A_983 : vector<512x512xf32>
    %reduce_sum3A_985 = arith.constant dense<0.000000e+00> : vector<512xf32>
    %reduce_sum3A_986 = vector.multi_reduction <add>, %exp3A_984, %reduce_sum3A_985 [1] : vector<512x512xf32> to vector<512xf32>
    %broadcast_in_dim3A_987 = vector.shape_cast %reduce_sum3A_986 : vector<512xf32> to vector<512x1xf32>
    %div3A_988 = vector.broadcast %broadcast_in_dim3A_987 : vector<512x1xf32> to vector<512x512xf32>
    %div3A_989 = arith.divf %exp3A_984, %div3A_988 : vector<512x512xf32>
    %dot_general3A_990 = arith.constant dense<0.000000e+00> : vector<512x64xf32>
    %dot_general3A_991 = tpu.matmul %div3A_989, %get3A_970, %dot_general3A_990 {dimension_numbers = #tpu.dot_dimension_numbers<[1], [0], [0], [1], [0, 0, 1, 1], [], []>, transpose_lhs_hint = false} : vector<512x512xf32>, vector<512x64xf32>, vector<512x64xf32> -> vector<512x64xf32>
    %swap3A_992 = arith.constant 512 : index
    %swap3A_993 = arith.constant 704 : index
    %swap3A_994 = vector.load %arg12[%swap3A_992, %swap3A_993] : memref<1024x1024xf32, #tpu.memory_space<vmem>>, vector<512x64xf32>
    tpu.vector_store %arg12[%swap3A_992, %swap3A_993], %dot_general3A_991 {strides = array<i32>} : memref<1024x1024xf32, #tpu.memory_space<vmem>>, vector<512x64xf32>,
    %get3A_995 = arith.constant 512 : index
    %get3A_996 = arith.constant 768 : index
    %get3A_997 = vector.load %arg9[%get3A_995, %get3A_996] : memref<1024x1024xf32, #tpu.memory_space<vmem>>, vector<512x64xf32>
    %get3A_998 = arith.constant 512 : index
    %get3A_999 = arith.constant 768 : index
    %get3A_1000 = vector.load %arg10[%get3A_998, %get3A_999] : memref<1024x1024xf32, #tpu.memory_space<vmem>>, vector<512x64xf32>
    %get3A_1001 = arith.constant 512 : index
    %get3A_1002 = arith.constant 768 : index
    %get3A_1003 = vector.load %arg11[%get3A_1001, %get3A_1002] : memref<1024x1024xf32, #tpu.memory_space<vmem>>, vector<512x64xf32>
    %dot_general3A_1004 = arith.constant dense<0.000000e+00> : vector<512x512xf32>
    %dot_general3A_1005 = tpu.matmul %get3A_997, %get3A_1000, %dot_general3A_1004 {dimension_numbers = #tpu.dot_dimension_numbers<[1], [1], [0], [0], [0, 0, 1, 0], [], []>, transpose_lhs_hint = false} : vector<512x64xf32>, vector<512x64xf32>, vector<512x512xf32> -> vector<512x512xf32>
    %mul3A_1006 = arith.constant 1.250000e-01 : f32
    %mul3A_1007 = vector.broadcast %mul3A_1006 : f32 to vector<512x512xf32>
    %mul3A_1008 = arith.mulf %dot_general3A_1005, %mul3A_1007 : vector<512x512xf32>
    %jit3A_1009 = arith.constant -1.000000e+09 : f32
    %broadcast_in_dim3A_1010 = vector.broadcast %jit3A_1009 : f32 to vector<512x512xf32>
    %select_n3A_1011 = arith.select %le3A, %mul3A_1008, %broadcast_in_dim3A_1010 : vector<512x512xi1>, vector<512x512xf32>
    %reduce_max3A_1012 = arith.constant dense<0xFF800000> : vector<512xf32>
    %reduce_max3A_1013 = vector.multi_reduction <maximumf>, %select_n3A_1011, %reduce_max3A_1012 [1] : vector<512x512xf32> to vector<512xf32>
    %broadcast_in_dim3A_1014 = vector.shape_cast %reduce_max3A_1013 : vector<512xf32> to vector<512x1xf32>
    %sub3A_1015 = vector.broadcast %broadcast_in_dim3A_1014 : vector<512x1xf32> to vector<512x512xf32>
    %sub3A_1016 = arith.subf %select_n3A_1011, %sub3A_1015 : vector<512x512xf32>
    %exp3A_1017 = math.exp %sub3A_1016 : vector<512x512xf32>
    %reduce_sum3A_1018 = arith.constant dense<0.000000e+00> : vector<512xf32>
    %reduce_sum3A_1019 = vector.multi_reduction <add>, %exp3A_1017, %reduce_sum3A_1018 [1] : vector<512x512xf32> to vector<512xf32>
    %broadcast_in_dim3A_1020 = vector.shape_cast %reduce_sum3A_1019 : vector<512xf32> to vector<512x1xf32>
    %div3A_1021 = vector.broadcast %broadcast_in_dim3A_1020 : vector<512x1xf32> to vector<512x512xf32>
    %div3A_1022 = arith.divf %exp3A_1017, %div3A_1021 : vector<512x512xf32>
    %dot_general3A_1023 = arith.constant dense<0.000000e+00> : vector<512x64xf32>
    %dot_general3A_1024 = tpu.matmul %div3A_1022, %get3A_1003, %dot_general3A_1023 {dimension_numbers = #tpu.dot_dimension_numbers<[1], [0], [0], [1], [0, 0, 1, 1], [], []>, transpose_lhs_hint = false} : vector<512x512xf32>, vector<512x64xf32>, vector<512x64xf32> -> vector<512x64xf32>
    %swap3A_1025 = arith.constant 512 : index
    %swap3A_1026 = arith.constant 768 : index
    %swap3A_1027 = vector.load %arg12[%swap3A_1025, %swap3A_1026] : memref<1024x1024xf32, #tpu.memory_space<vmem>>, vector<512x64xf32>
    tpu.vector_store %arg12[%swap3A_1025, %swap3A_1026], %dot_general3A_1024 {strides = array<i32>} : memref<1024x1024xf32, #tpu.memory_space<vmem>>, vector<512x64xf32>,
    %get3A_1028 = arith.constant 512 : index
    %get3A_1029 = arith.constant 832 : index
    %get3A_1030 = vector.load %arg9[%get3A_1028, %get3A_1029] : memref<1024x1024xf32, #tpu.memory_space<vmem>>, vector<512x64xf32>
    %get3A_1031 = arith.constant 512 : index
    %get3A_1032 = arith.constant 832 : index
    %get3A_1033 = vector.load %arg10[%get3A_1031, %get3A_1032] : memref<1024x1024xf32, #tpu.memory_space<vmem>>, vector<512x64xf32>
    %get3A_1034 = arith.constant 512 : index
    %get3A_1035 = arith.constant 832 : index
    %get3A_1036 = vector.load %arg11[%get3A_1034, %get3A_1035] : memref<1024x1024xf32, #tpu.memory_space<vmem>>, vector<512x64xf32>
    %dot_general3A_1037 = arith.constant dense<0.000000e+00> : vector<512x512xf32>
    %dot_general3A_1038 = tpu.matmul %get3A_1030, %get3A_1033, %dot_general3A_1037 {dimension_numbers = #tpu.dot_dimension_numbers<[1], [1], [0], [0], [0, 0, 1, 0], [], []>, transpose_lhs_hint = false} : vector<512x64xf32>, vector<512x64xf32>, vector<512x512xf32> -> vector<512x512xf32>
    %mul3A_1039 = arith.constant 1.250000e-01 : f32
    %mul3A_1040 = vector.broadcast %mul3A_1039 : f32 to vector<512x512xf32>
    %mul3A_1041 = arith.mulf %dot_general3A_1038, %mul3A_1040 : vector<512x512xf32>
    %jit3A_1042 = arith.constant -1.000000e+09 : f32
    %broadcast_in_dim3A_1043 = vector.broadcast %jit3A_1042 : f32 to vector<512x512xf32>
    %select_n3A_1044 = arith.select %le3A, %mul3A_1041, %broadcast_in_dim3A_1043 : vector<512x512xi1>, vector<512x512xf32>
    %reduce_max3A_1045 = arith.constant dense<0xFF800000> : vector<512xf32>
    %reduce_max3A_1046 = vector.multi_reduction <maximumf>, %select_n3A_1044, %reduce_max3A_1045 [1] : vector<512x512xf32> to vector<512xf32>
    %broadcast_in_dim3A_1047 = vector.shape_cast %reduce_max3A_1046 : vector<512xf32> to vector<512x1xf32>
    %sub3A_1048 = vector.broadcast %broadcast_in_dim3A_1047 : vector<512x1xf32> to vector<512x512xf32>
    %sub3A_1049 = arith.subf %select_n3A_1044, %sub3A_1048 : vector<512x512xf32>
    %exp3A_1050 = math.exp %sub3A_1049 : vector<512x512xf32>
    %reduce_sum3A_1051 = arith.constant dense<0.000000e+00> : vector<512xf32>
    %reduce_sum3A_1052 = vector.multi_reduction <add>, %exp3A_1050, %reduce_sum3A_1051 [1] : vector<512x512xf32> to vector<512xf32>
    %broadcast_in_dim3A_1053 = vector.shape_cast %reduce_sum3A_1052 : vector<512xf32> to vector<512x1xf32>
    %div3A_1054 = vector.broadcast %broadcast_in_dim3A_1053 : vector<512x1xf32> to vector<512x512xf32>
    %div3A_1055 = arith.divf %exp3A_1050, %div3A_1054 : vector<512x512xf32>
    %dot_general3A_1056 = arith.constant dense<0.000000e+00> : vector<512x64xf32>
    %dot_general3A_1057 = tpu.matmul %div3A_1055, %get3A_1036, %dot_general3A_1056 {dimension_numbers = #tpu.dot_dimension_numbers<[1], [0], [0], [1], [0, 0, 1, 1], [], []>, transpose_lhs_hint = false} : vector<512x512xf32>, vector<512x64xf32>, vector<512x64xf32> -> vector<512x64xf32>
    %swap3A_1058 = arith.constant 512 : index
    %swap3A_1059 = arith.constant 832 : index
    %swap3A_1060 = vector.load %arg12[%swap3A_1058, %swap3A_1059] : memref<1024x1024xf32, #tpu.memory_space<vmem>>, vector<512x64xf32>
    tpu.vector_store %arg12[%swap3A_1058, %swap3A_1059], %dot_general3A_1057 {strides = array<i32>} : memref<1024x1024xf32, #tpu.memory_space<vmem>>, vector<512x64xf32>,
    %get3A_1061 = arith.constant 512 : index
    %get3A_1062 = arith.constant 896 : index
    %get3A_1063 = vector.load %arg9[%get3A_1061, %get3A_1062] : memref<1024x1024xf32, #tpu.memory_space<vmem>>, vector<512x64xf32>
    %get3A_1064 = arith.constant 512 : index
    %get3A_1065 = arith.constant 896 : index
    %get3A_1066 = vector.load %arg10[%get3A_1064, %get3A_1065] : memref<1024x1024xf32, #tpu.memory_space<vmem>>, vector<512x64xf32>
    %get3A_1067 = arith.constant 512 : index
    %get3A_1068 = arith.constant 896 : index
    %get3A_1069 = vector.load %arg11[%get3A_1067, %get3A_1068] : memref<1024x1024xf32, #tpu.memory_space<vmem>>, vector<512x64xf32>
    %dot_general3A_1070 = arith.constant dense<0.000000e+00> : vector<512x512xf32>
    %dot_general3A_1071 = tpu.matmul %get3A_1063, %get3A_1066, %dot_general3A_1070 {dimension_numbers = #tpu.dot_dimension_numbers<[1], [1], [0], [0], [0, 0, 1, 0], [], []>, transpose_lhs_hint = false} : vector<512x64xf32>, vector<512x64xf32>, vector<512x512xf32> -> vector<512x512xf32>
    %mul3A_1072 = arith.constant 1.250000e-01 : f32
    %mul3A_1073 = vector.broadcast %mul3A_1072 : f32 to vector<512x512xf32>
    %mul3A_1074 = arith.mulf %dot_general3A_1071, %mul3A_1073 : vector<512x512xf32>
    %jit3A_1075 = arith.constant -1.000000e+09 : f32
    %broadcast_in_dim3A_1076 = vector.broadcast %jit3A_1075 : f32 to vector<512x512xf32>
    %select_n3A_1077 = arith.select %le3A, %mul3A_1074, %broadcast_in_dim3A_1076 : vector<512x512xi1>, vector<512x512xf32>
    %reduce_max3A_1078 = arith.constant dense<0xFF800000> : vector<512xf32>
    %reduce_max3A_1079 = vector.multi_reduction <maximumf>, %select_n3A_1077, %reduce_max3A_1078 [1] : vector<512x512xf32> to vector<512xf32>
    %broadcast_in_dim3A_1080 = vector.shape_cast %reduce_max3A_1079 : vector<512xf32> to vector<512x1xf32>
    %sub3A_1081 = vector.broadcast %broadcast_in_dim3A_1080 : vector<512x1xf32> to vector<512x512xf32>
    %sub3A_1082 = arith.subf %select_n3A_1077, %sub3A_1081 : vector<512x512xf32>
    %exp3A_1083 = math.exp %sub3A_1082 : vector<512x512xf32>
    %reduce_sum3A_1084 = arith.constant dense<0.000000e+00> : vector<512xf32>
    %reduce_sum3A_1085 = vector.multi_reduction <add>, %exp3A_1083, %reduce_sum3A_1084 [1] : vector<512x512xf32> to vector<512xf32>
    %broadcast_in_dim3A_1086 = vector.shape_cast %reduce_sum3A_1085 : vector<512xf32> to vector<512x1xf32>
    %div3A_1087 = vector.broadcast %broadcast_in_dim3A_1086 : vector<512x1xf32> to vector<512x512xf32>
    %div3A_1088 = arith.divf %exp3A_1083, %div3A_1087 : vector<512x512xf32>
    %dot_general3A_1089 = arith.constant dense<0.000000e+00> : vector<512x64xf32>
    %dot_general3A_1090 = tpu.matmul %div3A_1088, %get3A_1069, %dot_general3A_1089 {dimension_numbers = #tpu.dot_dimension_numbers<[1], [0], [0], [1], [0, 0, 1, 1], [], []>, transpose_lhs_hint = false} : vector<512x512xf32>, vector<512x64xf32>, vector<512x64xf32> -> vector<512x64xf32>
    %swap3A_1091 = arith.constant 512 : index
    %swap3A_1092 = arith.constant 896 : index
    %swap3A_1093 = vector.load %arg12[%swap3A_1091, %swap3A_1092] : memref<1024x1024xf32, #tpu.memory_space<vmem>>, vector<512x64xf32>
    tpu.vector_store %arg12[%swap3A_1091, %swap3A_1092], %dot_general3A_1090 {strides = array<i32>} : memref<1024x1024xf32, #tpu.memory_space<vmem>>, vector<512x64xf32>,
    %get3A_1094 = arith.constant 512 : index
    %get3A_1095 = arith.constant 960 : index
    %get3A_1096 = vector.load %arg9[%get3A_1094, %get3A_1095] : memref<1024x1024xf32, #tpu.memory_space<vmem>>, vector<512x64xf32>
    %get3A_1097 = arith.constant 512 : index
    %get3A_1098 = arith.constant 960 : index
    %get3A_1099 = vector.load %arg10[%get3A_1097, %get3A_1098] : memref<1024x1024xf32, #tpu.memory_space<vmem>>, vector<512x64xf32>
    %get3A_1100 = arith.constant 512 : index
    %get3A_1101 = arith.constant 960 : index
    %get3A_1102 = vector.load %arg11[%get3A_1100, %get3A_1101] : memref<1024x1024xf32, #tpu.memory_space<vmem>>, vector<512x64xf32>
    %dot_general3A_1103 = arith.constant dense<0.000000e+00> : vector<512x512xf32>
    %dot_general3A_1104 = tpu.matmul %get3A_1096, %get3A_1099, %dot_general3A_1103 {dimension_numbers = #tpu.dot_dimension_numbers<[1], [1], [0], [0], [0, 0, 1, 0], [], []>, transpose_lhs_hint = false} : vector<512x64xf32>, vector<512x64xf32>, vector<512x512xf32> -> vector<512x512xf32>
    %mul3A_1105 = arith.constant 1.250000e-01 : f32
    %mul3A_1106 = vector.broadcast %mul3A_1105 : f32 to vector<512x512xf32>
    %mul3A_1107 = arith.mulf %dot_general3A_1104, %mul3A_1106 : vector<512x512xf32>
    %jit3A_1108 = arith.constant -1.000000e+09 : f32
    %broadcast_in_dim3A_1109 = vector.broadcast %jit3A_1108 : f32 to vector<512x512xf32>
    %select_n3A_1110 = arith.select %le3A, %mul3A_1107, %broadcast_in_dim3A_1109 : vector<512x512xi1>, vector<512x512xf32>
    %reduce_max3A_1111 = arith.constant dense<0xFF800000> : vector<512xf32>
    %reduce_max3A_1112 = vector.multi_reduction <maximumf>, %select_n3A_1110, %reduce_max3A_1111 [1] : vector<512x512xf32> to vector<512xf32>
    %broadcast_in_dim3A_1113 = vector.shape_cast %reduce_max3A_1112 : vector<512xf32> to vector<512x1xf32>
    %sub3A_1114 = vector.broadcast %broadcast_in_dim3A_1113 : vector<512x1xf32> to vector<512x512xf32>
    %sub3A_1115 = arith.subf %select_n3A_1110, %sub3A_1114 : vector<512x512xf32>
    %exp3A_1116 = math.exp %sub3A_1115 : vector<512x512xf32>
    %reduce_sum3A_1117 = arith.constant dense<0.000000e+00> : vector<512xf32>
    %reduce_sum3A_1118 = vector.multi_reduction <add>, %exp3A_1116, %reduce_sum3A_1117 [1] : vector<512x512xf32> to vector<512xf32>
    %broadcast_in_dim3A_1119 = vector.shape_cast %reduce_sum3A_1118 : vector<512xf32> to vector<512x1xf32>
    %div3A_1120 = vector.broadcast %broadcast_in_dim3A_1119 : vector<512x1xf32> to vector<512x512xf32>
    %div3A_1121 = arith.divf %exp3A_1116, %div3A_1120 : vector<512x512xf32>
    %dot_general3A_1122 = arith.constant dense<0.000000e+00> : vector<512x64xf32>
    %dot_general3A_1123 = tpu.matmul %div3A_1121, %get3A_1102, %dot_general3A_1122 {dimension_numbers = #tpu.dot_dimension_numbers<[1], [0], [0], [1], [0, 0, 1, 1], [], []>, transpose_lhs_hint = false} : vector<512x512xf32>, vector<512x64xf32>, vector<512x64xf32> -> vector<512x64xf32>
    %swap3A_1124 = arith.constant 512 : index
    %swap3A_1125 = arith.constant 960 : index
    %swap3A_1126 = vector.load %arg12[%swap3A_1124, %swap3A_1125] : memref<1024x1024xf32, #tpu.memory_space<vmem>>, vector<512x64xf32>
    tpu.vector_store %arg12[%swap3A_1124, %swap3A_1125], %dot_general3A_1123 {strides = array<i32>} : memref<1024x1024xf32, #tpu.memory_space<vmem>>, vector<512x64xf32>,
    %get3A_1127 = arith.constant 0 : index
    %get3A_1128 = arith.constant 0 : index
    %get3A_1129 = vector.load %arg8[%get3A_1127, %get3A_1128] : memref<1024x1024xf32, #tpu.memory_space<vmem>>, vector<1024x1024xf32>
    %get3A_1130 = arith.constant 0 : index
    %get3A_1131 = arith.constant 0 : index
    %get3A_1132 = vector.load %arg12[%get3A_1130, %get3A_1131] : memref<1024x1024xf32, #tpu.memory_space<vmem>>, vector<1024x1024xf32>
    %get3A_1133 = arith.constant 0 : index
    %get3A_1134 = arith.constant 0 : index
    %get3A_1135 = arith.constant 0 : index
    %get3A_1136 = vector.load %arg7[%get3A_1133, %get3A_1134, %get3A_1135] : memref<1x1024x1024xf32, #tpu.memory_space<vmem>>, vector<1x1024x1024xf32>
    %get3A_1137 = vector.shape_cast %get3A_1136 : vector<1x1024x1024xf32> to vector<1024x1024xf32>
    %dot_general3A_1138 = arith.constant dense<0.000000e+00> : vector<1024x1024xf32>
    %dot_general3A_1139 = tpu.matmul %get3A_1132, %get3A_1137, %dot_general3A_1138 {dimension_numbers = #tpu.dot_dimension_numbers<[1], [0], [0], [1], [0, 0, 1, 1], [], []>, transpose_lhs_hint = false} : vector<1024x1024xf32>, vector<1024x1024xf32>, vector<1024x1024xf32> -> vector<1024x1024xf32>
    %add3A_1140 = arith.addf %get3A_1129, %dot_general3A_1139 : vector<1024x1024xf32>
    %swap3A_1141 = arith.constant 0 : index
    %swap3A_1142 = arith.constant 0 : index
    %swap3A_1143 = vector.load %arg8[%swap3A_1141, %swap3A_1142] : memref<1024x1024xf32, #tpu.memory_space<vmem>>, vector<1024x1024xf32>
    tpu.vector_store %arg8[%swap3A_1141, %swap3A_1142], %add3A_1140 {strides = array<i32>} : memref<1024x1024xf32, #tpu.memory_space<vmem>>, vector<1024x1024xf32>,
    return
  }
  func.func @transform_0(%arg0: i32) -> (i32, i32) {
    %c0_i32 = arith.constant 0 : i32
    %c0_i32_0 = arith.constant 0 : i32
    %c0_i32_1 = arith.constant 0 : i32
    return %c0_i32, %c0_i32_0 : i32, i32
  }
  func.func @transform_1(%arg0: i32) -> (i32, i32, i32) {
    %c2_i32 = arith.constant 2 : i32
    %c0_i32 = arith.constant 0 : i32
    %c0_i32_0 = arith.constant 0 : i32
    %c0_i32_1 = arith.constant 0 : i32
    return %c2_i32, %c0_i32, %c0_i32_0 : i32, i32, i32
  }
  func.func @transform_2(%arg0: i32) -> (i32, i32, i32) {
    %c2_i32 = arith.constant 2 : i32
    %c0_i32 = arith.constant 0 : i32
    %c0_i32_0 = arith.constant 0 : i32
    %c0_i32_1 = arith.constant 0 : i32
    return %c2_i32, %c0_i32, %c0_i32_0 : i32, i32, i32
  }
  func.func @transform_3(%arg0: i32) -> (i32, i32, i32) {
    %c2_i32 = arith.constant 2 : i32
    %c0_i32 = arith.constant 0 : i32
    %c0_i32_0 = arith.constant 0 : i32
    %c0_i32_1 = arith.constant 0 : i32
    return %c2_i32, %c0_i32, %c0_i32_0 : i32, i32, i32
  }
  func.func @transform_4(%arg0: i32) -> (i32, i32, i32) {
    %c2_i32 = arith.constant 2 : i32
    %c0_i32 = arith.constant 0 : i32
    %c0_i32_0 = arith.constant 0 : i32
    %c0_i32_1 = arith.constant 0 : i32
    return %c2_i32, %c0_i32, %c0_i32_0 : i32, i32, i32
  }
  func.func @transform_5(%arg0: i32) -> (i32, i32, i32) {
    %c2_i32 = arith.constant 2 : i32
    %c0_i32 = arith.constant 0 : i32
    %c0_i32_0 = arith.constant 0 : i32
    %c0_i32_1 = arith.constant 0 : i32
    return %c2_i32, %c0_i32, %c0_i32_0 : i32, i32, i32
  }
  func.func @transform_6(%arg0: i32) -> (i32, i32, i32) {
    %c2_i32 = arith.constant 2 : i32
    %c0_i32 = arith.constant 0 : i32
    %c0_i32_0 = arith.constant 0 : i32
    %c0_i32_1 = arith.constant 0 : i32
    return %c2_i32, %c0_i32, %c0_i32_0 : i32, i32, i32
  }
  func.func @transform_7(%arg0: i32) -> (i32, i32) {
    %c0_i32 = arith.constant 0 : i32
    %c0_i32_0 = arith.constant 0 : i32
    %c0_i32_1 = arith.constant 0 : i32
    return %c0_i32, %c0_i32_0 : i32, i32
  }
}

module attributes {stable_mosaic.version = 14 : i64} {
  func.func @body(%arg0: i32, %arg1: memref<1024x1024xf32, #tpu.memory_space<vmem>>, %arg2: memref<1x1x1024xf32, #tpu.memory_space<vmem>>, %arg3: memref<1x1x1024xf32, #tpu.memory_space<vmem>>, %arg4: memref<1x1024x1024xf32, #tpu.memory_space<vmem>>, %arg5: memref<1x1024x1024xf32, #tpu.memory_space<vmem>>, %arg6: memref<1x1024x1024xf32, #tpu.memory_space<vmem>>, %arg7: memref<1024x1024xf32, #tpu.memory_space<vmem>>, %arg8: memref<1024x1024xf32, #tpu.memory_space<vmem>>) attributes {dimension_semantics = [#tpu.dimension_semantics<arbitrary>], iteration_bounds = array<i64: 4>, scalar_prefetch = 0 : i64, scratch_operands = 1 : i64, tpu.core_type = #tpu.core_type<tc>, window_params = [{pipeline_mode = #tpu.pipeline_mode<synchronous>, transform_indices = @transform_0, window_bounds = array<i64: 1024, 1024>}, {transform_indices = @transform_1, window_bounds = array<i64: 1, 1, 1024>}, {transform_indices = @transform_2, window_bounds = array<i64: 1, 1, 1024>}, {transform_indices = @transform_3, window_bounds = array<i64: 1, 1024, 1024>}, {transform_indices = @transform_4, window_bounds = array<i64: 1, 1024, 1024>}, {transform_indices = @transform_5, window_bounds = array<i64: 1, 1024, 1024>}, {pipeline_mode = #tpu.pipeline_mode<synchronous>, transform_indices = @transform_6, window_bounds = array<i64: 1024, 1024>}]} {
    %eq3A = arith.constant 0 : i32
    %eq3A_0 = arith.cmpi eq, %arg0, %eq3A : i32
    %convert_element_type3A = arith.extui %eq3A_0 : i1 to i32
    %cond3A = arith.constant 0 : i32
    %cond3A_1 = arith.cmpi ne, %convert_element_type3A, %cond3A : i32
    scf.if %cond3A_1 {
      %get3A_37 = arith.constant 0 : index
      %get3A_38 = arith.constant 0 : index
      %get3A_39 = vector.load %arg1[%get3A_37, %get3A_38] : memref<1024x1024xf32, #tpu.memory_space<vmem>>, vector<1024x1024xf32>
      %swap3A_40 = arith.constant 0 : index
      %swap3A_41 = arith.constant 0 : index
      %swap3A_42 = vector.load %arg7[%swap3A_40, %swap3A_41] : memref<1024x1024xf32, #tpu.memory_space<vmem>>, vector<1024x1024xf32>
      tpu.vector_store %arg7[%swap3A_40, %swap3A_41], %get3A_39 {strides = array<i32>} : memref<1024x1024xf32, #tpu.memory_space<vmem>>, vector<1024x1024xf32>,
      %get3A_43 = arith.constant 0 : index
      %get3A_44 = arith.constant 0 : index
      %get3A_45 = arith.constant 0 : index
      %get3A_46 = vector.load %arg2[%get3A_43, %get3A_44, %get3A_45] : memref<1x1x1024xf32, #tpu.memory_space<vmem>>, vector<1x1x1024xf32>
      %get3A_47 = vector.shape_cast %get3A_46 : vector<1x1x1024xf32> to vector<1x1024xf32>
      %get3A_48 = arith.constant 0 : index
      %get3A_49 = arith.constant 0 : index
      %get3A_50 = arith.constant 0 : index
      %get3A_51 = vector.load %arg3[%get3A_48, %get3A_49, %get3A_50] : memref<1x1x1024xf32, #tpu.memory_space<vmem>>, vector<1x1x1024xf32>
      %get3A_52 = vector.shape_cast %get3A_51 : vector<1x1x1024xf32> to vector<1x1024xf32>
      %reduce_sum3A = arith.constant dense<0.000000e+00> : vector<1024xf32>
      %reduce_sum3A_53 = vector.multi_reduction <add>, %get3A_39, %reduce_sum3A [1] : vector<1024x1024xf32> to vector<1024xf32>
      %broadcast_in_dim3A = vector.shape_cast %reduce_sum3A_53 : vector<1024xf32> to vector<1024x1xf32>
      %div3A_54 = arith.constant 1.024000e+03 : f32
      %div3A_55 = vector.broadcast %div3A_54 : f32 to vector<1024x1xf32>
      %div3A_56 = arith.divf %broadcast_in_dim3A, %div3A_55 : vector<1024x1xf32>
      %sub3A = vector.broadcast %div3A_56 : vector<1024x1xf32> to vector<1024x1024xf32>
      %sub3A_57 = arith.subf %get3A_39, %sub3A : vector<1024x1024xf32>
      %integer_pow3A = arith.mulf %sub3A_57, %sub3A_57 : vector<1024x1024xf32>
      %reduce_sum3A_58 = arith.constant dense<0.000000e+00> : vector<1024xf32>
      %reduce_sum3A_59 = vector.multi_reduction <add>, %integer_pow3A, %reduce_sum3A_58 [1] : vector<1024x1024xf32> to vector<1024xf32>
      %broadcast_in_dim3A_60 = vector.shape_cast %reduce_sum3A_59 : vector<1024xf32> to vector<1024x1xf32>
      %div3A_61 = arith.constant 1.024000e+03 : f32
      %div3A_62 = vector.broadcast %div3A_61 : f32 to vector<1024x1xf32>
      %div3A_63 = arith.divf %broadcast_in_dim3A_60, %div3A_62 : vector<1024x1xf32>
      %sub3A_64 = vector.broadcast %div3A_56 : vector<1024x1xf32> to vector<1024x1024xf32>
      %sub3A_65 = arith.subf %get3A_39, %sub3A_64 : vector<1024x1024xf32>
      %add3A_66 = arith.constant 9.99999974E-6 : f32
      %add3A_67 = vector.broadcast %add3A_66 : f32 to vector<1024x1xf32>
      %add3A_68 = arith.addf %div3A_63, %add3A_67 : vector<1024x1xf32>
      %sqrt3A = math.sqrt %add3A_68 : vector<1024x1xf32>
      %div3A_69 = vector.broadcast %sqrt3A : vector<1024x1xf32> to vector<1024x1024xf32>
      %div3A_70 = arith.divf %sub3A_65, %div3A_69 : vector<1024x1024xf32>
      %mul3A_71 = vector.broadcast %get3A_47 : vector<1x1024xf32> to vector<1024x1024xf32>
      %mul3A_72 = arith.mulf %div3A_70, %mul3A_71 : vector<1024x1024xf32>
      %add3A_73 = vector.broadcast %get3A_52 : vector<1x1024xf32> to vector<1024x1024xf32>
      %add3A_74 = arith.addf %mul3A_72, %add3A_73 : vector<1024x1024xf32>
      %swap3A_75 = arith.constant 0 : index
      %swap3A_76 = arith.constant 0 : index
      %swap3A_77 = vector.load %arg8[%swap3A_75, %swap3A_76] : memref<1024x1024xf32, #tpu.memory_space<vmem>>, vector<1024x1024xf32>
      tpu.vector_store %arg8[%swap3A_75, %swap3A_76], %add3A_74 {strides = array<i32>} : memref<1024x1024xf32, #tpu.memory_space<vmem>>, vector<1024x1024xf32>,
    } else {
    }
    %get3A = arith.constant 0 : index
    %get3A_2 = arith.constant 0 : index
    %get3A_3 = vector.load %arg8[%get3A, %get3A_2] : memref<1024x1024xf32, #tpu.memory_space<vmem>>, vector<1024x1024xf32>
    %get3A_4 = arith.constant 0 : index
    %get3A_5 = arith.constant 0 : index
    %get3A_6 = arith.constant 0 : index
    %get3A_7 = vector.load %arg4[%get3A_4, %get3A_5, %get3A_6] : memref<1x1024x1024xf32, #tpu.memory_space<vmem>>, vector<1x1024x1024xf32>
    %get3A_8 = vector.shape_cast %get3A_7 : vector<1x1024x1024xf32> to vector<1024x1024xf32>
    %dot_general3A = arith.constant dense<0.000000e+00> : vector<1024x1024xf32>
    %dot_general3A_9 = tpu.matmul %get3A_3, %get3A_8, %dot_general3A {dimension_numbers = #tpu.dot_dimension_numbers<[1], [0], [0], [1], [0, 0, 1, 1], [], []>, transpose_lhs_hint = false} : vector<1024x1024xf32>, vector<1024x1024xf32>, vector<1024x1024xf32> -> vector<1024x1024xf32>
    %get3A_10 = arith.constant 0 : index
    %get3A_11 = arith.constant 0 : index
    %get3A_12 = vector.load %arg8[%get3A_10, %get3A_11] : memref<1024x1024xf32, #tpu.memory_space<vmem>>, vector<1024x1024xf32>
    %get3A_13 = arith.constant 0 : index
    %get3A_14 = arith.constant 0 : index
    %get3A_15 = arith.constant 0 : index
    %get3A_16 = vector.load %arg5[%get3A_13, %get3A_14, %get3A_15] : memref<1x1024x1024xf32, #tpu.memory_space<vmem>>, vector<1x1024x1024xf32>
    %get3A_17 = vector.shape_cast %get3A_16 : vector<1x1024x1024xf32> to vector<1024x1024xf32>
    %dot_general3A_18 = arith.constant dense<0.000000e+00> : vector<1024x1024xf32>
    %dot_general3A_19 = tpu.matmul %get3A_12, %get3A_17, %dot_general3A_18 {dimension_numbers = #tpu.dot_dimension_numbers<[1], [0], [0], [1], [0, 0, 1, 1], [], []>, transpose_lhs_hint = false} : vector<1024x1024xf32>, vector<1024x1024xf32>, vector<1024x1024xf32> -> vector<1024x1024xf32>
    %neg3A = arith.constant 0.000000e+00 : f32
    %neg3A_20 = vector.broadcast %neg3A : f32 to vector<1024x1024xf32>
    %neg3A_21 = arith.subf %neg3A_20, %dot_general3A_9 : vector<1024x1024xf32>
    %exp3A = math.exp %neg3A_21 : vector<1024x1024xf32>
    %add3A = arith.constant 1.000000e+00 : f32
    %add3A_22 = vector.broadcast %add3A : f32 to vector<1024x1024xf32>
    %add3A_23 = arith.addf %add3A_22, %exp3A : vector<1024x1024xf32>
    %div3A = arith.divf %dot_general3A_9, %add3A_23 : vector<1024x1024xf32>
    %mul3A = arith.mulf %div3A, %dot_general3A_19 : vector<1024x1024xf32>
    %get3A_24 = arith.constant 0 : index
    %get3A_25 = arith.constant 0 : index
    %get3A_26 = vector.load %arg7[%get3A_24, %get3A_25] : memref<1024x1024xf32, #tpu.memory_space<vmem>>, vector<1024x1024xf32>
    %get3A_27 = arith.constant 0 : index
    %get3A_28 = arith.constant 0 : index
    %get3A_29 = arith.constant 0 : index
    %get3A_30 = vector.load %arg6[%get3A_27, %get3A_28, %get3A_29] : memref<1x1024x1024xf32, #tpu.memory_space<vmem>>, vector<1x1024x1024xf32>
    %get3A_31 = vector.shape_cast %get3A_30 : vector<1x1024x1024xf32> to vector<1024x1024xf32>
    %dot_general3A_32 = arith.constant dense<0.000000e+00> : vector<1024x1024xf32>
    %dot_general3A_33 = tpu.matmul %mul3A, %get3A_31, %dot_general3A_32 {dimension_numbers = #tpu.dot_dimension_numbers<[1], [0], [0], [1], [0, 0, 1, 1], [], []>, transpose_lhs_hint = false} : vector<1024x1024xf32>, vector<1024x1024xf32>, vector<1024x1024xf32> -> vector<1024x1024xf32>
    %add3A_34 = arith.addf %get3A_26, %dot_general3A_33 : vector<1024x1024xf32>
    %swap3A = arith.constant 0 : index
    %swap3A_35 = arith.constant 0 : index
    %swap3A_36 = vector.load %arg7[%swap3A, %swap3A_35] : memref<1024x1024xf32, #tpu.memory_space<vmem>>, vector<1024x1024xf32>
    tpu.vector_store %arg7[%swap3A, %swap3A_35], %add3A_34 {strides = array<i32>} : memref<1024x1024xf32, #tpu.memory_space<vmem>>, vector<1024x1024xf32>,
    return
  }
  func.func @transform_0(%arg0: i32) -> (i32, i32) {
    %c0_i32 = arith.constant 0 : i32
    %c0_i32_0 = arith.constant 0 : i32
    %c0_i32_1 = arith.constant 0 : i32
    return %c0_i32, %c0_i32_0 : i32, i32
  }
  func.func @transform_1(%arg0: i32) -> (i32, i32, i32) {
    %c2_i32 = arith.constant 2 : i32
    %c0_i32 = arith.constant 0 : i32
    %c0_i32_0 = arith.constant 0 : i32
    %c0_i32_1 = arith.constant 0 : i32
    return %c2_i32, %c0_i32, %c0_i32_0 : i32, i32, i32
  }
  func.func @transform_2(%arg0: i32) -> (i32, i32, i32) {
    %c2_i32 = arith.constant 2 : i32
    %c0_i32 = arith.constant 0 : i32
    %c0_i32_0 = arith.constant 0 : i32
    %c0_i32_1 = arith.constant 0 : i32
    return %c2_i32, %c0_i32, %c0_i32_0 : i32, i32, i32
  }
  func.func @transform_3(%arg0: i32) -> (i32, i32, i32) {
    %c2_i32 = arith.constant 2 : i32
    %c0_i32 = arith.constant 0 : i32
    %c0_i32_0 = arith.constant 0 : i32
    return %c2_i32, %c0_i32, %arg0 : i32, i32, i32
  }
  func.func @transform_4(%arg0: i32) -> (i32, i32, i32) {
    %c2_i32 = arith.constant 2 : i32
    %c0_i32 = arith.constant 0 : i32
    %c0_i32_0 = arith.constant 0 : i32
    return %c2_i32, %c0_i32, %arg0 : i32, i32, i32
  }
  func.func @transform_5(%arg0: i32) -> (i32, i32, i32) {
    %c2_i32 = arith.constant 2 : i32
    %c0_i32 = arith.constant 0 : i32
    %c0_i32_0 = arith.constant 0 : i32
    return %c2_i32, %arg0, %c0_i32 : i32, i32, i32
  }
  func.func @transform_6(%arg0: i32) -> (i32, i32) {
    %c0_i32 = arith.constant 0 : i32
    %c0_i32_0 = arith.constant 0 : i32
    %c0_i32_1 = arith.constant 0 : i32
    return %c0_i32, %c0_i32_0 : i32, i32
  }
}

module attributes {stable_mosaic.version = 14 : i64} {
  func.func @body(%arg0: i32, %arg1: memref<1024x1024xf32, #tpu.memory_space<vmem>>, %arg2: memref<1x1x1024xf32, #tpu.memory_space<vmem>>, %arg3: memref<1x1x1024xf32, #tpu.memory_space<vmem>>, %arg4: memref<1x1024x1024xf32, #tpu.memory_space<vmem>>, %arg5: memref<1x1024x1024xf32, #tpu.memory_space<vmem>>, %arg6: memref<1x1024x1024xf32, #tpu.memory_space<vmem>>, %arg7: memref<1x1024x1024xf32, #tpu.memory_space<vmem>>, %arg8: memref<1024x1024xf32, #tpu.memory_space<vmem>>, %arg9: memref<1024x1024xf32, #tpu.memory_space<vmem>>, %arg10: memref<1024x1024xf32, #tpu.memory_space<vmem>>, %arg11: memref<1024x1024xf32, #tpu.memory_space<vmem>>, %arg12: memref<1024x1024xf32, #tpu.memory_space<vmem>>) attributes {dimension_semantics = [#tpu.dimension_semantics<arbitrary>], iteration_bounds = array<i64: 1>, scalar_prefetch = 0 : i64, scratch_operands = 4 : i64, tpu.core_type = #tpu.core_type<tc>, window_params = [{pipeline_mode = #tpu.pipeline_mode<synchronous>, transform_indices = @transform_0, window_bounds = array<i64: 1024, 1024>}, {transform_indices = @transform_1, window_bounds = array<i64: 1, 1, 1024>}, {transform_indices = @transform_2, window_bounds = array<i64: 1, 1, 1024>}, {transform_indices = @transform_3, window_bounds = array<i64: 1, 1024, 1024>}, {transform_indices = @transform_4, window_bounds = array<i64: 1, 1024, 1024>}, {transform_indices = @transform_5, window_bounds = array<i64: 1, 1024, 1024>}, {transform_indices = @transform_6, window_bounds = array<i64: 1, 1024, 1024>}, {pipeline_mode = #tpu.pipeline_mode<synchronous>, transform_indices = @transform_7, window_bounds = array<i64: 1024, 1024>}]} {
    %get3A = arith.constant 0 : index
    %get3A_0 = arith.constant 0 : index
    %get3A_1 = vector.load %arg1[%get3A, %get3A_0] : memref<1024x1024xf32, #tpu.memory_space<vmem>>, vector<1024x1024xf32>
    %swap3A = arith.constant 0 : index
    %swap3A_2 = arith.constant 0 : index
    %swap3A_3 = vector.load %arg8[%swap3A, %swap3A_2] : memref<1024x1024xf32, #tpu.memory_space<vmem>>, vector<1024x1024xf32>
    tpu.vector_store %arg8[%swap3A, %swap3A_2], %get3A_1 {strides = array<i32>} : memref<1024x1024xf32, #tpu.memory_space<vmem>>, vector<1024x1024xf32>,
    %get3A_4 = arith.constant 0 : index
    %get3A_5 = arith.constant 0 : index
    %get3A_6 = arith.constant 0 : index
    %get3A_7 = vector.load %arg2[%get3A_4, %get3A_5, %get3A_6] : memref<1x1x1024xf32, #tpu.memory_space<vmem>>, vector<1x1x1024xf32>
    %get3A_8 = vector.shape_cast %get3A_7 : vector<1x1x1024xf32> to vector<1x1024xf32>
    %get3A_9 = arith.constant 0 : index
    %get3A_10 = arith.constant 0 : index
    %get3A_11 = arith.constant 0 : index
    %get3A_12 = vector.load %arg3[%get3A_9, %get3A_10, %get3A_11] : memref<1x1x1024xf32, #tpu.memory_space<vmem>>, vector<1x1x1024xf32>
    %get3A_13 = vector.shape_cast %get3A_12 : vector<1x1x1024xf32> to vector<1x1024xf32>
    %reduce_sum3A = arith.constant dense<0.000000e+00> : vector<1024xf32>
    %reduce_sum3A_14 = vector.multi_reduction <add>, %get3A_1, %reduce_sum3A [1] : vector<1024x1024xf32> to vector<1024xf32>
    %broadcast_in_dim3A = vector.shape_cast %reduce_sum3A_14 : vector<1024xf32> to vector<1024x1xf32>
    %div3A = arith.constant 1.024000e+03 : f32
    %div3A_15 = vector.broadcast %div3A : f32 to vector<1024x1xf32>
    %div3A_16 = arith.divf %broadcast_in_dim3A, %div3A_15 : vector<1024x1xf32>
    %sub3A = vector.broadcast %div3A_16 : vector<1024x1xf32> to vector<1024x1024xf32>
    %sub3A_17 = arith.subf %get3A_1, %sub3A : vector<1024x1024xf32>
    %integer_pow3A = arith.mulf %sub3A_17, %sub3A_17 : vector<1024x1024xf32>
    %reduce_sum3A_18 = arith.constant dense<0.000000e+00> : vector<1024xf32>
    %reduce_sum3A_19 = vector.multi_reduction <add>, %integer_pow3A, %reduce_sum3A_18 [1] : vector<1024x1024xf32> to vector<1024xf32>
    %broadcast_in_dim3A_20 = vector.shape_cast %reduce_sum3A_19 : vector<1024xf32> to vector<1024x1xf32>
    %div3A_21 = arith.constant 1.024000e+03 : f32
    %div3A_22 = vector.broadcast %div3A_21 : f32 to vector<1024x1xf32>
    %div3A_23 = arith.divf %broadcast_in_dim3A_20, %div3A_22 : vector<1024x1xf32>
    %sub3A_24 = vector.broadcast %div3A_16 : vector<1024x1xf32> to vector<1024x1024xf32>
    %sub3A_25 = arith.subf %get3A_1, %sub3A_24 : vector<1024x1024xf32>
    %add3A = arith.constant 9.99999974E-6 : f32
    %add3A_26 = vector.broadcast %add3A : f32 to vector<1024x1xf32>
    %add3A_27 = arith.addf %div3A_23, %add3A_26 : vector<1024x1xf32>
    %sqrt3A = math.sqrt %add3A_27 : vector<1024x1xf32>
    %div3A_28 = vector.broadcast %sqrt3A : vector<1024x1xf32> to vector<1024x1024xf32>
    %div3A_29 = arith.divf %sub3A_25, %div3A_28 : vector<1024x1024xf32>
    %mul3A = vector.broadcast %get3A_8 : vector<1x1024xf32> to vector<1024x1024xf32>
    %mul3A_30 = arith.mulf %div3A_29, %mul3A : vector<1024x1024xf32>
    %add3A_31 = vector.broadcast %get3A_13 : vector<1x1024xf32> to vector<1024x1024xf32>
    %add3A_32 = arith.addf %mul3A_30, %add3A_31 : vector<1024x1024xf32>
    %swap3A_33 = arith.constant 0 : index
    %swap3A_34 = arith.constant 0 : index
    %swap3A_35 = vector.load %arg12[%swap3A_33, %swap3A_34] : memref<1024x1024xf32, #tpu.memory_space<vmem>>, vector<1024x1024xf32>
    tpu.vector_store %arg12[%swap3A_33, %swap3A_34], %add3A_32 {strides = array<i32>} : memref<1024x1024xf32, #tpu.memory_space<vmem>>, vector<1024x1024xf32>,
    %get3A_36 = arith.constant 0 : index
    %get3A_37 = arith.constant 0 : index
    %get3A_38 = vector.load %arg12[%get3A_36, %get3A_37] : memref<1024x1024xf32, #tpu.memory_space<vmem>>, vector<1024x1024xf32>
    %get3A_39 = arith.constant 0 : index
    %get3A_40 = arith.constant 0 : index
    %get3A_41 = arith.constant 0 : index
    %get3A_42 = vector.load %arg4[%get3A_39, %get3A_40, %get3A_41] : memref<1x1024x1024xf32, #tpu.memory_space<vmem>>, vector<1x1024x1024xf32>
    %get3A_43 = vector.shape_cast %get3A_42 : vector<1x1024x1024xf32> to vector<1024x1024xf32>
    %dot_general3A = arith.constant dense<0.000000e+00> : vector<1024x1024xf32>
    %dot_general3A_44 = tpu.matmul %get3A_38, %get3A_43, %dot_general3A {dimension_numbers = #tpu.dot_dimension_numbers<[1], [0], [0], [1], [0, 0, 1, 1], [], []>, transpose_lhs_hint = false} : vector<1024x1024xf32>, vector<1024x1024xf32>, vector<1024x1024xf32> -> vector<1024x1024xf32>
    %swap3A_45 = arith.constant 0 : index
    %swap3A_46 = arith.constant 0 : index
    %swap3A_47 = vector.load %arg9[%swap3A_45, %swap3A_46] : memref<1024x1024xf32, #tpu.memory_space<vmem>>, vector<1024x1024xf32>
    tpu.vector_store %arg9[%swap3A_45, %swap3A_46], %dot_general3A_44 {strides = array<i32>} : memref<1024x1024xf32, #tpu.memory_space<vmem>>, vector<1024x1024xf32>,
    %get3A_48 = arith.constant 0 : index
    %get3A_49 = arith.constant 0 : index
    %get3A_50 = vector.load %arg12[%get3A_48, %get3A_49] : memref<1024x1024xf32, #tpu.memory_space<vmem>>, vector<1024x1024xf32>
    %get3A_51 = arith.constant 0 : index
    %get3A_52 = arith.constant 0 : index
    %get3A_53 = arith.constant 0 : index
    %get3A_54 = vector.load %arg5[%get3A_51, %get3A_52, %get3A_53] : memref<1x1024x1024xf32, #tpu.memory_space<vmem>>, vector<1x1024x1024xf32>
    %get3A_55 = vector.shape_cast %get3A_54 : vector<1x1024x1024xf32> to vector<1024x1024xf32>
    %dot_general3A_56 = arith.constant dense<0.000000e+00> : vector<1024x1024xf32>
    %dot_general3A_57 = tpu.matmul %get3A_50, %get3A_55, %dot_general3A_56 {dimension_numbers = #tpu.dot_dimension_numbers<[1], [0], [0], [1], [0, 0, 1, 1], [], []>, transpose_lhs_hint = false} : vector<1024x1024xf32>, vector<1024x1024xf32>, vector<1024x1024xf32> -> vector<1024x1024xf32>
    %swap3A_58 = arith.constant 0 : index
    %swap3A_59 = arith.constant 0 : index
    %swap3A_60 = vector.load %arg10[%swap3A_58, %swap3A_59] : memref<1024x1024xf32, #tpu.memory_space<vmem>>, vector<1024x1024xf32>
    tpu.vector_store %arg10[%swap3A_58, %swap3A_59], %dot_general3A_57 {strides = array<i32>} : memref<1024x1024xf32, #tpu.memory_space<vmem>>, vector<1024x1024xf32>,
    %get3A_61 = arith.constant 0 : index
    %get3A_62 = arith.constant 0 : index
    %get3A_63 = vector.load %arg12[%get3A_61, %get3A_62] : memref<1024x1024xf32, #tpu.memory_space<vmem>>, vector<1024x1024xf32>
    %get3A_64 = arith.constant 0 : index
    %get3A_65 = arith.constant 0 : index
    %get3A_66 = arith.constant 0 : index
    %get3A_67 = vector.load %arg6[%get3A_64, %get3A_65, %get3A_66] : memref<1x1024x1024xf32, #tpu.memory_space<vmem>>, vector<1x1024x1024xf32>
    %get3A_68 = vector.shape_cast %get3A_67 : vector<1x1024x1024xf32> to vector<1024x1024xf32>
    %dot_general3A_69 = arith.constant dense<0.000000e+00> : vector<1024x1024xf32>
    %dot_general3A_70 = tpu.matmul %get3A_63, %get3A_68, %dot_general3A_69 {dimension_numbers = #tpu.dot_dimension_numbers<[1], [0], [0], [1], [0, 0, 1, 1], [], []>, transpose_lhs_hint = false} : vector<1024x1024xf32>, vector<1024x1024xf32>, vector<1024x1024xf32> -> vector<1024x1024xf32>
    %swap3A_71 = arith.constant 0 : index
    %swap3A_72 = arith.constant 0 : index
    %swap3A_73 = vector.load %arg11[%swap3A_71, %swap3A_72] : memref<1024x1024xf32, #tpu.memory_space<vmem>>, vector<1024x1024xf32>
    tpu.vector_store %arg11[%swap3A_71, %swap3A_72], %dot_general3A_70 {strides = array<i32>} : memref<1024x1024xf32, #tpu.memory_space<vmem>>, vector<1024x1024xf32>,
    %iota3A = tpu.iota {dimensions = array<i32: 0>} : vector<512x512xi32>
    %iota3A_74 = tpu.iota {dimensions = array<i32: 1>} : vector<512x512xi32>
    %le3A = arith.cmpi sle, %iota3A_74, %iota3A : vector<512x512xi32>
    %get3A_75 = arith.constant 0 : index
    %get3A_76 = arith.constant 0 : index
    %get3A_77 = vector.load %arg9[%get3A_75, %get3A_76] : memref<1024x1024xf32, #tpu.memory_space<vmem>>, vector<512x64xf32>
    %get3A_78 = arith.constant 0 : index
    %get3A_79 = arith.constant 0 : index
    %get3A_80 = vector.load %arg10[%get3A_78, %get3A_79] : memref<1024x1024xf32, #tpu.memory_space<vmem>>, vector<512x64xf32>
    %get3A_81 = arith.constant 0 : index
    %get3A_82 = arith.constant 0 : index
    %get3A_83 = vector.load %arg11[%get3A_81, %get3A_82] : memref<1024x1024xf32, #tpu.memory_space<vmem>>, vector<512x64xf32>
    %dot_general3A_84 = arith.constant dense<0.000000e+00> : vector<512x512xf32>
    %dot_general3A_85 = tpu.matmul %get3A_77, %get3A_80, %dot_general3A_84 {dimension_numbers = #tpu.dot_dimension_numbers<[1], [1], [0], [0], [0, 0, 1, 0], [], []>, transpose_lhs_hint = false} : vector<512x64xf32>, vector<512x64xf32>, vector<512x512xf32> -> vector<512x512xf32>
    %mul3A_86 = arith.constant 1.250000e-01 : f32
    %mul3A_87 = vector.broadcast %mul3A_86 : f32 to vector<512x512xf32>
    %mul3A_88 = arith.mulf %dot_general3A_85, %mul3A_87 : vector<512x512xf32>
    %jit3A = arith.constant -1.000000e+09 : f32
    %broadcast_in_dim3A_89 = vector.broadcast %jit3A : f32 to vector<512x512xf32>
    %select_n3A = arith.select %le3A, %mul3A_88, %broadcast_in_dim3A_89 : vector<512x512xi1>, vector<512x512xf32>
    %reduce_max3A = arith.constant dense<0xFF800000> : vector<512xf32>
    %reduce_max3A_90 = vector.multi_reduction <maximumf>, %select_n3A, %reduce_max3A [1] : vector<512x512xf32> to vector<512xf32>
    %broadcast_in_dim3A_91 = vector.shape_cast %reduce_max3A_90 : vector<512xf32> to vector<512x1xf32>
    %sub3A_92 = vector.broadcast %broadcast_in_dim3A_91 : vector<512x1xf32> to vector<512x512xf32>
    %sub3A_93 = arith.subf %select_n3A, %sub3A_92 : vector<512x512xf32>
    %exp3A = math.exp %sub3A_93 : vector<512x512xf32>
    %reduce_sum3A_94 = arith.constant dense<0.000000e+00> : vector<512xf32>
    %reduce_sum3A_95 = vector.multi_reduction <add>, %exp3A, %reduce_sum3A_94 [1] : vector<512x512xf32> to vector<512xf32>
    %broadcast_in_dim3A_96 = vector.shape_cast %reduce_sum3A_95 : vector<512xf32> to vector<512x1xf32>
    %div3A_97 = vector.broadcast %broadcast_in_dim3A_96 : vector<512x1xf32> to vector<512x512xf32>
    %div3A_98 = arith.divf %exp3A, %div3A_97 : vector<512x512xf32>
    %dot_general3A_99 = arith.constant dense<0.000000e+00> : vector<512x64xf32>
    %dot_general3A_100 = tpu.matmul %div3A_98, %get3A_83, %dot_general3A_99 {dimension_numbers = #tpu.dot_dimension_numbers<[1], [0], [0], [1], [0, 0, 1, 1], [], []>, transpose_lhs_hint = false} : vector<512x512xf32>, vector<512x64xf32>, vector<512x64xf32> -> vector<512x64xf32>
    %swap3A_101 = arith.constant 0 : index
    %swap3A_102 = arith.constant 0 : index
    %swap3A_103 = vector.load %arg12[%swap3A_101, %swap3A_102] : memref<1024x1024xf32, #tpu.memory_space<vmem>>, vector<512x64xf32>
    tpu.vector_store %arg12[%swap3A_101, %swap3A_102], %dot_general3A_100 {strides = array<i32>} : memref<1024x1024xf32, #tpu.memory_space<vmem>>, vector<512x64xf32>,
    %get3A_104 = arith.constant 0 : index
    %get3A_105 = arith.constant 64 : index
    %get3A_106 = vector.load %arg9[%get3A_104, %get3A_105] : memref<1024x1024xf32, #tpu.memory_space<vmem>>, vector<512x64xf32>
    %get3A_107 = arith.constant 0 : index
    %get3A_108 = arith.constant 64 : index
    %get3A_109 = vector.load %arg10[%get3A_107, %get3A_108] : memref<1024x1024xf32, #tpu.memory_space<vmem>>, vector<512x64xf32>
    %get3A_110 = arith.constant 0 : index
    %get3A_111 = arith.constant 64 : index
    %get3A_112 = vector.load %arg11[%get3A_110, %get3A_111] : memref<1024x1024xf32, #tpu.memory_space<vmem>>, vector<512x64xf32>
    %dot_general3A_113 = arith.constant dense<0.000000e+00> : vector<512x512xf32>
    %dot_general3A_114 = tpu.matmul %get3A_106, %get3A_109, %dot_general3A_113 {dimension_numbers = #tpu.dot_dimension_numbers<[1], [1], [0], [0], [0, 0, 1, 0], [], []>, transpose_lhs_hint = false} : vector<512x64xf32>, vector<512x64xf32>, vector<512x512xf32> -> vector<512x512xf32>
    %mul3A_115 = arith.constant 1.250000e-01 : f32
    %mul3A_116 = vector.broadcast %mul3A_115 : f32 to vector<512x512xf32>
    %mul3A_117 = arith.mulf %dot_general3A_114, %mul3A_116 : vector<512x512xf32>
    %jit3A_118 = arith.constant -1.000000e+09 : f32
    %broadcast_in_dim3A_119 = vector.broadcast %jit3A_118 : f32 to vector<512x512xf32>
    %select_n3A_120 = arith.select %le3A, %mul3A_117, %broadcast_in_dim3A_119 : vector<512x512xi1>, vector<512x512xf32>
    %reduce_max3A_121 = arith.constant dense<0xFF800000> : vector<512xf32>
    %reduce_max3A_122 = vector.multi_reduction <maximumf>, %select_n3A_120, %reduce_max3A_121 [1] : vector<512x512xf32> to vector<512xf32>
    %broadcast_in_dim3A_123 = vector.shape_cast %reduce_max3A_122 : vector<512xf32> to vector<512x1xf32>
    %sub3A_124 = vector.broadcast %broadcast_in_dim3A_123 : vector<512x1xf32> to vector<512x512xf32>
    %sub3A_125 = arith.subf %select_n3A_120, %sub3A_124 : vector<512x512xf32>
    %exp3A_126 = math.exp %sub3A_125 : vector<512x512xf32>
    %reduce_sum3A_127 = arith.constant dense<0.000000e+00> : vector<512xf32>
    %reduce_sum3A_128 = vector.multi_reduction <add>, %exp3A_126, %reduce_sum3A_127 [1] : vector<512x512xf32> to vector<512xf32>
    %broadcast_in_dim3A_129 = vector.shape_cast %reduce_sum3A_128 : vector<512xf32> to vector<512x1xf32>
    %div3A_130 = vector.broadcast %broadcast_in_dim3A_129 : vector<512x1xf32> to vector<512x512xf32>
    %div3A_131 = arith.divf %exp3A_126, %div3A_130 : vector<512x512xf32>
    %dot_general3A_132 = arith.constant dense<0.000000e+00> : vector<512x64xf32>
    %dot_general3A_133 = tpu.matmul %div3A_131, %get3A_112, %dot_general3A_132 {dimension_numbers = #tpu.dot_dimension_numbers<[1], [0], [0], [1], [0, 0, 1, 1], [], []>, transpose_lhs_hint = false} : vector<512x512xf32>, vector<512x64xf32>, vector<512x64xf32> -> vector<512x64xf32>
    %swap3A_134 = arith.constant 0 : index
    %swap3A_135 = arith.constant 64 : index
    %swap3A_136 = vector.load %arg12[%swap3A_134, %swap3A_135] : memref<1024x1024xf32, #tpu.memory_space<vmem>>, vector<512x64xf32>
    tpu.vector_store %arg12[%swap3A_134, %swap3A_135], %dot_general3A_133 {strides = array<i32>} : memref<1024x1024xf32, #tpu.memory_space<vmem>>, vector<512x64xf32>,
    %get3A_137 = arith.constant 0 : index
    %get3A_138 = arith.constant 128 : index
    %get3A_139 = vector.load %arg9[%get3A_137, %get3A_138] : memref<1024x1024xf32, #tpu.memory_space<vmem>>, vector<512x64xf32>
    %get3A_140 = arith.constant 0 : index
    %get3A_141 = arith.constant 128 : index
    %get3A_142 = vector.load %arg10[%get3A_140, %get3A_141] : memref<1024x1024xf32, #tpu.memory_space<vmem>>, vector<512x64xf32>
    %get3A_143 = arith.constant 0 : index
    %get3A_144 = arith.constant 128 : index
    %get3A_145 = vector.load %arg11[%get3A_143, %get3A_144] : memref<1024x1024xf32, #tpu.memory_space<vmem>>, vector<512x64xf32>
    %dot_general3A_146 = arith.constant dense<0.000000e+00> : vector<512x512xf32>
    %dot_general3A_147 = tpu.matmul %get3A_139, %get3A_142, %dot_general3A_146 {dimension_numbers = #tpu.dot_dimension_numbers<[1], [1], [0], [0], [0, 0, 1, 0], [], []>, transpose_lhs_hint = false} : vector<512x64xf32>, vector<512x64xf32>, vector<512x512xf32> -> vector<512x512xf32>
    %mul3A_148 = arith.constant 1.250000e-01 : f32
    %mul3A_149 = vector.broadcast %mul3A_148 : f32 to vector<512x512xf32>
    %mul3A_150 = arith.mulf %dot_general3A_147, %mul3A_149 : vector<512x512xf32>
    %jit3A_151 = arith.constant -1.000000e+09 : f32
    %broadcast_in_dim3A_152 = vector.broadcast %jit3A_151 : f32 to vector<512x512xf32>
    %select_n3A_153 = arith.select %le3A, %mul3A_150, %broadcast_in_dim3A_152 : vector<512x512xi1>, vector<512x512xf32>
    %reduce_max3A_154 = arith.constant dense<0xFF800000> : vector<512xf32>
    %reduce_max3A_155 = vector.multi_reduction <maximumf>, %select_n3A_153, %reduce_max3A_154 [1] : vector<512x512xf32> to vector<512xf32>
    %broadcast_in_dim3A_156 = vector.shape_cast %reduce_max3A_155 : vector<512xf32> to vector<512x1xf32>
    %sub3A_157 = vector.broadcast %broadcast_in_dim3A_156 : vector<512x1xf32> to vector<512x512xf32>
    %sub3A_158 = arith.subf %select_n3A_153, %sub3A_157 : vector<512x512xf32>
    %exp3A_159 = math.exp %sub3A_158 : vector<512x512xf32>
    %reduce_sum3A_160 = arith.constant dense<0.000000e+00> : vector<512xf32>
    %reduce_sum3A_161 = vector.multi_reduction <add>, %exp3A_159, %reduce_sum3A_160 [1] : vector<512x512xf32> to vector<512xf32>
    %broadcast_in_dim3A_162 = vector.shape_cast %reduce_sum3A_161 : vector<512xf32> to vector<512x1xf32>
    %div3A_163 = vector.broadcast %broadcast_in_dim3A_162 : vector<512x1xf32> to vector<512x512xf32>
    %div3A_164 = arith.divf %exp3A_159, %div3A_163 : vector<512x512xf32>
    %dot_general3A_165 = arith.constant dense<0.000000e+00> : vector<512x64xf32>
    %dot_general3A_166 = tpu.matmul %div3A_164, %get3A_145, %dot_general3A_165 {dimension_numbers = #tpu.dot_dimension_numbers<[1], [0], [0], [1], [0, 0, 1, 1], [], []>, transpose_lhs_hint = false} : vector<512x512xf32>, vector<512x64xf32>, vector<512x64xf32> -> vector<512x64xf32>
    %swap3A_167 = arith.constant 0 : index
    %swap3A_168 = arith.constant 128 : index
    %swap3A_169 = vector.load %arg12[%swap3A_167, %swap3A_168] : memref<1024x1024xf32, #tpu.memory_space<vmem>>, vector<512x64xf32>
    tpu.vector_store %arg12[%swap3A_167, %swap3A_168], %dot_general3A_166 {strides = array<i32>} : memref<1024x1024xf32, #tpu.memory_space<vmem>>, vector<512x64xf32>,
    %get3A_170 = arith.constant 0 : index
    %get3A_171 = arith.constant 192 : index
    %get3A_172 = vector.load %arg9[%get3A_170, %get3A_171] : memref<1024x1024xf32, #tpu.memory_space<vmem>>, vector<512x64xf32>
    %get3A_173 = arith.constant 0 : index
    %get3A_174 = arith.constant 192 : index
    %get3A_175 = vector.load %arg10[%get3A_173, %get3A_174] : memref<1024x1024xf32, #tpu.memory_space<vmem>>, vector<512x64xf32>
    %get3A_176 = arith.constant 0 : index
    %get3A_177 = arith.constant 192 : index
    %get3A_178 = vector.load %arg11[%get3A_176, %get3A_177] : memref<1024x1024xf32, #tpu.memory_space<vmem>>, vector<512x64xf32>
    %dot_general3A_179 = arith.constant dense<0.000000e+00> : vector<512x512xf32>
    %dot_general3A_180 = tpu.matmul %get3A_172, %get3A_175, %dot_general3A_179 {dimension_numbers = #tpu.dot_dimension_numbers<[1], [1], [0], [0], [0, 0, 1, 0], [], []>, transpose_lhs_hint = false} : vector<512x64xf32>, vector<512x64xf32>, vector<512x512xf32> -> vector<512x512xf32>
    %mul3A_181 = arith.constant 1.250000e-01 : f32
    %mul3A_182 = vector.broadcast %mul3A_181 : f32 to vector<512x512xf32>
    %mul3A_183 = arith.mulf %dot_general3A_180, %mul3A_182 : vector<512x512xf32>
    %jit3A_184 = arith.constant -1.000000e+09 : f32
    %broadcast_in_dim3A_185 = vector.broadcast %jit3A_184 : f32 to vector<512x512xf32>
    %select_n3A_186 = arith.select %le3A, %mul3A_183, %broadcast_in_dim3A_185 : vector<512x512xi1>, vector<512x512xf32>
    %reduce_max3A_187 = arith.constant dense<0xFF800000> : vector<512xf32>
    %reduce_max3A_188 = vector.multi_reduction <maximumf>, %select_n3A_186, %reduce_max3A_187 [1] : vector<512x512xf32> to vector<512xf32>
    %broadcast_in_dim3A_189 = vector.shape_cast %reduce_max3A_188 : vector<512xf32> to vector<512x1xf32>
    %sub3A_190 = vector.broadcast %broadcast_in_dim3A_189 : vector<512x1xf32> to vector<512x512xf32>
    %sub3A_191 = arith.subf %select_n3A_186, %sub3A_190 : vector<512x512xf32>
    %exp3A_192 = math.exp %sub3A_191 : vector<512x512xf32>
    %reduce_sum3A_193 = arith.constant dense<0.000000e+00> : vector<512xf32>
    %reduce_sum3A_194 = vector.multi_reduction <add>, %exp3A_192, %reduce_sum3A_193 [1] : vector<512x512xf32> to vector<512xf32>
    %broadcast_in_dim3A_195 = vector.shape_cast %reduce_sum3A_194 : vector<512xf32> to vector<512x1xf32>
    %div3A_196 = vector.broadcast %broadcast_in_dim3A_195 : vector<512x1xf32> to vector<512x512xf32>
    %div3A_197 = arith.divf %exp3A_192, %div3A_196 : vector<512x512xf32>
    %dot_general3A_198 = arith.constant dense<0.000000e+00> : vector<512x64xf32>
    %dot_general3A_199 = tpu.matmul %div3A_197, %get3A_178, %dot_general3A_198 {dimension_numbers = #tpu.dot_dimension_numbers<[1], [0], [0], [1], [0, 0, 1, 1], [], []>, transpose_lhs_hint = false} : vector<512x512xf32>, vector<512x64xf32>, vector<512x64xf32> -> vector<512x64xf32>
    %swap3A_200 = arith.constant 0 : index
    %swap3A_201 = arith.constant 192 : index
    %swap3A_202 = vector.load %arg12[%swap3A_200, %swap3A_201] : memref<1024x1024xf32, #tpu.memory_space<vmem>>, vector<512x64xf32>
    tpu.vector_store %arg12[%swap3A_200, %swap3A_201], %dot_general3A_199 {strides = array<i32>} : memref<1024x1024xf32, #tpu.memory_space<vmem>>, vector<512x64xf32>,
    %get3A_203 = arith.constant 0 : index
    %get3A_204 = arith.constant 256 : index
    %get3A_205 = vector.load %arg9[%get3A_203, %get3A_204] : memref<1024x1024xf32, #tpu.memory_space<vmem>>, vector<512x64xf32>
    %get3A_206 = arith.constant 0 : index
    %get3A_207 = arith.constant 256 : index
    %get3A_208 = vector.load %arg10[%get3A_206, %get3A_207] : memref<1024x1024xf32, #tpu.memory_space<vmem>>, vector<512x64xf32>
    %get3A_209 = arith.constant 0 : index
    %get3A_210 = arith.constant 256 : index
    %get3A_211 = vector.load %arg11[%get3A_209, %get3A_210] : memref<1024x1024xf32, #tpu.memory_space<vmem>>, vector<512x64xf32>
    %dot_general3A_212 = arith.constant dense<0.000000e+00> : vector<512x512xf32>
    %dot_general3A_213 = tpu.matmul %get3A_205, %get3A_208, %dot_general3A_212 {dimension_numbers = #tpu.dot_dimension_numbers<[1], [1], [0], [0], [0, 0, 1, 0], [], []>, transpose_lhs_hint = false} : vector<512x64xf32>, vector<512x64xf32>, vector<512x512xf32> -> vector<512x512xf32>
    %mul3A_214 = arith.constant 1.250000e-01 : f32
    %mul3A_215 = vector.broadcast %mul3A_214 : f32 to vector<512x512xf32>
    %mul3A_216 = arith.mulf %dot_general3A_213, %mul3A_215 : vector<512x512xf32>
    %jit3A_217 = arith.constant -1.000000e+09 : f32
    %broadcast_in_dim3A_218 = vector.broadcast %jit3A_217 : f32 to vector<512x512xf32>
    %select_n3A_219 = arith.select %le3A, %mul3A_216, %broadcast_in_dim3A_218 : vector<512x512xi1>, vector<512x512xf32>
    %reduce_max3A_220 = arith.constant dense<0xFF800000> : vector<512xf32>
    %reduce_max3A_221 = vector.multi_reduction <maximumf>, %select_n3A_219, %reduce_max3A_220 [1] : vector<512x512xf32> to vector<512xf32>
    %broadcast_in_dim3A_222 = vector.shape_cast %reduce_max3A_221 : vector<512xf32> to vector<512x1xf32>
    %sub3A_223 = vector.broadcast %broadcast_in_dim3A_222 : vector<512x1xf32> to vector<512x512xf32>
    %sub3A_224 = arith.subf %select_n3A_219, %sub3A_223 : vector<512x512xf32>
    %exp3A_225 = math.exp %sub3A_224 : vector<512x512xf32>
    %reduce_sum3A_226 = arith.constant dense<0.000000e+00> : vector<512xf32>
    %reduce_sum3A_227 = vector.multi_reduction <add>, %exp3A_225, %reduce_sum3A_226 [1] : vector<512x512xf32> to vector<512xf32>
    %broadcast_in_dim3A_228 = vector.shape_cast %reduce_sum3A_227 : vector<512xf32> to vector<512x1xf32>
    %div3A_229 = vector.broadcast %broadcast_in_dim3A_228 : vector<512x1xf32> to vector<512x512xf32>
    %div3A_230 = arith.divf %exp3A_225, %div3A_229 : vector<512x512xf32>
    %dot_general3A_231 = arith.constant dense<0.000000e+00> : vector<512x64xf32>
    %dot_general3A_232 = tpu.matmul %div3A_230, %get3A_211, %dot_general3A_231 {dimension_numbers = #tpu.dot_dimension_numbers<[1], [0], [0], [1], [0, 0, 1, 1], [], []>, transpose_lhs_hint = false} : vector<512x512xf32>, vector<512x64xf32>, vector<512x64xf32> -> vector<512x64xf32>
    %swap3A_233 = arith.constant 0 : index
    %swap3A_234 = arith.constant 256 : index
    %swap3A_235 = vector.load %arg12[%swap3A_233, %swap3A_234] : memref<1024x1024xf32, #tpu.memory_space<vmem>>, vector<512x64xf32>
    tpu.vector_store %arg12[%swap3A_233, %swap3A_234], %dot_general3A_232 {strides = array<i32>} : memref<1024x1024xf32, #tpu.memory_space<vmem>>, vector<512x64xf32>,
    %get3A_236 = arith.constant 0 : index
    %get3A_237 = arith.constant 320 : index
    %get3A_238 = vector.load %arg9[%get3A_236, %get3A_237] : memref<1024x1024xf32, #tpu.memory_space<vmem>>, vector<512x64xf32>
    %get3A_239 = arith.constant 0 : index
    %get3A_240 = arith.constant 320 : index
    %get3A_241 = vector.load %arg10[%get3A_239, %get3A_240] : memref<1024x1024xf32, #tpu.memory_space<vmem>>, vector<512x64xf32>
    %get3A_242 = arith.constant 0 : index
    %get3A_243 = arith.constant 320 : index
    %get3A_244 = vector.load %arg11[%get3A_242, %get3A_243] : memref<1024x1024xf32, #tpu.memory_space<vmem>>, vector<512x64xf32>
    %dot_general3A_245 = arith.constant dense<0.000000e+00> : vector<512x512xf32>
    %dot_general3A_246 = tpu.matmul %get3A_238, %get3A_241, %dot_general3A_245 {dimension_numbers = #tpu.dot_dimension_numbers<[1], [1], [0], [0], [0, 0, 1, 0], [], []>, transpose_lhs_hint = false} : vector<512x64xf32>, vector<512x64xf32>, vector<512x512xf32> -> vector<512x512xf32>
    %mul3A_247 = arith.constant 1.250000e-01 : f32
    %mul3A_248 = vector.broadcast %mul3A_247 : f32 to vector<512x512xf32>
    %mul3A_249 = arith.mulf %dot_general3A_246, %mul3A_248 : vector<512x512xf32>
    %jit3A_250 = arith.constant -1.000000e+09 : f32
    %broadcast_in_dim3A_251 = vector.broadcast %jit3A_250 : f32 to vector<512x512xf32>
    %select_n3A_252 = arith.select %le3A, %mul3A_249, %broadcast_in_dim3A_251 : vector<512x512xi1>, vector<512x512xf32>
    %reduce_max3A_253 = arith.constant dense<0xFF800000> : vector<512xf32>
    %reduce_max3A_254 = vector.multi_reduction <maximumf>, %select_n3A_252, %reduce_max3A_253 [1] : vector<512x512xf32> to vector<512xf32>
    %broadcast_in_dim3A_255 = vector.shape_cast %reduce_max3A_254 : vector<512xf32> to vector<512x1xf32>
    %sub3A_256 = vector.broadcast %broadcast_in_dim3A_255 : vector<512x1xf32> to vector<512x512xf32>
    %sub3A_257 = arith.subf %select_n3A_252, %sub3A_256 : vector<512x512xf32>
    %exp3A_258 = math.exp %sub3A_257 : vector<512x512xf32>
    %reduce_sum3A_259 = arith.constant dense<0.000000e+00> : vector<512xf32>
    %reduce_sum3A_260 = vector.multi_reduction <add>, %exp3A_258, %reduce_sum3A_259 [1] : vector<512x512xf32> to vector<512xf32>
    %broadcast_in_dim3A_261 = vector.shape_cast %reduce_sum3A_260 : vector<512xf32> to vector<512x1xf32>
    %div3A_262 = vector.broadcast %broadcast_in_dim3A_261 : vector<512x1xf32> to vector<512x512xf32>
    %div3A_263 = arith.divf %exp3A_258, %div3A_262 : vector<512x512xf32>
    %dot_general3A_264 = arith.constant dense<0.000000e+00> : vector<512x64xf32>
    %dot_general3A_265 = tpu.matmul %div3A_263, %get3A_244, %dot_general3A_264 {dimension_numbers = #tpu.dot_dimension_numbers<[1], [0], [0], [1], [0, 0, 1, 1], [], []>, transpose_lhs_hint = false} : vector<512x512xf32>, vector<512x64xf32>, vector<512x64xf32> -> vector<512x64xf32>
    %swap3A_266 = arith.constant 0 : index
    %swap3A_267 = arith.constant 320 : index
    %swap3A_268 = vector.load %arg12[%swap3A_266, %swap3A_267] : memref<1024x1024xf32, #tpu.memory_space<vmem>>, vector<512x64xf32>
    tpu.vector_store %arg12[%swap3A_266, %swap3A_267], %dot_general3A_265 {strides = array<i32>} : memref<1024x1024xf32, #tpu.memory_space<vmem>>, vector<512x64xf32>,
    %get3A_269 = arith.constant 0 : index
    %get3A_270 = arith.constant 384 : index
    %get3A_271 = vector.load %arg9[%get3A_269, %get3A_270] : memref<1024x1024xf32, #tpu.memory_space<vmem>>, vector<512x64xf32>
    %get3A_272 = arith.constant 0 : index
    %get3A_273 = arith.constant 384 : index
    %get3A_274 = vector.load %arg10[%get3A_272, %get3A_273] : memref<1024x1024xf32, #tpu.memory_space<vmem>>, vector<512x64xf32>
    %get3A_275 = arith.constant 0 : index
    %get3A_276 = arith.constant 384 : index
    %get3A_277 = vector.load %arg11[%get3A_275, %get3A_276] : memref<1024x1024xf32, #tpu.memory_space<vmem>>, vector<512x64xf32>
    %dot_general3A_278 = arith.constant dense<0.000000e+00> : vector<512x512xf32>
    %dot_general3A_279 = tpu.matmul %get3A_271, %get3A_274, %dot_general3A_278 {dimension_numbers = #tpu.dot_dimension_numbers<[1], [1], [0], [0], [0, 0, 1, 0], [], []>, transpose_lhs_hint = false} : vector<512x64xf32>, vector<512x64xf32>, vector<512x512xf32> -> vector<512x512xf32>
    %mul3A_280 = arith.constant 1.250000e-01 : f32
    %mul3A_281 = vector.broadcast %mul3A_280 : f32 to vector<512x512xf32>
    %mul3A_282 = arith.mulf %dot_general3A_279, %mul3A_281 : vector<512x512xf32>
    %jit3A_283 = arith.constant -1.000000e+09 : f32
    %broadcast_in_dim3A_284 = vector.broadcast %jit3A_283 : f32 to vector<512x512xf32>
    %select_n3A_285 = arith.select %le3A, %mul3A_282, %broadcast_in_dim3A_284 : vector<512x512xi1>, vector<512x512xf32>
    %reduce_max3A_286 = arith.constant dense<0xFF800000> : vector<512xf32>
    %reduce_max3A_287 = vector.multi_reduction <maximumf>, %select_n3A_285, %reduce_max3A_286 [1] : vector<512x512xf32> to vector<512xf32>
    %broadcast_in_dim3A_288 = vector.shape_cast %reduce_max3A_287 : vector<512xf32> to vector<512x1xf32>
    %sub3A_289 = vector.broadcast %broadcast_in_dim3A_288 : vector<512x1xf32> to vector<512x512xf32>
    %sub3A_290 = arith.subf %select_n3A_285, %sub3A_289 : vector<512x512xf32>
    %exp3A_291 = math.exp %sub3A_290 : vector<512x512xf32>
    %reduce_sum3A_292 = arith.constant dense<0.000000e+00> : vector<512xf32>
    %reduce_sum3A_293 = vector.multi_reduction <add>, %exp3A_291, %reduce_sum3A_292 [1] : vector<512x512xf32> to vector<512xf32>
    %broadcast_in_dim3A_294 = vector.shape_cast %reduce_sum3A_293 : vector<512xf32> to vector<512x1xf32>
    %div3A_295 = vector.broadcast %broadcast_in_dim3A_294 : vector<512x1xf32> to vector<512x512xf32>
    %div3A_296 = arith.divf %exp3A_291, %div3A_295 : vector<512x512xf32>
    %dot_general3A_297 = arith.constant dense<0.000000e+00> : vector<512x64xf32>
    %dot_general3A_298 = tpu.matmul %div3A_296, %get3A_277, %dot_general3A_297 {dimension_numbers = #tpu.dot_dimension_numbers<[1], [0], [0], [1], [0, 0, 1, 1], [], []>, transpose_lhs_hint = false} : vector<512x512xf32>, vector<512x64xf32>, vector<512x64xf32> -> vector<512x64xf32>
    %swap3A_299 = arith.constant 0 : index
    %swap3A_300 = arith.constant 384 : index
    %swap3A_301 = vector.load %arg12[%swap3A_299, %swap3A_300] : memref<1024x1024xf32, #tpu.memory_space<vmem>>, vector<512x64xf32>
    tpu.vector_store %arg12[%swap3A_299, %swap3A_300], %dot_general3A_298 {strides = array<i32>} : memref<1024x1024xf32, #tpu.memory_space<vmem>>, vector<512x64xf32>,
    %get3A_302 = arith.constant 0 : index
    %get3A_303 = arith.constant 448 : index
    %get3A_304 = vector.load %arg9[%get3A_302, %get3A_303] : memref<1024x1024xf32, #tpu.memory_space<vmem>>, vector<512x64xf32>
    %get3A_305 = arith.constant 0 : index
    %get3A_306 = arith.constant 448 : index
    %get3A_307 = vector.load %arg10[%get3A_305, %get3A_306] : memref<1024x1024xf32, #tpu.memory_space<vmem>>, vector<512x64xf32>
    %get3A_308 = arith.constant 0 : index
    %get3A_309 = arith.constant 448 : index
    %get3A_310 = vector.load %arg11[%get3A_308, %get3A_309] : memref<1024x1024xf32, #tpu.memory_space<vmem>>, vector<512x64xf32>
    %dot_general3A_311 = arith.constant dense<0.000000e+00> : vector<512x512xf32>
    %dot_general3A_312 = tpu.matmul %get3A_304, %get3A_307, %dot_general3A_311 {dimension_numbers = #tpu.dot_dimension_numbers<[1], [1], [0], [0], [0, 0, 1, 0], [], []>, transpose_lhs_hint = false} : vector<512x64xf32>, vector<512x64xf32>, vector<512x512xf32> -> vector<512x512xf32>
    %mul3A_313 = arith.constant 1.250000e-01 : f32
    %mul3A_314 = vector.broadcast %mul3A_313 : f32 to vector<512x512xf32>
    %mul3A_315 = arith.mulf %dot_general3A_312, %mul3A_314 : vector<512x512xf32>
    %jit3A_316 = arith.constant -1.000000e+09 : f32
    %broadcast_in_dim3A_317 = vector.broadcast %jit3A_316 : f32 to vector<512x512xf32>
    %select_n3A_318 = arith.select %le3A, %mul3A_315, %broadcast_in_dim3A_317 : vector<512x512xi1>, vector<512x512xf32>
    %reduce_max3A_319 = arith.constant dense<0xFF800000> : vector<512xf32>
    %reduce_max3A_320 = vector.multi_reduction <maximumf>, %select_n3A_318, %reduce_max3A_319 [1] : vector<512x512xf32> to vector<512xf32>
    %broadcast_in_dim3A_321 = vector.shape_cast %reduce_max3A_320 : vector<512xf32> to vector<512x1xf32>
    %sub3A_322 = vector.broadcast %broadcast_in_dim3A_321 : vector<512x1xf32> to vector<512x512xf32>
    %sub3A_323 = arith.subf %select_n3A_318, %sub3A_322 : vector<512x512xf32>
    %exp3A_324 = math.exp %sub3A_323 : vector<512x512xf32>
    %reduce_sum3A_325 = arith.constant dense<0.000000e+00> : vector<512xf32>
    %reduce_sum3A_326 = vector.multi_reduction <add>, %exp3A_324, %reduce_sum3A_325 [1] : vector<512x512xf32> to vector<512xf32>
    %broadcast_in_dim3A_327 = vector.shape_cast %reduce_sum3A_326 : vector<512xf32> to vector<512x1xf32>
    %div3A_328 = vector.broadcast %broadcast_in_dim3A_327 : vector<512x1xf32> to vector<512x512xf32>
    %div3A_329 = arith.divf %exp3A_324, %div3A_328 : vector<512x512xf32>
    %dot_general3A_330 = arith.constant dense<0.000000e+00> : vector<512x64xf32>
    %dot_general3A_331 = tpu.matmul %div3A_329, %get3A_310, %dot_general3A_330 {dimension_numbers = #tpu.dot_dimension_numbers<[1], [0], [0], [1], [0, 0, 1, 1], [], []>, transpose_lhs_hint = false} : vector<512x512xf32>, vector<512x64xf32>, vector<512x64xf32> -> vector<512x64xf32>
    %swap3A_332 = arith.constant 0 : index
    %swap3A_333 = arith.constant 448 : index
    %swap3A_334 = vector.load %arg12[%swap3A_332, %swap3A_333] : memref<1024x1024xf32, #tpu.memory_space<vmem>>, vector<512x64xf32>
    tpu.vector_store %arg12[%swap3A_332, %swap3A_333], %dot_general3A_331 {strides = array<i32>} : memref<1024x1024xf32, #tpu.memory_space<vmem>>, vector<512x64xf32>,
    %get3A_335 = arith.constant 0 : index
    %get3A_336 = arith.constant 512 : index
    %get3A_337 = vector.load %arg9[%get3A_335, %get3A_336] : memref<1024x1024xf32, #tpu.memory_space<vmem>>, vector<512x64xf32>
    %get3A_338 = arith.constant 0 : index
    %get3A_339 = arith.constant 512 : index
    %get3A_340 = vector.load %arg10[%get3A_338, %get3A_339] : memref<1024x1024xf32, #tpu.memory_space<vmem>>, vector<512x64xf32>
    %get3A_341 = arith.constant 0 : index
    %get3A_342 = arith.constant 512 : index
    %get3A_343 = vector.load %arg11[%get3A_341, %get3A_342] : memref<1024x1024xf32, #tpu.memory_space<vmem>>, vector<512x64xf32>
    %dot_general3A_344 = arith.constant dense<0.000000e+00> : vector<512x512xf32>
    %dot_general3A_345 = tpu.matmul %get3A_337, %get3A_340, %dot_general3A_344 {dimension_numbers = #tpu.dot_dimension_numbers<[1], [1], [0], [0], [0, 0, 1, 0], [], []>, transpose_lhs_hint = false} : vector<512x64xf32>, vector<512x64xf32>, vector<512x512xf32> -> vector<512x512xf32>
    %mul3A_346 = arith.constant 1.250000e-01 : f32
    %mul3A_347 = vector.broadcast %mul3A_346 : f32 to vector<512x512xf32>
    %mul3A_348 = arith.mulf %dot_general3A_345, %mul3A_347 : vector<512x512xf32>
    %jit3A_349 = arith.constant -1.000000e+09 : f32
    %broadcast_in_dim3A_350 = vector.broadcast %jit3A_349 : f32 to vector<512x512xf32>
    %select_n3A_351 = arith.select %le3A, %mul3A_348, %broadcast_in_dim3A_350 : vector<512x512xi1>, vector<512x512xf32>
    %reduce_max3A_352 = arith.constant dense<0xFF800000> : vector<512xf32>
    %reduce_max3A_353 = vector.multi_reduction <maximumf>, %select_n3A_351, %reduce_max3A_352 [1] : vector<512x512xf32> to vector<512xf32>
    %broadcast_in_dim3A_354 = vector.shape_cast %reduce_max3A_353 : vector<512xf32> to vector<512x1xf32>
    %sub3A_355 = vector.broadcast %broadcast_in_dim3A_354 : vector<512x1xf32> to vector<512x512xf32>
    %sub3A_356 = arith.subf %select_n3A_351, %sub3A_355 : vector<512x512xf32>
    %exp3A_357 = math.exp %sub3A_356 : vector<512x512xf32>
    %reduce_sum3A_358 = arith.constant dense<0.000000e+00> : vector<512xf32>
    %reduce_sum3A_359 = vector.multi_reduction <add>, %exp3A_357, %reduce_sum3A_358 [1] : vector<512x512xf32> to vector<512xf32>
    %broadcast_in_dim3A_360 = vector.shape_cast %reduce_sum3A_359 : vector<512xf32> to vector<512x1xf32>
    %div3A_361 = vector.broadcast %broadcast_in_dim3A_360 : vector<512x1xf32> to vector<512x512xf32>
    %div3A_362 = arith.divf %exp3A_357, %div3A_361 : vector<512x512xf32>
    %dot_general3A_363 = arith.constant dense<0.000000e+00> : vector<512x64xf32>
    %dot_general3A_364 = tpu.matmul %div3A_362, %get3A_343, %dot_general3A_363 {dimension_numbers = #tpu.dot_dimension_numbers<[1], [0], [0], [1], [0, 0, 1, 1], [], []>, transpose_lhs_hint = false} : vector<512x512xf32>, vector<512x64xf32>, vector<512x64xf32> -> vector<512x64xf32>
    %swap3A_365 = arith.constant 0 : index
    %swap3A_366 = arith.constant 512 : index
    %swap3A_367 = vector.load %arg12[%swap3A_365, %swap3A_366] : memref<1024x1024xf32, #tpu.memory_space<vmem>>, vector<512x64xf32>
    tpu.vector_store %arg12[%swap3A_365, %swap3A_366], %dot_general3A_364 {strides = array<i32>} : memref<1024x1024xf32, #tpu.memory_space<vmem>>, vector<512x64xf32>,
    %get3A_368 = arith.constant 0 : index
    %get3A_369 = arith.constant 576 : index
    %get3A_370 = vector.load %arg9[%get3A_368, %get3A_369] : memref<1024x1024xf32, #tpu.memory_space<vmem>>, vector<512x64xf32>
    %get3A_371 = arith.constant 0 : index
    %get3A_372 = arith.constant 576 : index
    %get3A_373 = vector.load %arg10[%get3A_371, %get3A_372] : memref<1024x1024xf32, #tpu.memory_space<vmem>>, vector<512x64xf32>
    %get3A_374 = arith.constant 0 : index
    %get3A_375 = arith.constant 576 : index
    %get3A_376 = vector.load %arg11[%get3A_374, %get3A_375] : memref<1024x1024xf32, #tpu.memory_space<vmem>>, vector<512x64xf32>
    %dot_general3A_377 = arith.constant dense<0.000000e+00> : vector<512x512xf32>
    %dot_general3A_378 = tpu.matmul %get3A_370, %get3A_373, %dot_general3A_377 {dimension_numbers = #tpu.dot_dimension_numbers<[1], [1], [0], [0], [0, 0, 1, 0], [], []>, transpose_lhs_hint = false} : vector<512x64xf32>, vector<512x64xf32>, vector<512x512xf32> -> vector<512x512xf32>
    %mul3A_379 = arith.constant 1.250000e-01 : f32
    %mul3A_380 = vector.broadcast %mul3A_379 : f32 to vector<512x512xf32>
    %mul3A_381 = arith.mulf %dot_general3A_378, %mul3A_380 : vector<512x512xf32>
    %jit3A_382 = arith.constant -1.000000e+09 : f32
    %broadcast_in_dim3A_383 = vector.broadcast %jit3A_382 : f32 to vector<512x512xf32>
    %select_n3A_384 = arith.select %le3A, %mul3A_381, %broadcast_in_dim3A_383 : vector<512x512xi1>, vector<512x512xf32>
    %reduce_max3A_385 = arith.constant dense<0xFF800000> : vector<512xf32>
    %reduce_max3A_386 = vector.multi_reduction <maximumf>, %select_n3A_384, %reduce_max3A_385 [1] : vector<512x512xf32> to vector<512xf32>
    %broadcast_in_dim3A_387 = vector.shape_cast %reduce_max3A_386 : vector<512xf32> to vector<512x1xf32>
    %sub3A_388 = vector.broadcast %broadcast_in_dim3A_387 : vector<512x1xf32> to vector<512x512xf32>
    %sub3A_389 = arith.subf %select_n3A_384, %sub3A_388 : vector<512x512xf32>
    %exp3A_390 = math.exp %sub3A_389 : vector<512x512xf32>
    %reduce_sum3A_391 = arith.constant dense<0.000000e+00> : vector<512xf32>
    %reduce_sum3A_392 = vector.multi_reduction <add>, %exp3A_390, %reduce_sum3A_391 [1] : vector<512x512xf32> to vector<512xf32>
    %broadcast_in_dim3A_393 = vector.shape_cast %reduce_sum3A_392 : vector<512xf32> to vector<512x1xf32>
    %div3A_394 = vector.broadcast %broadcast_in_dim3A_393 : vector<512x1xf32> to vector<512x512xf32>
    %div3A_395 = arith.divf %exp3A_390, %div3A_394 : vector<512x512xf32>
    %dot_general3A_396 = arith.constant dense<0.000000e+00> : vector<512x64xf32>
    %dot_general3A_397 = tpu.matmul %div3A_395, %get3A_376, %dot_general3A_396 {dimension_numbers = #tpu.dot_dimension_numbers<[1], [0], [0], [1], [0, 0, 1, 1], [], []>, transpose_lhs_hint = false} : vector<512x512xf32>, vector<512x64xf32>, vector<512x64xf32> -> vector<512x64xf32>
    %swap3A_398 = arith.constant 0 : index
    %swap3A_399 = arith.constant 576 : index
    %swap3A_400 = vector.load %arg12[%swap3A_398, %swap3A_399] : memref<1024x1024xf32, #tpu.memory_space<vmem>>, vector<512x64xf32>
    tpu.vector_store %arg12[%swap3A_398, %swap3A_399], %dot_general3A_397 {strides = array<i32>} : memref<1024x1024xf32, #tpu.memory_space<vmem>>, vector<512x64xf32>,
    %get3A_401 = arith.constant 0 : index
    %get3A_402 = arith.constant 640 : index
    %get3A_403 = vector.load %arg9[%get3A_401, %get3A_402] : memref<1024x1024xf32, #tpu.memory_space<vmem>>, vector<512x64xf32>
    %get3A_404 = arith.constant 0 : index
    %get3A_405 = arith.constant 640 : index
    %get3A_406 = vector.load %arg10[%get3A_404, %get3A_405] : memref<1024x1024xf32, #tpu.memory_space<vmem>>, vector<512x64xf32>
    %get3A_407 = arith.constant 0 : index
    %get3A_408 = arith.constant 640 : index
    %get3A_409 = vector.load %arg11[%get3A_407, %get3A_408] : memref<1024x1024xf32, #tpu.memory_space<vmem>>, vector<512x64xf32>
    %dot_general3A_410 = arith.constant dense<0.000000e+00> : vector<512x512xf32>
    %dot_general3A_411 = tpu.matmul %get3A_403, %get3A_406, %dot_general3A_410 {dimension_numbers = #tpu.dot_dimension_numbers<[1], [1], [0], [0], [0, 0, 1, 0], [], []>, transpose_lhs_hint = false} : vector<512x64xf32>, vector<512x64xf32>, vector<512x512xf32> -> vector<512x512xf32>
    %mul3A_412 = arith.constant 1.250000e-01 : f32
    %mul3A_413 = vector.broadcast %mul3A_412 : f32 to vector<512x512xf32>
    %mul3A_414 = arith.mulf %dot_general3A_411, %mul3A_413 : vector<512x512xf32>
    %jit3A_415 = arith.constant -1.000000e+09 : f32
    %broadcast_in_dim3A_416 = vector.broadcast %jit3A_415 : f32 to vector<512x512xf32>
    %select_n3A_417 = arith.select %le3A, %mul3A_414, %broadcast_in_dim3A_416 : vector<512x512xi1>, vector<512x512xf32>
    %reduce_max3A_418 = arith.constant dense<0xFF800000> : vector<512xf32>
    %reduce_max3A_419 = vector.multi_reduction <maximumf>, %select_n3A_417, %reduce_max3A_418 [1] : vector<512x512xf32> to vector<512xf32>
    %broadcast_in_dim3A_420 = vector.shape_cast %reduce_max3A_419 : vector<512xf32> to vector<512x1xf32>
    %sub3A_421 = vector.broadcast %broadcast_in_dim3A_420 : vector<512x1xf32> to vector<512x512xf32>
    %sub3A_422 = arith.subf %select_n3A_417, %sub3A_421 : vector<512x512xf32>
    %exp3A_423 = math.exp %sub3A_422 : vector<512x512xf32>
    %reduce_sum3A_424 = arith.constant dense<0.000000e+00> : vector<512xf32>
    %reduce_sum3A_425 = vector.multi_reduction <add>, %exp3A_423, %reduce_sum3A_424 [1] : vector<512x512xf32> to vector<512xf32>
    %broadcast_in_dim3A_426 = vector.shape_cast %reduce_sum3A_425 : vector<512xf32> to vector<512x1xf32>
    %div3A_427 = vector.broadcast %broadcast_in_dim3A_426 : vector<512x1xf32> to vector<512x512xf32>
    %div3A_428 = arith.divf %exp3A_423, %div3A_427 : vector<512x512xf32>
    %dot_general3A_429 = arith.constant dense<0.000000e+00> : vector<512x64xf32>
    %dot_general3A_430 = tpu.matmul %div3A_428, %get3A_409, %dot_general3A_429 {dimension_numbers = #tpu.dot_dimension_numbers<[1], [0], [0], [1], [0, 0, 1, 1], [], []>, transpose_lhs_hint = false} : vector<512x512xf32>, vector<512x64xf32>, vector<512x64xf32> -> vector<512x64xf32>
    %swap3A_431 = arith.constant 0 : index
    %swap3A_432 = arith.constant 640 : index
    %swap3A_433 = vector.load %arg12[%swap3A_431, %swap3A_432] : memref<1024x1024xf32, #tpu.memory_space<vmem>>, vector<512x64xf32>
    tpu.vector_store %arg12[%swap3A_431, %swap3A_432], %dot_general3A_430 {strides = array<i32>} : memref<1024x1024xf32, #tpu.memory_space<vmem>>, vector<512x64xf32>,
    %get3A_434 = arith.constant 0 : index
    %get3A_435 = arith.constant 704 : index
    %get3A_436 = vector.load %arg9[%get3A_434, %get3A_435] : memref<1024x1024xf32, #tpu.memory_space<vmem>>, vector<512x64xf32>
    %get3A_437 = arith.constant 0 : index
    %get3A_438 = arith.constant 704 : index
    %get3A_439 = vector.load %arg10[%get3A_437, %get3A_438] : memref<1024x1024xf32, #tpu.memory_space<vmem>>, vector<512x64xf32>
    %get3A_440 = arith.constant 0 : index
    %get3A_441 = arith.constant 704 : index
    %get3A_442 = vector.load %arg11[%get3A_440, %get3A_441] : memref<1024x1024xf32, #tpu.memory_space<vmem>>, vector<512x64xf32>
    %dot_general3A_443 = arith.constant dense<0.000000e+00> : vector<512x512xf32>
    %dot_general3A_444 = tpu.matmul %get3A_436, %get3A_439, %dot_general3A_443 {dimension_numbers = #tpu.dot_dimension_numbers<[1], [1], [0], [0], [0, 0, 1, 0], [], []>, transpose_lhs_hint = false} : vector<512x64xf32>, vector<512x64xf32>, vector<512x512xf32> -> vector<512x512xf32>
    %mul3A_445 = arith.constant 1.250000e-01 : f32
    %mul3A_446 = vector.broadcast %mul3A_445 : f32 to vector<512x512xf32>
    %mul3A_447 = arith.mulf %dot_general3A_444, %mul3A_446 : vector<512x512xf32>
    %jit3A_448 = arith.constant -1.000000e+09 : f32
    %broadcast_in_dim3A_449 = vector.broadcast %jit3A_448 : f32 to vector<512x512xf32>
    %select_n3A_450 = arith.select %le3A, %mul3A_447, %broadcast_in_dim3A_449 : vector<512x512xi1>, vector<512x512xf32>
    %reduce_max3A_451 = arith.constant dense<0xFF800000> : vector<512xf32>
    %reduce_max3A_452 = vector.multi_reduction <maximumf>, %select_n3A_450, %reduce_max3A_451 [1] : vector<512x512xf32> to vector<512xf32>
    %broadcast_in_dim3A_453 = vector.shape_cast %reduce_max3A_452 : vector<512xf32> to vector<512x1xf32>
    %sub3A_454 = vector.broadcast %broadcast_in_dim3A_453 : vector<512x1xf32> to vector<512x512xf32>
    %sub3A_455 = arith.subf %select_n3A_450, %sub3A_454 : vector<512x512xf32>
    %exp3A_456 = math.exp %sub3A_455 : vector<512x512xf32>
    %reduce_sum3A_457 = arith.constant dense<0.000000e+00> : vector<512xf32>
    %reduce_sum3A_458 = vector.multi_reduction <add>, %exp3A_456, %reduce_sum3A_457 [1] : vector<512x512xf32> to vector<512xf32>
    %broadcast_in_dim3A_459 = vector.shape_cast %reduce_sum3A_458 : vector<512xf32> to vector<512x1xf32>
    %div3A_460 = vector.broadcast %broadcast_in_dim3A_459 : vector<512x1xf32> to vector<512x512xf32>
    %div3A_461 = arith.divf %exp3A_456, %div3A_460 : vector<512x512xf32>
    %dot_general3A_462 = arith.constant dense<0.000000e+00> : vector<512x64xf32>
    %dot_general3A_463 = tpu.matmul %div3A_461, %get3A_442, %dot_general3A_462 {dimension_numbers = #tpu.dot_dimension_numbers<[1], [0], [0], [1], [0, 0, 1, 1], [], []>, transpose_lhs_hint = false} : vector<512x512xf32>, vector<512x64xf32>, vector<512x64xf32> -> vector<512x64xf32>
    %swap3A_464 = arith.constant 0 : index
    %swap3A_465 = arith.constant 704 : index
    %swap3A_466 = vector.load %arg12[%swap3A_464, %swap3A_465] : memref<1024x1024xf32, #tpu.memory_space<vmem>>, vector<512x64xf32>
    tpu.vector_store %arg12[%swap3A_464, %swap3A_465], %dot_general3A_463 {strides = array<i32>} : memref<1024x1024xf32, #tpu.memory_space<vmem>>, vector<512x64xf32>,
    %get3A_467 = arith.constant 0 : index
    %get3A_468 = arith.constant 768 : index
    %get3A_469 = vector.load %arg9[%get3A_467, %get3A_468] : memref<1024x1024xf32, #tpu.memory_space<vmem>>, vector<512x64xf32>
    %get3A_470 = arith.constant 0 : index
    %get3A_471 = arith.constant 768 : index
    %get3A_472 = vector.load %arg10[%get3A_470, %get3A_471] : memref<1024x1024xf32, #tpu.memory_space<vmem>>, vector<512x64xf32>
    %get3A_473 = arith.constant 0 : index
    %get3A_474 = arith.constant 768 : index
    %get3A_475 = vector.load %arg11[%get3A_473, %get3A_474] : memref<1024x1024xf32, #tpu.memory_space<vmem>>, vector<512x64xf32>
    %dot_general3A_476 = arith.constant dense<0.000000e+00> : vector<512x512xf32>
    %dot_general3A_477 = tpu.matmul %get3A_469, %get3A_472, %dot_general3A_476 {dimension_numbers = #tpu.dot_dimension_numbers<[1], [1], [0], [0], [0, 0, 1, 0], [], []>, transpose_lhs_hint = false} : vector<512x64xf32>, vector<512x64xf32>, vector<512x512xf32> -> vector<512x512xf32>
    %mul3A_478 = arith.constant 1.250000e-01 : f32
    %mul3A_479 = vector.broadcast %mul3A_478 : f32 to vector<512x512xf32>
    %mul3A_480 = arith.mulf %dot_general3A_477, %mul3A_479 : vector<512x512xf32>
    %jit3A_481 = arith.constant -1.000000e+09 : f32
    %broadcast_in_dim3A_482 = vector.broadcast %jit3A_481 : f32 to vector<512x512xf32>
    %select_n3A_483 = arith.select %le3A, %mul3A_480, %broadcast_in_dim3A_482 : vector<512x512xi1>, vector<512x512xf32>
    %reduce_max3A_484 = arith.constant dense<0xFF800000> : vector<512xf32>
    %reduce_max3A_485 = vector.multi_reduction <maximumf>, %select_n3A_483, %reduce_max3A_484 [1] : vector<512x512xf32> to vector<512xf32>
    %broadcast_in_dim3A_486 = vector.shape_cast %reduce_max3A_485 : vector<512xf32> to vector<512x1xf32>
    %sub3A_487 = vector.broadcast %broadcast_in_dim3A_486 : vector<512x1xf32> to vector<512x512xf32>
    %sub3A_488 = arith.subf %select_n3A_483, %sub3A_487 : vector<512x512xf32>
    %exp3A_489 = math.exp %sub3A_488 : vector<512x512xf32>
    %reduce_sum3A_490 = arith.constant dense<0.000000e+00> : vector<512xf32>
    %reduce_sum3A_491 = vector.multi_reduction <add>, %exp3A_489, %reduce_sum3A_490 [1] : vector<512x512xf32> to vector<512xf32>
    %broadcast_in_dim3A_492 = vector.shape_cast %reduce_sum3A_491 : vector<512xf32> to vector<512x1xf32>
    %div3A_493 = vector.broadcast %broadcast_in_dim3A_492 : vector<512x1xf32> to vector<512x512xf32>
    %div3A_494 = arith.divf %exp3A_489, %div3A_493 : vector<512x512xf32>
    %dot_general3A_495 = arith.constant dense<0.000000e+00> : vector<512x64xf32>
    %dot_general3A_496 = tpu.matmul %div3A_494, %get3A_475, %dot_general3A_495 {dimension_numbers = #tpu.dot_dimension_numbers<[1], [0], [0], [1], [0, 0, 1, 1], [], []>, transpose_lhs_hint = false} : vector<512x512xf32>, vector<512x64xf32>, vector<512x64xf32> -> vector<512x64xf32>
    %swap3A_497 = arith.constant 0 : index
    %swap3A_498 = arith.constant 768 : index
    %swap3A_499 = vector.load %arg12[%swap3A_497, %swap3A_498] : memref<1024x1024xf32, #tpu.memory_space<vmem>>, vector<512x64xf32>
    tpu.vector_store %arg12[%swap3A_497, %swap3A_498], %dot_general3A_496 {strides = array<i32>} : memref<1024x1024xf32, #tpu.memory_space<vmem>>, vector<512x64xf32>,
    %get3A_500 = arith.constant 0 : index
    %get3A_501 = arith.constant 832 : index
    %get3A_502 = vector.load %arg9[%get3A_500, %get3A_501] : memref<1024x1024xf32, #tpu.memory_space<vmem>>, vector<512x64xf32>
    %get3A_503 = arith.constant 0 : index
    %get3A_504 = arith.constant 832 : index
    %get3A_505 = vector.load %arg10[%get3A_503, %get3A_504] : memref<1024x1024xf32, #tpu.memory_space<vmem>>, vector<512x64xf32>
    %get3A_506 = arith.constant 0 : index
    %get3A_507 = arith.constant 832 : index
    %get3A_508 = vector.load %arg11[%get3A_506, %get3A_507] : memref<1024x1024xf32, #tpu.memory_space<vmem>>, vector<512x64xf32>
    %dot_general3A_509 = arith.constant dense<0.000000e+00> : vector<512x512xf32>
    %dot_general3A_510 = tpu.matmul %get3A_502, %get3A_505, %dot_general3A_509 {dimension_numbers = #tpu.dot_dimension_numbers<[1], [1], [0], [0], [0, 0, 1, 0], [], []>, transpose_lhs_hint = false} : vector<512x64xf32>, vector<512x64xf32>, vector<512x512xf32> -> vector<512x512xf32>
    %mul3A_511 = arith.constant 1.250000e-01 : f32
    %mul3A_512 = vector.broadcast %mul3A_511 : f32 to vector<512x512xf32>
    %mul3A_513 = arith.mulf %dot_general3A_510, %mul3A_512 : vector<512x512xf32>
    %jit3A_514 = arith.constant -1.000000e+09 : f32
    %broadcast_in_dim3A_515 = vector.broadcast %jit3A_514 : f32 to vector<512x512xf32>
    %select_n3A_516 = arith.select %le3A, %mul3A_513, %broadcast_in_dim3A_515 : vector<512x512xi1>, vector<512x512xf32>
    %reduce_max3A_517 = arith.constant dense<0xFF800000> : vector<512xf32>
    %reduce_max3A_518 = vector.multi_reduction <maximumf>, %select_n3A_516, %reduce_max3A_517 [1] : vector<512x512xf32> to vector<512xf32>
    %broadcast_in_dim3A_519 = vector.shape_cast %reduce_max3A_518 : vector<512xf32> to vector<512x1xf32>
    %sub3A_520 = vector.broadcast %broadcast_in_dim3A_519 : vector<512x1xf32> to vector<512x512xf32>
    %sub3A_521 = arith.subf %select_n3A_516, %sub3A_520 : vector<512x512xf32>
    %exp3A_522 = math.exp %sub3A_521 : vector<512x512xf32>
    %reduce_sum3A_523 = arith.constant dense<0.000000e+00> : vector<512xf32>
    %reduce_sum3A_524 = vector.multi_reduction <add>, %exp3A_522, %reduce_sum3A_523 [1] : vector<512x512xf32> to vector<512xf32>
    %broadcast_in_dim3A_525 = vector.shape_cast %reduce_sum3A_524 : vector<512xf32> to vector<512x1xf32>
    %div3A_526 = vector.broadcast %broadcast_in_dim3A_525 : vector<512x1xf32> to vector<512x512xf32>
    %div3A_527 = arith.divf %exp3A_522, %div3A_526 : vector<512x512xf32>
    %dot_general3A_528 = arith.constant dense<0.000000e+00> : vector<512x64xf32>
    %dot_general3A_529 = tpu.matmul %div3A_527, %get3A_508, %dot_general3A_528 {dimension_numbers = #tpu.dot_dimension_numbers<[1], [0], [0], [1], [0, 0, 1, 1], [], []>, transpose_lhs_hint = false} : vector<512x512xf32>, vector<512x64xf32>, vector<512x64xf32> -> vector<512x64xf32>
    %swap3A_530 = arith.constant 0 : index
    %swap3A_531 = arith.constant 832 : index
    %swap3A_532 = vector.load %arg12[%swap3A_530, %swap3A_531] : memref<1024x1024xf32, #tpu.memory_space<vmem>>, vector<512x64xf32>
    tpu.vector_store %arg12[%swap3A_530, %swap3A_531], %dot_general3A_529 {strides = array<i32>} : memref<1024x1024xf32, #tpu.memory_space<vmem>>, vector<512x64xf32>,
    %get3A_533 = arith.constant 0 : index
    %get3A_534 = arith.constant 896 : index
    %get3A_535 = vector.load %arg9[%get3A_533, %get3A_534] : memref<1024x1024xf32, #tpu.memory_space<vmem>>, vector<512x64xf32>
    %get3A_536 = arith.constant 0 : index
    %get3A_537 = arith.constant 896 : index
    %get3A_538 = vector.load %arg10[%get3A_536, %get3A_537] : memref<1024x1024xf32, #tpu.memory_space<vmem>>, vector<512x64xf32>
    %get3A_539 = arith.constant 0 : index
    %get3A_540 = arith.constant 896 : index
    %get3A_541 = vector.load %arg11[%get3A_539, %get3A_540] : memref<1024x1024xf32, #tpu.memory_space<vmem>>, vector<512x64xf32>
    %dot_general3A_542 = arith.constant dense<0.000000e+00> : vector<512x512xf32>
    %dot_general3A_543 = tpu.matmul %get3A_535, %get3A_538, %dot_general3A_542 {dimension_numbers = #tpu.dot_dimension_numbers<[1], [1], [0], [0], [0, 0, 1, 0], [], []>, transpose_lhs_hint = false} : vector<512x64xf32>, vector<512x64xf32>, vector<512x512xf32> -> vector<512x512xf32>
    %mul3A_544 = arith.constant 1.250000e-01 : f32
    %mul3A_545 = vector.broadcast %mul3A_544 : f32 to vector<512x512xf32>
    %mul3A_546 = arith.mulf %dot_general3A_543, %mul3A_545 : vector<512x512xf32>
    %jit3A_547 = arith.constant -1.000000e+09 : f32
    %broadcast_in_dim3A_548 = vector.broadcast %jit3A_547 : f32 to vector<512x512xf32>
    %select_n3A_549 = arith.select %le3A, %mul3A_546, %broadcast_in_dim3A_548 : vector<512x512xi1>, vector<512x512xf32>
    %reduce_max3A_550 = arith.constant dense<0xFF800000> : vector<512xf32>
    %reduce_max3A_551 = vector.multi_reduction <maximumf>, %select_n3A_549, %reduce_max3A_550 [1] : vector<512x512xf32> to vector<512xf32>
    %broadcast_in_dim3A_552 = vector.shape_cast %reduce_max3A_551 : vector<512xf32> to vector<512x1xf32>
    %sub3A_553 = vector.broadcast %broadcast_in_dim3A_552 : vector<512x1xf32> to vector<512x512xf32>
    %sub3A_554 = arith.subf %select_n3A_549, %sub3A_553 : vector<512x512xf32>
    %exp3A_555 = math.exp %sub3A_554 : vector<512x512xf32>
    %reduce_sum3A_556 = arith.constant dense<0.000000e+00> : vector<512xf32>
    %reduce_sum3A_557 = vector.multi_reduction <add>, %exp3A_555, %reduce_sum3A_556 [1] : vector<512x512xf32> to vector<512xf32>
    %broadcast_in_dim3A_558 = vector.shape_cast %reduce_sum3A_557 : vector<512xf32> to vector<512x1xf32>
    %div3A_559 = vector.broadcast %broadcast_in_dim3A_558 : vector<512x1xf32> to vector<512x512xf32>
    %div3A_560 = arith.divf %exp3A_555, %div3A_559 : vector<512x512xf32>
    %dot_general3A_561 = arith.constant dense<0.000000e+00> : vector<512x64xf32>
    %dot_general3A_562 = tpu.matmul %div3A_560, %get3A_541, %dot_general3A_561 {dimension_numbers = #tpu.dot_dimension_numbers<[1], [0], [0], [1], [0, 0, 1, 1], [], []>, transpose_lhs_hint = false} : vector<512x512xf32>, vector<512x64xf32>, vector<512x64xf32> -> vector<512x64xf32>
    %swap3A_563 = arith.constant 0 : index
    %swap3A_564 = arith.constant 896 : index
    %swap3A_565 = vector.load %arg12[%swap3A_563, %swap3A_564] : memref<1024x1024xf32, #tpu.memory_space<vmem>>, vector<512x64xf32>
    tpu.vector_store %arg12[%swap3A_563, %swap3A_564], %dot_general3A_562 {strides = array<i32>} : memref<1024x1024xf32, #tpu.memory_space<vmem>>, vector<512x64xf32>,
    %get3A_566 = arith.constant 0 : index
    %get3A_567 = arith.constant 960 : index
    %get3A_568 = vector.load %arg9[%get3A_566, %get3A_567] : memref<1024x1024xf32, #tpu.memory_space<vmem>>, vector<512x64xf32>
    %get3A_569 = arith.constant 0 : index
    %get3A_570 = arith.constant 960 : index
    %get3A_571 = vector.load %arg10[%get3A_569, %get3A_570] : memref<1024x1024xf32, #tpu.memory_space<vmem>>, vector<512x64xf32>
    %get3A_572 = arith.constant 0 : index
    %get3A_573 = arith.constant 960 : index
    %get3A_574 = vector.load %arg11[%get3A_572, %get3A_573] : memref<1024x1024xf32, #tpu.memory_space<vmem>>, vector<512x64xf32>
    %dot_general3A_575 = arith.constant dense<0.000000e+00> : vector<512x512xf32>
    %dot_general3A_576 = tpu.matmul %get3A_568, %get3A_571, %dot_general3A_575 {dimension_numbers = #tpu.dot_dimension_numbers<[1], [1], [0], [0], [0, 0, 1, 0], [], []>, transpose_lhs_hint = false} : vector<512x64xf32>, vector<512x64xf32>, vector<512x512xf32> -> vector<512x512xf32>
    %mul3A_577 = arith.constant 1.250000e-01 : f32
    %mul3A_578 = vector.broadcast %mul3A_577 : f32 to vector<512x512xf32>
    %mul3A_579 = arith.mulf %dot_general3A_576, %mul3A_578 : vector<512x512xf32>
    %jit3A_580 = arith.constant -1.000000e+09 : f32
    %broadcast_in_dim3A_581 = vector.broadcast %jit3A_580 : f32 to vector<512x512xf32>
    %select_n3A_582 = arith.select %le3A, %mul3A_579, %broadcast_in_dim3A_581 : vector<512x512xi1>, vector<512x512xf32>
    %reduce_max3A_583 = arith.constant dense<0xFF800000> : vector<512xf32>
    %reduce_max3A_584 = vector.multi_reduction <maximumf>, %select_n3A_582, %reduce_max3A_583 [1] : vector<512x512xf32> to vector<512xf32>
    %broadcast_in_dim3A_585 = vector.shape_cast %reduce_max3A_584 : vector<512xf32> to vector<512x1xf32>
    %sub3A_586 = vector.broadcast %broadcast_in_dim3A_585 : vector<512x1xf32> to vector<512x512xf32>
    %sub3A_587 = arith.subf %select_n3A_582, %sub3A_586 : vector<512x512xf32>
    %exp3A_588 = math.exp %sub3A_587 : vector<512x512xf32>
    %reduce_sum3A_589 = arith.constant dense<0.000000e+00> : vector<512xf32>
    %reduce_sum3A_590 = vector.multi_reduction <add>, %exp3A_588, %reduce_sum3A_589 [1] : vector<512x512xf32> to vector<512xf32>
    %broadcast_in_dim3A_591 = vector.shape_cast %reduce_sum3A_590 : vector<512xf32> to vector<512x1xf32>
    %div3A_592 = vector.broadcast %broadcast_in_dim3A_591 : vector<512x1xf32> to vector<512x512xf32>
    %div3A_593 = arith.divf %exp3A_588, %div3A_592 : vector<512x512xf32>
    %dot_general3A_594 = arith.constant dense<0.000000e+00> : vector<512x64xf32>
    %dot_general3A_595 = tpu.matmul %div3A_593, %get3A_574, %dot_general3A_594 {dimension_numbers = #tpu.dot_dimension_numbers<[1], [0], [0], [1], [0, 0, 1, 1], [], []>, transpose_lhs_hint = false} : vector<512x512xf32>, vector<512x64xf32>, vector<512x64xf32> -> vector<512x64xf32>
    %swap3A_596 = arith.constant 0 : index
    %swap3A_597 = arith.constant 960 : index
    %swap3A_598 = vector.load %arg12[%swap3A_596, %swap3A_597] : memref<1024x1024xf32, #tpu.memory_space<vmem>>, vector<512x64xf32>
    tpu.vector_store %arg12[%swap3A_596, %swap3A_597], %dot_general3A_595 {strides = array<i32>} : memref<1024x1024xf32, #tpu.memory_space<vmem>>, vector<512x64xf32>,
    %get3A_599 = arith.constant 512 : index
    %get3A_600 = arith.constant 0 : index
    %get3A_601 = vector.load %arg9[%get3A_599, %get3A_600] : memref<1024x1024xf32, #tpu.memory_space<vmem>>, vector<512x64xf32>
    %get3A_602 = arith.constant 512 : index
    %get3A_603 = arith.constant 0 : index
    %get3A_604 = vector.load %arg10[%get3A_602, %get3A_603] : memref<1024x1024xf32, #tpu.memory_space<vmem>>, vector<512x64xf32>
    %get3A_605 = arith.constant 512 : index
    %get3A_606 = arith.constant 0 : index
    %get3A_607 = vector.load %arg11[%get3A_605, %get3A_606] : memref<1024x1024xf32, #tpu.memory_space<vmem>>, vector<512x64xf32>
    %dot_general3A_608 = arith.constant dense<0.000000e+00> : vector<512x512xf32>
    %dot_general3A_609 = tpu.matmul %get3A_601, %get3A_604, %dot_general3A_608 {dimension_numbers = #tpu.dot_dimension_numbers<[1], [1], [0], [0], [0, 0, 1, 0], [], []>, transpose_lhs_hint = false} : vector<512x64xf32>, vector<512x64xf32>, vector<512x512xf32> -> vector<512x512xf32>
    %mul3A_610 = arith.constant 1.250000e-01 : f32
    %mul3A_611 = vector.broadcast %mul3A_610 : f32 to vector<512x512xf32>
    %mul3A_612 = arith.mulf %dot_general3A_609, %mul3A_611 : vector<512x512xf32>
    %jit3A_613 = arith.constant -1.000000e+09 : f32
    %broadcast_in_dim3A_614 = vector.broadcast %jit3A_613 : f32 to vector<512x512xf32>
    %select_n3A_615 = arith.select %le3A, %mul3A_612, %broadcast_in_dim3A_614 : vector<512x512xi1>, vector<512x512xf32>
    %reduce_max3A_616 = arith.constant dense<0xFF800000> : vector<512xf32>
    %reduce_max3A_617 = vector.multi_reduction <maximumf>, %select_n3A_615, %reduce_max3A_616 [1] : vector<512x512xf32> to vector<512xf32>
    %broadcast_in_dim3A_618 = vector.shape_cast %reduce_max3A_617 : vector<512xf32> to vector<512x1xf32>
    %sub3A_619 = vector.broadcast %broadcast_in_dim3A_618 : vector<512x1xf32> to vector<512x512xf32>
    %sub3A_620 = arith.subf %select_n3A_615, %sub3A_619 : vector<512x512xf32>
    %exp3A_621 = math.exp %sub3A_620 : vector<512x512xf32>
    %reduce_sum3A_622 = arith.constant dense<0.000000e+00> : vector<512xf32>
    %reduce_sum3A_623 = vector.multi_reduction <add>, %exp3A_621, %reduce_sum3A_622 [1] : vector<512x512xf32> to vector<512xf32>
    %broadcast_in_dim3A_624 = vector.shape_cast %reduce_sum3A_623 : vector<512xf32> to vector<512x1xf32>
    %div3A_625 = vector.broadcast %broadcast_in_dim3A_624 : vector<512x1xf32> to vector<512x512xf32>
    %div3A_626 = arith.divf %exp3A_621, %div3A_625 : vector<512x512xf32>
    %dot_general3A_627 = arith.constant dense<0.000000e+00> : vector<512x64xf32>
    %dot_general3A_628 = tpu.matmul %div3A_626, %get3A_607, %dot_general3A_627 {dimension_numbers = #tpu.dot_dimension_numbers<[1], [0], [0], [1], [0, 0, 1, 1], [], []>, transpose_lhs_hint = false} : vector<512x512xf32>, vector<512x64xf32>, vector<512x64xf32> -> vector<512x64xf32>
    %swap3A_629 = arith.constant 512 : index
    %swap3A_630 = arith.constant 0 : index
    %swap3A_631 = vector.load %arg12[%swap3A_629, %swap3A_630] : memref<1024x1024xf32, #tpu.memory_space<vmem>>, vector<512x64xf32>
    tpu.vector_store %arg12[%swap3A_629, %swap3A_630], %dot_general3A_628 {strides = array<i32>} : memref<1024x1024xf32, #tpu.memory_space<vmem>>, vector<512x64xf32>,
    %get3A_632 = arith.constant 512 : index
    %get3A_633 = arith.constant 64 : index
    %get3A_634 = vector.load %arg9[%get3A_632, %get3A_633] : memref<1024x1024xf32, #tpu.memory_space<vmem>>, vector<512x64xf32>
    %get3A_635 = arith.constant 512 : index
    %get3A_636 = arith.constant 64 : index
    %get3A_637 = vector.load %arg10[%get3A_635, %get3A_636] : memref<1024x1024xf32, #tpu.memory_space<vmem>>, vector<512x64xf32>
    %get3A_638 = arith.constant 512 : index
    %get3A_639 = arith.constant 64 : index
    %get3A_640 = vector.load %arg11[%get3A_638, %get3A_639] : memref<1024x1024xf32, #tpu.memory_space<vmem>>, vector<512x64xf32>
    %dot_general3A_641 = arith.constant dense<0.000000e+00> : vector<512x512xf32>
    %dot_general3A_642 = tpu.matmul %get3A_634, %get3A_637, %dot_general3A_641 {dimension_numbers = #tpu.dot_dimension_numbers<[1], [1], [0], [0], [0, 0, 1, 0], [], []>, transpose_lhs_hint = false} : vector<512x64xf32>, vector<512x64xf32>, vector<512x512xf32> -> vector<512x512xf32>
    %mul3A_643 = arith.constant 1.250000e-01 : f32
    %mul3A_644 = vector.broadcast %mul3A_643 : f32 to vector<512x512xf32>
    %mul3A_645 = arith.mulf %dot_general3A_642, %mul3A_644 : vector<512x512xf32>
    %jit3A_646 = arith.constant -1.000000e+09 : f32
    %broadcast_in_dim3A_647 = vector.broadcast %jit3A_646 : f32 to vector<512x512xf32>
    %select_n3A_648 = arith.select %le3A, %mul3A_645, %broadcast_in_dim3A_647 : vector<512x512xi1>, vector<512x512xf32>
    %reduce_max3A_649 = arith.constant dense<0xFF800000> : vector<512xf32>
    %reduce_max3A_650 = vector.multi_reduction <maximumf>, %select_n3A_648, %reduce_max3A_649 [1] : vector<512x512xf32> to vector<512xf32>
    %broadcast_in_dim3A_651 = vector.shape_cast %reduce_max3A_650 : vector<512xf32> to vector<512x1xf32>
    %sub3A_652 = vector.broadcast %broadcast_in_dim3A_651 : vector<512x1xf32> to vector<512x512xf32>
    %sub3A_653 = arith.subf %select_n3A_648, %sub3A_652 : vector<512x512xf32>
    %exp3A_654 = math.exp %sub3A_653 : vector<512x512xf32>
    %reduce_sum3A_655 = arith.constant dense<0.000000e+00> : vector<512xf32>
    %reduce_sum3A_656 = vector.multi_reduction <add>, %exp3A_654, %reduce_sum3A_655 [1] : vector<512x512xf32> to vector<512xf32>
    %broadcast_in_dim3A_657 = vector.shape_cast %reduce_sum3A_656 : vector<512xf32> to vector<512x1xf32>
    %div3A_658 = vector.broadcast %broadcast_in_dim3A_657 : vector<512x1xf32> to vector<512x512xf32>
    %div3A_659 = arith.divf %exp3A_654, %div3A_658 : vector<512x512xf32>
    %dot_general3A_660 = arith.constant dense<0.000000e+00> : vector<512x64xf32>
    %dot_general3A_661 = tpu.matmul %div3A_659, %get3A_640, %dot_general3A_660 {dimension_numbers = #tpu.dot_dimension_numbers<[1], [0], [0], [1], [0, 0, 1, 1], [], []>, transpose_lhs_hint = false} : vector<512x512xf32>, vector<512x64xf32>, vector<512x64xf32> -> vector<512x64xf32>
    %swap3A_662 = arith.constant 512 : index
    %swap3A_663 = arith.constant 64 : index
    %swap3A_664 = vector.load %arg12[%swap3A_662, %swap3A_663] : memref<1024x1024xf32, #tpu.memory_space<vmem>>, vector<512x64xf32>
    tpu.vector_store %arg12[%swap3A_662, %swap3A_663], %dot_general3A_661 {strides = array<i32>} : memref<1024x1024xf32, #tpu.memory_space<vmem>>, vector<512x64xf32>,
    %get3A_665 = arith.constant 512 : index
    %get3A_666 = arith.constant 128 : index
    %get3A_667 = vector.load %arg9[%get3A_665, %get3A_666] : memref<1024x1024xf32, #tpu.memory_space<vmem>>, vector<512x64xf32>
    %get3A_668 = arith.constant 512 : index
    %get3A_669 = arith.constant 128 : index
    %get3A_670 = vector.load %arg10[%get3A_668, %get3A_669] : memref<1024x1024xf32, #tpu.memory_space<vmem>>, vector<512x64xf32>
    %get3A_671 = arith.constant 512 : index
    %get3A_672 = arith.constant 128 : index
    %get3A_673 = vector.load %arg11[%get3A_671, %get3A_672] : memref<1024x1024xf32, #tpu.memory_space<vmem>>, vector<512x64xf32>
    %dot_general3A_674 = arith.constant dense<0.000000e+00> : vector<512x512xf32>
    %dot_general3A_675 = tpu.matmul %get3A_667, %get3A_670, %dot_general3A_674 {dimension_numbers = #tpu.dot_dimension_numbers<[1], [1], [0], [0], [0, 0, 1, 0], [], []>, transpose_lhs_hint = false} : vector<512x64xf32>, vector<512x64xf32>, vector<512x512xf32> -> vector<512x512xf32>
    %mul3A_676 = arith.constant 1.250000e-01 : f32
    %mul3A_677 = vector.broadcast %mul3A_676 : f32 to vector<512x512xf32>
    %mul3A_678 = arith.mulf %dot_general3A_675, %mul3A_677 : vector<512x512xf32>
    %jit3A_679 = arith.constant -1.000000e+09 : f32
    %broadcast_in_dim3A_680 = vector.broadcast %jit3A_679 : f32 to vector<512x512xf32>
    %select_n3A_681 = arith.select %le3A, %mul3A_678, %broadcast_in_dim3A_680 : vector<512x512xi1>, vector<512x512xf32>
    %reduce_max3A_682 = arith.constant dense<0xFF800000> : vector<512xf32>
    %reduce_max3A_683 = vector.multi_reduction <maximumf>, %select_n3A_681, %reduce_max3A_682 [1] : vector<512x512xf32> to vector<512xf32>
    %broadcast_in_dim3A_684 = vector.shape_cast %reduce_max3A_683 : vector<512xf32> to vector<512x1xf32>
    %sub3A_685 = vector.broadcast %broadcast_in_dim3A_684 : vector<512x1xf32> to vector<512x512xf32>
    %sub3A_686 = arith.subf %select_n3A_681, %sub3A_685 : vector<512x512xf32>
    %exp3A_687 = math.exp %sub3A_686 : vector<512x512xf32>
    %reduce_sum3A_688 = arith.constant dense<0.000000e+00> : vector<512xf32>
    %reduce_sum3A_689 = vector.multi_reduction <add>, %exp3A_687, %reduce_sum3A_688 [1] : vector<512x512xf32> to vector<512xf32>
    %broadcast_in_dim3A_690 = vector.shape_cast %reduce_sum3A_689 : vector<512xf32> to vector<512x1xf32>
    %div3A_691 = vector.broadcast %broadcast_in_dim3A_690 : vector<512x1xf32> to vector<512x512xf32>
    %div3A_692 = arith.divf %exp3A_687, %div3A_691 : vector<512x512xf32>
    %dot_general3A_693 = arith.constant dense<0.000000e+00> : vector<512x64xf32>
    %dot_general3A_694 = tpu.matmul %div3A_692, %get3A_673, %dot_general3A_693 {dimension_numbers = #tpu.dot_dimension_numbers<[1], [0], [0], [1], [0, 0, 1, 1], [], []>, transpose_lhs_hint = false} : vector<512x512xf32>, vector<512x64xf32>, vector<512x64xf32> -> vector<512x64xf32>
    %swap3A_695 = arith.constant 512 : index
    %swap3A_696 = arith.constant 128 : index
    %swap3A_697 = vector.load %arg12[%swap3A_695, %swap3A_696] : memref<1024x1024xf32, #tpu.memory_space<vmem>>, vector<512x64xf32>
    tpu.vector_store %arg12[%swap3A_695, %swap3A_696], %dot_general3A_694 {strides = array<i32>} : memref<1024x1024xf32, #tpu.memory_space<vmem>>, vector<512x64xf32>,
    %get3A_698 = arith.constant 512 : index
    %get3A_699 = arith.constant 192 : index
    %get3A_700 = vector.load %arg9[%get3A_698, %get3A_699] : memref<1024x1024xf32, #tpu.memory_space<vmem>>, vector<512x64xf32>
    %get3A_701 = arith.constant 512 : index
    %get3A_702 = arith.constant 192 : index
    %get3A_703 = vector.load %arg10[%get3A_701, %get3A_702] : memref<1024x1024xf32, #tpu.memory_space<vmem>>, vector<512x64xf32>
    %get3A_704 = arith.constant 512 : index
    %get3A_705 = arith.constant 192 : index
    %get3A_706 = vector.load %arg11[%get3A_704, %get3A_705] : memref<1024x1024xf32, #tpu.memory_space<vmem>>, vector<512x64xf32>
    %dot_general3A_707 = arith.constant dense<0.000000e+00> : vector<512x512xf32>
    %dot_general3A_708 = tpu.matmul %get3A_700, %get3A_703, %dot_general3A_707 {dimension_numbers = #tpu.dot_dimension_numbers<[1], [1], [0], [0], [0, 0, 1, 0], [], []>, transpose_lhs_hint = false} : vector<512x64xf32>, vector<512x64xf32>, vector<512x512xf32> -> vector<512x512xf32>
    %mul3A_709 = arith.constant 1.250000e-01 : f32
    %mul3A_710 = vector.broadcast %mul3A_709 : f32 to vector<512x512xf32>
    %mul3A_711 = arith.mulf %dot_general3A_708, %mul3A_710 : vector<512x512xf32>
    %jit3A_712 = arith.constant -1.000000e+09 : f32
    %broadcast_in_dim3A_713 = vector.broadcast %jit3A_712 : f32 to vector<512x512xf32>
    %select_n3A_714 = arith.select %le3A, %mul3A_711, %broadcast_in_dim3A_713 : vector<512x512xi1>, vector<512x512xf32>
    %reduce_max3A_715 = arith.constant dense<0xFF800000> : vector<512xf32>
    %reduce_max3A_716 = vector.multi_reduction <maximumf>, %select_n3A_714, %reduce_max3A_715 [1] : vector<512x512xf32> to vector<512xf32>
    %broadcast_in_dim3A_717 = vector.shape_cast %reduce_max3A_716 : vector<512xf32> to vector<512x1xf32>
    %sub3A_718 = vector.broadcast %broadcast_in_dim3A_717 : vector<512x1xf32> to vector<512x512xf32>
    %sub3A_719 = arith.subf %select_n3A_714, %sub3A_718 : vector<512x512xf32>
    %exp3A_720 = math.exp %sub3A_719 : vector<512x512xf32>
    %reduce_sum3A_721 = arith.constant dense<0.000000e+00> : vector<512xf32>
    %reduce_sum3A_722 = vector.multi_reduction <add>, %exp3A_720, %reduce_sum3A_721 [1] : vector<512x512xf32> to vector<512xf32>
    %broadcast_in_dim3A_723 = vector.shape_cast %reduce_sum3A_722 : vector<512xf32> to vector<512x1xf32>
    %div3A_724 = vector.broadcast %broadcast_in_dim3A_723 : vector<512x1xf32> to vector<512x512xf32>
    %div3A_725 = arith.divf %exp3A_720, %div3A_724 : vector<512x512xf32>
    %dot_general3A_726 = arith.constant dense<0.000000e+00> : vector<512x64xf32>
    %dot_general3A_727 = tpu.matmul %div3A_725, %get3A_706, %dot_general3A_726 {dimension_numbers = #tpu.dot_dimension_numbers<[1], [0], [0], [1], [0, 0, 1, 1], [], []>, transpose_lhs_hint = false} : vector<512x512xf32>, vector<512x64xf32>, vector<512x64xf32> -> vector<512x64xf32>
    %swap3A_728 = arith.constant 512 : index
    %swap3A_729 = arith.constant 192 : index
    %swap3A_730 = vector.load %arg12[%swap3A_728, %swap3A_729] : memref<1024x1024xf32, #tpu.memory_space<vmem>>, vector<512x64xf32>
    tpu.vector_store %arg12[%swap3A_728, %swap3A_729], %dot_general3A_727 {strides = array<i32>} : memref<1024x1024xf32, #tpu.memory_space<vmem>>, vector<512x64xf32>,
    %get3A_731 = arith.constant 512 : index
    %get3A_732 = arith.constant 256 : index
    %get3A_733 = vector.load %arg9[%get3A_731, %get3A_732] : memref<1024x1024xf32, #tpu.memory_space<vmem>>, vector<512x64xf32>
    %get3A_734 = arith.constant 512 : index
    %get3A_735 = arith.constant 256 : index
    %get3A_736 = vector.load %arg10[%get3A_734, %get3A_735] : memref<1024x1024xf32, #tpu.memory_space<vmem>>, vector<512x64xf32>
    %get3A_737 = arith.constant 512 : index
    %get3A_738 = arith.constant 256 : index
    %get3A_739 = vector.load %arg11[%get3A_737, %get3A_738] : memref<1024x1024xf32, #tpu.memory_space<vmem>>, vector<512x64xf32>
    %dot_general3A_740 = arith.constant dense<0.000000e+00> : vector<512x512xf32>
    %dot_general3A_741 = tpu.matmul %get3A_733, %get3A_736, %dot_general3A_740 {dimension_numbers = #tpu.dot_dimension_numbers<[1], [1], [0], [0], [0, 0, 1, 0], [], []>, transpose_lhs_hint = false} : vector<512x64xf32>, vector<512x64xf32>, vector<512x512xf32> -> vector<512x512xf32>
    %mul3A_742 = arith.constant 1.250000e-01 : f32
    %mul3A_743 = vector.broadcast %mul3A_742 : f32 to vector<512x512xf32>
    %mul3A_744 = arith.mulf %dot_general3A_741, %mul3A_743 : vector<512x512xf32>
    %jit3A_745 = arith.constant -1.000000e+09 : f32
    %broadcast_in_dim3A_746 = vector.broadcast %jit3A_745 : f32 to vector<512x512xf32>
    %select_n3A_747 = arith.select %le3A, %mul3A_744, %broadcast_in_dim3A_746 : vector<512x512xi1>, vector<512x512xf32>
    %reduce_max3A_748 = arith.constant dense<0xFF800000> : vector<512xf32>
    %reduce_max3A_749 = vector.multi_reduction <maximumf>, %select_n3A_747, %reduce_max3A_748 [1] : vector<512x512xf32> to vector<512xf32>
    %broadcast_in_dim3A_750 = vector.shape_cast %reduce_max3A_749 : vector<512xf32> to vector<512x1xf32>
    %sub3A_751 = vector.broadcast %broadcast_in_dim3A_750 : vector<512x1xf32> to vector<512x512xf32>
    %sub3A_752 = arith.subf %select_n3A_747, %sub3A_751 : vector<512x512xf32>
    %exp3A_753 = math.exp %sub3A_752 : vector<512x512xf32>
    %reduce_sum3A_754 = arith.constant dense<0.000000e+00> : vector<512xf32>
    %reduce_sum3A_755 = vector.multi_reduction <add>, %exp3A_753, %reduce_sum3A_754 [1] : vector<512x512xf32> to vector<512xf32>
    %broadcast_in_dim3A_756 = vector.shape_cast %reduce_sum3A_755 : vector<512xf32> to vector<512x1xf32>
    %div3A_757 = vector.broadcast %broadcast_in_dim3A_756 : vector<512x1xf32> to vector<512x512xf32>
    %div3A_758 = arith.divf %exp3A_753, %div3A_757 : vector<512x512xf32>
    %dot_general3A_759 = arith.constant dense<0.000000e+00> : vector<512x64xf32>
    %dot_general3A_760 = tpu.matmul %div3A_758, %get3A_739, %dot_general3A_759 {dimension_numbers = #tpu.dot_dimension_numbers<[1], [0], [0], [1], [0, 0, 1, 1], [], []>, transpose_lhs_hint = false} : vector<512x512xf32>, vector<512x64xf32>, vector<512x64xf32> -> vector<512x64xf32>
    %swap3A_761 = arith.constant 512 : index
    %swap3A_762 = arith.constant 256 : index
    %swap3A_763 = vector.load %arg12[%swap3A_761, %swap3A_762] : memref<1024x1024xf32, #tpu.memory_space<vmem>>, vector<512x64xf32>
    tpu.vector_store %arg12[%swap3A_761, %swap3A_762], %dot_general3A_760 {strides = array<i32>} : memref<1024x1024xf32, #tpu.memory_space<vmem>>, vector<512x64xf32>,
    %get3A_764 = arith.constant 512 : index
    %get3A_765 = arith.constant 320 : index
    %get3A_766 = vector.load %arg9[%get3A_764, %get3A_765] : memref<1024x1024xf32, #tpu.memory_space<vmem>>, vector<512x64xf32>
    %get3A_767 = arith.constant 512 : index
    %get3A_768 = arith.constant 320 : index
    %get3A_769 = vector.load %arg10[%get3A_767, %get3A_768] : memref<1024x1024xf32, #tpu.memory_space<vmem>>, vector<512x64xf32>
    %get3A_770 = arith.constant 512 : index
    %get3A_771 = arith.constant 320 : index
    %get3A_772 = vector.load %arg11[%get3A_770, %get3A_771] : memref<1024x1024xf32, #tpu.memory_space<vmem>>, vector<512x64xf32>
    %dot_general3A_773 = arith.constant dense<0.000000e+00> : vector<512x512xf32>
    %dot_general3A_774 = tpu.matmul %get3A_766, %get3A_769, %dot_general3A_773 {dimension_numbers = #tpu.dot_dimension_numbers<[1], [1], [0], [0], [0, 0, 1, 0], [], []>, transpose_lhs_hint = false} : vector<512x64xf32>, vector<512x64xf32>, vector<512x512xf32> -> vector<512x512xf32>
    %mul3A_775 = arith.constant 1.250000e-01 : f32
    %mul3A_776 = vector.broadcast %mul3A_775 : f32 to vector<512x512xf32>
    %mul3A_777 = arith.mulf %dot_general3A_774, %mul3A_776 : vector<512x512xf32>
    %jit3A_778 = arith.constant -1.000000e+09 : f32
    %broadcast_in_dim3A_779 = vector.broadcast %jit3A_778 : f32 to vector<512x512xf32>
    %select_n3A_780 = arith.select %le3A, %mul3A_777, %broadcast_in_dim3A_779 : vector<512x512xi1>, vector<512x512xf32>
    %reduce_max3A_781 = arith.constant dense<0xFF800000> : vector<512xf32>
    %reduce_max3A_782 = vector.multi_reduction <maximumf>, %select_n3A_780, %reduce_max3A_781 [1] : vector<512x512xf32> to vector<512xf32>
    %broadcast_in_dim3A_783 = vector.shape_cast %reduce_max3A_782 : vector<512xf32> to vector<512x1xf32>
    %sub3A_784 = vector.broadcast %broadcast_in_dim3A_783 : vector<512x1xf32> to vector<512x512xf32>
    %sub3A_785 = arith.subf %select_n3A_780, %sub3A_784 : vector<512x512xf32>
    %exp3A_786 = math.exp %sub3A_785 : vector<512x512xf32>
    %reduce_sum3A_787 = arith.constant dense<0.000000e+00> : vector<512xf32>
    %reduce_sum3A_788 = vector.multi_reduction <add>, %exp3A_786, %reduce_sum3A_787 [1] : vector<512x512xf32> to vector<512xf32>
    %broadcast_in_dim3A_789 = vector.shape_cast %reduce_sum3A_788 : vector<512xf32> to vector<512x1xf32>
    %div3A_790 = vector.broadcast %broadcast_in_dim3A_789 : vector<512x1xf32> to vector<512x512xf32>
    %div3A_791 = arith.divf %exp3A_786, %div3A_790 : vector<512x512xf32>
    %dot_general3A_792 = arith.constant dense<0.000000e+00> : vector<512x64xf32>
    %dot_general3A_793 = tpu.matmul %div3A_791, %get3A_772, %dot_general3A_792 {dimension_numbers = #tpu.dot_dimension_numbers<[1], [0], [0], [1], [0, 0, 1, 1], [], []>, transpose_lhs_hint = false} : vector<512x512xf32>, vector<512x64xf32>, vector<512x64xf32> -> vector<512x64xf32>
    %swap3A_794 = arith.constant 512 : index
    %swap3A_795 = arith.constant 320 : index
    %swap3A_796 = vector.load %arg12[%swap3A_794, %swap3A_795] : memref<1024x1024xf32, #tpu.memory_space<vmem>>, vector<512x64xf32>
    tpu.vector_store %arg12[%swap3A_794, %swap3A_795], %dot_general3A_793 {strides = array<i32>} : memref<1024x1024xf32, #tpu.memory_space<vmem>>, vector<512x64xf32>,
    %get3A_797 = arith.constant 512 : index
    %get3A_798 = arith.constant 384 : index
    %get3A_799 = vector.load %arg9[%get3A_797, %get3A_798] : memref<1024x1024xf32, #tpu.memory_space<vmem>>, vector<512x64xf32>
    %get3A_800 = arith.constant 512 : index
    %get3A_801 = arith.constant 384 : index
    %get3A_802 = vector.load %arg10[%get3A_800, %get3A_801] : memref<1024x1024xf32, #tpu.memory_space<vmem>>, vector<512x64xf32>
    %get3A_803 = arith.constant 512 : index
    %get3A_804 = arith.constant 384 : index
    %get3A_805 = vector.load %arg11[%get3A_803, %get3A_804] : memref<1024x1024xf32, #tpu.memory_space<vmem>>, vector<512x64xf32>
    %dot_general3A_806 = arith.constant dense<0.000000e+00> : vector<512x512xf32>
    %dot_general3A_807 = tpu.matmul %get3A_799, %get3A_802, %dot_general3A_806 {dimension_numbers = #tpu.dot_dimension_numbers<[1], [1], [0], [0], [0, 0, 1, 0], [], []>, transpose_lhs_hint = false} : vector<512x64xf32>, vector<512x64xf32>, vector<512x512xf32> -> vector<512x512xf32>
    %mul3A_808 = arith.constant 1.250000e-01 : f32
    %mul3A_809 = vector.broadcast %mul3A_808 : f32 to vector<512x512xf32>
    %mul3A_810 = arith.mulf %dot_general3A_807, %mul3A_809 : vector<512x512xf32>
    %jit3A_811 = arith.constant -1.000000e+09 : f32
    %broadcast_in_dim3A_812 = vector.broadcast %jit3A_811 : f32 to vector<512x512xf32>
    %select_n3A_813 = arith.select %le3A, %mul3A_810, %broadcast_in_dim3A_812 : vector<512x512xi1>, vector<512x512xf32>
    %reduce_max3A_814 = arith.constant dense<0xFF800000> : vector<512xf32>
    %reduce_max3A_815 = vector.multi_reduction <maximumf>, %select_n3A_813, %reduce_max3A_814 [1] : vector<512x512xf32> to vector<512xf32>
    %broadcast_in_dim3A_816 = vector.shape_cast %reduce_max3A_815 : vector<512xf32> to vector<512x1xf32>
    %sub3A_817 = vector.broadcast %broadcast_in_dim3A_816 : vector<512x1xf32> to vector<512x512xf32>
    %sub3A_818 = arith.subf %select_n3A_813, %sub3A_817 : vector<512x512xf32>
    %exp3A_819 = math.exp %sub3A_818 : vector<512x512xf32>
    %reduce_sum3A_820 = arith.constant dense<0.000000e+00> : vector<512xf32>
    %reduce_sum3A_821 = vector.multi_reduction <add>, %exp3A_819, %reduce_sum3A_820 [1] : vector<512x512xf32> to vector<512xf32>
    %broadcast_in_dim3A_822 = vector.shape_cast %reduce_sum3A_821 : vector<512xf32> to vector<512x1xf32>
    %div3A_823 = vector.broadcast %broadcast_in_dim3A_822 : vector<512x1xf32> to vector<512x512xf32>
    %div3A_824 = arith.divf %exp3A_819, %div3A_823 : vector<512x512xf32>
    %dot_general3A_825 = arith.constant dense<0.000000e+00> : vector<512x64xf32>
    %dot_general3A_826 = tpu.matmul %div3A_824, %get3A_805, %dot_general3A_825 {dimension_numbers = #tpu.dot_dimension_numbers<[1], [0], [0], [1], [0, 0, 1, 1], [], []>, transpose_lhs_hint = false} : vector<512x512xf32>, vector<512x64xf32>, vector<512x64xf32> -> vector<512x64xf32>
    %swap3A_827 = arith.constant 512 : index
    %swap3A_828 = arith.constant 384 : index
    %swap3A_829 = vector.load %arg12[%swap3A_827, %swap3A_828] : memref<1024x1024xf32, #tpu.memory_space<vmem>>, vector<512x64xf32>
    tpu.vector_store %arg12[%swap3A_827, %swap3A_828], %dot_general3A_826 {strides = array<i32>} : memref<1024x1024xf32, #tpu.memory_space<vmem>>, vector<512x64xf32>,
    %get3A_830 = arith.constant 512 : index
    %get3A_831 = arith.constant 448 : index
    %get3A_832 = vector.load %arg9[%get3A_830, %get3A_831] : memref<1024x1024xf32, #tpu.memory_space<vmem>>, vector<512x64xf32>
    %get3A_833 = arith.constant 512 : index
    %get3A_834 = arith.constant 448 : index
    %get3A_835 = vector.load %arg10[%get3A_833, %get3A_834] : memref<1024x1024xf32, #tpu.memory_space<vmem>>, vector<512x64xf32>
    %get3A_836 = arith.constant 512 : index
    %get3A_837 = arith.constant 448 : index
    %get3A_838 = vector.load %arg11[%get3A_836, %get3A_837] : memref<1024x1024xf32, #tpu.memory_space<vmem>>, vector<512x64xf32>
    %dot_general3A_839 = arith.constant dense<0.000000e+00> : vector<512x512xf32>
    %dot_general3A_840 = tpu.matmul %get3A_832, %get3A_835, %dot_general3A_839 {dimension_numbers = #tpu.dot_dimension_numbers<[1], [1], [0], [0], [0, 0, 1, 0], [], []>, transpose_lhs_hint = false} : vector<512x64xf32>, vector<512x64xf32>, vector<512x512xf32> -> vector<512x512xf32>
    %mul3A_841 = arith.constant 1.250000e-01 : f32
    %mul3A_842 = vector.broadcast %mul3A_841 : f32 to vector<512x512xf32>
    %mul3A_843 = arith.mulf %dot_general3A_840, %mul3A_842 : vector<512x512xf32>
    %jit3A_844 = arith.constant -1.000000e+09 : f32
    %broadcast_in_dim3A_845 = vector.broadcast %jit3A_844 : f32 to vector<512x512xf32>
    %select_n3A_846 = arith.select %le3A, %mul3A_843, %broadcast_in_dim3A_845 : vector<512x512xi1>, vector<512x512xf32>
    %reduce_max3A_847 = arith.constant dense<0xFF800000> : vector<512xf32>
    %reduce_max3A_848 = vector.multi_reduction <maximumf>, %select_n3A_846, %reduce_max3A_847 [1] : vector<512x512xf32> to vector<512xf32>
    %broadcast_in_dim3A_849 = vector.shape_cast %reduce_max3A_848 : vector<512xf32> to vector<512x1xf32>
    %sub3A_850 = vector.broadcast %broadcast_in_dim3A_849 : vector<512x1xf32> to vector<512x512xf32>
    %sub3A_851 = arith.subf %select_n3A_846, %sub3A_850 : vector<512x512xf32>
    %exp3A_852 = math.exp %sub3A_851 : vector<512x512xf32>
    %reduce_sum3A_853 = arith.constant dense<0.000000e+00> : vector<512xf32>
    %reduce_sum3A_854 = vector.multi_reduction <add>, %exp3A_852, %reduce_sum3A_853 [1] : vector<512x512xf32> to vector<512xf32>
    %broadcast_in_dim3A_855 = vector.shape_cast %reduce_sum3A_854 : vector<512xf32> to vector<512x1xf32>
    %div3A_856 = vector.broadcast %broadcast_in_dim3A_855 : vector<512x1xf32> to vector<512x512xf32>
    %div3A_857 = arith.divf %exp3A_852, %div3A_856 : vector<512x512xf32>
    %dot_general3A_858 = arith.constant dense<0.000000e+00> : vector<512x64xf32>
    %dot_general3A_859 = tpu.matmul %div3A_857, %get3A_838, %dot_general3A_858 {dimension_numbers = #tpu.dot_dimension_numbers<[1], [0], [0], [1], [0, 0, 1, 1], [], []>, transpose_lhs_hint = false} : vector<512x512xf32>, vector<512x64xf32>, vector<512x64xf32> -> vector<512x64xf32>
    %swap3A_860 = arith.constant 512 : index
    %swap3A_861 = arith.constant 448 : index
    %swap3A_862 = vector.load %arg12[%swap3A_860, %swap3A_861] : memref<1024x1024xf32, #tpu.memory_space<vmem>>, vector<512x64xf32>
    tpu.vector_store %arg12[%swap3A_860, %swap3A_861], %dot_general3A_859 {strides = array<i32>} : memref<1024x1024xf32, #tpu.memory_space<vmem>>, vector<512x64xf32>,
    %get3A_863 = arith.constant 512 : index
    %get3A_864 = arith.constant 512 : index
    %get3A_865 = vector.load %arg9[%get3A_863, %get3A_864] : memref<1024x1024xf32, #tpu.memory_space<vmem>>, vector<512x64xf32>
    %get3A_866 = arith.constant 512 : index
    %get3A_867 = arith.constant 512 : index
    %get3A_868 = vector.load %arg10[%get3A_866, %get3A_867] : memref<1024x1024xf32, #tpu.memory_space<vmem>>, vector<512x64xf32>
    %get3A_869 = arith.constant 512 : index
    %get3A_870 = arith.constant 512 : index
    %get3A_871 = vector.load %arg11[%get3A_869, %get3A_870] : memref<1024x1024xf32, #tpu.memory_space<vmem>>, vector<512x64xf32>
    %dot_general3A_872 = arith.constant dense<0.000000e+00> : vector<512x512xf32>
    %dot_general3A_873 = tpu.matmul %get3A_865, %get3A_868, %dot_general3A_872 {dimension_numbers = #tpu.dot_dimension_numbers<[1], [1], [0], [0], [0, 0, 1, 0], [], []>, transpose_lhs_hint = false} : vector<512x64xf32>, vector<512x64xf32>, vector<512x512xf32> -> vector<512x512xf32>
    %mul3A_874 = arith.constant 1.250000e-01 : f32
    %mul3A_875 = vector.broadcast %mul3A_874 : f32 to vector<512x512xf32>
    %mul3A_876 = arith.mulf %dot_general3A_873, %mul3A_875 : vector<512x512xf32>
    %jit3A_877 = arith.constant -1.000000e+09 : f32
    %broadcast_in_dim3A_878 = vector.broadcast %jit3A_877 : f32 to vector<512x512xf32>
    %select_n3A_879 = arith.select %le3A, %mul3A_876, %broadcast_in_dim3A_878 : vector<512x512xi1>, vector<512x512xf32>
    %reduce_max3A_880 = arith.constant dense<0xFF800000> : vector<512xf32>
    %reduce_max3A_881 = vector.multi_reduction <maximumf>, %select_n3A_879, %reduce_max3A_880 [1] : vector<512x512xf32> to vector<512xf32>
    %broadcast_in_dim3A_882 = vector.shape_cast %reduce_max3A_881 : vector<512xf32> to vector<512x1xf32>
    %sub3A_883 = vector.broadcast %broadcast_in_dim3A_882 : vector<512x1xf32> to vector<512x512xf32>
    %sub3A_884 = arith.subf %select_n3A_879, %sub3A_883 : vector<512x512xf32>
    %exp3A_885 = math.exp %sub3A_884 : vector<512x512xf32>
    %reduce_sum3A_886 = arith.constant dense<0.000000e+00> : vector<512xf32>
    %reduce_sum3A_887 = vector.multi_reduction <add>, %exp3A_885, %reduce_sum3A_886 [1] : vector<512x512xf32> to vector<512xf32>
    %broadcast_in_dim3A_888 = vector.shape_cast %reduce_sum3A_887 : vector<512xf32> to vector<512x1xf32>
    %div3A_889 = vector.broadcast %broadcast_in_dim3A_888 : vector<512x1xf32> to vector<512x512xf32>
    %div3A_890 = arith.divf %exp3A_885, %div3A_889 : vector<512x512xf32>
    %dot_general3A_891 = arith.constant dense<0.000000e+00> : vector<512x64xf32>
    %dot_general3A_892 = tpu.matmul %div3A_890, %get3A_871, %dot_general3A_891 {dimension_numbers = #tpu.dot_dimension_numbers<[1], [0], [0], [1], [0, 0, 1, 1], [], []>, transpose_lhs_hint = false} : vector<512x512xf32>, vector<512x64xf32>, vector<512x64xf32> -> vector<512x64xf32>
    %swap3A_893 = arith.constant 512 : index
    %swap3A_894 = arith.constant 512 : index
    %swap3A_895 = vector.load %arg12[%swap3A_893, %swap3A_894] : memref<1024x1024xf32, #tpu.memory_space<vmem>>, vector<512x64xf32>
    tpu.vector_store %arg12[%swap3A_893, %swap3A_894], %dot_general3A_892 {strides = array<i32>} : memref<1024x1024xf32, #tpu.memory_space<vmem>>, vector<512x64xf32>,
    %get3A_896 = arith.constant 512 : index
    %get3A_897 = arith.constant 576 : index
    %get3A_898 = vector.load %arg9[%get3A_896, %get3A_897] : memref<1024x1024xf32, #tpu.memory_space<vmem>>, vector<512x64xf32>
    %get3A_899 = arith.constant 512 : index
    %get3A_900 = arith.constant 576 : index
    %get3A_901 = vector.load %arg10[%get3A_899, %get3A_900] : memref<1024x1024xf32, #tpu.memory_space<vmem>>, vector<512x64xf32>
    %get3A_902 = arith.constant 512 : index
    %get3A_903 = arith.constant 576 : index
    %get3A_904 = vector.load %arg11[%get3A_902, %get3A_903] : memref<1024x1024xf32, #tpu.memory_space<vmem>>, vector<512x64xf32>
    %dot_general3A_905 = arith.constant dense<0.000000e+00> : vector<512x512xf32>
    %dot_general3A_906 = tpu.matmul %get3A_898, %get3A_901, %dot_general3A_905 {dimension_numbers = #tpu.dot_dimension_numbers<[1], [1], [0], [0], [0, 0, 1, 0], [], []>, transpose_lhs_hint = false} : vector<512x64xf32>, vector<512x64xf32>, vector<512x512xf32> -> vector<512x512xf32>
    %mul3A_907 = arith.constant 1.250000e-01 : f32
    %mul3A_908 = vector.broadcast %mul3A_907 : f32 to vector<512x512xf32>
    %mul3A_909 = arith.mulf %dot_general3A_906, %mul3A_908 : vector<512x512xf32>
    %jit3A_910 = arith.constant -1.000000e+09 : f32
    %broadcast_in_dim3A_911 = vector.broadcast %jit3A_910 : f32 to vector<512x512xf32>
    %select_n3A_912 = arith.select %le3A, %mul3A_909, %broadcast_in_dim3A_911 : vector<512x512xi1>, vector<512x512xf32>
    %reduce_max3A_913 = arith.constant dense<0xFF800000> : vector<512xf32>
    %reduce_max3A_914 = vector.multi_reduction <maximumf>, %select_n3A_912, %reduce_max3A_913 [1] : vector<512x512xf32> to vector<512xf32>
    %broadcast_in_dim3A_915 = vector.shape_cast %reduce_max3A_914 : vector<512xf32> to vector<512x1xf32>
    %sub3A_916 = vector.broadcast %broadcast_in_dim3A_915 : vector<512x1xf32> to vector<512x512xf32>
    %sub3A_917 = arith.subf %select_n3A_912, %sub3A_916 : vector<512x512xf32>
    %exp3A_918 = math.exp %sub3A_917 : vector<512x512xf32>
    %reduce_sum3A_919 = arith.constant dense<0.000000e+00> : vector<512xf32>
    %reduce_sum3A_920 = vector.multi_reduction <add>, %exp3A_918, %reduce_sum3A_919 [1] : vector<512x512xf32> to vector<512xf32>
    %broadcast_in_dim3A_921 = vector.shape_cast %reduce_sum3A_920 : vector<512xf32> to vector<512x1xf32>
    %div3A_922 = vector.broadcast %broadcast_in_dim3A_921 : vector<512x1xf32> to vector<512x512xf32>
    %div3A_923 = arith.divf %exp3A_918, %div3A_922 : vector<512x512xf32>
    %dot_general3A_924 = arith.constant dense<0.000000e+00> : vector<512x64xf32>
    %dot_general3A_925 = tpu.matmul %div3A_923, %get3A_904, %dot_general3A_924 {dimension_numbers = #tpu.dot_dimension_numbers<[1], [0], [0], [1], [0, 0, 1, 1], [], []>, transpose_lhs_hint = false} : vector<512x512xf32>, vector<512x64xf32>, vector<512x64xf32> -> vector<512x64xf32>
    %swap3A_926 = arith.constant 512 : index
    %swap3A_927 = arith.constant 576 : index
    %swap3A_928 = vector.load %arg12[%swap3A_926, %swap3A_927] : memref<1024x1024xf32, #tpu.memory_space<vmem>>, vector<512x64xf32>
    tpu.vector_store %arg12[%swap3A_926, %swap3A_927], %dot_general3A_925 {strides = array<i32>} : memref<1024x1024xf32, #tpu.memory_space<vmem>>, vector<512x64xf32>,
    %get3A_929 = arith.constant 512 : index
    %get3A_930 = arith.constant 640 : index
    %get3A_931 = vector.load %arg9[%get3A_929, %get3A_930] : memref<1024x1024xf32, #tpu.memory_space<vmem>>, vector<512x64xf32>
    %get3A_932 = arith.constant 512 : index
    %get3A_933 = arith.constant 640 : index
    %get3A_934 = vector.load %arg10[%get3A_932, %get3A_933] : memref<1024x1024xf32, #tpu.memory_space<vmem>>, vector<512x64xf32>
    %get3A_935 = arith.constant 512 : index
    %get3A_936 = arith.constant 640 : index
    %get3A_937 = vector.load %arg11[%get3A_935, %get3A_936] : memref<1024x1024xf32, #tpu.memory_space<vmem>>, vector<512x64xf32>
    %dot_general3A_938 = arith.constant dense<0.000000e+00> : vector<512x512xf32>
    %dot_general3A_939 = tpu.matmul %get3A_931, %get3A_934, %dot_general3A_938 {dimension_numbers = #tpu.dot_dimension_numbers<[1], [1], [0], [0], [0, 0, 1, 0], [], []>, transpose_lhs_hint = false} : vector<512x64xf32>, vector<512x64xf32>, vector<512x512xf32> -> vector<512x512xf32>
    %mul3A_940 = arith.constant 1.250000e-01 : f32
    %mul3A_941 = vector.broadcast %mul3A_940 : f32 to vector<512x512xf32>
    %mul3A_942 = arith.mulf %dot_general3A_939, %mul3A_941 : vector<512x512xf32>
    %jit3A_943 = arith.constant -1.000000e+09 : f32
    %broadcast_in_dim3A_944 = vector.broadcast %jit3A_943 : f32 to vector<512x512xf32>
    %select_n3A_945 = arith.select %le3A, %mul3A_942, %broadcast_in_dim3A_944 : vector<512x512xi1>, vector<512x512xf32>
    %reduce_max3A_946 = arith.constant dense<0xFF800000> : vector<512xf32>
    %reduce_max3A_947 = vector.multi_reduction <maximumf>, %select_n3A_945, %reduce_max3A_946 [1] : vector<512x512xf32> to vector<512xf32>
    %broadcast_in_dim3A_948 = vector.shape_cast %reduce_max3A_947 : vector<512xf32> to vector<512x1xf32>
    %sub3A_949 = vector.broadcast %broadcast_in_dim3A_948 : vector<512x1xf32> to vector<512x512xf32>
    %sub3A_950 = arith.subf %select_n3A_945, %sub3A_949 : vector<512x512xf32>
    %exp3A_951 = math.exp %sub3A_950 : vector<512x512xf32>
    %reduce_sum3A_952 = arith.constant dense<0.000000e+00> : vector<512xf32>
    %reduce_sum3A_953 = vector.multi_reduction <add>, %exp3A_951, %reduce_sum3A_952 [1] : vector<512x512xf32> to vector<512xf32>
    %broadcast_in_dim3A_954 = vector.shape_cast %reduce_sum3A_953 : vector<512xf32> to vector<512x1xf32>
    %div3A_955 = vector.broadcast %broadcast_in_dim3A_954 : vector<512x1xf32> to vector<512x512xf32>
    %div3A_956 = arith.divf %exp3A_951, %div3A_955 : vector<512x512xf32>
    %dot_general3A_957 = arith.constant dense<0.000000e+00> : vector<512x64xf32>
    %dot_general3A_958 = tpu.matmul %div3A_956, %get3A_937, %dot_general3A_957 {dimension_numbers = #tpu.dot_dimension_numbers<[1], [0], [0], [1], [0, 0, 1, 1], [], []>, transpose_lhs_hint = false} : vector<512x512xf32>, vector<512x64xf32>, vector<512x64xf32> -> vector<512x64xf32>
    %swap3A_959 = arith.constant 512 : index
    %swap3A_960 = arith.constant 640 : index
    %swap3A_961 = vector.load %arg12[%swap3A_959, %swap3A_960] : memref<1024x1024xf32, #tpu.memory_space<vmem>>, vector<512x64xf32>
    tpu.vector_store %arg12[%swap3A_959, %swap3A_960], %dot_general3A_958 {strides = array<i32>} : memref<1024x1024xf32, #tpu.memory_space<vmem>>, vector<512x64xf32>,
    %get3A_962 = arith.constant 512 : index
    %get3A_963 = arith.constant 704 : index
    %get3A_964 = vector.load %arg9[%get3A_962, %get3A_963] : memref<1024x1024xf32, #tpu.memory_space<vmem>>, vector<512x64xf32>
    %get3A_965 = arith.constant 512 : index
    %get3A_966 = arith.constant 704 : index
    %get3A_967 = vector.load %arg10[%get3A_965, %get3A_966] : memref<1024x1024xf32, #tpu.memory_space<vmem>>, vector<512x64xf32>
    %get3A_968 = arith.constant 512 : index
    %get3A_969 = arith.constant 704 : index
    %get3A_970 = vector.load %arg11[%get3A_968, %get3A_969] : memref<1024x1024xf32, #tpu.memory_space<vmem>>, vector<512x64xf32>
    %dot_general3A_971 = arith.constant dense<0.000000e+00> : vector<512x512xf32>
    %dot_general3A_972 = tpu.matmul %get3A_964, %get3A_967, %dot_general3A_971 {dimension_numbers = #tpu.dot_dimension_numbers<[1], [1], [0], [0], [0, 0, 1, 0], [], []>, transpose_lhs_hint = false} : vector<512x64xf32>, vector<512x64xf32>, vector<512x512xf32> -> vector<512x512xf32>
    %mul3A_973 = arith.constant 1.250000e-01 : f32
    %mul3A_974 = vector.broadcast %mul3A_973 : f32 to vector<512x512xf32>
    %mul3A_975 = arith.mulf %dot_general3A_972, %mul3A_974 : vector<512x512xf32>
    %jit3A_976 = arith.constant -1.000000e+09 : f32
    %broadcast_in_dim3A_977 = vector.broadcast %jit3A_976 : f32 to vector<512x512xf32>
    %select_n3A_978 = arith.select %le3A, %mul3A_975, %broadcast_in_dim3A_977 : vector<512x512xi1>, vector<512x512xf32>
    %reduce_max3A_979 = arith.constant dense<0xFF800000> : vector<512xf32>
    %reduce_max3A_980 = vector.multi_reduction <maximumf>, %select_n3A_978, %reduce_max3A_979 [1] : vector<512x512xf32> to vector<512xf32>
    %broadcast_in_dim3A_981 = vector.shape_cast %reduce_max3A_980 : vector<512xf32> to vector<512x1xf32>
    %sub3A_982 = vector.broadcast %broadcast_in_dim3A_981 : vector<512x1xf32> to vector<512x512xf32>
    %sub3A_983 = arith.subf %select_n3A_978, %sub3A_982 : vector<512x512xf32>
    %exp3A_984 = math.exp %sub3A_983 : vector<512x512xf32>
    %reduce_sum3A_985 = arith.constant dense<0.000000e+00> : vector<512xf32>
    %reduce_sum3A_986 = vector.multi_reduction <add>, %exp3A_984, %reduce_sum3A_985 [1] : vector<512x512xf32> to vector<512xf32>
    %broadcast_in_dim3A_987 = vector.shape_cast %reduce_sum3A_986 : vector<512xf32> to vector<512x1xf32>
    %div3A_988 = vector.broadcast %broadcast_in_dim3A_987 : vector<512x1xf32> to vector<512x512xf32>
    %div3A_989 = arith.divf %exp3A_984, %div3A_988 : vector<512x512xf32>
    %dot_general3A_990 = arith.constant dense<0.000000e+00> : vector<512x64xf32>
    %dot_general3A_991 = tpu.matmul %div3A_989, %get3A_970, %dot_general3A_990 {dimension_numbers = #tpu.dot_dimension_numbers<[1], [0], [0], [1], [0, 0, 1, 1], [], []>, transpose_lhs_hint = false} : vector<512x512xf32>, vector<512x64xf32>, vector<512x64xf32> -> vector<512x64xf32>
    %swap3A_992 = arith.constant 512 : index
    %swap3A_993 = arith.constant 704 : index
    %swap3A_994 = vector.load %arg12[%swap3A_992, %swap3A_993] : memref<1024x1024xf32, #tpu.memory_space<vmem>>, vector<512x64xf32>
    tpu.vector_store %arg12[%swap3A_992, %swap3A_993], %dot_general3A_991 {strides = array<i32>} : memref<1024x1024xf32, #tpu.memory_space<vmem>>, vector<512x64xf32>,
    %get3A_995 = arith.constant 512 : index
    %get3A_996 = arith.constant 768 : index
    %get3A_997 = vector.load %arg9[%get3A_995, %get3A_996] : memref<1024x1024xf32, #tpu.memory_space<vmem>>, vector<512x64xf32>
    %get3A_998 = arith.constant 512 : index
    %get3A_999 = arith.constant 768 : index
    %get3A_1000 = vector.load %arg10[%get3A_998, %get3A_999] : memref<1024x1024xf32, #tpu.memory_space<vmem>>, vector<512x64xf32>
    %get3A_1001 = arith.constant 512 : index
    %get3A_1002 = arith.constant 768 : index
    %get3A_1003 = vector.load %arg11[%get3A_1001, %get3A_1002] : memref<1024x1024xf32, #tpu.memory_space<vmem>>, vector<512x64xf32>
    %dot_general3A_1004 = arith.constant dense<0.000000e+00> : vector<512x512xf32>
    %dot_general3A_1005 = tpu.matmul %get3A_997, %get3A_1000, %dot_general3A_1004 {dimension_numbers = #tpu.dot_dimension_numbers<[1], [1], [0], [0], [0, 0, 1, 0], [], []>, transpose_lhs_hint = false} : vector<512x64xf32>, vector<512x64xf32>, vector<512x512xf32> -> vector<512x512xf32>
    %mul3A_1006 = arith.constant 1.250000e-01 : f32
    %mul3A_1007 = vector.broadcast %mul3A_1006 : f32 to vector<512x512xf32>
    %mul3A_1008 = arith.mulf %dot_general3A_1005, %mul3A_1007 : vector<512x512xf32>
    %jit3A_1009 = arith.constant -1.000000e+09 : f32
    %broadcast_in_dim3A_1010 = vector.broadcast %jit3A_1009 : f32 to vector<512x512xf32>
    %select_n3A_1011 = arith.select %le3A, %mul3A_1008, %broadcast_in_dim3A_1010 : vector<512x512xi1>, vector<512x512xf32>
    %reduce_max3A_1012 = arith.constant dense<0xFF800000> : vector<512xf32>
    %reduce_max3A_1013 = vector.multi_reduction <maximumf>, %select_n3A_1011, %reduce_max3A_1012 [1] : vector<512x512xf32> to vector<512xf32>
    %broadcast_in_dim3A_1014 = vector.shape_cast %reduce_max3A_1013 : vector<512xf32> to vector<512x1xf32>
    %sub3A_1015 = vector.broadcast %broadcast_in_dim3A_1014 : vector<512x1xf32> to vector<512x512xf32>
    %sub3A_1016 = arith.subf %select_n3A_1011, %sub3A_1015 : vector<512x512xf32>
    %exp3A_1017 = math.exp %sub3A_1016 : vector<512x512xf32>
    %reduce_sum3A_1018 = arith.constant dense<0.000000e+00> : vector<512xf32>
    %reduce_sum3A_1019 = vector.multi_reduction <add>, %exp3A_1017, %reduce_sum3A_1018 [1] : vector<512x512xf32> to vector<512xf32>
    %broadcast_in_dim3A_1020 = vector.shape_cast %reduce_sum3A_1019 : vector<512xf32> to vector<512x1xf32>
    %div3A_1021 = vector.broadcast %broadcast_in_dim3A_1020 : vector<512x1xf32> to vector<512x512xf32>
    %div3A_1022 = arith.divf %exp3A_1017, %div3A_1021 : vector<512x512xf32>
    %dot_general3A_1023 = arith.constant dense<0.000000e+00> : vector<512x64xf32>
    %dot_general3A_1024 = tpu.matmul %div3A_1022, %get3A_1003, %dot_general3A_1023 {dimension_numbers = #tpu.dot_dimension_numbers<[1], [0], [0], [1], [0, 0, 1, 1], [], []>, transpose_lhs_hint = false} : vector<512x512xf32>, vector<512x64xf32>, vector<512x64xf32> -> vector<512x64xf32>
    %swap3A_1025 = arith.constant 512 : index
    %swap3A_1026 = arith.constant 768 : index
    %swap3A_1027 = vector.load %arg12[%swap3A_1025, %swap3A_1026] : memref<1024x1024xf32, #tpu.memory_space<vmem>>, vector<512x64xf32>
    tpu.vector_store %arg12[%swap3A_1025, %swap3A_1026], %dot_general3A_1024 {strides = array<i32>} : memref<1024x1024xf32, #tpu.memory_space<vmem>>, vector<512x64xf32>,
    %get3A_1028 = arith.constant 512 : index
    %get3A_1029 = arith.constant 832 : index
    %get3A_1030 = vector.load %arg9[%get3A_1028, %get3A_1029] : memref<1024x1024xf32, #tpu.memory_space<vmem>>, vector<512x64xf32>
    %get3A_1031 = arith.constant 512 : index
    %get3A_1032 = arith.constant 832 : index
    %get3A_1033 = vector.load %arg10[%get3A_1031, %get3A_1032] : memref<1024x1024xf32, #tpu.memory_space<vmem>>, vector<512x64xf32>
    %get3A_1034 = arith.constant 512 : index
    %get3A_1035 = arith.constant 832 : index
    %get3A_1036 = vector.load %arg11[%get3A_1034, %get3A_1035] : memref<1024x1024xf32, #tpu.memory_space<vmem>>, vector<512x64xf32>
    %dot_general3A_1037 = arith.constant dense<0.000000e+00> : vector<512x512xf32>
    %dot_general3A_1038 = tpu.matmul %get3A_1030, %get3A_1033, %dot_general3A_1037 {dimension_numbers = #tpu.dot_dimension_numbers<[1], [1], [0], [0], [0, 0, 1, 0], [], []>, transpose_lhs_hint = false} : vector<512x64xf32>, vector<512x64xf32>, vector<512x512xf32> -> vector<512x512xf32>
    %mul3A_1039 = arith.constant 1.250000e-01 : f32
    %mul3A_1040 = vector.broadcast %mul3A_1039 : f32 to vector<512x512xf32>
    %mul3A_1041 = arith.mulf %dot_general3A_1038, %mul3A_1040 : vector<512x512xf32>
    %jit3A_1042 = arith.constant -1.000000e+09 : f32
    %broadcast_in_dim3A_1043 = vector.broadcast %jit3A_1042 : f32 to vector<512x512xf32>
    %select_n3A_1044 = arith.select %le3A, %mul3A_1041, %broadcast_in_dim3A_1043 : vector<512x512xi1>, vector<512x512xf32>
    %reduce_max3A_1045 = arith.constant dense<0xFF800000> : vector<512xf32>
    %reduce_max3A_1046 = vector.multi_reduction <maximumf>, %select_n3A_1044, %reduce_max3A_1045 [1] : vector<512x512xf32> to vector<512xf32>
    %broadcast_in_dim3A_1047 = vector.shape_cast %reduce_max3A_1046 : vector<512xf32> to vector<512x1xf32>
    %sub3A_1048 = vector.broadcast %broadcast_in_dim3A_1047 : vector<512x1xf32> to vector<512x512xf32>
    %sub3A_1049 = arith.subf %select_n3A_1044, %sub3A_1048 : vector<512x512xf32>
    %exp3A_1050 = math.exp %sub3A_1049 : vector<512x512xf32>
    %reduce_sum3A_1051 = arith.constant dense<0.000000e+00> : vector<512xf32>
    %reduce_sum3A_1052 = vector.multi_reduction <add>, %exp3A_1050, %reduce_sum3A_1051 [1] : vector<512x512xf32> to vector<512xf32>
    %broadcast_in_dim3A_1053 = vector.shape_cast %reduce_sum3A_1052 : vector<512xf32> to vector<512x1xf32>
    %div3A_1054 = vector.broadcast %broadcast_in_dim3A_1053 : vector<512x1xf32> to vector<512x512xf32>
    %div3A_1055 = arith.divf %exp3A_1050, %div3A_1054 : vector<512x512xf32>
    %dot_general3A_1056 = arith.constant dense<0.000000e+00> : vector<512x64xf32>
    %dot_general3A_1057 = tpu.matmul %div3A_1055, %get3A_1036, %dot_general3A_1056 {dimension_numbers = #tpu.dot_dimension_numbers<[1], [0], [0], [1], [0, 0, 1, 1], [], []>, transpose_lhs_hint = false} : vector<512x512xf32>, vector<512x64xf32>, vector<512x64xf32> -> vector<512x64xf32>
    %swap3A_1058 = arith.constant 512 : index
    %swap3A_1059 = arith.constant 832 : index
    %swap3A_1060 = vector.load %arg12[%swap3A_1058, %swap3A_1059] : memref<1024x1024xf32, #tpu.memory_space<vmem>>, vector<512x64xf32>
    tpu.vector_store %arg12[%swap3A_1058, %swap3A_1059], %dot_general3A_1057 {strides = array<i32>} : memref<1024x1024xf32, #tpu.memory_space<vmem>>, vector<512x64xf32>,
    %get3A_1061 = arith.constant 512 : index
    %get3A_1062 = arith.constant 896 : index
    %get3A_1063 = vector.load %arg9[%get3A_1061, %get3A_1062] : memref<1024x1024xf32, #tpu.memory_space<vmem>>, vector<512x64xf32>
    %get3A_1064 = arith.constant 512 : index
    %get3A_1065 = arith.constant 896 : index
    %get3A_1066 = vector.load %arg10[%get3A_1064, %get3A_1065] : memref<1024x1024xf32, #tpu.memory_space<vmem>>, vector<512x64xf32>
    %get3A_1067 = arith.constant 512 : index
    %get3A_1068 = arith.constant 896 : index
    %get3A_1069 = vector.load %arg11[%get3A_1067, %get3A_1068] : memref<1024x1024xf32, #tpu.memory_space<vmem>>, vector<512x64xf32>
    %dot_general3A_1070 = arith.constant dense<0.000000e+00> : vector<512x512xf32>
    %dot_general3A_1071 = tpu.matmul %get3A_1063, %get3A_1066, %dot_general3A_1070 {dimension_numbers = #tpu.dot_dimension_numbers<[1], [1], [0], [0], [0, 0, 1, 0], [], []>, transpose_lhs_hint = false} : vector<512x64xf32>, vector<512x64xf32>, vector<512x512xf32> -> vector<512x512xf32>
    %mul3A_1072 = arith.constant 1.250000e-01 : f32
    %mul3A_1073 = vector.broadcast %mul3A_1072 : f32 to vector<512x512xf32>
    %mul3A_1074 = arith.mulf %dot_general3A_1071, %mul3A_1073 : vector<512x512xf32>
    %jit3A_1075 = arith.constant -1.000000e+09 : f32
    %broadcast_in_dim3A_1076 = vector.broadcast %jit3A_1075 : f32 to vector<512x512xf32>
    %select_n3A_1077 = arith.select %le3A, %mul3A_1074, %broadcast_in_dim3A_1076 : vector<512x512xi1>, vector<512x512xf32>
    %reduce_max3A_1078 = arith.constant dense<0xFF800000> : vector<512xf32>
    %reduce_max3A_1079 = vector.multi_reduction <maximumf>, %select_n3A_1077, %reduce_max3A_1078 [1] : vector<512x512xf32> to vector<512xf32>
    %broadcast_in_dim3A_1080 = vector.shape_cast %reduce_max3A_1079 : vector<512xf32> to vector<512x1xf32>
    %sub3A_1081 = vector.broadcast %broadcast_in_dim3A_1080 : vector<512x1xf32> to vector<512x512xf32>
    %sub3A_1082 = arith.subf %select_n3A_1077, %sub3A_1081 : vector<512x512xf32>
    %exp3A_1083 = math.exp %sub3A_1082 : vector<512x512xf32>
    %reduce_sum3A_1084 = arith.constant dense<0.000000e+00> : vector<512xf32>
    %reduce_sum3A_1085 = vector.multi_reduction <add>, %exp3A_1083, %reduce_sum3A_1084 [1] : vector<512x512xf32> to vector<512xf32>
    %broadcast_in_dim3A_1086 = vector.shape_cast %reduce_sum3A_1085 : vector<512xf32> to vector<512x1xf32>
    %div3A_1087 = vector.broadcast %broadcast_in_dim3A_1086 : vector<512x1xf32> to vector<512x512xf32>
    %div3A_1088 = arith.divf %exp3A_1083, %div3A_1087 : vector<512x512xf32>
    %dot_general3A_1089 = arith.constant dense<0.000000e+00> : vector<512x64xf32>
    %dot_general3A_1090 = tpu.matmul %div3A_1088, %get3A_1069, %dot_general3A_1089 {dimension_numbers = #tpu.dot_dimension_numbers<[1], [0], [0], [1], [0, 0, 1, 1], [], []>, transpose_lhs_hint = false} : vector<512x512xf32>, vector<512x64xf32>, vector<512x64xf32> -> vector<512x64xf32>
    %swap3A_1091 = arith.constant 512 : index
    %swap3A_1092 = arith.constant 896 : index
    %swap3A_1093 = vector.load %arg12[%swap3A_1091, %swap3A_1092] : memref<1024x1024xf32, #tpu.memory_space<vmem>>, vector<512x64xf32>
    tpu.vector_store %arg12[%swap3A_1091, %swap3A_1092], %dot_general3A_1090 {strides = array<i32>} : memref<1024x1024xf32, #tpu.memory_space<vmem>>, vector<512x64xf32>,
    %get3A_1094 = arith.constant 512 : index
    %get3A_1095 = arith.constant 960 : index
    %get3A_1096 = vector.load %arg9[%get3A_1094, %get3A_1095] : memref<1024x1024xf32, #tpu.memory_space<vmem>>, vector<512x64xf32>
    %get3A_1097 = arith.constant 512 : index
    %get3A_1098 = arith.constant 960 : index
    %get3A_1099 = vector.load %arg10[%get3A_1097, %get3A_1098] : memref<1024x1024xf32, #tpu.memory_space<vmem>>, vector<512x64xf32>
    %get3A_1100 = arith.constant 512 : index
    %get3A_1101 = arith.constant 960 : index
    %get3A_1102 = vector.load %arg11[%get3A_1100, %get3A_1101] : memref<1024x1024xf32, #tpu.memory_space<vmem>>, vector<512x64xf32>
    %dot_general3A_1103 = arith.constant dense<0.000000e+00> : vector<512x512xf32>
    %dot_general3A_1104 = tpu.matmul %get3A_1096, %get3A_1099, %dot_general3A_1103 {dimension_numbers = #tpu.dot_dimension_numbers<[1], [1], [0], [0], [0, 0, 1, 0], [], []>, transpose_lhs_hint = false} : vector<512x64xf32>, vector<512x64xf32>, vector<512x512xf32> -> vector<512x512xf32>
    %mul3A_1105 = arith.constant 1.250000e-01 : f32
    %mul3A_1106 = vector.broadcast %mul3A_1105 : f32 to vector<512x512xf32>
    %mul3A_1107 = arith.mulf %dot_general3A_1104, %mul3A_1106 : vector<512x512xf32>
    %jit3A_1108 = arith.constant -1.000000e+09 : f32
    %broadcast_in_dim3A_1109 = vector.broadcast %jit3A_1108 : f32 to vector<512x512xf32>
    %select_n3A_1110 = arith.select %le3A, %mul3A_1107, %broadcast_in_dim3A_1109 : vector<512x512xi1>, vector<512x512xf32>
    %reduce_max3A_1111 = arith.constant dense<0xFF800000> : vector<512xf32>
    %reduce_max3A_1112 = vector.multi_reduction <maximumf>, %select_n3A_1110, %reduce_max3A_1111 [1] : vector<512x512xf32> to vector<512xf32>
    %broadcast_in_dim3A_1113 = vector.shape_cast %reduce_max3A_1112 : vector<512xf32> to vector<512x1xf32>
    %sub3A_1114 = vector.broadcast %broadcast_in_dim3A_1113 : vector<512x1xf32> to vector<512x512xf32>
    %sub3A_1115 = arith.subf %select_n3A_1110, %sub3A_1114 : vector<512x512xf32>
    %exp3A_1116 = math.exp %sub3A_1115 : vector<512x512xf32>
    %reduce_sum3A_1117 = arith.constant dense<0.000000e+00> : vector<512xf32>
    %reduce_sum3A_1118 = vector.multi_reduction <add>, %exp3A_1116, %reduce_sum3A_1117 [1] : vector<512x512xf32> to vector<512xf32>
    %broadcast_in_dim3A_1119 = vector.shape_cast %reduce_sum3A_1118 : vector<512xf32> to vector<512x1xf32>
    %div3A_1120 = vector.broadcast %broadcast_in_dim3A_1119 : vector<512x1xf32> to vector<512x512xf32>
    %div3A_1121 = arith.divf %exp3A_1116, %div3A_1120 : vector<512x512xf32>
    %dot_general3A_1122 = arith.constant dense<0.000000e+00> : vector<512x64xf32>
    %dot_general3A_1123 = tpu.matmul %div3A_1121, %get3A_1102, %dot_general3A_1122 {dimension_numbers = #tpu.dot_dimension_numbers<[1], [0], [0], [1], [0, 0, 1, 1], [], []>, transpose_lhs_hint = false} : vector<512x512xf32>, vector<512x64xf32>, vector<512x64xf32> -> vector<512x64xf32>
    %swap3A_1124 = arith.constant 512 : index
    %swap3A_1125 = arith.constant 960 : index
    %swap3A_1126 = vector.load %arg12[%swap3A_1124, %swap3A_1125] : memref<1024x1024xf32, #tpu.memory_space<vmem>>, vector<512x64xf32>
    tpu.vector_store %arg12[%swap3A_1124, %swap3A_1125], %dot_general3A_1123 {strides = array<i32>} : memref<1024x1024xf32, #tpu.memory_space<vmem>>, vector<512x64xf32>,
    %get3A_1127 = arith.constant 0 : index
    %get3A_1128 = arith.constant 0 : index
    %get3A_1129 = vector.load %arg8[%get3A_1127, %get3A_1128] : memref<1024x1024xf32, #tpu.memory_space<vmem>>, vector<1024x1024xf32>
    %get3A_1130 = arith.constant 0 : index
    %get3A_1131 = arith.constant 0 : index
    %get3A_1132 = vector.load %arg12[%get3A_1130, %get3A_1131] : memref<1024x1024xf32, #tpu.memory_space<vmem>>, vector<1024x1024xf32>
    %get3A_1133 = arith.constant 0 : index
    %get3A_1134 = arith.constant 0 : index
    %get3A_1135 = arith.constant 0 : index
    %get3A_1136 = vector.load %arg7[%get3A_1133, %get3A_1134, %get3A_1135] : memref<1x1024x1024xf32, #tpu.memory_space<vmem>>, vector<1x1024x1024xf32>
    %get3A_1137 = vector.shape_cast %get3A_1136 : vector<1x1024x1024xf32> to vector<1024x1024xf32>
    %dot_general3A_1138 = arith.constant dense<0.000000e+00> : vector<1024x1024xf32>
    %dot_general3A_1139 = tpu.matmul %get3A_1132, %get3A_1137, %dot_general3A_1138 {dimension_numbers = #tpu.dot_dimension_numbers<[1], [0], [0], [1], [0, 0, 1, 1], [], []>, transpose_lhs_hint = false} : vector<1024x1024xf32>, vector<1024x1024xf32>, vector<1024x1024xf32> -> vector<1024x1024xf32>
    %add3A_1140 = arith.addf %get3A_1129, %dot_general3A_1139 : vector<1024x1024xf32>
    %swap3A_1141 = arith.constant 0 : index
    %swap3A_1142 = arith.constant 0 : index
    %swap3A_1143 = vector.load %arg8[%swap3A_1141, %swap3A_1142] : memref<1024x1024xf32, #tpu.memory_space<vmem>>, vector<1024x1024xf32>
    tpu.vector_store %arg8[%swap3A_1141, %swap3A_1142], %add3A_1140 {strides = array<i32>} : memref<1024x1024xf32, #tpu.memory_space<vmem>>, vector<1024x1024xf32>,
    return
  }
  func.func @transform_0(%arg0: i32) -> (i32, i32) {
    %c0_i32 = arith.constant 0 : i32
    %c0_i32_0 = arith.constant 0 : i32
    %c0_i32_1 = arith.constant 0 : i32
    return %c0_i32, %c0_i32_0 : i32, i32
  }
  func.func @transform_1(%arg0: i32) -> (i32, i32, i32) {
    %c3_i32 = arith.constant 3 : i32
    %c0_i32 = arith.constant 0 : i32
    %c0_i32_0 = arith.constant 0 : i32
    %c0_i32_1 = arith.constant 0 : i32
    return %c3_i32, %c0_i32, %c0_i32_0 : i32, i32, i32
  }
  func.func @transform_2(%arg0: i32) -> (i32, i32, i32) {
    %c3_i32 = arith.constant 3 : i32
    %c0_i32 = arith.constant 0 : i32
    %c0_i32_0 = arith.constant 0 : i32
    %c0_i32_1 = arith.constant 0 : i32
    return %c3_i32, %c0_i32, %c0_i32_0 : i32, i32, i32
  }
  func.func @transform_3(%arg0: i32) -> (i32, i32, i32) {
    %c3_i32 = arith.constant 3 : i32
    %c0_i32 = arith.constant 0 : i32
    %c0_i32_0 = arith.constant 0 : i32
    %c0_i32_1 = arith.constant 0 : i32
    return %c3_i32, %c0_i32, %c0_i32_0 : i32, i32, i32
  }
  func.func @transform_4(%arg0: i32) -> (i32, i32, i32) {
    %c3_i32 = arith.constant 3 : i32
    %c0_i32 = arith.constant 0 : i32
    %c0_i32_0 = arith.constant 0 : i32
    %c0_i32_1 = arith.constant 0 : i32
    return %c3_i32, %c0_i32, %c0_i32_0 : i32, i32, i32
  }
  func.func @transform_5(%arg0: i32) -> (i32, i32, i32) {
    %c3_i32 = arith.constant 3 : i32
    %c0_i32 = arith.constant 0 : i32
    %c0_i32_0 = arith.constant 0 : i32
    %c0_i32_1 = arith.constant 0 : i32
    return %c3_i32, %c0_i32, %c0_i32_0 : i32, i32, i32
  }
  func.func @transform_6(%arg0: i32) -> (i32, i32, i32) {
    %c3_i32 = arith.constant 3 : i32
    %c0_i32 = arith.constant 0 : i32
    %c0_i32_0 = arith.constant 0 : i32
    %c0_i32_1 = arith.constant 0 : i32
    return %c3_i32, %c0_i32, %c0_i32_0 : i32, i32, i32
  }
  func.func @transform_7(%arg0: i32) -> (i32, i32) {
    %c0_i32 = arith.constant 0 : i32
    %c0_i32_0 = arith.constant 0 : i32
    %c0_i32_1 = arith.constant 0 : i32
    return %c0_i32, %c0_i32_0 : i32, i32
  }
}

module attributes {stable_mosaic.version = 14 : i64} {
  func.func @body(%arg0: i32, %arg1: memref<1024x1024xf32, #tpu.memory_space<vmem>>, %arg2: memref<1x1x1024xf32, #tpu.memory_space<vmem>>, %arg3: memref<1x1x1024xf32, #tpu.memory_space<vmem>>, %arg4: memref<1x1024x1024xf32, #tpu.memory_space<vmem>>, %arg5: memref<1x1024x1024xf32, #tpu.memory_space<vmem>>, %arg6: memref<1x1024x1024xf32, #tpu.memory_space<vmem>>, %arg7: memref<1x1024xf32, #tpu.memory_space<vmem>>, %arg8: memref<1x1024xf32, #tpu.memory_space<vmem>>, %arg9: memref<1024x1024xf32, #tpu.memory_space<vmem>>, %arg10: memref<1024x1024xf32, #tpu.memory_space<vmem>>) attributes {dimension_semantics = [#tpu.dimension_semantics<arbitrary>], iteration_bounds = array<i64: 4>, scalar_prefetch = 0 : i64, scratch_operands = 1 : i64, tpu.core_type = #tpu.core_type<tc>, window_params = [{pipeline_mode = #tpu.pipeline_mode<synchronous>, transform_indices = @transform_0, window_bounds = array<i64: 1024, 1024>}, {transform_indices = @transform_1, window_bounds = array<i64: 1, 1, 1024>}, {transform_indices = @transform_2, window_bounds = array<i64: 1, 1, 1024>}, {transform_indices = @transform_3, window_bounds = array<i64: 1, 1024, 1024>}, {transform_indices = @transform_4, window_bounds = array<i64: 1, 1024, 1024>}, {transform_indices = @transform_5, window_bounds = array<i64: 1, 1024, 1024>}, {pipeline_mode = #tpu.pipeline_mode<synchronous>, transform_indices = @transform_6, window_bounds = array<i64: 1, 1024>}, {pipeline_mode = #tpu.pipeline_mode<synchronous>, transform_indices = @transform_7, window_bounds = array<i64: 1, 1024>}, {pipeline_mode = #tpu.pipeline_mode<synchronous>, transform_indices = @transform_8, window_bounds = array<i64: 1024, 1024>}]} {
    %eq3A = arith.constant 0 : i32
    %eq3A_0 = arith.cmpi eq, %arg0, %eq3A : i32
    %convert_element_type3A = arith.extui %eq3A_0 : i1 to i32
    %cond3A = arith.constant 0 : i32
    %cond3A_1 = arith.cmpi ne, %convert_element_type3A, %cond3A : i32
    scf.if %cond3A_1 {
      %get3A_42 = arith.constant 0 : index
      %get3A_43 = arith.constant 0 : index
      %get3A_44 = vector.load %arg1[%get3A_42, %get3A_43] : memref<1024x1024xf32, #tpu.memory_space<vmem>>, vector<1024x1024xf32>
      %swap3A_45 = arith.constant 0 : index
      %swap3A_46 = arith.constant 0 : index
      %swap3A_47 = vector.load %arg9[%swap3A_45, %swap3A_46] : memref<1024x1024xf32, #tpu.memory_space<vmem>>, vector<1024x1024xf32>
      tpu.vector_store %arg9[%swap3A_45, %swap3A_46], %get3A_44 {strides = array<i32>} : memref<1024x1024xf32, #tpu.memory_space<vmem>>, vector<1024x1024xf32>,
      %get3A_48 = arith.constant 0 : index
      %get3A_49 = arith.constant 0 : index
      %get3A_50 = arith.constant 0 : index
      %get3A_51 = vector.load %arg2[%get3A_48, %get3A_49, %get3A_50] : memref<1x1x1024xf32, #tpu.memory_space<vmem>>, vector<1x1x1024xf32>
      %get3A_52 = vector.shape_cast %get3A_51 : vector<1x1x1024xf32> to vector<1x1024xf32>
      %get3A_53 = arith.constant 0 : index
      %get3A_54 = arith.constant 0 : index
      %get3A_55 = arith.constant 0 : index
      %get3A_56 = vector.load %arg3[%get3A_53, %get3A_54, %get3A_55] : memref<1x1x1024xf32, #tpu.memory_space<vmem>>, vector<1x1x1024xf32>
      %get3A_57 = vector.shape_cast %get3A_56 : vector<1x1x1024xf32> to vector<1x1024xf32>
      %reduce_sum3A = arith.constant dense<0.000000e+00> : vector<1024xf32>
      %reduce_sum3A_58 = vector.multi_reduction <add>, %get3A_44, %reduce_sum3A [1] : vector<1024x1024xf32> to vector<1024xf32>
      %broadcast_in_dim3A = vector.shape_cast %reduce_sum3A_58 : vector<1024xf32> to vector<1024x1xf32>
      %div3A_59 = arith.constant 1.024000e+03 : f32
      %div3A_60 = vector.broadcast %div3A_59 : f32 to vector<1024x1xf32>
      %div3A_61 = arith.divf %broadcast_in_dim3A, %div3A_60 : vector<1024x1xf32>
      %sub3A = vector.broadcast %div3A_61 : vector<1024x1xf32> to vector<1024x1024xf32>
      %sub3A_62 = arith.subf %get3A_44, %sub3A : vector<1024x1024xf32>
      %integer_pow3A = arith.mulf %sub3A_62, %sub3A_62 : vector<1024x1024xf32>
      %reduce_sum3A_63 = arith.constant dense<0.000000e+00> : vector<1024xf32>
      %reduce_sum3A_64 = vector.multi_reduction <add>, %integer_pow3A, %reduce_sum3A_63 [1] : vector<1024x1024xf32> to vector<1024xf32>
      %broadcast_in_dim3A_65 = vector.shape_cast %reduce_sum3A_64 : vector<1024xf32> to vector<1024x1xf32>
      %div3A_66 = arith.constant 1.024000e+03 : f32
      %div3A_67 = vector.broadcast %div3A_66 : f32 to vector<1024x1xf32>
      %div3A_68 = arith.divf %broadcast_in_dim3A_65, %div3A_67 : vector<1024x1xf32>
      %sub3A_69 = vector.broadcast %div3A_61 : vector<1024x1xf32> to vector<1024x1024xf32>
      %sub3A_70 = arith.subf %get3A_44, %sub3A_69 : vector<1024x1024xf32>
      %add3A_71 = arith.constant 9.99999974E-6 : f32
      %add3A_72 = vector.broadcast %add3A_71 : f32 to vector<1024x1xf32>
      %add3A_73 = arith.addf %div3A_68, %add3A_72 : vector<1024x1xf32>
      %sqrt3A = math.sqrt %add3A_73 : vector<1024x1xf32>
      %div3A_74 = vector.broadcast %sqrt3A : vector<1024x1xf32> to vector<1024x1024xf32>
      %div3A_75 = arith.divf %sub3A_70, %div3A_74 : vector<1024x1024xf32>
      %mul3A_76 = vector.broadcast %get3A_52 : vector<1x1024xf32> to vector<1024x1024xf32>
      %mul3A_77 = arith.mulf %div3A_75, %mul3A_76 : vector<1024x1024xf32>
      %add3A_78 = vector.broadcast %get3A_57 : vector<1x1024xf32> to vector<1024x1024xf32>
      %add3A_79 = arith.addf %mul3A_77, %add3A_78 : vector<1024x1024xf32>
      %swap3A_80 = arith.constant 0 : index
      %swap3A_81 = arith.constant 0 : index
      %swap3A_82 = vector.load %arg10[%swap3A_80, %swap3A_81] : memref<1024x1024xf32, #tpu.memory_space<vmem>>, vector<1024x1024xf32>
      tpu.vector_store %arg10[%swap3A_80, %swap3A_81], %add3A_79 {strides = array<i32>} : memref<1024x1024xf32, #tpu.memory_space<vmem>>, vector<1024x1024xf32>,
    } else {
    }
    %get3A = arith.constant 0 : index
    %get3A_2 = arith.constant 0 : index
    %get3A_3 = vector.load %arg10[%get3A, %get3A_2] : memref<1024x1024xf32, #tpu.memory_space<vmem>>, vector<1024x1024xf32>
    %get3A_4 = arith.constant 0 : index
    %get3A_5 = arith.constant 0 : index
    %get3A_6 = arith.constant 0 : index
    %get3A_7 = vector.load %arg4[%get3A_4, %get3A_5, %get3A_6] : memref<1x1024x1024xf32, #tpu.memory_space<vmem>>, vector<1x1024x1024xf32>
    %get3A_8 = vector.shape_cast %get3A_7 : vector<1x1024x1024xf32> to vector<1024x1024xf32>
    %dot_general3A = arith.constant dense<0.000000e+00> : vector<1024x1024xf32>
    %dot_general3A_9 = tpu.matmul %get3A_3, %get3A_8, %dot_general3A {dimension_numbers = #tpu.dot_dimension_numbers<[1], [0], [0], [1], [0, 0, 1, 1], [], []>, transpose_lhs_hint = false} : vector<1024x1024xf32>, vector<1024x1024xf32>, vector<1024x1024xf32> -> vector<1024x1024xf32>
    %get3A_10 = arith.constant 0 : index
    %get3A_11 = arith.constant 0 : index
    %get3A_12 = vector.load %arg10[%get3A_10, %get3A_11] : memref<1024x1024xf32, #tpu.memory_space<vmem>>, vector<1024x1024xf32>
    %get3A_13 = arith.constant 0 : index
    %get3A_14 = arith.constant 0 : index
    %get3A_15 = arith.constant 0 : index
    %get3A_16 = vector.load %arg5[%get3A_13, %get3A_14, %get3A_15] : memref<1x1024x1024xf32, #tpu.memory_space<vmem>>, vector<1x1024x1024xf32>
    %get3A_17 = vector.shape_cast %get3A_16 : vector<1x1024x1024xf32> to vector<1024x1024xf32>
    %dot_general3A_18 = arith.constant dense<0.000000e+00> : vector<1024x1024xf32>
    %dot_general3A_19 = tpu.matmul %get3A_12, %get3A_17, %dot_general3A_18 {dimension_numbers = #tpu.dot_dimension_numbers<[1], [0], [0], [1], [0, 0, 1, 1], [], []>, transpose_lhs_hint = false} : vector<1024x1024xf32>, vector<1024x1024xf32>, vector<1024x1024xf32> -> vector<1024x1024xf32>
    %neg3A = arith.constant 0.000000e+00 : f32
    %neg3A_20 = vector.broadcast %neg3A : f32 to vector<1024x1024xf32>
    %neg3A_21 = arith.subf %neg3A_20, %dot_general3A_9 : vector<1024x1024xf32>
    %exp3A = math.exp %neg3A_21 : vector<1024x1024xf32>
    %add3A = arith.constant 1.000000e+00 : f32
    %add3A_22 = vector.broadcast %add3A : f32 to vector<1024x1024xf32>
    %add3A_23 = arith.addf %add3A_22, %exp3A : vector<1024x1024xf32>
    %div3A = arith.divf %dot_general3A_9, %add3A_23 : vector<1024x1024xf32>
    %mul3A = arith.mulf %div3A, %dot_general3A_19 : vector<1024x1024xf32>
    %get3A_24 = arith.constant 0 : index
    %get3A_25 = arith.constant 0 : index
    %get3A_26 = vector.load %arg9[%get3A_24, %get3A_25] : memref<1024x1024xf32, #tpu.memory_space<vmem>>, vector<1024x1024xf32>
    %get3A_27 = arith.constant 0 : index
    %get3A_28 = arith.constant 0 : index
    %get3A_29 = arith.constant 0 : index
    %get3A_30 = vector.load %arg6[%get3A_27, %get3A_28, %get3A_29] : memref<1x1024x1024xf32, #tpu.memory_space<vmem>>, vector<1x1024x1024xf32>
    %get3A_31 = vector.shape_cast %get3A_30 : vector<1x1024x1024xf32> to vector<1024x1024xf32>
    %dot_general3A_32 = arith.constant dense<0.000000e+00> : vector<1024x1024xf32>
    %dot_general3A_33 = tpu.matmul %mul3A, %get3A_31, %dot_general3A_32 {dimension_numbers = #tpu.dot_dimension_numbers<[1], [0], [0], [1], [0, 0, 1, 1], [], []>, transpose_lhs_hint = false} : vector<1024x1024xf32>, vector<1024x1024xf32>, vector<1024x1024xf32> -> vector<1024x1024xf32>
    %add3A_34 = arith.addf %get3A_26, %dot_general3A_33 : vector<1024x1024xf32>
    %swap3A = arith.constant 0 : index
    %swap3A_35 = arith.constant 0 : index
    %swap3A_36 = vector.load %arg9[%swap3A, %swap3A_35] : memref<1024x1024xf32, #tpu.memory_space<vmem>>, vector<1024x1024xf32>
    tpu.vector_store %arg9[%swap3A, %swap3A_35], %add3A_34 {strides = array<i32>} : memref<1024x1024xf32, #tpu.memory_space<vmem>>, vector<1024x1024xf32>,
    %eq3A_37 = arith.constant 3 : i32
    %eq3A_38 = arith.cmpi eq, %arg0, %eq3A_37 : i32
    %convert_element_type3A_39 = arith.extui %eq3A_38 : i1 to i32
    %cond3A_40 = arith.constant 0 : i32
    %cond3A_41 = arith.cmpi ne, %convert_element_type3A_39, %cond3A_40 : i32
    scf.if %cond3A_41 {
      %get3A_42 = arith.constant 0 : index
      %get3A_43 = arith.constant 0 : index
      %get3A_44 = vector.load %arg9[%get3A_42, %get3A_43] : memref<1024x1024xf32, #tpu.memory_space<vmem>>, vector<1024x1024xf32>
      %get3A_45 = arith.constant 0 : index
      %get3A_46 = arith.constant 0 : index
      %get3A_47 = vector.load %arg7[%get3A_45, %get3A_46] : memref<1x1024xf32, #tpu.memory_space<vmem>>, vector<1x1024xf32>
      %get3A_48 = arith.constant 0 : index
      %get3A_49 = arith.constant 0 : index
      %get3A_50 = vector.load %arg8[%get3A_48, %get3A_49] : memref<1x1024xf32, #tpu.memory_space<vmem>>, vector<1x1024xf32>
      %reduce_sum3A = arith.constant dense<0.000000e+00> : vector<1024xf32>
      %reduce_sum3A_51 = vector.multi_reduction <add>, %get3A_44, %reduce_sum3A [1] : vector<1024x1024xf32> to vector<1024xf32>
      %broadcast_in_dim3A = vector.shape_cast %reduce_sum3A_51 : vector<1024xf32> to vector<1024x1xf32>
      %div3A_52 = arith.constant 1.024000e+03 : f32
      %div3A_53 = vector.broadcast %div3A_52 : f32 to vector<1024x1xf32>
      %div3A_54 = arith.divf %broadcast_in_dim3A, %div3A_53 : vector<1024x1xf32>
      %sub3A = vector.broadcast %div3A_54 : vector<1024x1xf32> to vector<1024x1024xf32>
      %sub3A_55 = arith.subf %get3A_44, %sub3A : vector<1024x1024xf32>
      %integer_pow3A = arith.mulf %sub3A_55, %sub3A_55 : vector<1024x1024xf32>
      %reduce_sum3A_56 = arith.constant dense<0.000000e+00> : vector<1024xf32>
      %reduce_sum3A_57 = vector.multi_reduction <add>, %integer_pow3A, %reduce_sum3A_56 [1] : vector<1024x1024xf32> to vector<1024xf32>
      %broadcast_in_dim3A_58 = vector.shape_cast %reduce_sum3A_57 : vector<1024xf32> to vector<1024x1xf32>
      %div3A_59 = arith.constant 1.024000e+03 : f32
      %div3A_60 = vector.broadcast %div3A_59 : f32 to vector<1024x1xf32>
      %div3A_61 = arith.divf %broadcast_in_dim3A_58, %div3A_60 : vector<1024x1xf32>
      %sub3A_62 = vector.broadcast %div3A_54 : vector<1024x1xf32> to vector<1024x1024xf32>
      %sub3A_63 = arith.subf %get3A_44, %sub3A_62 : vector<1024x1024xf32>
      %add3A_64 = arith.constant 9.99999974E-6 : f32
      %add3A_65 = vector.broadcast %add3A_64 : f32 to vector<1024x1xf32>
      %add3A_66 = arith.addf %div3A_61, %add3A_65 : vector<1024x1xf32>
      %sqrt3A = math.sqrt %add3A_66 : vector<1024x1xf32>
      %div3A_67 = vector.broadcast %sqrt3A : vector<1024x1xf32> to vector<1024x1024xf32>
      %div3A_68 = arith.divf %sub3A_63, %div3A_67 : vector<1024x1024xf32>
      %mul3A_69 = vector.broadcast %get3A_47 : vector<1x1024xf32> to vector<1024x1024xf32>
      %mul3A_70 = arith.mulf %div3A_68, %mul3A_69 : vector<1024x1024xf32>
      %add3A_71 = vector.broadcast %get3A_50 : vector<1x1024xf32> to vector<1024x1024xf32>
      %add3A_72 = arith.addf %mul3A_70, %add3A_71 : vector<1024x1024xf32>
      %slice3A = vector.extract_strided_slice %add3A_72 {offsets = [0, 0], sizes = [128, 1024], strides = [1, 1]} : vector<1024x1024xf32> to vector<128x1024xf32>
      %swap3A_73 = arith.constant 0 : index
      %swap3A_74 = arith.constant 0 : index
      %swap3A_75 = vector.load %arg9[%swap3A_73, %swap3A_74] : memref<1024x1024xf32, #tpu.memory_space<vmem>>, vector<128x1024xf32>
      tpu.vector_store %arg9[%swap3A_73, %swap3A_74], %slice3A {strides = array<i32>} : memref<1024x1024xf32, #tpu.memory_space<vmem>>, vector<128x1024xf32>,
      %slice3A_76 = vector.extract_strided_slice %add3A_72 {offsets = [128, 0], sizes = [128, 1024], strides = [1, 1]} : vector<1024x1024xf32> to vector<128x1024xf32>
      %swap3A_77 = arith.constant 256 : index
      %swap3A_78 = arith.constant 0 : index
      %swap3A_79 = vector.load %arg9[%swap3A_77, %swap3A_78] : memref<1024x1024xf32, #tpu.memory_space<vmem>>, vector<128x1024xf32>
      tpu.vector_store %arg9[%swap3A_77, %swap3A_78], %slice3A_76 {strides = array<i32>} : memref<1024x1024xf32, #tpu.memory_space<vmem>>, vector<128x1024xf32>,
      %slice3A_80 = vector.extract_strided_slice %add3A_72 {offsets = [256, 0], sizes = [128, 1024], strides = [1, 1]} : vector<1024x1024xf32> to vector<128x1024xf32>
      %swap3A_81 = arith.constant 512 : index
      %swap3A_82 = arith.constant 0 : index
      %swap3A_83 = vector.load %arg9[%swap3A_81, %swap3A_82] : memref<1024x1024xf32, #tpu.memory_space<vmem>>, vector<128x1024xf32>
      tpu.vector_store %arg9[%swap3A_81, %swap3A_82], %slice3A_80 {strides = array<i32>} : memref<1024x1024xf32, #tpu.memory_space<vmem>>, vector<128x1024xf32>,
      %slice3A_84 = vector.extract_strided_slice %add3A_72 {offsets = [384, 0], sizes = [128, 1024], strides = [1, 1]} : vector<1024x1024xf32> to vector<128x1024xf32>
      %swap3A_85 = arith.constant 768 : index
      %swap3A_86 = arith.constant 0 : index
      %swap3A_87 = vector.load %arg9[%swap3A_85, %swap3A_86] : memref<1024x1024xf32, #tpu.memory_space<vmem>>, vector<128x1024xf32>
      tpu.vector_store %arg9[%swap3A_85, %swap3A_86], %slice3A_84 {strides = array<i32>} : memref<1024x1024xf32, #tpu.memory_space<vmem>>, vector<128x1024xf32>,
      %slice3A_88 = vector.extract_strided_slice %add3A_72 {offsets = [512, 0], sizes = [128, 1024], strides = [1, 1]} : vector<1024x1024xf32> to vector<128x1024xf32>
      %swap3A_89 = arith.constant 128 : index
      %swap3A_90 = arith.constant 0 : index
      %swap3A_91 = vector.load %arg9[%swap3A_89, %swap3A_90] : memref<1024x1024xf32, #tpu.memory_space<vmem>>, vector<128x1024xf32>
      tpu.vector_store %arg9[%swap3A_89, %swap3A_90], %slice3A_88 {strides = array<i32>} : memref<1024x1024xf32, #tpu.memory_space<vmem>>, vector<128x1024xf32>,
      %slice3A_92 = vector.extract_strided_slice %add3A_72 {offsets = [640, 0], sizes = [128, 1024], strides = [1, 1]} : vector<1024x1024xf32> to vector<128x1024xf32>
      %swap3A_93 = arith.constant 384 : index
      %swap3A_94 = arith.constant 0 : index
      %swap3A_95 = vector.load %arg9[%swap3A_93, %swap3A_94] : memref<1024x1024xf32, #tpu.memory_space<vmem>>, vector<128x1024xf32>
      tpu.vector_store %arg9[%swap3A_93, %swap3A_94], %slice3A_92 {strides = array<i32>} : memref<1024x1024xf32, #tpu.memory_space<vmem>>, vector<128x1024xf32>,
      %slice3A_96 = vector.extract_strided_slice %add3A_72 {offsets = [768, 0], sizes = [128, 1024], strides = [1, 1]} : vector<1024x1024xf32> to vector<128x1024xf32>
      %swap3A_97 = arith.constant 640 : index
      %swap3A_98 = arith.constant 0 : index
      %swap3A_99 = vector.load %arg9[%swap3A_97, %swap3A_98] : memref<1024x1024xf32, #tpu.memory_space<vmem>>, vector<128x1024xf32>
      tpu.vector_store %arg9[%swap3A_97, %swap3A_98], %slice3A_96 {strides = array<i32>} : memref<1024x1024xf32, #tpu.memory_space<vmem>>, vector<128x1024xf32>,
      %slice3A_100 = vector.extract_strided_slice %add3A_72 {offsets = [896, 0], sizes = [128, 1024], strides = [1, 1]} : vector<1024x1024xf32> to vector<128x1024xf32>
      %swap3A_101 = arith.constant 896 : index
      %swap3A_102 = arith.constant 0 : index
      %swap3A_103 = vector.load %arg9[%swap3A_101, %swap3A_102] : memref<1024x1024xf32, #tpu.memory_space<vmem>>, vector<128x1024xf32>
      tpu.vector_store %arg9[%swap3A_101, %swap3A_102], %slice3A_100 {strides = array<i32>} : memref<1024x1024xf32, #tpu.memory_space<vmem>>, vector<128x1024xf32>,
    } else {
    }
    return
  }
  func.func @transform_0(%arg0: i32) -> (i32, i32) {
    %c0_i32 = arith.constant 0 : i32
    %c0_i32_0 = arith.constant 0 : i32
    %c0_i32_1 = arith.constant 0 : i32
    return %c0_i32, %c0_i32_0 : i32, i32
  }
  func.func @transform_1(%arg0: i32) -> (i32, i32, i32) {
    %c3_i32 = arith.constant 3 : i32
    %c0_i32 = arith.constant 0 : i32
    %c0_i32_0 = arith.constant 0 : i32
    %c0_i32_1 = arith.constant 0 : i32
    return %c3_i32, %c0_i32, %c0_i32_0 : i32, i32, i32
  }
  func.func @transform_2(%arg0: i32) -> (i32, i32, i32) {
    %c3_i32 = arith.constant 3 : i32
    %c0_i32 = arith.constant 0 : i32
    %c0_i32_0 = arith.constant 0 : i32
    %c0_i32_1 = arith.constant 0 : i32
    return %c3_i32, %c0_i32, %c0_i32_0 : i32, i32, i32
  }
  func.func @transform_3(%arg0: i32) -> (i32, i32, i32) {
    %c3_i32 = arith.constant 3 : i32
    %c0_i32 = arith.constant 0 : i32
    %c0_i32_0 = arith.constant 0 : i32
    return %c3_i32, %c0_i32, %arg0 : i32, i32, i32
  }
  func.func @transform_4(%arg0: i32) -> (i32, i32, i32) {
    %c3_i32 = arith.constant 3 : i32
    %c0_i32 = arith.constant 0 : i32
    %c0_i32_0 = arith.constant 0 : i32
    return %c3_i32, %c0_i32, %arg0 : i32, i32, i32
  }
  func.func @transform_5(%arg0: i32) -> (i32, i32, i32) {
    %c3_i32 = arith.constant 3 : i32
    %c0_i32 = arith.constant 0 : i32
    %c0_i32_0 = arith.constant 0 : i32
    return %c3_i32, %arg0, %c0_i32 : i32, i32, i32
  }
  func.func @transform_6(%arg0: i32) -> (i32, i32) {
    %c0_i32 = arith.constant 0 : i32
    %c0_i32_0 = arith.constant 0 : i32
    %c0_i32_1 = arith.constant 0 : i32
    return %c0_i32, %c0_i32_0 : i32, i32
  }
  func.func @transform_7(%arg0: i32) -> (i32, i32) {
    %c0_i32 = arith.constant 0 : i32
    %c0_i32_0 = arith.constant 0 : i32
    %c0_i32_1 = arith.constant 0 : i32
    return %c0_i32, %c0_i32_0 : i32, i32
  }
  func.func @transform_8(%arg0: i32) -> (i32, i32) {
    %c0_i32 = arith.constant 0 : i32
    %c0_i32_0 = arith.constant 0 : i32
    %c0_i32_1 = arith.constant 0 : i32
    return %c0_i32, %c0_i32_0 : i32, i32
  }
}

module attributes {stable_mosaic.version = 14 : i64} {
  func.func @_head_body(%arg0: i32, %arg1: memref<1024x1024xf32, #tpu.memory_space<vmem>>, %arg2: memref<2048x1024xf32, #tpu.memory_space<vmem>>, %arg3: memref<2048x4x2x128xf32, #tpu.memory_space<vmem>>) attributes {dimension_semantics = [#tpu.dimension_semantics<arbitrary>], iteration_bounds = array<i64: 25>, scalar_prefetch = 0 : i64, scratch_operands = 0 : i64, tpu.core_type = #tpu.core_type<tc>, window_params = [{pipeline_mode = #tpu.pipeline_mode<synchronous>, transform_indices = @transform_0, window_bounds = array<i64: 1024, 1024>}, {transform_indices = @transform_1, window_bounds = array<i64: 2048, 1024>}, {transform_indices = @transform_2, window_bounds = array<i64: 2048, 4, 2, 128>}]} {
    %get3A = arith.constant 0 : index
    %get3A_0 = arith.constant 0 : index
    %get3A_1 = vector.load %arg1[%get3A, %get3A_0] : memref<1024x1024xf32, #tpu.memory_space<vmem>>, vector<1024x1024xf32>
    %convert_element_type3A = arith.truncf %get3A_1 : vector<1024x1024xf32> to vector<1024x1024xbf16>
    %get3A_2 = arith.constant 0 : index
    %get3A_3 = arith.constant 0 : index
    %get3A_4 = vector.load %arg2[%get3A_2, %get3A_3] : memref<2048x1024xf32, #tpu.memory_space<vmem>>, vector<2048x1024xf32>
    %convert_element_type3A_5 = arith.truncf %get3A_4 : vector<2048x1024xf32> to vector<2048x1024xbf16>
    %dot_general3A = arith.constant dense<0.000000e+00> : vector<2048x1024xf32>
    %dot_general3A_6 = tpu.matmul %convert_element_type3A_5, %convert_element_type3A, %dot_general3A {dimension_numbers = #tpu.dot_dimension_numbers<[1], [1], [0], [0], [0, 0, 1, 0], [], []>, transpose_lhs_hint = false} : vector<2048x1024xbf16>, vector<1024x1024xbf16>, vector<2048x1024xf32> -> vector<2048x1024xf32>
    %reshape3A = vector.shape_cast %dot_general3A_6 : vector<2048x1024xf32> to vector<2048x4x2x128xf32>
    %swap3A = arith.constant 0 : index
    %swap3A_7 = arith.constant 0 : index
    %swap3A_8 = arith.constant 0 : index
    %swap3A_9 = arith.constant 0 : index
    %swap3A_10 = vector.load %arg3[%swap3A, %swap3A_7, %swap3A_8, %swap3A_9] : memref<2048x4x2x128xf32, #tpu.memory_space<vmem>>, vector<2048x4x2x128xf32>
    tpu.vector_store %arg3[%swap3A, %swap3A_7, %swap3A_8, %swap3A_9], %reshape3A {strides = array<i32>} : memref<2048x4x2x128xf32, #tpu.memory_space<vmem>>, vector<2048x4x2x128xf32>,
    return
  }
  func.func @transform_0(%arg0: i32) -> (i32, i32) {
    %c0_i32 = arith.constant 0 : i32
    %c0_i32_0 = arith.constant 0 : i32
    %c0_i32_1 = arith.constant 0 : i32
    return %c0_i32, %c0_i32_0 : i32, i32
  }
  func.func @transform_1(%arg0: i32) -> (i32, i32) {
    %c0_i32 = arith.constant 0 : i32
    %c0_i32_0 = arith.constant 0 : i32
    return %arg0, %c0_i32 : i32, i32
  }
  func.func @transform_2(%arg0: i32) -> (i32, i32, i32, i32) {
    %c0_i32 = arith.constant 0 : i32
    %c0_i32_0 = arith.constant 0 : i32
    %c0_i32_1 = arith.constant 0 : i32
    %c0_i32_2 = arith.constant 0 : i32
    return %arg0, %c0_i32, %c0_i32_0, %c0_i32_1 : i32, i32, i32, i32
  }
}

</mosaic_0001>

<sc_bundles>
// kernel: kernel.12.cloned.1.call-start
scs
__scs_entry_jumppad:
0x0: {  	(pc) =	sbr.rel $0x88, $3  }
0x1: {  	(tag) =	ssettag $0x0;
	lr =	simm.s32 $0x1  }
0x2: {  	[smem:$0x3F90] =	sst lr;
	_ =	strace $0xD0000000  }
0x3: {  	_ = 	snop  }
0x4: {  	_ = 	snop  }
0x5: {  	_ = 	snop  }
0x6: {  	_ = 	snop  }
0x7: {  	_ = 	snop  }
__scs_overlays_trampoline_lowered:
0x8: {  	[smem:$0x3F9F] =	sst s0  }
0x9: {  	[smem:$0x3FA0] =	sst s1  }
0xa: {  	[smem:$0x3FA1] =	sst s2  }
0xb: {  	[smem:$0x3FA2] =	sst s3  }
0xc: {  	[smem:$0x3FA3] =	sst s4  }
0xd: {  	[smem:$0x3FA4] =	sst s5  }
0xe: {  	[smem:$0x3FA5] =	sst s6  }
0xf: {  	[smem:$0x3FA6] =	sst s7  }
0x10: {  	[smem:$0x3FA7] =	sst s8  }
0x11: {  	[smem:$0x3FA8] =	sst s9;
	s0 =	simm.s32 @!p0 $0x0  }
0x12: {  	s1 =	sld [smem:$0x3F8E];
	s0 =	simm.s32 @p0 $0x1  }
0x13: {  	[smem:$0x3FA9] =	sst s0;
	s0 =	simm.s32 @!p1 $0x0  }
0x14: {  	s2 =	sld [smem:$0x3F8D];
	s0 =	simm.s32 @p1 $0x1  }
0x15: {  	[smem:$0x3FAA] =	sst s0;
	s0 =	simm.s32 @!p2 $0x0  }
0x16: {  	s3 =	sld [smem:$0x3FDB];
	s0 =	simm.s32 @p2 $0x1  }
0x17: {  	s4 =	simm.s32 $0x1BF5;
	[smem:$0x3FAC] =	sst s0  }
0x18: {  	s0 =	sld [smem:$0x3F8F];
	_ =	swait.ge [sflag:s4], $0x0  }
0x19: {  	s7 =	sld [smem:$0x3F90]  }
0x1a: {  	s8 =	sadd.s32 $0xFFFFE003, lr  }
0x1b: {  	s9 =	sadd.s32 $0xFFFFFEF7, lr;
	s5 =	simm.s32 $0xFFFFFFFF;
	p2 =	slt.u32 s8, $0xFFFFF086  }
0x1c: {  	p1 =	slt.u32 s9, $0xF7A;
	s5 =	simm.s32 @!p2 $0x0  }
0x1d: {  	s5 =	simm.s32 @p1 $0x1;
	p0 =	seq.s32 s7, s2  }
0x1e: {  	s7 =	smul.u32 @!p0 $0xF7A, s2;
	p2 =	seq.s32 @!p0 s5, $0x0  }
0x1f: {  	s9 =	smul.u32 $0xF7A, s1;
	s8 =	simm.s32 @!p0 $0x1BF5;
	p2 =	por !p2, p0  }
0x20: {  	[sflag:s8] =	ssyncset.s32 @!p0 $0xFFFFF086;
	s6 =	sadd.s32 @!p0 s3, s7;
	s7 =	simm.s32 @!p0 $0x108  }
0x21: {  	s3 =	sadd.s32 s3, s9;
	s6 =	sadd.s32 @!p0 $0x88, s6;
	s7 =	simm.s32 @p2 $0x1082  }
0x22: {  	[simem:s7], [sflag:s8] =	dma.local @!p0 [hbm:s6], $0xF7A  }
0x23: {  	s9 =	sor.u32 $0xD0000000, s2;
	s6 =	simm.s32 $0x108;
	_ =	swait.ge @!p0 [sflag:s8], $0x0  }
0x24: {  	s3 =	sadd.s32 $0x88, s3;
	s6 =	simm.s32 @!p1 $0x1082;
	[sflag:s4] =	ssyncset.s32 $0xFFFFF086  }
0x25: {  	[simem:s6], [sflag:s4] =	dma.local [hbm:s3], $0xF7A  }
0x26: {  	[smem:$0x3F90] =	sst s1;
	(tag) =	ssettag s2;
	_ =	strace s9  }
0x27: {  	s1 =	sld [smem:$0x3FA0]  }
0x28: {  	s2 =	sld [smem:$0x3FA1]  }
0x29: {  	s4 =	sld [smem:$0x3FA3]  }
0x2a: {  	p0 =	seq.s32 s5, $0x0;
	s5 =	sld [smem:$0x3FA4]  }
0x2b: {  	s6 =	sld [smem:$0x3FA5]  }
0x2c: {  	s7 =	sld [smem:$0x3FA6]  }
0x2d: {  	s3 =	simm.s32 $0x108;
	s8 =	sld [smem:$0x3FA7]  }
0x2e: {  	s3 =	simm.s32 @!p0 $0x1082;
	s9 =	sld [smem:$0x3FA8]  }
0x2f: {  	lr =	sadd.s32 s0, s3;
	s0 =	sld [smem:$0x3F9F]  }
0x30: {  	s3 =	sld [smem:$0x3FA2]  }
0x31: {  	[smem:$0x3FAB] =	sst s10  }
0x32: {  	s10 =	sld [smem:$0x3FA9];
	_ =	sdelay $0x3  }
0x33: {  	p0 =	seq.s32 s10, $0x1;
	s10 =	sld [smem:$0x3FAB];
	_ =	sdelay $0x3  }
0x34: {  	[smem:$0x3FAB] =	sst s10  }
0x35: {  	s10 =	sld [smem:$0x3FAA];
	_ =	sdelay $0x3  }
0x36: {  	p1 =	seq.s32 s10, $0x1;
	s10 =	sld [smem:$0x3FAB];
	_ =	sdelay $0x3  }
0x37: {  	[smem:$0x3FAB] =	sst s10  }
0x38: {  	s10 =	sld [smem:$0x3FAC]  }
0x39: {  	_ = 	snop;
	(pc) =	sbr.ind lr, $3  }
0x3a: {  	_ = 	snop  }
0x3b: {  	_ = 	snop  }
0x3c: {  	p2 =	seq.s32 s10, $0x1;
	s10 =	sld [smem:$0x3FAB]  }
0x3d: {  	_ =	shalt  }
0x3e: {  	_ =	shalt  }
0x3f: {  	_ =	shalt  }
0x40: {  	_ =	shalt  }
0x41: {  	_ =	shalt  }
0x42: {  	_ =	shalt  }
0x43: {  	_ =	shalt  }
0x44: {  	_ =	shalt  }
0x45: {  	_ =	shalt  }
0x46: {  	_ =	shalt  }
0x47: {  	_ =	shalt  }
0x48: {  	_ =	shalt  }
0x49: {  	_ =	shalt  }
0x4a: {  	_ =	shalt  }
0x4b: {  	_ =	shalt  }
0x4c: {  	_ =	shalt  }
0x4d: {  	_ =	shalt  }
0x4e: {  	_ =	shalt  }
0x4f: {  	_ =	shalt  }
0x50: {  	_ =	shalt  }
0x51: {  	_ =	shalt  }
0x52: {  	_ =	shalt  }
0x53: {  	_ =	shalt  }
0x54: {  	_ =	shalt  }
0x55: {  	_ =	shalt  }
0x56: {  	_ =	shalt  }
0x57: {  	_ =	shalt  }
0x58: {  	_ =	shalt  }
0x59: {  	_ =	shalt  }
0x5a: {  	_ =	shalt  }
0x5b: {  	_ =	shalt  }
0x5c: {  	_ =	shalt  }
0x5d: {  	_ =	shalt  }
0x5e: {  	_ =	shalt  }
0x5f: {  	_ =	shalt  }
0x60: {  	_ =	shalt  }
0x61: {  	_ =	shalt  }
0x62: {  	_ =	shalt  }
0x63: {  	_ =	shalt  }
0x64: {  	_ =	shalt  }
0x65: {  	_ =	shalt  }
0x66: {  	_ =	shalt  }
0x67: {  	_ =	shalt  }
0x68: {  	_ =	shalt  }
0x69: {  	_ =	shalt  }
0x6a: {  	_ =	shalt  }
0x6b: {  	_ =	shalt  }
0x6c: {  	_ =	shalt  }
0x6d: {  	_ =	shalt  }
0x6e: {  	_ =	shalt  }
0x6f: {  	_ =	shalt  }
0x70: {  	_ =	shalt  }
0x71: {  	_ =	shalt  }
0x72: {  	_ =	shalt  }
0x73: {  	_ =	shalt  }
0x74: {  	_ =	shalt  }
0x75: {  	_ =	shalt  }
0x76: {  	_ =	shalt  }
0x77: {  	_ =	shalt  }
0x78: {  	_ =	shalt  }
0x79: {  	_ =	shalt  }
0x7a: {  	_ =	shalt  }
0x7b: {  	_ =	shalt  }
0x7c: {  	_ =	shalt  }
0x7d: {  	_ =	shalt  }
0x7e: {  	_ =	shalt  }
0x7f: {  	_ =	shalt  }
0x80: {  	_ =	shalt  }
0x81: {  	_ =	shalt  }
0x82: {  	_ =	shalt  }
0x83: {  	_ =	shalt  }
0x84: {  	_ =	shalt  }
0x85: {  	_ =	shalt  }
0x86: {  	_ =	shalt  }
0x87: {  	_ =	shalt  }
.Lfunc_end0:
.L_simem_size_0:
called_computation_lowered:
.L_overlay_start_0:
0x88: {  	s2 =	sld [smem:$0x3FD9]  }
0x89: {  	s3 =	sld [smem:$0x3FFE];
	_ =	sdelay $0x1  }
0x8a: {  	s1 =	srdreg.scid  }
0x8b: {  	s0 =	sand.u32 $0x1, s1  }
0x8c: {  	s17 =	sshll.u32 s0, $0xA;
	s2 =	sadd.s32 s3, s2  }
0x8d: {  	s2 =	sadd.s32 s2, s17  }
0x8e: {  	[smem:$0x3FB7] =	sst s2  }
0x8f: {  	_ = 	snop  }
0x90: {  	s2 =	sld [smem:$0x3FC8]  }
0x91: {  	s18 =	sld [smem:$0x3FD0];
	(tm) =	ssettm $0x1  }
0x92: {  	s4 =	sld [smem:$0x3FFB];
	_ =	sdelay $0x3  }
0x93: {  	_ =	strace s4  }
0x94: {  	s4 =	sld [smem:$0x3FFC];
	_ =	sdelay $0x3  }
0x95: {  	_ =	strace s4  }
0x96: {  	s4 =	sld [smem:$0x3FFD];
	_ =	sdelay $0x3  }
0x97: {  	_ =	strace s4  }
0x98: {  	_ =	strace $0x8FFFFFFF  }
0x99: {  	s19 =	sld [smem:$0x3FDB];
	_ =	sdelay $0x1  }
0x9a: {  	s5 =	simm.s32 $_scs_section_size  }
0x9b: {  	s6 =	simm.s32 $_size__tile_overlayer_lowered;
	s7 =	simm.s32 $_tile_overlayer_lowered  }
0x9c: {  	s22 =	simm.s32 $0x1BFF;
	s21 =	sshll.u32 s7, $0x1;
	s4 =	sadd.s32 s5, s19  }
0x9d: {  	s8 =	simm.s32 $0x0;
	s20 =	sshll.u32 s6, $0x1;
	s6 =	sadd.s32 s21, s4  }
0x9e: {  	[timem:s8], [sflag:s22] =	dma.local [hbm:s6], s20  }
0x9f: {  	_ =	swait.ge [sflag:s22], s20  }
0xa0: {  	s5 =	ssub.s32 $0x0, s20;
	[sflag:s22] =	ssyncset.done $0x0  }
0xa1: {  	[sflag:s22] =	ssyncadd.s32 s5;
	_ =	sdelay $0x1  }
0xa2: {  	s23 =	simm.s32 $0x1B8B  }
0xa3: {  	_ =	swait.ge [sflag:s23], $0x1  }
0xa4: {  	[sflag:s23] =	ssyncset.done $0x0  }
0xa5: {  	s25 =	simm.s32 $0x1B8E;
	s24 =	sld [smem:$0x3FFE];
	[sflag:s23] =	ssyncadd.s32 $0xFFFFFFFF  }
0xa6: {  	s26 =	simm.s32 $execute0_lowered;
	[smem:$0x3FD2] =	sst s25  }
0xa7: {  	s6 =	sshll.u32 s26, $0x1;
	_ =	strace $0x80000046;
	[dreg:$0x1] =	wrdreg $0xFFFFFFFF  }
0xa8: {  	s28 =	simm.s32 $_size_execute0_lowered;
	s4 =	sadd.s32 s4, s6;
	[dreg:$0x0] =	wrdreg $0x0  }
0xa9: {  	s6 =	sshll.u32 s28, $0x1;
	[dreg:$0x2] =	wrdreg s4  }
0xaa: {  	[dreg:$0x3] =	wrdreg s6  }
0xab: {  	[dreg:$0x4] =	wrdreg $0xC0  }
0xac: {  	_ =	task [dreg:s8], $0x5FFFF  }
0xad: {  	[dreg:$0x1] =	wrdreg $0xFFFFFFFF  }
0xae: {  	[dreg:$0x0] =	wrdreg $0x60  }
0xaf: {  	[dreg:$0x2] =	wrdreg s18  }
0xb0: {  	[dreg:$0x3] =	wrdreg s2  }
0xb1: {  	[dreg:$0x4] =	wrdreg s24  }
0xb2: {  	[dreg:$0x5] =	wrdreg $0x9  }
0xb3: {  	_ =	task.clear_ibuf [dreg:s8], $0x6FFFF;
	_ =	strace $0x90000046  }
0xb4: {  	s29 =	simm.s32 $0x9;
	_ =	strace $0x80000048  }
0xb5: {  	_ =	swait.ge [sflag:s29], $0x1  }
0xb6: {  	[sflag:s29] =	ssyncadd.s32 $0xFFFFFFFF  }
0xb7: {  	_ =	strace $0x90000048  }
0xb8: {  	_ =	sfence  }
0xb9: {  	s30 =	sld [smem:$0x0];
	_ =	sdelay $0x2  }
0xba: {  	s31 =	sshll.u32 s1, $0xD;
	s1 =	sshrl.u32 s1, $0x2  }
0xbb: {  	s3 =	sand.u32 $0x4000, s31;
	s1 =	sadd.s32 s1, s30  }
0xbc: {  	s0 =	sor.u32 s3, s0;
	s1 =	sshll.u32 s1, $0x11  }
0xbd: {  	s0 =	sor.u32 s1, s0  }
0xbe: {  	s0 =	sadd.s32 $0x8F2B, s0  }
0xbf: {  	[sflag:s0] =	ssyncadd.remote.s32 $0x1  }
0xc0: {  	_ =	sfence.sel $0xFFFF  }
0xc1: {  	[dreg:$0x0] =	wrdreg $0xFFFFFFFF;
	(pc) =	sbr.abs _section_cstart, $3  }
0xc2: {  	[dreg:$0x1] =	wrdreg $0xFFFFFFFF  }
0xc3: {  	_ =	task.clear_ibuf [dreg:s8], $0x2FFFF;
	_ =	strace $0x9FFFFFFF  }
0xc4: {  	(tm) =	ssettm $0x7FFFFFFF  }
0xc5: {  	_ =	shalt  }
tec
execute0_lowered:
.L_overlay_start_1:
0x0: {  	(tag) =	ssettag $0x1  }
0x1: {  	s4 =	rddreg [dreg:$0x0]  }
0x2: {  	s2 =	rddreg [dreg:$0x1]  }
0x3: {  	s5 =	rddreg [dreg:$0x2];
	s3 =	srdreg.scid  }
0x4: {  	s0 =	rddreg [dreg:$0x3];
	s1 =	stileid.u32;
	s10 =	simm.s32 $0x2  }
0x5: {  	s11 =	simm.s32 $0x80;
	s12 =	simm.s32 $0x880;
	s13 =	simm.s32 $0x1080  }
0x6: {  	s14 =	simm.s32 $0x1880;
	s15 =	simm.s32 $0x2080;
	s16 =	simm.s32 $0x2880  }
0x7: {  	s17 =	simm.s32 $0x3080;
	s18 =	simm.s32 $0x3880;
	s19 =	simm.s32 $0x4080  }
0x8: {  	s20 =	simm.s32 $0x4880;
	s21 =	simm.s32 $0x5080;
	s22 =	simm.s32 $0x5880  }
0x9: {  	s23 =	simm.s32 $0x6080;
	s24 =	simm.s32 $0x6880;
	s25 =	simm.s32 $0x7080  }
0xa: {  	s26 =	simm.s32 $0x7880;
	s28 =	simm.s32 $0x1;
	s6 =	sand.u32 $0x1, s3  }
0xb: {  	s3 =	simm.s32 $0x0;
	s7 =	sshll.u32 s1, $0x6;
	s8 =	sshll.u32 s6, $0x5  }
0xc: {  	[smem:$0x7FF] =	sst s3;
	s6 =	ssub.s32 $0x2, s6;
	s7 =	sor.u32 s8, s7  }
0xd: {  	_ =	strace $0x80000047;
	s9 =	sshrl.u32 s6, $0x1;
	s8 =	sshll.u32 s7, $0x7  }
0xe: {  	v2 =	vlaneseq.u32;
	s9 =	ssub.s32 s6, s9;
	s31 =	sshrl.u32 s7, $0x3;
	s6 =	sadd.s32 $0x200, s2  }
0xf: {  	vm0 =	vmmov $0xffff;
	v1 =	vshrl.u32 v2, $0x3;
	s7 =	sadd.s32 $0x300, s2;
	s8 =	sadd.s32 s8, s5;
	s4 =	sadd.s32 s4, s31  }
0x10: {  	v0 =	vand.u32 $0x7, v2;
	v2 =	vor.u32 $0x8, v2;
	v1 =	vmul.u32 $0x8, v1;
	s5 =	sadd.s32 $0x100, s2;
	s9 =	smax.u32 s9, $0x1;
	s8 =	sadd.s32 $0xC00, s8  }
.LBB2_1:
0x11: {  	[tilespmem:s3], [sflag:$0x2] =	stream.linear.gather [hbm4b:s4+s3], $0x20, $0x38;
	[tilespmem:$0x8080] =	vst v63  }
0x12: {  	_ =	swait.ge [sflag:s10], $0x20  }
0x13: {  	[sflag:s10] =	ssyncset.done $0x0  }
0x14: {  	[sflag:s10] =	ssyncadd.s32 $0xFFFFFFE0  }
0x15: {  	v3 =	vld [tilespmem:$0x0];
	_ =	sdelay $0x4  }
0x16: {  	v4 =	vshll.u32 v3, $0x3  }
0x17: {  	v3 =	vand.u32 $0x7, v3;
	v4 =	vand.u32 $0xFFFFFFC0, v4  }
0x18: {  	v3 =	vor.u32 v3, v4  }
0x19: {  	v4 =	vperm.xlane v3, v0;
	_ =	sdelay $0x1  }
0x1a: {  	v4 =	vadd.s32 v1, v4;
	_ =	sdelay $0x4  }
0x1b: {  	[tilespmem:s11], [sflag:$0x1] =	stream.indirect_vreg.gather [hbm4b:s2+s3], $0x80, v4, vm0, $0xb8;
	[tilespmem:$0x8080] =	vst v63  }
0x1c: {  	v3 =	vperm.xlane v3, v2  }
0x1d: {  	[tilespmem:s12], [sflag:$0x1] =	stream.indirect_vreg.gather [hbm4b:s5+s3], $0x80, v4, vm0, $0xb8;
	[tilespmem:$0x8080] =	vst v63  }
0x1e: {  	v3 =	vadd.s32 v1, v3  }
0x1f: {  	[tilespmem:s13], [sflag:$0x1] =	stream.indirect_vreg.gather [hbm4b:s6+s3], $0x80, v4, vm0, $0xb8;
	[tilespmem:$0x8080] =	vst v63  }
0x20: {  	_ = 	snop  }
0x21: {  	[tilespmem:s14], [sflag:$0x1] =	stream.indirect_vreg.gather [hbm4b:s7+s3], $0x80, v4, vm0, $0xb8;
	[tilespmem:$0x8080] =	vst v63  }
0x22: {  	_ = 	snop  }
0x23: {  	[tilespmem:s15], [sflag:$0x1] =	stream.indirect_vreg.gather [hbm4b:s2+s3], $0x80, v3, vm0, $0xb8;
	[tilespmem:$0x8080] =	vst v63  }
0x24: {  	_ = 	snop  }
0x25: {  	[tilespmem:s16], [sflag:$0x1] =	stream.indirect_vreg.gather [hbm4b:s5+s3], $0x80, v3, vm0, $0xb8;
	[tilespmem:$0x8080] =	vst v63  }
0x26: {  	_ = 	snop  }
0x27: {  	[tilespmem:s17], [sflag:$0x1] =	stream.indirect_vreg.gather [hbm4b:s6+s3], $0x80, v3, vm0, $0xb8;
	[tilespmem:$0x8080] =	vst v63  }
0x28: {  	_ = 	snop  }
0x29: {  	[tilespmem:s18], [sflag:$0x1] =	stream.indirect_vreg.gather [hbm4b:s7+s3], $0x80, v3, vm0, $0xb8;
	[tilespmem:$0x8080] =	vst v63  }
0x2a: {  	v3 =	vld [tilespmem:$0x10];
	_ =	sdelay $0x4  }
0x2b: {  	v63 =	vshll.u32 v3, $0x3  }
0x2c: {  	v3 =	vand.u32 $0x7, v3;
	v4 =	vand.u32 $0xFFFFFFC0, v63  }
0x2d: {  	v3 =	vor.u32 v3, v4  }
0x2e: {  	v4 =	vperm.xlane v3, v0;
	_ =	sdelay $0x1  }
0x2f: {  	v4 =	vadd.s32 v1, v4;
	_ =	sdelay $0x4  }
0x30: {  	[tilespmem:s19], [sflag:$0x1] =	stream.indirect_vreg.gather [hbm4b:s2+s3], $0x80, v4, vm0, $0xb8;
	[tilespmem:$0x8080] =	vst v63  }
0x31: {  	v3 =	vperm.xlane v3, v2  }
0x32: {  	[tilespmem:s20], [sflag:$0x1] =	stream.indirect_vreg.gather [hbm4b:s5+s3], $0x80, v4, vm0, $0xb8;
	[tilespmem:$0x8080] =	vst v63  }
0x33: {  	v3 =	vadd.s32 v1, v3  }
0x34: {  	[tilespmem:s21], [sflag:$0x1] =	stream.indirect_vreg.gather [hbm4b:s6+s3], $0x80, v4, vm0, $0xb8;
	[tilespmem:$0x8080] =	vst v63  }
0x35: {  	_ = 	snop  }
0x36: {  	[tilespmem:s22], [sflag:$0x1] =	stream.indirect_vreg.gather [hbm4b:s7+s3], $0x80, v4, vm0, $0xb8;
	[tilespmem:$0x8080] =	vst v63  }
0x37: {  	_ = 	snop  }
0x38: {  	[tilespmem:s23], [sflag:$0x1] =	stream.indirect_vreg.gather [hbm4b:s2+s3], $0x80, v3, vm0, $0xb8;
	[tilespmem:$0x8080] =	vst v63  }
0x39: {  	_ = 	snop  }
0x3a: {  	[tilespmem:s24], [sflag:$0x1] =	stream.indirect_vreg.gather [hbm4b:s5+s3], $0x80, v3, vm0, $0xb8;
	[tilespmem:$0x8080] =	vst v63  }
0x3b: {  	_ = 	snop  }
0x3c: {  	[tilespmem:s25], [sflag:$0x1] =	stream.indirect_vreg.gather [hbm4b:s6+s3], $0x80, v3, vm0, $0xb8;
	[tilespmem:$0x8080] =	vst v63  }
0x3d: {  	_ = 	snop  }
0x3e: {  	[tilespmem:s26], [sflag:$0x1] =	stream.indirect_vreg.gather [hbm4b:s7+s3], $0x80, v3, vm0, $0xb8;
	[tilespmem:$0x8080] =	vst v63  }
0x3f: {  	_ =	swait.ge [sflag:s28], $0x8000  }
0x40: {  	p0 =	sne.s32 s9, $0x1;
	[sflag:s28] =	ssyncset.done $0x0  }
.Ltmp0:
0x41: {  	[sflag:s28] =	ssyncadd.s32 $0xFFFF8000;
	(pc) =	sbr.rel @p0 .LBB2_1-.Ltmp0, $4  }
0x42: {  	[hbm4b:s8+s3] =	stream.linear.scatter [tilespmem:s11], [sflag:$0x2], $0x8000, $0x38;
	[tilespmem:$0x8080] =	vst v63  }
0x43: {  	_ =	swait.ge [sflag:s10], $0x8000  }
0x44: {  	[sflag:s10] =	ssyncset.done $0x0  }
0x45: {  	s9 =	sadd.s32 $0xFFFFFFFF, s9;
	[sflag:s10] =	ssyncadd.s32 $0xFFFF8000  }
0x46: {  	_ =	sfence.sel $0x180000  }
0x47: {  	[bflag:$0x0] =	sbarrier.arrive $0xFFFF  }
0x48: {  	p0 =	sne.s32 s1, $0x0;
	_ =	strace $0x90000047  }
0x49: {  	s0 =	sadd.s32 @!p0 $0x100000, s0;
	[bflag:$0x2] =	sbarrier.arrive $0xFFFF  }
0x4a: {  	[sflag:s0] =	ssyncadd.tile.s32 @!p0 $0x1;
	_ =	shalt  }
.Lfunc_end2:
_tile_overlayer_lowered:
.L_overlay_start_2:
0x4b: {  	(tag) =	ssettag $0x2  }
0x4c: {  	s0 =	rddreg [dreg:$0x0];
	s2 =	stileid.u32  }
0x4d: {  	s1 =	rddreg [dreg:$0x1];
	p0 =	sne.s32 s2, $0x0  }
0x4e: {  	s3 =	rddreg [dreg:$0x2];
	[bflag:$0x3] =	sbarrier.arrive $0xFFFF;
	s2 =	simm.s32 @!p0 $0x1C02  }
0x4f: {  	[timem:s3], [sflag:s2] =	dma.local @!p0 [hbm:s0], s1  }
0x50: {  	s0 =	simm.s32 @!p0 $0x2  }
0x51: {  	_ =	swait.ge @!p0 [sflag:s0], s1  }
0x52: {  	s1 =	ssub.s32 @!p0 $0x0, s1;
	[sflag:s0] =	ssyncset.done @!p0 $0x0  }
0x53: {  	[sflag:s0] =	ssyncadd.s32 @!p0 s1  }
0x54: {  	[bflag:$0x3] =	sbarrier.arrive $0xFFFF  }
0x55: {  	_ =	shalt  }

</sc_bundles>
